<compile_context>
chip_gen: v7x
topology: tpu7x:2x2x1
jax: 0.10.2.dev20260603
libtpu: 0.0.44.dev20260713+nightly
codegen_flags: <defaults>
</compile_context>

<pallas_src>
import functools

import jax
import jax.numpy as jnp
from jax import lax
from jax.experimental import pallas as pl
from jax.experimental.pallas import tpu as pltpu
from jax.experimental.pallas import tpu_sc as plsc

_IMG_SIZE = 416.0
_NCLS = 80
_EPS = 1e-7
_B = 32
_NB = 20
_GRIDS = (13, 26, 52)
_ANCHORS = [[[116.0, 90.0], [156.0, 198.0], [373.0, 326.0]],
            [[30.0, 61.0], [62.0, 45.0], [59.0, 119.0]],
            [[10.0, 13.0], [16.0, 30.0], [33.0, 23.0]]]
_AW = [[a[0] / (_IMG_SIZE / g) for a in _ANCHORS[s]] for s, g in enumerate(_GRIDS)]
_AH = [[a[1] / (_IMG_SIZE / g) for a in _ANCHORS[s]] for s, g in enumerate(_GRIDS)]
_NCELLS = tuple(_B * 3 * g * g for g in _GRIDS)
_NSTEP = 13


def _best_anchor(wg, hg, s):
    iou = []
    for a in range(3):
        inter = jnp.minimum(wg, _AW[s][a]) * jnp.minimum(hg, _AH[s][a])
        union = _AW[s][a] * _AH[s][a] + wg + hg - inter
        iou.append(jnp.where(union > 0, inter / union, 0.0))
    best = jnp.where(iou[1] > iou[0], jnp.full(wg.shape, 1, jnp.int32),
                     jnp.full(wg.shape, 0, jnp.int32))
    best = jnp.where(iou[2] > jnp.maximum(iou[0], iou[1]),
                     jnp.full(wg.shape, 2, jnp.int32), best)
    return best



def _dense_body(p1ref, p2ref, p3ref, o1ref, o2ref, o3ref):
    for pref, oref in ((p1ref, o1ref), (p2ref, o2ref), (p3ref, o3ref)):
        p = pref[:, :, 4:5]
        pc = jnp.clip(p, _EPS, 1.0 - _EPS)
        oref[...] = jnp.full((1, 1, 1), jnp.sum(-jnp.log(1.0 - pc)),
                             jnp.float32)


def _dense_sum(p1t, p2t, p3t):
    sd = jax.ShapeDtypeStruct((_NSTEP, 1, 1), jnp.float32)
    return pl.pallas_call(
        _dense_body,
        grid=(_NSTEP,),
        in_specs=[pl.BlockSpec((3 * g * g // _NSTEP, _B, 85),
                               lambda i: (i, 0, 0))
                  for g in _GRIDS],
        out_specs=[pl.BlockSpec((1, 1, 1), lambda i: (i, 0, 0))] * 3,
        out_shape=(sd, sd, sd),
        compiler_params=pltpu.CompilerParams(
            dimension_semantics=("parallel",)),
    )(p1t, p2t, p3t)


def _assembly(parts1, parts2, parts3, boxes, labels, rows, meta):
    sd = jax.ShapeDtypeStruct((1, 1), jnp.float32)

    def body(p1, p2, p3, boxes_ref, labels_ref, rows_ref, meta_ref, *outs):
        dense = (jnp.sum(p1[...]), jnp.sum(p2[...]), jnp.sum(p3[...]))
        _asm_core(boxes_ref, labels_ref, rows_ref, meta_ref, dense, *outs)

    return pl.pallas_call(
        body,
        out_shape=(sd, sd, sd, sd, sd),
    )(parts1, parts2, parts3, boxes, labels, rows, meta)



def _sc_gather(boxes_t, p1t, p2t, p3t):
    mesh = plsc.VectorSubcoreMesh(core_axis_name="c", subcore_axis_name="s")

    @functools.partial(
        pl.kernel,
        mesh=mesh,
        out_type=(jax.ShapeDtypeStruct((3, _B, 32, 85), jnp.float32),
                  jax.ShapeDtypeStruct((3, _B, 4, 32), jnp.int32)),
        scratch_types=[pltpu.VMEM((4, 32), jnp.float32),
                       pltpu.VMEM((4, 32), jnp.int32),
                       pltpu.VMEM((3, 32, 85), jnp.float32),
                       pltpu.SemaphoreType.DMA],
        compiler_params=pltpu.CompilerParams(use_tc_tiling_on_sc=True),
    )
    def body(boxes_hbm, p1, p2, p3, rows_out, meta_out, bx_v, idx_v, rows_v,
             sem):
        b = lax.axis_index("s") * 2 + lax.axis_index("c")
        pltpu.sync_copy(boxes_hbm.at[b], bx_v)
        tabs = (p1, p2, p3)
        copies = []
        for s in range(3):
            g = _GRIDS[s]
            gf = jnp.float32(g)
            for k in range(2):
                xs = bx_v[0, pl.ds(k * 16, 16)]
                ys = bx_v[1, pl.ds(k * 16, 16)]
                ws = bx_v[2, pl.ds(k * 16, 16)]
                hs = bx_v[3, pl.ds(k * 16, 16)]
                fx = xs * gf
                fy = ys * gf
                gx = fx.astype(jnp.int32)
                gy = fy.astype(jnp.int32)
                gxc = jnp.minimum(gx, g - 1)
                gyc = jnp.minimum(gy, g - 1)
                best = _best_anchor(ws * gf, hs * gf, s)
                cell = (best * g + gyc) * g + gxc
                idx_v[0, pl.ds(k * 16, 16)] = cell
                idx_v[1, pl.ds(k * 16, 16)] = best
                idx_v[2, pl.ds(k * 16, 16)] = gyc
                idx_v[3, pl.ds(k * 16, 16)] = gxc
                for j in range(16 if k == 0 else _NB - 16):
                    copies.append(pltpu.async_copy(
                        tabs[s].at[cell[j], b],
                        rows_v.at[s, k * 16 + j], sem))
            pltpu.sync_copy(idx_v, meta_out.at[s, b])
        for cp in copies:
            cp.wait()
        for s in range(3):
            pltpu.sync_copy(rows_v.at[s], rows_out.at[s, b])

    return body(boxes_t, p1t, p2t, p3t)



def _asm_core(boxes_ref, labels_ref, rows_ref, meta_ref, dense,
              o_total, o_coord, o_obj, o_noobj, o_class):
    coord_loss = jnp.float32(0.0)
    obj_loss = jnp.float32(0.0)
    noobj_loss = jnp.float32(0.0)
    class_loss = jnp.float32(0.0)
    labels = labels_ref[...]
    x = boxes_ref[:, 0, :_NB]
    y = boxes_ref[:, 1, :_NB]
    w = boxes_ref[:, 2, :_NB]
    h = boxes_ref[:, 3, :_NB]
    ii = lax.broadcasted_iota(jnp.int32, (_B, _NB, _NB), 1)
    jj = lax.broadcasted_iota(jnp.int32, (_B, _NB, _NB), 2)
    jgt = jj > ii
    for s in range(3):
        g = _GRIDS[s]
        gf = jnp.float32(g)
        fx = x * gf
        fy = y * gf
        gx = fx.astype(jnp.int32)
        gy = fy.astype(jnp.int32)
        valid = (gx < g) & (gy < g)
        tx = fx - gx.astype(jnp.float32)
        ty = fy - gy.astype(jnp.float32)
        wg = w * gf
        hg = h * gf
        best = _best_anchor(wg, hg, s)
        awb = jnp.where(best == 1, _AW[s][1], _AW[s][0])
        awb = jnp.where(best == 2, _AW[s][2], awb)
        ahb = jnp.where(best == 1, _AH[s][1], _AH[s][0])
        ahb = jnp.where(best == 2, _AH[s][2], ahb)
        tw = wg / awb
        th = hg / ahb
        key = meta_ref[s, :, 0, :_NB]
        eq = key[:, :, None] == key[:, None, :]
        conflict = jnp.any(eq & jgt & valid[:, None, :], axis=-1)
        winner = valid & ~conflict
        wm = winner.astype(jnp.float32)
        n_obj = jnp.sum(wm)
        rows = rows_ref[s][:, :_NB, :]
        px = rows[:, :, 0]
        py = rows[:, :, 1]
        pw = rows[:, :, 2]
        ph = rows[:, :, 3]
        pobj = rows[:, :, 4]
        pcls = rows[:, :, 5:]
        n_div = jnp.maximum(n_obj * 2.0, 1.0)
        mse_xy = jnp.sum(wm * ((px - tx) ** 2 + (py - ty) ** 2)) / n_div
        mse_wh = jnp.sum(wm * ((jnp.sqrt(pw) - jnp.sqrt(tw)) ** 2
                               + (jnp.sqrt(ph) - jnp.sqrt(th)) ** 2)) / n_div
        has_obj = (n_obj > 0).astype(jnp.float32)
        coord_loss = coord_loss + has_obj * (mse_xy + mse_wh)
        pobj_c = jnp.clip(pobj, _EPS, 1.0 - _EPS)
        obj_loss = obj_loss + jnp.sum(wm * (-jnp.log(pobj_c))) / jnp.maximum(n_obj, 1.0)
        corr = jnp.sum(wm * (-jnp.log(1.0 - pobj_c)))
        n_noobj = _NCELLS[s] - n_obj
        noobj_loss = noobj_loss + (dense[s] - corr) / jnp.maximum(n_noobj, 1.0)
        cidx = lax.broadcasted_iota(jnp.int32, (_B, _NB, _NCLS), 2)
        onehot = (cidx == labels[:, :, None]).astype(jnp.float32)
        pc = jnp.clip(pcls, _EPS, 1.0 - _EPS)
        pl_ = jnp.sum(onehot * pc, axis=-1)
        cls_rowsum = (jnp.sum(-jnp.log(1.0 - pc), axis=-1)
                      + jnp.log(1.0 - pl_) - jnp.log(pl_))
        class_loss = class_loss + has_obj * (
            jnp.sum(wm * cls_rowsum) / jnp.maximum(n_obj * _NCLS, 1.0))
    total = (5.0 * coord_loss + obj_loss + 0.5 * noobj_loss + class_loss) / _B
    o_total[...] = jnp.full((1, 1), total, jnp.float32)
    o_coord[...] = jnp.full((1, 1), coord_loss / _B, jnp.float32)
    o_obj[...] = jnp.full((1, 1), obj_loss / _B, jnp.float32)
    o_noobj[...] = jnp.full((1, 1), noobj_loss / _B, jnp.float32)
    o_class[...] = jnp.full((1, 1), class_loss / _B, jnp.float32)


def kernel(pred_s1, pred_s2, pred_s3, boxes, labels):
    p1t, p2t, p3t = (p.transpose(1, 2, 3, 0, 4).reshape(-1, _B, 85)
                     for p in (pred_s1, pred_s2, pred_s3))
    boxes_t = jnp.pad(boxes, ((0, 0), (0, 32 - _NB), (0, 0)),
                      mode="edge").transpose(0, 2, 1)
    rows, meta = _sc_gather(boxes_t, p1t, p2t, p3t)
    parts1, parts2, parts3 = _dense_sum(p1t, p2t, p3t)
    t, c, o, n, cl = _assembly(parts1, parts2, parts3, boxes_t,
                               labels.astype(jnp.int32), rows, meta)
    return (t.reshape(()), c.reshape(()), o.reshape(()),
            n.reshape(()), cl.reshape(()))

# --- scband reference (transcript-rebuilt; emitter-appended) ---
"""Pipeline reference for scband-yololoss-88974542504708 (READ-ONLY COPY).

The authoritative reference and input builder live on the scoring server;
editing this copy changes nothing except your own understanding.
"""

import jax, jax.numpy as jnp
import numpy as np

ANCHORS = [[[116.0,90.0],[156.0,198.0],[373.0,326.0]],
           [[30.0,61.0],[62.0,45.0],[59.0,119.0]],
           [[10.0,13.0],[16.0,30.0],[33.0,23.0]]]
IMG_SIZE = 416.0
NUM_CLASSES = 80
EPS = 1e-7


def setup_inputs(seed: int = 0):
    key = jax.random.key(seed)
    ks = jax.random.split(key, 5)
    B = 32
    inp = {}
    for i, g in enumerate([13, 26, 52]):
        inp['pred_s%d' % (i + 1)] = jax.random.uniform(ks[i], (B, 3, g, g, 5 + NUM_CLASSES), dtype=jnp.float32)
    inp['boxes'] = jax.random.uniform(ks[3], (B, 20, 4), dtype=jnp.float32)
    inp['labels'] = jax.random.randint(ks[4], (B, 20), 0, NUM_CLASSES)
    return inp


def _bce(p, t):
    p = jnp.clip(p, EPS, 1.0 - EPS)
    return -(t * jnp.log(p) + (1.0 - t) * jnp.log(1.0 - p))


def _build_targets(boxes, labels, scaled_anchors, grid_size):
    B, NB = boxes.shape[0], boxes.shape[1]
    A = scaled_anchors.shape[0]
    x_c = boxes[..., 0]; y_c = boxes[..., 1]; w = boxes[..., 2]; h = boxes[..., 3]
    gx = jnp.floor(x_c * grid_size).astype(jnp.int32)
    gy = jnp.floor(y_c * grid_size).astype(jnp.int32)
    valid = (gx < grid_size) & (gy < grid_size)
    aw = scaled_anchors[:, 0]; ah = scaled_anchors[:, 1]
    inter_w = jnp.minimum(w[..., None] * grid_size, aw)
    inter_h = jnp.minimum(h[..., None] * grid_size, ah)
    inter = inter_w * inter_h
    union = aw * ah + w[..., None] * grid_size + h[..., None] * grid_size - inter
    iou = jnp.where(union > 0, inter / union, 0.0)
    best = jnp.argmax(iou, axis=-1)
    tx = x_c * grid_size - gx.astype(jnp.float32)
    ty = y_c * grid_size - gy.astype(jnp.float32)
    tw = w * grid_size / jnp.take(aw, best)
    th = h * grid_size / jnp.take(ah, best)
    onehot = jax.nn.one_hot(labels, NUM_CLASSES, dtype=jnp.float32)
    vals = jnp.concatenate([tx[..., None], ty[..., None], tw[..., None], th[..., None],
                            jnp.ones((B, NB, 1), jnp.float32), onehot], axis=-1)
    gx_s = jnp.where(valid, gx, grid_size)
    b_idx = jnp.broadcast_to(jnp.arange(B)[:, None], (B, NB))
    tgt = jnp.zeros((B, A, grid_size, grid_size, 5 + NUM_CLASSES), jnp.float32)
    tgt = tgt.at[b_idx.reshape(-1), best.reshape(-1), gy.reshape(-1), gx_s.reshape(-1)].set(
        vals.reshape(B * NB, 5 + NUM_CLASSES), mode='drop')
    return tgt


def _yolo_loss(pred_s1, pred_s2, pred_s3, boxes, labels):
    lambda_coord, lambda_obj, lambda_noobj, lambda_class = 5.0, 1.0, 0.5, 1.0
    coord_loss = 0.0; obj_loss = 0.0; noobj_loss = 0.0; class_loss = 0.0
    batch_size = pred_s1.shape[0]
    for scale_idx, pred in enumerate([pred_s1, pred_s2, pred_s3]):
        grid_size = pred.shape[2]
        stride = IMG_SIZE / grid_size
        scaled_anchors = jnp.asarray(ANCHORS[scale_idx], jnp.float32) / stride
        tgt = _build_targets(boxes, labels, scaled_anchors, grid_size)
        pred_boxes = pred[..., :4]; pred_obj = pred[..., 4]; pred_class = pred[..., 5:]
        t_boxes = tgt[..., :4]; t_obj = tgt[..., 4]; t_class = tgt[..., 5:]
        obj_m = (t_obj == 1.0).astype(jnp.float32)
        noobj_m = (t_obj == 0.0).astype(jnp.float32)
        n_obj = jnp.sum(obj_m); n_noobj = jnp.sum(noobj_m)
        m2 = obj_m[..., None]
        has_obj = (n_obj > 0).astype(jnp.float32)
        mse_xy = jnp.sum(m2 * (pred_boxes[..., :2] - t_boxes[..., :2]) ** 2) / jnp.maximum(n_obj * 2.0, 1.0)
        pw = jnp.where(m2 > 0, pred_boxes[..., 2:4], 1.0)
        twv = jnp.where(m2 > 0, t_boxes[..., 2:4], 1.0)
        mse_wh = jnp.sum(m2 * (jnp.sqrt(pw) - jnp.sqrt(twv)) ** 2) / jnp.maximum(n_obj * 2.0, 1.0)
        coord_loss = coord_loss + has_obj * (mse_xy + mse_wh)
        obj_loss = obj_loss + jnp.sum(obj_m * _bce(pred_obj, t_obj)) / jnp.maximum(n_obj, 1.0)
        noobj_loss = noobj_loss + jnp.sum(noobj_m * _bce(pred_obj, t_obj)) / jnp.maximum(n_noobj, 1.0)
        class_loss = class_loss + has_obj * (jnp.sum(m2 * _bce(pred_class, t_class)) / jnp.maximum(n_obj * NUM_CLASSES, 1.0))
    total = lambda_coord * coord_loss + lambda_obj * obj_loss + lambda_noobj * noobj_loss + lambda_class * class_loss
    total = total / batch_size
    return (total, coord_loss / batch_size, obj_loss / batch_size, noobj_loss / batch_size, class_loss / batch_size)


def reference(pred_s1, pred_s2, pred_s3, boxes, labels):
    return _yolo_loss(pred_s1, pred_s2, pred_s3, boxes, labels)

if __name__ == "__main__":
    import jax
    _d = setup_inputs()
    print(jax.jit(kernel)(*tuple(_d.values())))

</pallas_src>

<mosaic_0001>
#map = affine_map<(d0, d1) -> (0, 0, 0)>
#map1 = affine_map<(d0, d1) -> (0, 0, 0, 0)>
module attributes {stable_mosaic.version = 14 : i64} {
  func.func @body(%arg0: i32, %arg1: i32, %arg2: memref<32x4x32xf32, #tpu.memory_space<hbm>>, %arg3: memref<507x32x85xf32, #tpu.memory_space<hbm>>, %arg4: memref<2028x32x85xf32, #tpu.memory_space<hbm>>, %arg5: memref<8112x32x85xf32, #tpu.memory_space<hbm>>, %arg6: memref<3x32x32x85xf32, #tpu.memory_space<hbm>>, %arg7: memref<3x32x4x32xi32, #tpu.memory_space<hbm>>, %arg8: memref<4x32xf32, #tpu.memory_space<vmem>>, %arg9: memref<4x32xi32, #tpu.memory_space<vmem>>, %arg10: memref<3x32x85xf32, #tpu.memory_space<vmem>>, %arg11: memref<!tpu.dma_semaphore, #tpu.memory_space<semaphore_mem>>) attributes {dimension_semantics = [#tpu.dimension_semantics<core_parallel>, #tpu.dimension_semantics<subcore_parallel>], iteration_bounds = array<i64: 2, 16>, scalar_prefetch = 0 : i64, scratch_operands = 4 : i64, tpu.core_type = #tpu.core_type<sc_vector_subcore>, window_params = [{transform_indices = #map}, {transform_indices = #map}, {transform_indices = #map}, {transform_indices = #map}, {transform_indices = #map1}, {transform_indices = #map1}]} {
    %mul3A = arith.constant 2 : i32
    %mul3A_0 = arith.muli %arg1, %mul3A : i32
    %add3A = arith.addi %mul3A_0, %arg0 : i32
    "tpu.region"() ({
      %run_scoped3A_2634 = tpu.sem_alloc : memref<!tpu.dma_semaphore, #tpu.memory_space<semaphore_mem>>
      %dma_start3A_2635 = arith.constant 0 : i32
      %dma_start3A_2636 = arith.constant 0 : i32
      %dma_start3A_2637 = tpu.memref_slice %arg2[%add3A, %dma_start3A_2635, %dma_start3A_2636] : memref<32x4x32xf32, #tpu.memory_space<hbm>> -> memref<1x4x32xf32, #tpu.memory_space<hbm>>
      %dma_start3A_2638 = tpu.memref_squeeze %dma_start3A_2637 : memref<1x4x32xf32, #tpu.memory_space<hbm>> -> memref<4x32xf32, #tpu.memory_space<hbm>>
      %dma_start3A_2639 = arith.constant 0 : i32
      %dma_start3A_2640 = arith.constant 0 : i32
      %dma_start3A_2641 = tpu.memref_slice %arg2[%add3A, %dma_start3A_2639, %dma_start3A_2640] : memref<32x4x32xf32, #tpu.memory_space<hbm>> -> memref<1x4x32xf32, #tpu.memory_space<hbm>>
      %dma_start3A_2642 = tpu.memref_squeeze %dma_start3A_2641 : memref<1x4x32xf32, #tpu.memory_space<hbm>> -> memref<4x32xf32, #tpu.memory_space<hbm>>
      tpu.enqueue_dma source(%dma_start3A_2642 : memref<4x32xf32, #tpu.memory_space<hbm>>) target(%arg8 : memref<4x32xf32, #tpu.memory_space<vmem>>) target_semaphore(%run_scoped3A_2634 : memref<!tpu.dma_semaphore, #tpu.memory_space<semaphore_mem>>)
      %dma_wait3A_2643 = arith.constant 0 : i32
      %dma_wait3A_2644 = arith.constant 0 : i32
      %dma_wait3A_2645 = tpu.memref_slice %arg2[%add3A, %dma_wait3A_2643, %dma_wait3A_2644] : memref<32x4x32xf32, #tpu.memory_space<hbm>> -> memref<1x4x32xf32, #tpu.memory_space<hbm>>
      %dma_wait3A_2646 = tpu.memref_squeeze %dma_wait3A_2645 : memref<1x4x32xf32, #tpu.memory_space<hbm>> -> memref<4x32xf32, #tpu.memory_space<hbm>>
      %dma_wait3A_2647 = arith.constant 0 : i32
      %dma_wait3A_2648 = arith.constant 0 : i32
      %dma_wait3A_2649 = tpu.memref_slice %arg2[%add3A, %dma_wait3A_2647, %dma_wait3A_2648] : memref<32x4x32xf32, #tpu.memory_space<hbm>> -> memref<1x4x32xf32, #tpu.memory_space<hbm>>
      %dma_wait3A_2650 = tpu.memref_squeeze %dma_wait3A_2649 : memref<1x4x32xf32, #tpu.memory_space<hbm>> -> memref<4x32xf32, #tpu.memory_space<hbm>>
      tpu.wait_dma2 semaphore(%run_scoped3A_2634 : memref<!tpu.dma_semaphore, #tpu.memory_space<semaphore_mem>>) src(%dma_wait3A_2650 : memref<4x32xf32, #tpu.memory_space<hbm>>) dst(%arg8 : memref<4x32xf32, #tpu.memory_space<vmem>>)
      tpu.yield
    }) : () -> ()
    %get3A = arith.constant 0 : i32
    %get3A_1 = arith.index_cast %get3A : i32 to index
    %get3A_2 = arith.constant 0 : index
    %get3A_3 = tpu.vector_load %arg8[%get3A_1, %get3A_2] {strides = array<i32>} : memref<4x32xf32, #tpu.memory_space<vmem>>, vector<1x16xf32>,
    %get3A_4 = vector.shape_cast %get3A_3 : vector<1x16xf32> to vector<16xf32>
    %get3A_5 = arith.constant 1 : i32
    %get3A_6 = arith.index_cast %get3A_5 : i32 to index
    %get3A_7 = arith.constant 0 : index
    %get3A_8 = tpu.vector_load %arg8[%get3A_6, %get3A_7] {strides = array<i32>} : memref<4x32xf32, #tpu.memory_space<vmem>>, vector<1x16xf32>,
    %get3A_9 = vector.shape_cast %get3A_8 : vector<1x16xf32> to vector<16xf32>
    %get3A_10 = arith.constant 2 : i32
    %get3A_11 = arith.index_cast %get3A_10 : i32 to index
    %get3A_12 = arith.constant 0 : index
    %get3A_13 = tpu.vector_load %arg8[%get3A_11, %get3A_12] {strides = array<i32>} : memref<4x32xf32, #tpu.memory_space<vmem>>, vector<1x16xf32>,
    %get3A_14 = vector.shape_cast %get3A_13 : vector<1x16xf32> to vector<16xf32>
    %get3A_15 = arith.constant 3 : i32
    %get3A_16 = arith.index_cast %get3A_15 : i32 to index
    %get3A_17 = arith.constant 0 : index
    %get3A_18 = tpu.vector_load %arg8[%get3A_16, %get3A_17] {strides = array<i32>} : memref<4x32xf32, #tpu.memory_space<vmem>>, vector<1x16xf32>,
    %get3A_19 = vector.shape_cast %get3A_18 : vector<1x16xf32> to vector<16xf32>
    %mul3A_20 = arith.constant 1.300000e+01 : f32
    %mul3A_21 = vector.broadcast %mul3A_20 : f32 to vector<16xf32>
    %mul3A_22 = arith.mulf %get3A_4, %mul3A_21 : vector<16xf32>
    %mul3A_23 = arith.constant 1.300000e+01 : f32
    %mul3A_24 = vector.broadcast %mul3A_23 : f32 to vector<16xf32>
    %mul3A_25 = arith.mulf %get3A_9, %mul3A_24 : vector<16xf32>
    %convert_element_type3A = arith.fptosi %mul3A_22 : vector<16xf32> to vector<16xi32>
    %convert_element_type3A_26 = arith.fptosi %mul3A_25 : vector<16xf32> to vector<16xi32>
    %min3A = arith.constant 12 : i32
    %min3A_27 = vector.broadcast %min3A : i32 to vector<16xi32>
    %min3A_28 = arith.minsi %convert_element_type3A, %min3A_27 : vector<16xi32>
    %min3A_29 = arith.constant 12 : i32
    %min3A_30 = vector.broadcast %min3A_29 : i32 to vector<16xi32>
    %min3A_31 = arith.minsi %convert_element_type3A_26, %min3A_30 : vector<16xi32>
    %mul3A_32 = arith.constant 1.300000e+01 : f32
    %mul3A_33 = vector.broadcast %mul3A_32 : f32 to vector<16xf32>
    %mul3A_34 = arith.mulf %get3A_14, %mul3A_33 : vector<16xf32>
    %mul3A_35 = arith.constant 1.300000e+01 : f32
    %mul3A_36 = vector.broadcast %mul3A_35 : f32 to vector<16xf32>
    %mul3A_37 = arith.mulf %get3A_19, %mul3A_36 : vector<16xf32>
    %min3A_38 = arith.constant 3.625000e+00 : f32
    %min3A_39 = vector.broadcast %min3A_38 : f32 to vector<16xf32>
    %min3A_40 = arith.minimumf %mul3A_34, %min3A_39 : vector<16xf32>
    %min3A_41 = arith.constant 2.812500e+00 : f32
    %min3A_42 = vector.broadcast %min3A_41 : f32 to vector<16xf32>
    %min3A_43 = arith.minimumf %mul3A_37, %min3A_42 : vector<16xf32>
    %mul3A_44 = arith.mulf %min3A_40, %min3A_43 : vector<16xf32>
    %add3A_45 = arith.constant 10.1953125 : f32
    %add3A_46 = vector.broadcast %add3A_45 : f32 to vector<16xf32>
    %add3A_47 = arith.addf %add3A_46, %mul3A_34 : vector<16xf32>
    %add3A_48 = arith.addf %add3A_47, %mul3A_37 : vector<16xf32>
    %sub3A = arith.subf %add3A_48, %mul3A_44 : vector<16xf32>
    %gt3A = arith.constant 0.000000e+00 : f32
    %gt3A_49 = vector.broadcast %gt3A : f32 to vector<16xf32>
    %gt3A_50 = arith.cmpf ogt, %sub3A, %gt3A_49 : vector<16xf32>
    %div3A = arith.divf %mul3A_44, %sub3A : vector<16xf32>
    %jit3A = arith.constant 0.000000e+00 : f32
    %broadcast_in_dim3A = vector.broadcast %jit3A : f32 to vector<16xf32>
    %select_n3A = arith.select %gt3A_50, %div3A, %broadcast_in_dim3A : vector<16xi1>, vector<16xf32>
    %min3A_51 = arith.constant 4.875000e+00 : f32
    %min3A_52 = vector.broadcast %min3A_51 : f32 to vector<16xf32>
    %min3A_53 = arith.minimumf %mul3A_34, %min3A_52 : vector<16xf32>
    %min3A_54 = arith.constant 6.187500e+00 : f32
    %min3A_55 = vector.broadcast %min3A_54 : f32 to vector<16xf32>
    %min3A_56 = arith.minimumf %mul3A_37, %min3A_55 : vector<16xf32>
    %mul3A_57 = arith.mulf %min3A_53, %min3A_56 : vector<16xf32>
    %add3A_58 = arith.constant 30.1640625 : f32
    %add3A_59 = vector.broadcast %add3A_58 : f32 to vector<16xf32>
    %add3A_60 = arith.addf %add3A_59, %mul3A_34 : vector<16xf32>
    %add3A_61 = arith.addf %add3A_60, %mul3A_37 : vector<16xf32>
    %sub3A_62 = arith.subf %add3A_61, %mul3A_57 : vector<16xf32>
    %gt3A_63 = arith.constant 0.000000e+00 : f32
    %gt3A_64 = vector.broadcast %gt3A_63 : f32 to vector<16xf32>
    %gt3A_65 = arith.cmpf ogt, %sub3A_62, %gt3A_64 : vector<16xf32>
    %div3A_66 = arith.divf %mul3A_57, %sub3A_62 : vector<16xf32>
    %jit3A_67 = arith.constant 0.000000e+00 : f32
    %broadcast_in_dim3A_68 = vector.broadcast %jit3A_67 : f32 to vector<16xf32>
    %select_n3A_69 = arith.select %gt3A_65, %div3A_66, %broadcast_in_dim3A_68 : vector<16xi1>, vector<16xf32>
    %min3A_70 = arith.constant 11.65625 : f32
    %min3A_71 = vector.broadcast %min3A_70 : f32 to vector<16xf32>
    %min3A_72 = arith.minimumf %mul3A_34, %min3A_71 : vector<16xf32>
    %min3A_73 = arith.constant 1.018750e+01 : f32
    %min3A_74 = vector.broadcast %min3A_73 : f32 to vector<16xf32>
    %min3A_75 = arith.minimumf %mul3A_37, %min3A_74 : vector<16xf32>
    %mul3A_76 = arith.mulf %min3A_72, %min3A_75 : vector<16xf32>
    %add3A_77 = arith.constant 118.748047 : f32
    %add3A_78 = vector.broadcast %add3A_77 : f32 to vector<16xf32>
    %add3A_79 = arith.addf %add3A_78, %mul3A_34 : vector<16xf32>
    %add3A_80 = arith.addf %add3A_79, %mul3A_37 : vector<16xf32>
    %sub3A_81 = arith.subf %add3A_80, %mul3A_76 : vector<16xf32>
    %gt3A_82 = arith.constant 0.000000e+00 : f32
    %gt3A_83 = vector.broadcast %gt3A_82 : f32 to vector<16xf32>
    %gt3A_84 = arith.cmpf ogt, %sub3A_81, %gt3A_83 : vector<16xf32>
    %div3A_85 = arith.divf %mul3A_76, %sub3A_81 : vector<16xf32>
    %jit3A_86 = arith.constant 0.000000e+00 : f32
    %broadcast_in_dim3A_87 = vector.broadcast %jit3A_86 : f32 to vector<16xf32>
    %select_n3A_88 = arith.select %gt3A_84, %div3A_85, %broadcast_in_dim3A_87 : vector<16xi1>, vector<16xf32>
    %gt3A_89 = arith.cmpf ogt, %select_n3A_69, %select_n3A : vector<16xf32>
    %broadcast_in_dim3A_90 = arith.constant 1 : i32
    %broadcast_in_dim3A_91 = vector.broadcast %broadcast_in_dim3A_90 : i32 to vector<16xi32>
    %broadcast_in_dim3A_92 = arith.constant 0 : i32
    %broadcast_in_dim3A_93 = vector.broadcast %broadcast_in_dim3A_92 : i32 to vector<16xi32>
    %select_n3A_94 = arith.select %gt3A_89, %broadcast_in_dim3A_91, %broadcast_in_dim3A_93 : vector<16xi1>, vector<16xi32>
    %max3A = arith.maximumf %select_n3A, %select_n3A_69 : vector<16xf32>
    %gt3A_95 = arith.cmpf ogt, %select_n3A_88, %max3A : vector<16xf32>
    %broadcast_in_dim3A_96 = arith.constant 2 : i32
    %broadcast_in_dim3A_97 = vector.broadcast %broadcast_in_dim3A_96 : i32 to vector<16xi32>
    %select_n3A_98 = arith.select %gt3A_95, %broadcast_in_dim3A_97, %select_n3A_94 : vector<16xi1>, vector<16xi32>
    %mul3A_99 = arith.constant 13 : i32
    %mul3A_100 = vector.broadcast %mul3A_99 : i32 to vector<16xi32>
    %mul3A_101 = arith.muli %select_n3A_98, %mul3A_100 : vector<16xi32>
    %add3A_102 = arith.addi %mul3A_101, %min3A_31 : vector<16xi32>
    %mul3A_103 = arith.constant 13 : i32
    %mul3A_104 = vector.broadcast %mul3A_103 : i32 to vector<16xi32>
    %mul3A_105 = arith.muli %add3A_102, %mul3A_104 : vector<16xi32>
    %add3A_106 = arith.addi %mul3A_105, %min3A_28 : vector<16xi32>
    %swap3A = arith.constant 0 : i32
    %swap3A_107 = arith.index_cast %swap3A : i32 to index
    %swap3A_108 = arith.constant 0 : index
    %swap3A_109 = tpu.vector_load %arg9[%swap3A_107, %swap3A_108] {strides = array<i32>} : memref<4x32xi32, #tpu.memory_space<vmem>>, vector<1x16xi32>,
    %swap3A_110 = vector.shape_cast %swap3A_109 : vector<1x16xi32> to vector<16xi32>
    %swap3A_111 = vector.shape_cast %add3A_106 : vector<16xi32> to vector<1x16xi32>
    tpu.vector_store %arg9[%swap3A_107, %swap3A_108], %swap3A_111 {strides = array<i32>} : memref<4x32xi32, #tpu.memory_space<vmem>>, vector<1x16xi32>,
    %swap3A_112 = arith.constant 1 : i32
    %swap3A_113 = arith.index_cast %swap3A_112 : i32 to index
    %swap3A_114 = arith.constant 0 : index
    %swap3A_115 = tpu.vector_load %arg9[%swap3A_113, %swap3A_114] {strides = array<i32>} : memref<4x32xi32, #tpu.memory_space<vmem>>, vector<1x16xi32>,
    %swap3A_116 = vector.shape_cast %swap3A_115 : vector<1x16xi32> to vector<16xi32>
    %swap3A_117 = vector.shape_cast %select_n3A_98 : vector<16xi32> to vector<1x16xi32>
    tpu.vector_store %arg9[%swap3A_113, %swap3A_114], %swap3A_117 {strides = array<i32>} : memref<4x32xi32, #tpu.memory_space<vmem>>, vector<1x16xi32>,
    %swap3A_118 = arith.constant 2 : i32
    %swap3A_119 = arith.index_cast %swap3A_118 : i32 to index
    %swap3A_120 = arith.constant 0 : index
    %swap3A_121 = tpu.vector_load %arg9[%swap3A_119, %swap3A_120] {strides = array<i32>} : memref<4x32xi32, #tpu.memory_space<vmem>>, vector<1x16xi32>,
    %swap3A_122 = vector.shape_cast %swap3A_121 : vector<1x16xi32> to vector<16xi32>
    %swap3A_123 = vector.shape_cast %min3A_31 : vector<16xi32> to vector<1x16xi32>
    tpu.vector_store %arg9[%swap3A_119, %swap3A_120], %swap3A_123 {strides = array<i32>} : memref<4x32xi32, #tpu.memory_space<vmem>>, vector<1x16xi32>,
    %swap3A_124 = arith.constant 3 : i32
    %swap3A_125 = arith.index_cast %swap3A_124 : i32 to index
    %swap3A_126 = arith.constant 0 : index
    %swap3A_127 = tpu.vector_load %arg9[%swap3A_125, %swap3A_126] {strides = array<i32>} : memref<4x32xi32, #tpu.memory_space<vmem>>, vector<1x16xi32>,
    %swap3A_128 = vector.shape_cast %swap3A_127 : vector<1x16xi32> to vector<16xi32>
    %swap3A_129 = vector.shape_cast %min3A_28 : vector<16xi32> to vector<1x16xi32>
    tpu.vector_store %arg9[%swap3A_125, %swap3A_126], %swap3A_129 {strides = array<i32>} : memref<4x32xi32, #tpu.memory_space<vmem>>, vector<1x16xi32>,
    %slice3A = vector.extract_strided_slice %add3A_106 {offsets = [0], sizes = [1], strides = [1]} : vector<16xi32> to vector<1xi32>
    %squeeze3A = vector.extract %slice3A[0] : i32 from vector<1xi32>
    %dma_start3A = arith.constant 0 : i32
    %dma_start3A_130 = arith.constant 0 : i32
    %dma_start3A_131 = arith.constant 0 : i32
    %dma_start3A_132 = tpu.memref_slice %arg10[%dma_start3A, %dma_start3A_130, %dma_start3A_131] : memref<3x32x85xf32, #tpu.memory_space<vmem>> -> memref<1x1x85xf32, #tpu.memory_space<vmem>>
    %dma_start3A_133 = tpu.memref_squeeze %dma_start3A_132 : memref<1x1x85xf32, #tpu.memory_space<vmem>> -> memref<85xf32, #tpu.memory_space<vmem>>
    %dma_start3A_134 = arith.constant 0 : i32
    %dma_start3A_135 = tpu.memref_slice %arg3[%squeeze3A, %add3A, %dma_start3A_134] : memref<507x32x85xf32, #tpu.memory_space<hbm>> -> memref<1x1x85xf32, #tpu.memory_space<hbm>>
    %dma_start3A_136 = tpu.memref_squeeze %dma_start3A_135 : memref<1x1x85xf32, #tpu.memory_space<hbm>> -> memref<85xf32, #tpu.memory_space<hbm>>
    %dma_start3A_137 = arith.constant 0 : i32
    %dma_start3A_138 = tpu.memref_slice %arg10[%dma_start3A, %dma_start3A_130, %dma_start3A_137] : memref<3x32x85xf32, #tpu.memory_space<vmem>> -> memref<1x1x85xf32, #tpu.memory_space<vmem>>
    %dma_start3A_139 = tpu.memref_squeeze %dma_start3A_138 : memref<1x1x85xf32, #tpu.memory_space<vmem>> -> memref<85xf32, #tpu.memory_space<vmem>>
    %dma_start3A_140 = arith.constant 0 : i32
    %dma_start3A_141 = tpu.memref_slice %arg3[%squeeze3A, %add3A, %dma_start3A_140] : memref<507x32x85xf32, #tpu.memory_space<hbm>> -> memref<1x1x85xf32, #tpu.memory_space<hbm>>
    %dma_start3A_142 = tpu.memref_squeeze %dma_start3A_141 : memref<1x1x85xf32, #tpu.memory_space<hbm>> -> memref<85xf32, #tpu.memory_space<hbm>>
    tpu.enqueue_dma source(%dma_start3A_142 : memref<85xf32, #tpu.memory_space<hbm>>) target(%dma_start3A_139 : memref<85xf32, #tpu.memory_space<vmem>>) target_semaphore(%arg11 : memref<!tpu.dma_semaphore, #tpu.memory_space<semaphore_mem>>)
    %slice3A_143 = vector.extract_strided_slice %add3A_106 {offsets = [1], sizes = [1], strides = [1]} : vector<16xi32> to vector<1xi32>
    %squeeze3A_144 = vector.extract %slice3A_143[0] : i32 from vector<1xi32>
    %dma_start3A_145 = arith.constant 0 : i32
    %dma_start3A_146 = arith.constant 1 : i32
    %dma_start3A_147 = arith.constant 0 : i32
    %dma_start3A_148 = tpu.memref_slice %arg10[%dma_start3A_145, %dma_start3A_146, %dma_start3A_147] : memref<3x32x85xf32, #tpu.memory_space<vmem>> -> memref<1x1x85xf32, #tpu.memory_space<vmem>>
    %dma_start3A_149 = tpu.memref_squeeze %dma_start3A_148 : memref<1x1x85xf32, #tpu.memory_space<vmem>> -> memref<85xf32, #tpu.memory_space<vmem>>
    %dma_start3A_150 = arith.constant 0 : i32
    %dma_start3A_151 = tpu.memref_slice %arg3[%squeeze3A_144, %add3A, %dma_start3A_150] : memref<507x32x85xf32, #tpu.memory_space<hbm>> -> memref<1x1x85xf32, #tpu.memory_space<hbm>>
    %dma_start3A_152 = tpu.memref_squeeze %dma_start3A_151 : memref<1x1x85xf32, #tpu.memory_space<hbm>> -> memref<85xf32, #tpu.memory_space<hbm>>
    %dma_start3A_153 = arith.constant 0 : i32
    %dma_start3A_154 = tpu.memref_slice %arg10[%dma_start3A_145, %dma_start3A_146, %dma_start3A_153] : memref<3x32x85xf32, #tpu.memory_space<vmem>> -> memref<1x1x85xf32, #tpu.memory_space<vmem>>
    %dma_start3A_155 = tpu.memref_squeeze %dma_start3A_154 : memref<1x1x85xf32, #tpu.memory_space<vmem>> -> memref<85xf32, #tpu.memory_space<vmem>>
    %dma_start3A_156 = arith.constant 0 : i32
    %dma_start3A_157 = tpu.memref_slice %arg3[%squeeze3A_144, %add3A, %dma_start3A_156] : memref<507x32x85xf32, #tpu.memory_space<hbm>> -> memref<1x1x85xf32, #tpu.memory_space<hbm>>
    %dma_start3A_158 = tpu.memref_squeeze %dma_start3A_157 : memref<1x1x85xf32, #tpu.memory_space<hbm>> -> memref<85xf32, #tpu.memory_space<hbm>>
    tpu.enqueue_dma source(%dma_start3A_158 : memref<85xf32, #tpu.memory_space<hbm>>) target(%dma_start3A_155 : memref<85xf32, #tpu.memory_space<vmem>>) target_semaphore(%arg11 : memref<!tpu.dma_semaphore, #tpu.memory_space<semaphore_mem>>)
    %slice3A_159 = vector.extract_strided_slice %add3A_106 {offsets = [2], sizes = [1], strides = [1]} : vector<16xi32> to vector<1xi32>
    %squeeze3A_160 = vector.extract %slice3A_159[0] : i32 from vector<1xi32>
    %dma_start3A_161 = arith.constant 0 : i32
    %dma_start3A_162 = arith.constant 2 : i32
    %dma_start3A_163 = arith.constant 0 : i32
    %dma_start3A_164 = tpu.memref_slice %arg10[%dma_start3A_161, %dma_start3A_162, %dma_start3A_163] : memref<3x32x85xf32, #tpu.memory_space<vmem>> -> memref<1x1x85xf32, #tpu.memory_space<vmem>>
    %dma_start3A_165 = tpu.memref_squeeze %dma_start3A_164 : memref<1x1x85xf32, #tpu.memory_space<vmem>> -> memref<85xf32, #tpu.memory_space<vmem>>
    %dma_start3A_166 = arith.constant 0 : i32
    %dma_start3A_167 = tpu.memref_slice %arg3[%squeeze3A_160, %add3A, %dma_start3A_166] : memref<507x32x85xf32, #tpu.memory_space<hbm>> -> memref<1x1x85xf32, #tpu.memory_space<hbm>>
    %dma_start3A_168 = tpu.memref_squeeze %dma_start3A_167 : memref<1x1x85xf32, #tpu.memory_space<hbm>> -> memref<85xf32, #tpu.memory_space<hbm>>
    %dma_start3A_169 = arith.constant 0 : i32
    %dma_start3A_170 = tpu.memref_slice %arg10[%dma_start3A_161, %dma_start3A_162, %dma_start3A_169] : memref<3x32x85xf32, #tpu.memory_space<vmem>> -> memref<1x1x85xf32, #tpu.memory_space<vmem>>
    %dma_start3A_171 = tpu.memref_squeeze %dma_start3A_170 : memref<1x1x85xf32, #tpu.memory_space<vmem>> -> memref<85xf32, #tpu.memory_space<vmem>>
    %dma_start3A_172 = arith.constant 0 : i32
    %dma_start3A_173 = tpu.memref_slice %arg3[%squeeze3A_160, %add3A, %dma_start3A_172] : memref<507x32x85xf32, #tpu.memory_space<hbm>> -> memref<1x1x85xf32, #tpu.memory_space<hbm>>
    %dma_start3A_174 = tpu.memref_squeeze %dma_start3A_173 : memref<1x1x85xf32, #tpu.memory_space<hbm>> -> memref<85xf32, #tpu.memory_space<hbm>>
    tpu.enqueue_dma source(%dma_start3A_174 : memref<85xf32, #tpu.memory_space<hbm>>) target(%dma_start3A_171 : memref<85xf32, #tpu.memory_space<vmem>>) target_semaphore(%arg11 : memref<!tpu.dma_semaphore, #tpu.memory_space<semaphore_mem>>)
    %slice3A_175 = vector.extract_strided_slice %add3A_106 {offsets = [3], sizes = [1], strides = [1]} : vector<16xi32> to vector<1xi32>
    %squeeze3A_176 = vector.extract %slice3A_175[0] : i32 from vector<1xi32>
    %dma_start3A_177 = arith.constant 0 : i32
    %dma_start3A_178 = arith.constant 3 : i32
    %dma_start3A_179 = arith.constant 0 : i32
    %dma_start3A_180 = tpu.memref_slice %arg10[%dma_start3A_177, %dma_start3A_178, %dma_start3A_179] : memref<3x32x85xf32, #tpu.memory_space<vmem>> -> memref<1x1x85xf32, #tpu.memory_space<vmem>>
    %dma_start3A_181 = tpu.memref_squeeze %dma_start3A_180 : memref<1x1x85xf32, #tpu.memory_space<vmem>> -> memref<85xf32, #tpu.memory_space<vmem>>
    %dma_start3A_182 = arith.constant 0 : i32
    %dma_start3A_183 = tpu.memref_slice %arg3[%squeeze3A_176, %add3A, %dma_start3A_182] : memref<507x32x85xf32, #tpu.memory_space<hbm>> -> memref<1x1x85xf32, #tpu.memory_space<hbm>>
    %dma_start3A_184 = tpu.memref_squeeze %dma_start3A_183 : memref<1x1x85xf32, #tpu.memory_space<hbm>> -> memref<85xf32, #tpu.memory_space<hbm>>
    %dma_start3A_185 = arith.constant 0 : i32
    %dma_start3A_186 = tpu.memref_slice %arg10[%dma_start3A_177, %dma_start3A_178, %dma_start3A_185] : memref<3x32x85xf32, #tpu.memory_space<vmem>> -> memref<1x1x85xf32, #tpu.memory_space<vmem>>
    %dma_start3A_187 = tpu.memref_squeeze %dma_start3A_186 : memref<1x1x85xf32, #tpu.memory_space<vmem>> -> memref<85xf32, #tpu.memory_space<vmem>>
    %dma_start3A_188 = arith.constant 0 : i32
    %dma_start3A_189 = tpu.memref_slice %arg3[%squeeze3A_176, %add3A, %dma_start3A_188] : memref<507x32x85xf32, #tpu.memory_space<hbm>> -> memref<1x1x85xf32, #tpu.memory_space<hbm>>
    %dma_start3A_190 = tpu.memref_squeeze %dma_start3A_189 : memref<1x1x85xf32, #tpu.memory_space<hbm>> -> memref<85xf32, #tpu.memory_space<hbm>>
    tpu.enqueue_dma source(%dma_start3A_190 : memref<85xf32, #tpu.memory_space<hbm>>) target(%dma_start3A_187 : memref<85xf32, #tpu.memory_space<vmem>>) target_semaphore(%arg11 : memref<!tpu.dma_semaphore, #tpu.memory_space<semaphore_mem>>)
    %slice3A_191 = vector.extract_strided_slice %add3A_106 {offsets = [4], sizes = [1], strides = [1]} : vector<16xi32> to vector<1xi32>
    %squeeze3A_192 = vector.extract %slice3A_191[0] : i32 from vector<1xi32>
    %dma_start3A_193 = arith.constant 0 : i32
    %dma_start3A_194 = arith.constant 4 : i32
    %dma_start3A_195 = arith.constant 0 : i32
    %dma_start3A_196 = tpu.memref_slice %arg10[%dma_start3A_193, %dma_start3A_194, %dma_start3A_195] : memref<3x32x85xf32, #tpu.memory_space<vmem>> -> memref<1x1x85xf32, #tpu.memory_space<vmem>>
    %dma_start3A_197 = tpu.memref_squeeze %dma_start3A_196 : memref<1x1x85xf32, #tpu.memory_space<vmem>> -> memref<85xf32, #tpu.memory_space<vmem>>
    %dma_start3A_198 = arith.constant 0 : i32
    %dma_start3A_199 = tpu.memref_slice %arg3[%squeeze3A_192, %add3A, %dma_start3A_198] : memref<507x32x85xf32, #tpu.memory_space<hbm>> -> memref<1x1x85xf32, #tpu.memory_space<hbm>>
    %dma_start3A_200 = tpu.memref_squeeze %dma_start3A_199 : memref<1x1x85xf32, #tpu.memory_space<hbm>> -> memref<85xf32, #tpu.memory_space<hbm>>
    %dma_start3A_201 = arith.constant 0 : i32
    %dma_start3A_202 = tpu.memref_slice %arg10[%dma_start3A_193, %dma_start3A_194, %dma_start3A_201] : memref<3x32x85xf32, #tpu.memory_space<vmem>> -> memref<1x1x85xf32, #tpu.memory_space<vmem>>
    %dma_start3A_203 = tpu.memref_squeeze %dma_start3A_202 : memref<1x1x85xf32, #tpu.memory_space<vmem>> -> memref<85xf32, #tpu.memory_space<vmem>>
    %dma_start3A_204 = arith.constant 0 : i32
    %dma_start3A_205 = tpu.memref_slice %arg3[%squeeze3A_192, %add3A, %dma_start3A_204] : memref<507x32x85xf32, #tpu.memory_space<hbm>> -> memref<1x1x85xf32, #tpu.memory_space<hbm>>
    %dma_start3A_206 = tpu.memref_squeeze %dma_start3A_205 : memref<1x1x85xf32, #tpu.memory_space<hbm>> -> memref<85xf32, #tpu.memory_space<hbm>>
    tpu.enqueue_dma source(%dma_start3A_206 : memref<85xf32, #tpu.memory_space<hbm>>) target(%dma_start3A_203 : memref<85xf32, #tpu.memory_space<vmem>>) target_semaphore(%arg11 : memref<!tpu.dma_semaphore, #tpu.memory_space<semaphore_mem>>)
    %slice3A_207 = vector.extract_strided_slice %add3A_106 {offsets = [5], sizes = [1], strides = [1]} : vector<16xi32> to vector<1xi32>
    %squeeze3A_208 = vector.extract %slice3A_207[0] : i32 from vector<1xi32>
    %dma_start3A_209 = arith.constant 0 : i32
    %dma_start3A_210 = arith.constant 5 : i32
    %dma_start3A_211 = arith.constant 0 : i32
    %dma_start3A_212 = tpu.memref_slice %arg10[%dma_start3A_209, %dma_start3A_210, %dma_start3A_211] : memref<3x32x85xf32, #tpu.memory_space<vmem>> -> memref<1x1x85xf32, #tpu.memory_space<vmem>>
    %dma_start3A_213 = tpu.memref_squeeze %dma_start3A_212 : memref<1x1x85xf32, #tpu.memory_space<vmem>> -> memref<85xf32, #tpu.memory_space<vmem>>
    %dma_start3A_214 = arith.constant 0 : i32
    %dma_start3A_215 = tpu.memref_slice %arg3[%squeeze3A_208, %add3A, %dma_start3A_214] : memref<507x32x85xf32, #tpu.memory_space<hbm>> -> memref<1x1x85xf32, #tpu.memory_space<hbm>>
    %dma_start3A_216 = tpu.memref_squeeze %dma_start3A_215 : memref<1x1x85xf32, #tpu.memory_space<hbm>> -> memref<85xf32, #tpu.memory_space<hbm>>
    %dma_start3A_217 = arith.constant 0 : i32
    %dma_start3A_218 = tpu.memref_slice %arg10[%dma_start3A_209, %dma_start3A_210, %dma_start3A_217] : memref<3x32x85xf32, #tpu.memory_space<vmem>> -> memref<1x1x85xf32, #tpu.memory_space<vmem>>
    %dma_start3A_219 = tpu.memref_squeeze %dma_start3A_218 : memref<1x1x85xf32, #tpu.memory_space<vmem>> -> memref<85xf32, #tpu.memory_space<vmem>>
    %dma_start3A_220 = arith.constant 0 : i32
    %dma_start3A_221 = tpu.memref_slice %arg3[%squeeze3A_208, %add3A, %dma_start3A_220] : memref<507x32x85xf32, #tpu.memory_space<hbm>> -> memref<1x1x85xf32, #tpu.memory_space<hbm>>
    %dma_start3A_222 = tpu.memref_squeeze %dma_start3A_221 : memref<1x1x85xf32, #tpu.memory_space<hbm>> -> memref<85xf32, #tpu.memory_space<hbm>>
    tpu.enqueue_dma source(%dma_start3A_222 : memref<85xf32, #tpu.memory_space<hbm>>) target(%dma_start3A_219 : memref<85xf32, #tpu.memory_space<vmem>>) target_semaphore(%arg11 : memref<!tpu.dma_semaphore, #tpu.memory_space<semaphore_mem>>)
    %slice3A_223 = vector.extract_strided_slice %add3A_106 {offsets = [6], sizes = [1], strides = [1]} : vector<16xi32> to vector<1xi32>
    %squeeze3A_224 = vector.extract %slice3A_223[0] : i32 from vector<1xi32>
    %dma_start3A_225 = arith.constant 0 : i32
    %dma_start3A_226 = arith.constant 6 : i32
    %dma_start3A_227 = arith.constant 0 : i32
    %dma_start3A_228 = tpu.memref_slice %arg10[%dma_start3A_225, %dma_start3A_226, %dma_start3A_227] : memref<3x32x85xf32, #tpu.memory_space<vmem>> -> memref<1x1x85xf32, #tpu.memory_space<vmem>>
    %dma_start3A_229 = tpu.memref_squeeze %dma_start3A_228 : memref<1x1x85xf32, #tpu.memory_space<vmem>> -> memref<85xf32, #tpu.memory_space<vmem>>
    %dma_start3A_230 = arith.constant 0 : i32
    %dma_start3A_231 = tpu.memref_slice %arg3[%squeeze3A_224, %add3A, %dma_start3A_230] : memref<507x32x85xf32, #tpu.memory_space<hbm>> -> memref<1x1x85xf32, #tpu.memory_space<hbm>>
    %dma_start3A_232 = tpu.memref_squeeze %dma_start3A_231 : memref<1x1x85xf32, #tpu.memory_space<hbm>> -> memref<85xf32, #tpu.memory_space<hbm>>
    %dma_start3A_233 = arith.constant 0 : i32
    %dma_start3A_234 = tpu.memref_slice %arg10[%dma_start3A_225, %dma_start3A_226, %dma_start3A_233] : memref<3x32x85xf32, #tpu.memory_space<vmem>> -> memref<1x1x85xf32, #tpu.memory_space<vmem>>
    %dma_start3A_235 = tpu.memref_squeeze %dma_start3A_234 : memref<1x1x85xf32, #tpu.memory_space<vmem>> -> memref<85xf32, #tpu.memory_space<vmem>>
    %dma_start3A_236 = arith.constant 0 : i32
    %dma_start3A_237 = tpu.memref_slice %arg3[%squeeze3A_224, %add3A, %dma_start3A_236] : memref<507x32x85xf32, #tpu.memory_space<hbm>> -> memref<1x1x85xf32, #tpu.memory_space<hbm>>
    %dma_start3A_238 = tpu.memref_squeeze %dma_start3A_237 : memref<1x1x85xf32, #tpu.memory_space<hbm>> -> memref<85xf32, #tpu.memory_space<hbm>>
    tpu.enqueue_dma source(%dma_start3A_238 : memref<85xf32, #tpu.memory_space<hbm>>) target(%dma_start3A_235 : memref<85xf32, #tpu.memory_space<vmem>>) target_semaphore(%arg11 : memref<!tpu.dma_semaphore, #tpu.memory_space<semaphore_mem>>)
    %slice3A_239 = vector.extract_strided_slice %add3A_106 {offsets = [7], sizes = [1], strides = [1]} : vector<16xi32> to vector<1xi32>
    %squeeze3A_240 = vector.extract %slice3A_239[0] : i32 from vector<1xi32>
    %dma_start3A_241 = arith.constant 0 : i32
    %dma_start3A_242 = arith.constant 7 : i32
    %dma_start3A_243 = arith.constant 0 : i32
    %dma_start3A_244 = tpu.memref_slice %arg10[%dma_start3A_241, %dma_start3A_242, %dma_start3A_243] : memref<3x32x85xf32, #tpu.memory_space<vmem>> -> memref<1x1x85xf32, #tpu.memory_space<vmem>>
    %dma_start3A_245 = tpu.memref_squeeze %dma_start3A_244 : memref<1x1x85xf32, #tpu.memory_space<vmem>> -> memref<85xf32, #tpu.memory_space<vmem>>
    %dma_start3A_246 = arith.constant 0 : i32
    %dma_start3A_247 = tpu.memref_slice %arg3[%squeeze3A_240, %add3A, %dma_start3A_246] : memref<507x32x85xf32, #tpu.memory_space<hbm>> -> memref<1x1x85xf32, #tpu.memory_space<hbm>>
    %dma_start3A_248 = tpu.memref_squeeze %dma_start3A_247 : memref<1x1x85xf32, #tpu.memory_space<hbm>> -> memref<85xf32, #tpu.memory_space<hbm>>
    %dma_start3A_249 = arith.constant 0 : i32
    %dma_start3A_250 = tpu.memref_slice %arg10[%dma_start3A_241, %dma_start3A_242, %dma_start3A_249] : memref<3x32x85xf32, #tpu.memory_space<vmem>> -> memref<1x1x85xf32, #tpu.memory_space<vmem>>
    %dma_start3A_251 = tpu.memref_squeeze %dma_start3A_250 : memref<1x1x85xf32, #tpu.memory_space<vmem>> -> memref<85xf32, #tpu.memory_space<vmem>>
    %dma_start3A_252 = arith.constant 0 : i32
    %dma_start3A_253 = tpu.memref_slice %arg3[%squeeze3A_240, %add3A, %dma_start3A_252] : memref<507x32x85xf32, #tpu.memory_space<hbm>> -> memref<1x1x85xf32, #tpu.memory_space<hbm>>
    %dma_start3A_254 = tpu.memref_squeeze %dma_start3A_253 : memref<1x1x85xf32, #tpu.memory_space<hbm>> -> memref<85xf32, #tpu.memory_space<hbm>>
    tpu.enqueue_dma source(%dma_start3A_254 : memref<85xf32, #tpu.memory_space<hbm>>) target(%dma_start3A_251 : memref<85xf32, #tpu.memory_space<vmem>>) target_semaphore(%arg11 : memref<!tpu.dma_semaphore, #tpu.memory_space<semaphore_mem>>)
    %slice3A_255 = vector.extract_strided_slice %add3A_106 {offsets = [8], sizes = [1], strides = [1]} : vector<16xi32> to vector<1xi32>
    %squeeze3A_256 = vector.extract %slice3A_255[0] : i32 from vector<1xi32>
    %dma_start3A_257 = arith.constant 0 : i32
    %dma_start3A_258 = arith.constant 8 : i32
    %dma_start3A_259 = arith.constant 0 : i32
    %dma_start3A_260 = tpu.memref_slice %arg10[%dma_start3A_257, %dma_start3A_258, %dma_start3A_259] : memref<3x32x85xf32, #tpu.memory_space<vmem>> -> memref<1x1x85xf32, #tpu.memory_space<vmem>>
    %dma_start3A_261 = tpu.memref_squeeze %dma_start3A_260 : memref<1x1x85xf32, #tpu.memory_space<vmem>> -> memref<85xf32, #tpu.memory_space<vmem>>
    %dma_start3A_262 = arith.constant 0 : i32
    %dma_start3A_263 = tpu.memref_slice %arg3[%squeeze3A_256, %add3A, %dma_start3A_262] : memref<507x32x85xf32, #tpu.memory_space<hbm>> -> memref<1x1x85xf32, #tpu.memory_space<hbm>>
    %dma_start3A_264 = tpu.memref_squeeze %dma_start3A_263 : memref<1x1x85xf32, #tpu.memory_space<hbm>> -> memref<85xf32, #tpu.memory_space<hbm>>
    %dma_start3A_265 = arith.constant 0 : i32
    %dma_start3A_266 = tpu.memref_slice %arg10[%dma_start3A_257, %dma_start3A_258, %dma_start3A_265] : memref<3x32x85xf32, #tpu.memory_space<vmem>> -> memref<1x1x85xf32, #tpu.memory_space<vmem>>
    %dma_start3A_267 = tpu.memref_squeeze %dma_start3A_266 : memref<1x1x85xf32, #tpu.memory_space<vmem>> -> memref<85xf32, #tpu.memory_space<vmem>>
    %dma_start3A_268 = arith.constant 0 : i32
    %dma_start3A_269 = tpu.memref_slice %arg3[%squeeze3A_256, %add3A, %dma_start3A_268] : memref<507x32x85xf32, #tpu.memory_space<hbm>> -> memref<1x1x85xf32, #tpu.memory_space<hbm>>
    %dma_start3A_270 = tpu.memref_squeeze %dma_start3A_269 : memref<1x1x85xf32, #tpu.memory_space<hbm>> -> memref<85xf32, #tpu.memory_space<hbm>>
    tpu.enqueue_dma source(%dma_start3A_270 : memref<85xf32, #tpu.memory_space<hbm>>) target(%dma_start3A_267 : memref<85xf32, #tpu.memory_space<vmem>>) target_semaphore(%arg11 : memref<!tpu.dma_semaphore, #tpu.memory_space<semaphore_mem>>)
    %slice3A_271 = vector.extract_strided_slice %add3A_106 {offsets = [9], sizes = [1], strides = [1]} : vector<16xi32> to vector<1xi32>
    %squeeze3A_272 = vector.extract %slice3A_271[0] : i32 from vector<1xi32>
    %dma_start3A_273 = arith.constant 0 : i32
    %dma_start3A_274 = arith.constant 9 : i32
    %dma_start3A_275 = arith.constant 0 : i32
    %dma_start3A_276 = tpu.memref_slice %arg10[%dma_start3A_273, %dma_start3A_274, %dma_start3A_275] : memref<3x32x85xf32, #tpu.memory_space<vmem>> -> memref<1x1x85xf32, #tpu.memory_space<vmem>>
    %dma_start3A_277 = tpu.memref_squeeze %dma_start3A_276 : memref<1x1x85xf32, #tpu.memory_space<vmem>> -> memref<85xf32, #tpu.memory_space<vmem>>
    %dma_start3A_278 = arith.constant 0 : i32
    %dma_start3A_279 = tpu.memref_slice %arg3[%squeeze3A_272, %add3A, %dma_start3A_278] : memref<507x32x85xf32, #tpu.memory_space<hbm>> -> memref<1x1x85xf32, #tpu.memory_space<hbm>>
    %dma_start3A_280 = tpu.memref_squeeze %dma_start3A_279 : memref<1x1x85xf32, #tpu.memory_space<hbm>> -> memref<85xf32, #tpu.memory_space<hbm>>
    %dma_start3A_281 = arith.constant 0 : i32
    %dma_start3A_282 = tpu.memref_slice %arg10[%dma_start3A_273, %dma_start3A_274, %dma_start3A_281] : memref<3x32x85xf32, #tpu.memory_space<vmem>> -> memref<1x1x85xf32, #tpu.memory_space<vmem>>
    %dma_start3A_283 = tpu.memref_squeeze %dma_start3A_282 : memref<1x1x85xf32, #tpu.memory_space<vmem>> -> memref<85xf32, #tpu.memory_space<vmem>>
    %dma_start3A_284 = arith.constant 0 : i32
    %dma_start3A_285 = tpu.memref_slice %arg3[%squeeze3A_272, %add3A, %dma_start3A_284] : memref<507x32x85xf32, #tpu.memory_space<hbm>> -> memref<1x1x85xf32, #tpu.memory_space<hbm>>
    %dma_start3A_286 = tpu.memref_squeeze %dma_start3A_285 : memref<1x1x85xf32, #tpu.memory_space<hbm>> -> memref<85xf32, #tpu.memory_space<hbm>>
    tpu.enqueue_dma source(%dma_start3A_286 : memref<85xf32, #tpu.memory_space<hbm>>) target(%dma_start3A_283 : memref<85xf32, #tpu.memory_space<vmem>>) target_semaphore(%arg11 : memref<!tpu.dma_semaphore, #tpu.memory_space<semaphore_mem>>)
    %slice3A_287 = vector.extract_strided_slice %add3A_106 {offsets = [10], sizes = [1], strides = [1]} : vector<16xi32> to vector<1xi32>
    %squeeze3A_288 = vector.extract %slice3A_287[0] : i32 from vector<1xi32>
    %dma_start3A_289 = arith.constant 0 : i32
    %dma_start3A_290 = arith.constant 10 : i32
    %dma_start3A_291 = arith.constant 0 : i32
    %dma_start3A_292 = tpu.memref_slice %arg10[%dma_start3A_289, %dma_start3A_290, %dma_start3A_291] : memref<3x32x85xf32, #tpu.memory_space<vmem>> -> memref<1x1x85xf32, #tpu.memory_space<vmem>>
    %dma_start3A_293 = tpu.memref_squeeze %dma_start3A_292 : memref<1x1x85xf32, #tpu.memory_space<vmem>> -> memref<85xf32, #tpu.memory_space<vmem>>
    %dma_start3A_294 = arith.constant 0 : i32
    %dma_start3A_295 = tpu.memref_slice %arg3[%squeeze3A_288, %add3A, %dma_start3A_294] : memref<507x32x85xf32, #tpu.memory_space<hbm>> -> memref<1x1x85xf32, #tpu.memory_space<hbm>>
    %dma_start3A_296 = tpu.memref_squeeze %dma_start3A_295 : memref<1x1x85xf32, #tpu.memory_space<hbm>> -> memref<85xf32, #tpu.memory_space<hbm>>
    %dma_start3A_297 = arith.constant 0 : i32
    %dma_start3A_298 = tpu.memref_slice %arg10[%dma_start3A_289, %dma_start3A_290, %dma_start3A_297] : memref<3x32x85xf32, #tpu.memory_space<vmem>> -> memref<1x1x85xf32, #tpu.memory_space<vmem>>
    %dma_start3A_299 = tpu.memref_squeeze %dma_start3A_298 : memref<1x1x85xf32, #tpu.memory_space<vmem>> -> memref<85xf32, #tpu.memory_space<vmem>>
    %dma_start3A_300 = arith.constant 0 : i32
    %dma_start3A_301 = tpu.memref_slice %arg3[%squeeze3A_288, %add3A, %dma_start3A_300] : memref<507x32x85xf32, #tpu.memory_space<hbm>> -> memref<1x1x85xf32, #tpu.memory_space<hbm>>
    %dma_start3A_302 = tpu.memref_squeeze %dma_start3A_301 : memref<1x1x85xf32, #tpu.memory_space<hbm>> -> memref<85xf32, #tpu.memory_space<hbm>>
    tpu.enqueue_dma source(%dma_start3A_302 : memref<85xf32, #tpu.memory_space<hbm>>) target(%dma_start3A_299 : memref<85xf32, #tpu.memory_space<vmem>>) target_semaphore(%arg11 : memref<!tpu.dma_semaphore, #tpu.memory_space<semaphore_mem>>)
    %slice3A_303 = vector.extract_strided_slice %add3A_106 {offsets = [11], sizes = [1], strides = [1]} : vector<16xi32> to vector<1xi32>
    %squeeze3A_304 = vector.extract %slice3A_303[0] : i32 from vector<1xi32>
    %dma_start3A_305 = arith.constant 0 : i32
    %dma_start3A_306 = arith.constant 11 : i32
    %dma_start3A_307 = arith.constant 0 : i32
    %dma_start3A_308 = tpu.memref_slice %arg10[%dma_start3A_305, %dma_start3A_306, %dma_start3A_307] : memref<3x32x85xf32, #tpu.memory_space<vmem>> -> memref<1x1x85xf32, #tpu.memory_space<vmem>>
    %dma_start3A_309 = tpu.memref_squeeze %dma_start3A_308 : memref<1x1x85xf32, #tpu.memory_space<vmem>> -> memref<85xf32, #tpu.memory_space<vmem>>
    %dma_start3A_310 = arith.constant 0 : i32
    %dma_start3A_311 = tpu.memref_slice %arg3[%squeeze3A_304, %add3A, %dma_start3A_310] : memref<507x32x85xf32, #tpu.memory_space<hbm>> -> memref<1x1x85xf32, #tpu.memory_space<hbm>>
    %dma_start3A_312 = tpu.memref_squeeze %dma_start3A_311 : memref<1x1x85xf32, #tpu.memory_space<hbm>> -> memref<85xf32, #tpu.memory_space<hbm>>
    %dma_start3A_313 = arith.constant 0 : i32
    %dma_start3A_314 = tpu.memref_slice %arg10[%dma_start3A_305, %dma_start3A_306, %dma_start3A_313] : memref<3x32x85xf32, #tpu.memory_space<vmem>> -> memref<1x1x85xf32, #tpu.memory_space<vmem>>
    %dma_start3A_315 = tpu.memref_squeeze %dma_start3A_314 : memref<1x1x85xf32, #tpu.memory_space<vmem>> -> memref<85xf32, #tpu.memory_space<vmem>>
    %dma_start3A_316 = arith.constant 0 : i32
    %dma_start3A_317 = tpu.memref_slice %arg3[%squeeze3A_304, %add3A, %dma_start3A_316] : memref<507x32x85xf32, #tpu.memory_space<hbm>> -> memref<1x1x85xf32, #tpu.memory_space<hbm>>
    %dma_start3A_318 = tpu.memref_squeeze %dma_start3A_317 : memref<1x1x85xf32, #tpu.memory_space<hbm>> -> memref<85xf32, #tpu.memory_space<hbm>>
    tpu.enqueue_dma source(%dma_start3A_318 : memref<85xf32, #tpu.memory_space<hbm>>) target(%dma_start3A_315 : memref<85xf32, #tpu.memory_space<vmem>>) target_semaphore(%arg11 : memref<!tpu.dma_semaphore, #tpu.memory_space<semaphore_mem>>)
    %slice3A_319 = vector.extract_strided_slice %add3A_106 {offsets = [12], sizes = [1], strides = [1]} : vector<16xi32> to vector<1xi32>
    %squeeze3A_320 = vector.extract %slice3A_319[0] : i32 from vector<1xi32>
    %dma_start3A_321 = arith.constant 0 : i32
    %dma_start3A_322 = arith.constant 12 : i32
    %dma_start3A_323 = arith.constant 0 : i32
    %dma_start3A_324 = tpu.memref_slice %arg10[%dma_start3A_321, %dma_start3A_322, %dma_start3A_323] : memref<3x32x85xf32, #tpu.memory_space<vmem>> -> memref<1x1x85xf32, #tpu.memory_space<vmem>>
    %dma_start3A_325 = tpu.memref_squeeze %dma_start3A_324 : memref<1x1x85xf32, #tpu.memory_space<vmem>> -> memref<85xf32, #tpu.memory_space<vmem>>
    %dma_start3A_326 = arith.constant 0 : i32
    %dma_start3A_327 = tpu.memref_slice %arg3[%squeeze3A_320, %add3A, %dma_start3A_326] : memref<507x32x85xf32, #tpu.memory_space<hbm>> -> memref<1x1x85xf32, #tpu.memory_space<hbm>>
    %dma_start3A_328 = tpu.memref_squeeze %dma_start3A_327 : memref<1x1x85xf32, #tpu.memory_space<hbm>> -> memref<85xf32, #tpu.memory_space<hbm>>
    %dma_start3A_329 = arith.constant 0 : i32
    %dma_start3A_330 = tpu.memref_slice %arg10[%dma_start3A_321, %dma_start3A_322, %dma_start3A_329] : memref<3x32x85xf32, #tpu.memory_space<vmem>> -> memref<1x1x85xf32, #tpu.memory_space<vmem>>
    %dma_start3A_331 = tpu.memref_squeeze %dma_start3A_330 : memref<1x1x85xf32, #tpu.memory_space<vmem>> -> memref<85xf32, #tpu.memory_space<vmem>>
    %dma_start3A_332 = arith.constant 0 : i32
    %dma_start3A_333 = tpu.memref_slice %arg3[%squeeze3A_320, %add3A, %dma_start3A_332] : memref<507x32x85xf32, #tpu.memory_space<hbm>> -> memref<1x1x85xf32, #tpu.memory_space<hbm>>
    %dma_start3A_334 = tpu.memref_squeeze %dma_start3A_333 : memref<1x1x85xf32, #tpu.memory_space<hbm>> -> memref<85xf32, #tpu.memory_space<hbm>>
    tpu.enqueue_dma source(%dma_start3A_334 : memref<85xf32, #tpu.memory_space<hbm>>) target(%dma_start3A_331 : memref<85xf32, #tpu.memory_space<vmem>>) target_semaphore(%arg11 : memref<!tpu.dma_semaphore, #tpu.memory_space<semaphore_mem>>)
    %slice3A_335 = vector.extract_strided_slice %add3A_106 {offsets = [13], sizes = [1], strides = [1]} : vector<16xi32> to vector<1xi32>
    %squeeze3A_336 = vector.extract %slice3A_335[0] : i32 from vector<1xi32>
    %dma_start3A_337 = arith.constant 0 : i32
    %dma_start3A_338 = arith.constant 13 : i32
    %dma_start3A_339 = arith.constant 0 : i32
    %dma_start3A_340 = tpu.memref_slice %arg10[%dma_start3A_337, %dma_start3A_338, %dma_start3A_339] : memref<3x32x85xf32, #tpu.memory_space<vmem>> -> memref<1x1x85xf32, #tpu.memory_space<vmem>>
    %dma_start3A_341 = tpu.memref_squeeze %dma_start3A_340 : memref<1x1x85xf32, #tpu.memory_space<vmem>> -> memref<85xf32, #tpu.memory_space<vmem>>
    %dma_start3A_342 = arith.constant 0 : i32
    %dma_start3A_343 = tpu.memref_slice %arg3[%squeeze3A_336, %add3A, %dma_start3A_342] : memref<507x32x85xf32, #tpu.memory_space<hbm>> -> memref<1x1x85xf32, #tpu.memory_space<hbm>>
    %dma_start3A_344 = tpu.memref_squeeze %dma_start3A_343 : memref<1x1x85xf32, #tpu.memory_space<hbm>> -> memref<85xf32, #tpu.memory_space<hbm>>
    %dma_start3A_345 = arith.constant 0 : i32
    %dma_start3A_346 = tpu.memref_slice %arg10[%dma_start3A_337, %dma_start3A_338, %dma_start3A_345] : memref<3x32x85xf32, #tpu.memory_space<vmem>> -> memref<1x1x85xf32, #tpu.memory_space<vmem>>
    %dma_start3A_347 = tpu.memref_squeeze %dma_start3A_346 : memref<1x1x85xf32, #tpu.memory_space<vmem>> -> memref<85xf32, #tpu.memory_space<vmem>>
    %dma_start3A_348 = arith.constant 0 : i32
    %dma_start3A_349 = tpu.memref_slice %arg3[%squeeze3A_336, %add3A, %dma_start3A_348] : memref<507x32x85xf32, #tpu.memory_space<hbm>> -> memref<1x1x85xf32, #tpu.memory_space<hbm>>
    %dma_start3A_350 = tpu.memref_squeeze %dma_start3A_349 : memref<1x1x85xf32, #tpu.memory_space<hbm>> -> memref<85xf32, #tpu.memory_space<hbm>>
    tpu.enqueue_dma source(%dma_start3A_350 : memref<85xf32, #tpu.memory_space<hbm>>) target(%dma_start3A_347 : memref<85xf32, #tpu.memory_space<vmem>>) target_semaphore(%arg11 : memref<!tpu.dma_semaphore, #tpu.memory_space<semaphore_mem>>)
    %slice3A_351 = vector.extract_strided_slice %add3A_106 {offsets = [14], sizes = [1], strides = [1]} : vector<16xi32> to vector<1xi32>
    %squeeze3A_352 = vector.extract %slice3A_351[0] : i32 from vector<1xi32>
    %dma_start3A_353 = arith.constant 0 : i32
    %dma_start3A_354 = arith.constant 14 : i32
    %dma_start3A_355 = arith.constant 0 : i32
    %dma_start3A_356 = tpu.memref_slice %arg10[%dma_start3A_353, %dma_start3A_354, %dma_start3A_355] : memref<3x32x85xf32, #tpu.memory_space<vmem>> -> memref<1x1x85xf32, #tpu.memory_space<vmem>>
    %dma_start3A_357 = tpu.memref_squeeze %dma_start3A_356 : memref<1x1x85xf32, #tpu.memory_space<vmem>> -> memref<85xf32, #tpu.memory_space<vmem>>
    %dma_start3A_358 = arith.constant 0 : i32
    %dma_start3A_359 = tpu.memref_slice %arg3[%squeeze3A_352, %add3A, %dma_start3A_358] : memref<507x32x85xf32, #tpu.memory_space<hbm>> -> memref<1x1x85xf32, #tpu.memory_space<hbm>>
    %dma_start3A_360 = tpu.memref_squeeze %dma_start3A_359 : memref<1x1x85xf32, #tpu.memory_space<hbm>> -> memref<85xf32, #tpu.memory_space<hbm>>
    %dma_start3A_361 = arith.constant 0 : i32
    %dma_start3A_362 = tpu.memref_slice %arg10[%dma_start3A_353, %dma_start3A_354, %dma_start3A_361] : memref<3x32x85xf32, #tpu.memory_space<vmem>> -> memref<1x1x85xf32, #tpu.memory_space<vmem>>
    %dma_start3A_363 = tpu.memref_squeeze %dma_start3A_362 : memref<1x1x85xf32, #tpu.memory_space<vmem>> -> memref<85xf32, #tpu.memory_space<vmem>>
    %dma_start3A_364 = arith.constant 0 : i32
    %dma_start3A_365 = tpu.memref_slice %arg3[%squeeze3A_352, %add3A, %dma_start3A_364] : memref<507x32x85xf32, #tpu.memory_space<hbm>> -> memref<1x1x85xf32, #tpu.memory_space<hbm>>
    %dma_start3A_366 = tpu.memref_squeeze %dma_start3A_365 : memref<1x1x85xf32, #tpu.memory_space<hbm>> -> memref<85xf32, #tpu.memory_space<hbm>>
    tpu.enqueue_dma source(%dma_start3A_366 : memref<85xf32, #tpu.memory_space<hbm>>) target(%dma_start3A_363 : memref<85xf32, #tpu.memory_space<vmem>>) target_semaphore(%arg11 : memref<!tpu.dma_semaphore, #tpu.memory_space<semaphore_mem>>)
    %slice3A_367 = vector.extract_strided_slice %add3A_106 {offsets = [15], sizes = [1], strides = [1]} : vector<16xi32> to vector<1xi32>
    %squeeze3A_368 = vector.extract %slice3A_367[0] : i32 from vector<1xi32>
    %dma_start3A_369 = arith.constant 0 : i32
    %dma_start3A_370 = arith.constant 15 : i32
    %dma_start3A_371 = arith.constant 0 : i32
    %dma_start3A_372 = tpu.memref_slice %arg10[%dma_start3A_369, %dma_start3A_370, %dma_start3A_371] : memref<3x32x85xf32, #tpu.memory_space<vmem>> -> memref<1x1x85xf32, #tpu.memory_space<vmem>>
    %dma_start3A_373 = tpu.memref_squeeze %dma_start3A_372 : memref<1x1x85xf32, #tpu.memory_space<vmem>> -> memref<85xf32, #tpu.memory_space<vmem>>
    %dma_start3A_374 = arith.constant 0 : i32
    %dma_start3A_375 = tpu.memref_slice %arg3[%squeeze3A_368, %add3A, %dma_start3A_374] : memref<507x32x85xf32, #tpu.memory_space<hbm>> -> memref<1x1x85xf32, #tpu.memory_space<hbm>>
    %dma_start3A_376 = tpu.memref_squeeze %dma_start3A_375 : memref<1x1x85xf32, #tpu.memory_space<hbm>> -> memref<85xf32, #tpu.memory_space<hbm>>
    %dma_start3A_377 = arith.constant 0 : i32
    %dma_start3A_378 = tpu.memref_slice %arg10[%dma_start3A_369, %dma_start3A_370, %dma_start3A_377] : memref<3x32x85xf32, #tpu.memory_space<vmem>> -> memref<1x1x85xf32, #tpu.memory_space<vmem>>
    %dma_start3A_379 = tpu.memref_squeeze %dma_start3A_378 : memref<1x1x85xf32, #tpu.memory_space<vmem>> -> memref<85xf32, #tpu.memory_space<vmem>>
    %dma_start3A_380 = arith.constant 0 : i32
    %dma_start3A_381 = tpu.memref_slice %arg3[%squeeze3A_368, %add3A, %dma_start3A_380] : memref<507x32x85xf32, #tpu.memory_space<hbm>> -> memref<1x1x85xf32, #tpu.memory_space<hbm>>
    %dma_start3A_382 = tpu.memref_squeeze %dma_start3A_381 : memref<1x1x85xf32, #tpu.memory_space<hbm>> -> memref<85xf32, #tpu.memory_space<hbm>>
    tpu.enqueue_dma source(%dma_start3A_382 : memref<85xf32, #tpu.memory_space<hbm>>) target(%dma_start3A_379 : memref<85xf32, #tpu.memory_space<vmem>>) target_semaphore(%arg11 : memref<!tpu.dma_semaphore, #tpu.memory_space<semaphore_mem>>)
    %get3A_383 = arith.constant 0 : i32
    %get3A_384 = arith.index_cast %get3A_383 : i32 to index
    %get3A_385 = arith.constant 16 : index
    %get3A_386 = tpu.vector_load %arg8[%get3A_384, %get3A_385] {strides = array<i32>} : memref<4x32xf32, #tpu.memory_space<vmem>>, vector<1x16xf32>,
    %get3A_387 = vector.shape_cast %get3A_386 : vector<1x16xf32> to vector<16xf32>
    %get3A_388 = arith.constant 1 : i32
    %get3A_389 = arith.index_cast %get3A_388 : i32 to index
    %get3A_390 = arith.constant 16 : index
    %get3A_391 = tpu.vector_load %arg8[%get3A_389, %get3A_390] {strides = array<i32>} : memref<4x32xf32, #tpu.memory_space<vmem>>, vector<1x16xf32>,
    %get3A_392 = vector.shape_cast %get3A_391 : vector<1x16xf32> to vector<16xf32>
    %get3A_393 = arith.constant 2 : i32
    %get3A_394 = arith.index_cast %get3A_393 : i32 to index
    %get3A_395 = arith.constant 16 : index
    %get3A_396 = tpu.vector_load %arg8[%get3A_394, %get3A_395] {strides = array<i32>} : memref<4x32xf32, #tpu.memory_space<vmem>>, vector<1x16xf32>,
    %get3A_397 = vector.shape_cast %get3A_396 : vector<1x16xf32> to vector<16xf32>
    %get3A_398 = arith.constant 3 : i32
    %get3A_399 = arith.index_cast %get3A_398 : i32 to index
    %get3A_400 = arith.constant 16 : index
    %get3A_401 = tpu.vector_load %arg8[%get3A_399, %get3A_400] {strides = array<i32>} : memref<4x32xf32, #tpu.memory_space<vmem>>, vector<1x16xf32>,
    %get3A_402 = vector.shape_cast %get3A_401 : vector<1x16xf32> to vector<16xf32>
    %mul3A_403 = arith.constant 1.300000e+01 : f32
    %mul3A_404 = vector.broadcast %mul3A_403 : f32 to vector<16xf32>
    %mul3A_405 = arith.mulf %get3A_387, %mul3A_404 : vector<16xf32>
    %mul3A_406 = arith.constant 1.300000e+01 : f32
    %mul3A_407 = vector.broadcast %mul3A_406 : f32 to vector<16xf32>
    %mul3A_408 = arith.mulf %get3A_392, %mul3A_407 : vector<16xf32>
    %convert_element_type3A_409 = arith.fptosi %mul3A_405 : vector<16xf32> to vector<16xi32>
    %convert_element_type3A_410 = arith.fptosi %mul3A_408 : vector<16xf32> to vector<16xi32>
    %min3A_411 = arith.constant 12 : i32
    %min3A_412 = vector.broadcast %min3A_411 : i32 to vector<16xi32>
    %min3A_413 = arith.minsi %convert_element_type3A_409, %min3A_412 : vector<16xi32>
    %min3A_414 = arith.constant 12 : i32
    %min3A_415 = vector.broadcast %min3A_414 : i32 to vector<16xi32>
    %min3A_416 = arith.minsi %convert_element_type3A_410, %min3A_415 : vector<16xi32>
    %mul3A_417 = arith.constant 1.300000e+01 : f32
    %mul3A_418 = vector.broadcast %mul3A_417 : f32 to vector<16xf32>
    %mul3A_419 = arith.mulf %get3A_397, %mul3A_418 : vector<16xf32>
    %mul3A_420 = arith.constant 1.300000e+01 : f32
    %mul3A_421 = vector.broadcast %mul3A_420 : f32 to vector<16xf32>
    %mul3A_422 = arith.mulf %get3A_402, %mul3A_421 : vector<16xf32>
    %min3A_423 = arith.constant 3.625000e+00 : f32
    %min3A_424 = vector.broadcast %min3A_423 : f32 to vector<16xf32>
    %min3A_425 = arith.minimumf %mul3A_419, %min3A_424 : vector<16xf32>
    %min3A_426 = arith.constant 2.812500e+00 : f32
    %min3A_427 = vector.broadcast %min3A_426 : f32 to vector<16xf32>
    %min3A_428 = arith.minimumf %mul3A_422, %min3A_427 : vector<16xf32>
    %mul3A_429 = arith.mulf %min3A_425, %min3A_428 : vector<16xf32>
    %add3A_430 = arith.constant 10.1953125 : f32
    %add3A_431 = vector.broadcast %add3A_430 : f32 to vector<16xf32>
    %add3A_432 = arith.addf %add3A_431, %mul3A_419 : vector<16xf32>
    %add3A_433 = arith.addf %add3A_432, %mul3A_422 : vector<16xf32>
    %sub3A_434 = arith.subf %add3A_433, %mul3A_429 : vector<16xf32>
    %gt3A_435 = arith.constant 0.000000e+00 : f32
    %gt3A_436 = vector.broadcast %gt3A_435 : f32 to vector<16xf32>
    %gt3A_437 = arith.cmpf ogt, %sub3A_434, %gt3A_436 : vector<16xf32>
    %div3A_438 = arith.divf %mul3A_429, %sub3A_434 : vector<16xf32>
    %jit3A_439 = arith.constant 0.000000e+00 : f32
    %broadcast_in_dim3A_440 = vector.broadcast %jit3A_439 : f32 to vector<16xf32>
    %select_n3A_441 = arith.select %gt3A_437, %div3A_438, %broadcast_in_dim3A_440 : vector<16xi1>, vector<16xf32>
    %min3A_442 = arith.constant 4.875000e+00 : f32
    %min3A_443 = vector.broadcast %min3A_442 : f32 to vector<16xf32>
    %min3A_444 = arith.minimumf %mul3A_419, %min3A_443 : vector<16xf32>
    %min3A_445 = arith.constant 6.187500e+00 : f32
    %min3A_446 = vector.broadcast %min3A_445 : f32 to vector<16xf32>
    %min3A_447 = arith.minimumf %mul3A_422, %min3A_446 : vector<16xf32>
    %mul3A_448 = arith.mulf %min3A_444, %min3A_447 : vector<16xf32>
    %add3A_449 = arith.constant 30.1640625 : f32
    %add3A_450 = vector.broadcast %add3A_449 : f32 to vector<16xf32>
    %add3A_451 = arith.addf %add3A_450, %mul3A_419 : vector<16xf32>
    %add3A_452 = arith.addf %add3A_451, %mul3A_422 : vector<16xf32>
    %sub3A_453 = arith.subf %add3A_452, %mul3A_448 : vector<16xf32>
    %gt3A_454 = arith.constant 0.000000e+00 : f32
    %gt3A_455 = vector.broadcast %gt3A_454 : f32 to vector<16xf32>
    %gt3A_456 = arith.cmpf ogt, %sub3A_453, %gt3A_455 : vector<16xf32>
    %div3A_457 = arith.divf %mul3A_448, %sub3A_453 : vector<16xf32>
    %jit3A_458 = arith.constant 0.000000e+00 : f32
    %broadcast_in_dim3A_459 = vector.broadcast %jit3A_458 : f32 to vector<16xf32>
    %select_n3A_460 = arith.select %gt3A_456, %div3A_457, %broadcast_in_dim3A_459 : vector<16xi1>, vector<16xf32>
    %min3A_461 = arith.constant 11.65625 : f32
    %min3A_462 = vector.broadcast %min3A_461 : f32 to vector<16xf32>
    %min3A_463 = arith.minimumf %mul3A_419, %min3A_462 : vector<16xf32>
    %min3A_464 = arith.constant 1.018750e+01 : f32
    %min3A_465 = vector.broadcast %min3A_464 : f32 to vector<16xf32>
    %min3A_466 = arith.minimumf %mul3A_422, %min3A_465 : vector<16xf32>
    %mul3A_467 = arith.mulf %min3A_463, %min3A_466 : vector<16xf32>
    %add3A_468 = arith.constant 118.748047 : f32
    %add3A_469 = vector.broadcast %add3A_468 : f32 to vector<16xf32>
    %add3A_470 = arith.addf %add3A_469, %mul3A_419 : vector<16xf32>
    %add3A_471 = arith.addf %add3A_470, %mul3A_422 : vector<16xf32>
    %sub3A_472 = arith.subf %add3A_471, %mul3A_467 : vector<16xf32>
    %gt3A_473 = arith.constant 0.000000e+00 : f32
    %gt3A_474 = vector.broadcast %gt3A_473 : f32 to vector<16xf32>
    %gt3A_475 = arith.cmpf ogt, %sub3A_472, %gt3A_474 : vector<16xf32>
    %div3A_476 = arith.divf %mul3A_467, %sub3A_472 : vector<16xf32>
    %jit3A_477 = arith.constant 0.000000e+00 : f32
    %broadcast_in_dim3A_478 = vector.broadcast %jit3A_477 : f32 to vector<16xf32>
    %select_n3A_479 = arith.select %gt3A_475, %div3A_476, %broadcast_in_dim3A_478 : vector<16xi1>, vector<16xf32>
    %gt3A_480 = arith.cmpf ogt, %select_n3A_460, %select_n3A_441 : vector<16xf32>
    %broadcast_in_dim3A_481 = arith.constant 1 : i32
    %broadcast_in_dim3A_482 = vector.broadcast %broadcast_in_dim3A_481 : i32 to vector<16xi32>
    %broadcast_in_dim3A_483 = arith.constant 0 : i32
    %broadcast_in_dim3A_484 = vector.broadcast %broadcast_in_dim3A_483 : i32 to vector<16xi32>
    %select_n3A_485 = arith.select %gt3A_480, %broadcast_in_dim3A_482, %broadcast_in_dim3A_484 : vector<16xi1>, vector<16xi32>
    %max3A_486 = arith.maximumf %select_n3A_441, %select_n3A_460 : vector<16xf32>
    %gt3A_487 = arith.cmpf ogt, %select_n3A_479, %max3A_486 : vector<16xf32>
    %broadcast_in_dim3A_488 = arith.constant 2 : i32
    %broadcast_in_dim3A_489 = vector.broadcast %broadcast_in_dim3A_488 : i32 to vector<16xi32>
    %select_n3A_490 = arith.select %gt3A_487, %broadcast_in_dim3A_489, %select_n3A_485 : vector<16xi1>, vector<16xi32>
    %mul3A_491 = arith.constant 13 : i32
    %mul3A_492 = vector.broadcast %mul3A_491 : i32 to vector<16xi32>
    %mul3A_493 = arith.muli %select_n3A_490, %mul3A_492 : vector<16xi32>
    %add3A_494 = arith.addi %mul3A_493, %min3A_416 : vector<16xi32>
    %mul3A_495 = arith.constant 13 : i32
    %mul3A_496 = vector.broadcast %mul3A_495 : i32 to vector<16xi32>
    %mul3A_497 = arith.muli %add3A_494, %mul3A_496 : vector<16xi32>
    %add3A_498 = arith.addi %mul3A_497, %min3A_413 : vector<16xi32>
    %swap3A_499 = arith.constant 0 : i32
    %swap3A_500 = arith.index_cast %swap3A_499 : i32 to index
    %swap3A_501 = arith.constant 16 : index
    %swap3A_502 = tpu.vector_load %arg9[%swap3A_500, %swap3A_501] {strides = array<i32>} : memref<4x32xi32, #tpu.memory_space<vmem>>, vector<1x16xi32>,
    %swap3A_503 = vector.shape_cast %swap3A_502 : vector<1x16xi32> to vector<16xi32>
    %swap3A_504 = vector.shape_cast %add3A_498 : vector<16xi32> to vector<1x16xi32>
    tpu.vector_store %arg9[%swap3A_500, %swap3A_501], %swap3A_504 {strides = array<i32>} : memref<4x32xi32, #tpu.memory_space<vmem>>, vector<1x16xi32>,
    %swap3A_505 = arith.constant 1 : i32
    %swap3A_506 = arith.index_cast %swap3A_505 : i32 to index
    %swap3A_507 = arith.constant 16 : index
    %swap3A_508 = tpu.vector_load %arg9[%swap3A_506, %swap3A_507] {strides = array<i32>} : memref<4x32xi32, #tpu.memory_space<vmem>>, vector<1x16xi32>,
    %swap3A_509 = vector.shape_cast %swap3A_508 : vector<1x16xi32> to vector<16xi32>
    %swap3A_510 = vector.shape_cast %select_n3A_490 : vector<16xi32> to vector<1x16xi32>
    tpu.vector_store %arg9[%swap3A_506, %swap3A_507], %swap3A_510 {strides = array<i32>} : memref<4x32xi32, #tpu.memory_space<vmem>>, vector<1x16xi32>,
    %swap3A_511 = arith.constant 2 : i32
    %swap3A_512 = arith.index_cast %swap3A_511 : i32 to index
    %swap3A_513 = arith.constant 16 : index
    %swap3A_514 = tpu.vector_load %arg9[%swap3A_512, %swap3A_513] {strides = array<i32>} : memref<4x32xi32, #tpu.memory_space<vmem>>, vector<1x16xi32>,
    %swap3A_515 = vector.shape_cast %swap3A_514 : vector<1x16xi32> to vector<16xi32>
    %swap3A_516 = vector.shape_cast %min3A_416 : vector<16xi32> to vector<1x16xi32>
    tpu.vector_store %arg9[%swap3A_512, %swap3A_513], %swap3A_516 {strides = array<i32>} : memref<4x32xi32, #tpu.memory_space<vmem>>, vector<1x16xi32>,
    %swap3A_517 = arith.constant 3 : i32
    %swap3A_518 = arith.index_cast %swap3A_517 : i32 to index
    %swap3A_519 = arith.constant 16 : index
    %swap3A_520 = tpu.vector_load %arg9[%swap3A_518, %swap3A_519] {strides = array<i32>} : memref<4x32xi32, #tpu.memory_space<vmem>>, vector<1x16xi32>,
    %swap3A_521 = vector.shape_cast %swap3A_520 : vector<1x16xi32> to vector<16xi32>
    %swap3A_522 = vector.shape_cast %min3A_413 : vector<16xi32> to vector<1x16xi32>
    tpu.vector_store %arg9[%swap3A_518, %swap3A_519], %swap3A_522 {strides = array<i32>} : memref<4x32xi32, #tpu.memory_space<vmem>>, vector<1x16xi32>,
    %slice3A_523 = vector.extract_strided_slice %add3A_498 {offsets = [0], sizes = [1], strides = [1]} : vector<16xi32> to vector<1xi32>
    %squeeze3A_524 = vector.extract %slice3A_523[0] : i32 from vector<1xi32>
    %dma_start3A_525 = arith.constant 0 : i32
    %dma_start3A_526 = arith.constant 16 : i32
    %dma_start3A_527 = arith.constant 0 : i32
    %dma_start3A_528 = tpu.memref_slice %arg10[%dma_start3A_525, %dma_start3A_526, %dma_start3A_527] : memref<3x32x85xf32, #tpu.memory_space<vmem>> -> memref<1x1x85xf32, #tpu.memory_space<vmem>>
    %dma_start3A_529 = tpu.memref_squeeze %dma_start3A_528 : memref<1x1x85xf32, #tpu.memory_space<vmem>> -> memref<85xf32, #tpu.memory_space<vmem>>
    %dma_start3A_530 = arith.constant 0 : i32
    %dma_start3A_531 = tpu.memref_slice %arg3[%squeeze3A_524, %add3A, %dma_start3A_530] : memref<507x32x85xf32, #tpu.memory_space<hbm>> -> memref<1x1x85xf32, #tpu.memory_space<hbm>>
    %dma_start3A_532 = tpu.memref_squeeze %dma_start3A_531 : memref<1x1x85xf32, #tpu.memory_space<hbm>> -> memref<85xf32, #tpu.memory_space<hbm>>
    %dma_start3A_533 = arith.constant 0 : i32
    %dma_start3A_534 = tpu.memref_slice %arg10[%dma_start3A_525, %dma_start3A_526, %dma_start3A_533] : memref<3x32x85xf32, #tpu.memory_space<vmem>> -> memref<1x1x85xf32, #tpu.memory_space<vmem>>
    %dma_start3A_535 = tpu.memref_squeeze %dma_start3A_534 : memref<1x1x85xf32, #tpu.memory_space<vmem>> -> memref<85xf32, #tpu.memory_space<vmem>>
    %dma_start3A_536 = arith.constant 0 : i32
    %dma_start3A_537 = tpu.memref_slice %arg3[%squeeze3A_524, %add3A, %dma_start3A_536] : memref<507x32x85xf32, #tpu.memory_space<hbm>> -> memref<1x1x85xf32, #tpu.memory_space<hbm>>
    %dma_start3A_538 = tpu.memref_squeeze %dma_start3A_537 : memref<1x1x85xf32, #tpu.memory_space<hbm>> -> memref<85xf32, #tpu.memory_space<hbm>>
    tpu.enqueue_dma source(%dma_start3A_538 : memref<85xf32, #tpu.memory_space<hbm>>) target(%dma_start3A_535 : memref<85xf32, #tpu.memory_space<vmem>>) target_semaphore(%arg11 : memref<!tpu.dma_semaphore, #tpu.memory_space<semaphore_mem>>)
    %slice3A_539 = vector.extract_strided_slice %add3A_498 {offsets = [1], sizes = [1], strides = [1]} : vector<16xi32> to vector<1xi32>
    %squeeze3A_540 = vector.extract %slice3A_539[0] : i32 from vector<1xi32>
    %dma_start3A_541 = arith.constant 0 : i32
    %dma_start3A_542 = arith.constant 17 : i32
    %dma_start3A_543 = arith.constant 0 : i32
    %dma_start3A_544 = tpu.memref_slice %arg10[%dma_start3A_541, %dma_start3A_542, %dma_start3A_543] : memref<3x32x85xf32, #tpu.memory_space<vmem>> -> memref<1x1x85xf32, #tpu.memory_space<vmem>>
    %dma_start3A_545 = tpu.memref_squeeze %dma_start3A_544 : memref<1x1x85xf32, #tpu.memory_space<vmem>> -> memref<85xf32, #tpu.memory_space<vmem>>
    %dma_start3A_546 = arith.constant 0 : i32
    %dma_start3A_547 = tpu.memref_slice %arg3[%squeeze3A_540, %add3A, %dma_start3A_546] : memref<507x32x85xf32, #tpu.memory_space<hbm>> -> memref<1x1x85xf32, #tpu.memory_space<hbm>>
    %dma_start3A_548 = tpu.memref_squeeze %dma_start3A_547 : memref<1x1x85xf32, #tpu.memory_space<hbm>> -> memref<85xf32, #tpu.memory_space<hbm>>
    %dma_start3A_549 = arith.constant 0 : i32
    %dma_start3A_550 = tpu.memref_slice %arg10[%dma_start3A_541, %dma_start3A_542, %dma_start3A_549] : memref<3x32x85xf32, #tpu.memory_space<vmem>> -> memref<1x1x85xf32, #tpu.memory_space<vmem>>
    %dma_start3A_551 = tpu.memref_squeeze %dma_start3A_550 : memref<1x1x85xf32, #tpu.memory_space<vmem>> -> memref<85xf32, #tpu.memory_space<vmem>>
    %dma_start3A_552 = arith.constant 0 : i32
    %dma_start3A_553 = tpu.memref_slice %arg3[%squeeze3A_540, %add3A, %dma_start3A_552] : memref<507x32x85xf32, #tpu.memory_space<hbm>> -> memref<1x1x85xf32, #tpu.memory_space<hbm>>
    %dma_start3A_554 = tpu.memref_squeeze %dma_start3A_553 : memref<1x1x85xf32, #tpu.memory_space<hbm>> -> memref<85xf32, #tpu.memory_space<hbm>>
    tpu.enqueue_dma source(%dma_start3A_554 : memref<85xf32, #tpu.memory_space<hbm>>) target(%dma_start3A_551 : memref<85xf32, #tpu.memory_space<vmem>>) target_semaphore(%arg11 : memref<!tpu.dma_semaphore, #tpu.memory_space<semaphore_mem>>)
    %slice3A_555 = vector.extract_strided_slice %add3A_498 {offsets = [2], sizes = [1], strides = [1]} : vector<16xi32> to vector<1xi32>
    %squeeze3A_556 = vector.extract %slice3A_555[0] : i32 from vector<1xi32>
    %dma_start3A_557 = arith.constant 0 : i32
    %dma_start3A_558 = arith.constant 18 : i32
    %dma_start3A_559 = arith.constant 0 : i32
    %dma_start3A_560 = tpu.memref_slice %arg10[%dma_start3A_557, %dma_start3A_558, %dma_start3A_559] : memref<3x32x85xf32, #tpu.memory_space<vmem>> -> memref<1x1x85xf32, #tpu.memory_space<vmem>>
    %dma_start3A_561 = tpu.memref_squeeze %dma_start3A_560 : memref<1x1x85xf32, #tpu.memory_space<vmem>> -> memref<85xf32, #tpu.memory_space<vmem>>
    %dma_start3A_562 = arith.constant 0 : i32
    %dma_start3A_563 = tpu.memref_slice %arg3[%squeeze3A_556, %add3A, %dma_start3A_562] : memref<507x32x85xf32, #tpu.memory_space<hbm>> -> memref<1x1x85xf32, #tpu.memory_space<hbm>>
    %dma_start3A_564 = tpu.memref_squeeze %dma_start3A_563 : memref<1x1x85xf32, #tpu.memory_space<hbm>> -> memref<85xf32, #tpu.memory_space<hbm>>
    %dma_start3A_565 = arith.constant 0 : i32
    %dma_start3A_566 = tpu.memref_slice %arg10[%dma_start3A_557, %dma_start3A_558, %dma_start3A_565] : memref<3x32x85xf32, #tpu.memory_space<vmem>> -> memref<1x1x85xf32, #tpu.memory_space<vmem>>
    %dma_start3A_567 = tpu.memref_squeeze %dma_start3A_566 : memref<1x1x85xf32, #tpu.memory_space<vmem>> -> memref<85xf32, #tpu.memory_space<vmem>>
    %dma_start3A_568 = arith.constant 0 : i32
    %dma_start3A_569 = tpu.memref_slice %arg3[%squeeze3A_556, %add3A, %dma_start3A_568] : memref<507x32x85xf32, #tpu.memory_space<hbm>> -> memref<1x1x85xf32, #tpu.memory_space<hbm>>
    %dma_start3A_570 = tpu.memref_squeeze %dma_start3A_569 : memref<1x1x85xf32, #tpu.memory_space<hbm>> -> memref<85xf32, #tpu.memory_space<hbm>>
    tpu.enqueue_dma source(%dma_start3A_570 : memref<85xf32, #tpu.memory_space<hbm>>) target(%dma_start3A_567 : memref<85xf32, #tpu.memory_space<vmem>>) target_semaphore(%arg11 : memref<!tpu.dma_semaphore, #tpu.memory_space<semaphore_mem>>)
    %slice3A_571 = vector.extract_strided_slice %add3A_498 {offsets = [3], sizes = [1], strides = [1]} : vector<16xi32> to vector<1xi32>
    %squeeze3A_572 = vector.extract %slice3A_571[0] : i32 from vector<1xi32>
    %dma_start3A_573 = arith.constant 0 : i32
    %dma_start3A_574 = arith.constant 19 : i32
    %dma_start3A_575 = arith.constant 0 : i32
    %dma_start3A_576 = tpu.memref_slice %arg10[%dma_start3A_573, %dma_start3A_574, %dma_start3A_575] : memref<3x32x85xf32, #tpu.memory_space<vmem>> -> memref<1x1x85xf32, #tpu.memory_space<vmem>>
    %dma_start3A_577 = tpu.memref_squeeze %dma_start3A_576 : memref<1x1x85xf32, #tpu.memory_space<vmem>> -> memref<85xf32, #tpu.memory_space<vmem>>
    %dma_start3A_578 = arith.constant 0 : i32
    %dma_start3A_579 = tpu.memref_slice %arg3[%squeeze3A_572, %add3A, %dma_start3A_578] : memref<507x32x85xf32, #tpu.memory_space<hbm>> -> memref<1x1x85xf32, #tpu.memory_space<hbm>>
    %dma_start3A_580 = tpu.memref_squeeze %dma_start3A_579 : memref<1x1x85xf32, #tpu.memory_space<hbm>> -> memref<85xf32, #tpu.memory_space<hbm>>
    %dma_start3A_581 = arith.constant 0 : i32
    %dma_start3A_582 = tpu.memref_slice %arg10[%dma_start3A_573, %dma_start3A_574, %dma_start3A_581] : memref<3x32x85xf32, #tpu.memory_space<vmem>> -> memref<1x1x85xf32, #tpu.memory_space<vmem>>
    %dma_start3A_583 = tpu.memref_squeeze %dma_start3A_582 : memref<1x1x85xf32, #tpu.memory_space<vmem>> -> memref<85xf32, #tpu.memory_space<vmem>>
    %dma_start3A_584 = arith.constant 0 : i32
    %dma_start3A_585 = tpu.memref_slice %arg3[%squeeze3A_572, %add3A, %dma_start3A_584] : memref<507x32x85xf32, #tpu.memory_space<hbm>> -> memref<1x1x85xf32, #tpu.memory_space<hbm>>
    %dma_start3A_586 = tpu.memref_squeeze %dma_start3A_585 : memref<1x1x85xf32, #tpu.memory_space<hbm>> -> memref<85xf32, #tpu.memory_space<hbm>>
    tpu.enqueue_dma source(%dma_start3A_586 : memref<85xf32, #tpu.memory_space<hbm>>) target(%dma_start3A_583 : memref<85xf32, #tpu.memory_space<vmem>>) target_semaphore(%arg11 : memref<!tpu.dma_semaphore, #tpu.memory_space<semaphore_mem>>)
    %run_scoped3A = arith.constant 0 : i32
    "tpu.region"() ({
      %run_scoped3A_2634 = tpu.sem_alloc : memref<!tpu.dma_semaphore, #tpu.memory_space<semaphore_mem>>
      %dma_start3A_2635 = arith.constant 0 : i32
      %dma_start3A_2636 = arith.constant 0 : i32
      %dma_start3A_2637 = tpu.memref_slice %arg7[%run_scoped3A, %add3A, %dma_start3A_2635, %dma_start3A_2636] : memref<3x32x4x32xi32, #tpu.memory_space<hbm>> -> memref<1x1x4x32xi32, #tpu.memory_space<hbm>>
      %dma_start3A_2638 = tpu.memref_squeeze %dma_start3A_2637 : memref<1x1x4x32xi32, #tpu.memory_space<hbm>> -> memref<4x32xi32, #tpu.memory_space<hbm>>
      %dma_start3A_2639 = arith.constant 0 : i32
      %dma_start3A_2640 = arith.constant 0 : i32
      %dma_start3A_2641 = tpu.memref_slice %arg7[%run_scoped3A, %add3A, %dma_start3A_2639, %dma_start3A_2640] : memref<3x32x4x32xi32, #tpu.memory_space<hbm>> -> memref<1x1x4x32xi32, #tpu.memory_space<hbm>>
      %dma_start3A_2642 = tpu.memref_squeeze %dma_start3A_2641 : memref<1x1x4x32xi32, #tpu.memory_space<hbm>> -> memref<4x32xi32, #tpu.memory_space<hbm>>
      tpu.enqueue_dma source(%arg9 : memref<4x32xi32, #tpu.memory_space<vmem>>) target(%dma_start3A_2642 : memref<4x32xi32, #tpu.memory_space<hbm>>) target_semaphore(%run_scoped3A_2634 : memref<!tpu.dma_semaphore, #tpu.memory_space<semaphore_mem>>)
      %dma_wait3A_2643 = arith.constant 0 : i32
      %dma_wait3A_2644 = arith.constant 0 : i32
      %dma_wait3A_2645 = tpu.memref_slice %arg7[%run_scoped3A, %add3A, %dma_wait3A_2643, %dma_wait3A_2644] : memref<3x32x4x32xi32, #tpu.memory_space<hbm>> -> memref<1x1x4x32xi32, #tpu.memory_space<hbm>>
      %dma_wait3A_2646 = tpu.memref_squeeze %dma_wait3A_2645 : memref<1x1x4x32xi32, #tpu.memory_space<hbm>> -> memref<4x32xi32, #tpu.memory_space<hbm>>
      %dma_wait3A_2647 = arith.constant 0 : i32
      %dma_wait3A_2648 = arith.constant 0 : i32
      %dma_wait3A_2649 = tpu.memref_slice %arg7[%run_scoped3A, %add3A, %dma_wait3A_2647, %dma_wait3A_2648] : memref<3x32x4x32xi32, #tpu.memory_space<hbm>> -> memref<1x1x4x32xi32, #tpu.memory_space<hbm>>
      %dma_wait3A_2650 = tpu.memref_squeeze %dma_wait3A_2649 : memref<1x1x4x32xi32, #tpu.memory_space<hbm>> -> memref<4x32xi32, #tpu.memory_space<hbm>>
      tpu.wait_dma2 semaphore(%run_scoped3A_2634 : memref<!tpu.dma_semaphore, #tpu.memory_space<semaphore_mem>>) src(%arg9 : memref<4x32xi32, #tpu.memory_space<vmem>>) dst(%dma_wait3A_2650 : memref<4x32xi32, #tpu.memory_space<hbm>>)
      tpu.yield
    }) : () -> ()
    %get3A_587 = arith.constant 0 : i32
    %get3A_588 = arith.index_cast %get3A_587 : i32 to index
    %get3A_589 = arith.constant 0 : index
    %get3A_590 = tpu.vector_load %arg8[%get3A_588, %get3A_589] {strides = array<i32>} : memref<4x32xf32, #tpu.memory_space<vmem>>, vector<1x16xf32>,
    %get3A_591 = vector.shape_cast %get3A_590 : vector<1x16xf32> to vector<16xf32>
    %get3A_592 = arith.constant 1 : i32
    %get3A_593 = arith.index_cast %get3A_592 : i32 to index
    %get3A_594 = arith.constant 0 : index
    %get3A_595 = tpu.vector_load %arg8[%get3A_593, %get3A_594] {strides = array<i32>} : memref<4x32xf32, #tpu.memory_space<vmem>>, vector<1x16xf32>,
    %get3A_596 = vector.shape_cast %get3A_595 : vector<1x16xf32> to vector<16xf32>
    %get3A_597 = arith.constant 2 : i32
    %get3A_598 = arith.index_cast %get3A_597 : i32 to index
    %get3A_599 = arith.constant 0 : index
    %get3A_600 = tpu.vector_load %arg8[%get3A_598, %get3A_599] {strides = array<i32>} : memref<4x32xf32, #tpu.memory_space<vmem>>, vector<1x16xf32>,
    %get3A_601 = vector.shape_cast %get3A_600 : vector<1x16xf32> to vector<16xf32>
    %get3A_602 = arith.constant 3 : i32
    %get3A_603 = arith.index_cast %get3A_602 : i32 to index
    %get3A_604 = arith.constant 0 : index
    %get3A_605 = tpu.vector_load %arg8[%get3A_603, %get3A_604] {strides = array<i32>} : memref<4x32xf32, #tpu.memory_space<vmem>>, vector<1x16xf32>,
    %get3A_606 = vector.shape_cast %get3A_605 : vector<1x16xf32> to vector<16xf32>
    %mul3A_607 = arith.constant 2.600000e+01 : f32
    %mul3A_608 = vector.broadcast %mul3A_607 : f32 to vector<16xf32>
    %mul3A_609 = arith.mulf %get3A_591, %mul3A_608 : vector<16xf32>
    %mul3A_610 = arith.constant 2.600000e+01 : f32
    %mul3A_611 = vector.broadcast %mul3A_610 : f32 to vector<16xf32>
    %mul3A_612 = arith.mulf %get3A_596, %mul3A_611 : vector<16xf32>
    %convert_element_type3A_613 = arith.fptosi %mul3A_609 : vector<16xf32> to vector<16xi32>
    %convert_element_type3A_614 = arith.fptosi %mul3A_612 : vector<16xf32> to vector<16xi32>
    %min3A_615 = arith.constant 25 : i32
    %min3A_616 = vector.broadcast %min3A_615 : i32 to vector<16xi32>
    %min3A_617 = arith.minsi %convert_element_type3A_613, %min3A_616 : vector<16xi32>
    %min3A_618 = arith.constant 25 : i32
    %min3A_619 = vector.broadcast %min3A_618 : i32 to vector<16xi32>
    %min3A_620 = arith.minsi %convert_element_type3A_614, %min3A_619 : vector<16xi32>
    %mul3A_621 = arith.constant 2.600000e+01 : f32
    %mul3A_622 = vector.broadcast %mul3A_621 : f32 to vector<16xf32>
    %mul3A_623 = arith.mulf %get3A_601, %mul3A_622 : vector<16xf32>
    %mul3A_624 = arith.constant 2.600000e+01 : f32
    %mul3A_625 = vector.broadcast %mul3A_624 : f32 to vector<16xf32>
    %mul3A_626 = arith.mulf %get3A_606, %mul3A_625 : vector<16xf32>
    %min3A_627 = arith.constant 1.875000e+00 : f32
    %min3A_628 = vector.broadcast %min3A_627 : f32 to vector<16xf32>
    %min3A_629 = arith.minimumf %mul3A_623, %min3A_628 : vector<16xf32>
    %min3A_630 = arith.constant 3.812500e+00 : f32
    %min3A_631 = vector.broadcast %min3A_630 : f32 to vector<16xf32>
    %min3A_632 = arith.minimumf %mul3A_626, %min3A_631 : vector<16xf32>
    %mul3A_633 = arith.mulf %min3A_629, %min3A_632 : vector<16xf32>
    %add3A_634 = arith.constant 7.1484375 : f32
    %add3A_635 = vector.broadcast %add3A_634 : f32 to vector<16xf32>
    %add3A_636 = arith.addf %add3A_635, %mul3A_623 : vector<16xf32>
    %add3A_637 = arith.addf %add3A_636, %mul3A_626 : vector<16xf32>
    %sub3A_638 = arith.subf %add3A_637, %mul3A_633 : vector<16xf32>
    %gt3A_639 = arith.constant 0.000000e+00 : f32
    %gt3A_640 = vector.broadcast %gt3A_639 : f32 to vector<16xf32>
    %gt3A_641 = arith.cmpf ogt, %sub3A_638, %gt3A_640 : vector<16xf32>
    %div3A_642 = arith.divf %mul3A_633, %sub3A_638 : vector<16xf32>
    %jit3A_643 = arith.constant 0.000000e+00 : f32
    %broadcast_in_dim3A_644 = vector.broadcast %jit3A_643 : f32 to vector<16xf32>
    %select_n3A_645 = arith.select %gt3A_641, %div3A_642, %broadcast_in_dim3A_644 : vector<16xi1>, vector<16xf32>
    %min3A_646 = arith.constant 3.875000e+00 : f32
    %min3A_647 = vector.broadcast %min3A_646 : f32 to vector<16xf32>
    %min3A_648 = arith.minimumf %mul3A_623, %min3A_647 : vector<16xf32>
    %min3A_649 = arith.constant 2.812500e+00 : f32
    %min3A_650 = vector.broadcast %min3A_649 : f32 to vector<16xf32>
    %min3A_651 = arith.minimumf %mul3A_626, %min3A_650 : vector<16xf32>
    %mul3A_652 = arith.mulf %min3A_648, %min3A_651 : vector<16xf32>
    %add3A_653 = arith.constant 10.8984375 : f32
    %add3A_654 = vector.broadcast %add3A_653 : f32 to vector<16xf32>
    %add3A_655 = arith.addf %add3A_654, %mul3A_623 : vector<16xf32>
    %add3A_656 = arith.addf %add3A_655, %mul3A_626 : vector<16xf32>
    %sub3A_657 = arith.subf %add3A_656, %mul3A_652 : vector<16xf32>
    %gt3A_658 = arith.constant 0.000000e+00 : f32
    %gt3A_659 = vector.broadcast %gt3A_658 : f32 to vector<16xf32>
    %gt3A_660 = arith.cmpf ogt, %sub3A_657, %gt3A_659 : vector<16xf32>
    %div3A_661 = arith.divf %mul3A_652, %sub3A_657 : vector<16xf32>
    %jit3A_662 = arith.constant 0.000000e+00 : f32
    %broadcast_in_dim3A_663 = vector.broadcast %jit3A_662 : f32 to vector<16xf32>
    %select_n3A_664 = arith.select %gt3A_660, %div3A_661, %broadcast_in_dim3A_663 : vector<16xi1>, vector<16xf32>
    %min3A_665 = arith.constant 3.687500e+00 : f32
    %min3A_666 = vector.broadcast %min3A_665 : f32 to vector<16xf32>
    %min3A_667 = arith.minimumf %mul3A_623, %min3A_666 : vector<16xf32>
    %min3A_668 = arith.constant 7.437500e+00 : f32
    %min3A_669 = vector.broadcast %min3A_668 : f32 to vector<16xf32>
    %min3A_670 = arith.minimumf %mul3A_626, %min3A_669 : vector<16xf32>
    %mul3A_671 = arith.mulf %min3A_667, %min3A_670 : vector<16xf32>
    %add3A_672 = arith.constant 27.4257813 : f32
    %add3A_673 = vector.broadcast %add3A_672 : f32 to vector<16xf32>
    %add3A_674 = arith.addf %add3A_673, %mul3A_623 : vector<16xf32>
    %add3A_675 = arith.addf %add3A_674, %mul3A_626 : vector<16xf32>
    %sub3A_676 = arith.subf %add3A_675, %mul3A_671 : vector<16xf32>
    %gt3A_677 = arith.constant 0.000000e+00 : f32
    %gt3A_678 = vector.broadcast %gt3A_677 : f32 to vector<16xf32>
    %gt3A_679 = arith.cmpf ogt, %sub3A_676, %gt3A_678 : vector<16xf32>
    %div3A_680 = arith.divf %mul3A_671, %sub3A_676 : vector<16xf32>
    %jit3A_681 = arith.constant 0.000000e+00 : f32
    %broadcast_in_dim3A_682 = vector.broadcast %jit3A_681 : f32 to vector<16xf32>
    %select_n3A_683 = arith.select %gt3A_679, %div3A_680, %broadcast_in_dim3A_682 : vector<16xi1>, vector<16xf32>
    %gt3A_684 = arith.cmpf ogt, %select_n3A_664, %select_n3A_645 : vector<16xf32>
    %broadcast_in_dim3A_685 = arith.constant 1 : i32
    %broadcast_in_dim3A_686 = vector.broadcast %broadcast_in_dim3A_685 : i32 to vector<16xi32>
    %broadcast_in_dim3A_687 = arith.constant 0 : i32
    %broadcast_in_dim3A_688 = vector.broadcast %broadcast_in_dim3A_687 : i32 to vector<16xi32>
    %select_n3A_689 = arith.select %gt3A_684, %broadcast_in_dim3A_686, %broadcast_in_dim3A_688 : vector<16xi1>, vector<16xi32>
    %max3A_690 = arith.maximumf %select_n3A_645, %select_n3A_664 : vector<16xf32>
    %gt3A_691 = arith.cmpf ogt, %select_n3A_683, %max3A_690 : vector<16xf32>
    %broadcast_in_dim3A_692 = arith.constant 2 : i32
    %broadcast_in_dim3A_693 = vector.broadcast %broadcast_in_dim3A_692 : i32 to vector<16xi32>
    %select_n3A_694 = arith.select %gt3A_691, %broadcast_in_dim3A_693, %select_n3A_689 : vector<16xi1>, vector<16xi32>
    %mul3A_695 = arith.constant 26 : i32
    %mul3A_696 = vector.broadcast %mul3A_695 : i32 to vector<16xi32>
    %mul3A_697 = arith.muli %select_n3A_694, %mul3A_696 : vector<16xi32>
    %add3A_698 = arith.addi %mul3A_697, %min3A_620 : vector<16xi32>
    %mul3A_699 = arith.constant 26 : i32
    %mul3A_700 = vector.broadcast %mul3A_699 : i32 to vector<16xi32>
    %mul3A_701 = arith.muli %add3A_698, %mul3A_700 : vector<16xi32>
    %add3A_702 = arith.addi %mul3A_701, %min3A_617 : vector<16xi32>
    %swap3A_703 = arith.constant 0 : i32
    %swap3A_704 = arith.index_cast %swap3A_703 : i32 to index
    %swap3A_705 = arith.constant 0 : index
    %swap3A_706 = tpu.vector_load %arg9[%swap3A_704, %swap3A_705] {strides = array<i32>} : memref<4x32xi32, #tpu.memory_space<vmem>>, vector<1x16xi32>,
    %swap3A_707 = vector.shape_cast %swap3A_706 : vector<1x16xi32> to vector<16xi32>
    %swap3A_708 = vector.shape_cast %add3A_702 : vector<16xi32> to vector<1x16xi32>
    tpu.vector_store %arg9[%swap3A_704, %swap3A_705], %swap3A_708 {strides = array<i32>} : memref<4x32xi32, #tpu.memory_space<vmem>>, vector<1x16xi32>,
    %swap3A_709 = arith.constant 1 : i32
    %swap3A_710 = arith.index_cast %swap3A_709 : i32 to index
    %swap3A_711 = arith.constant 0 : index
    %swap3A_712 = tpu.vector_load %arg9[%swap3A_710, %swap3A_711] {strides = array<i32>} : memref<4x32xi32, #tpu.memory_space<vmem>>, vector<1x16xi32>,
    %swap3A_713 = vector.shape_cast %swap3A_712 : vector<1x16xi32> to vector<16xi32>
    %swap3A_714 = vector.shape_cast %select_n3A_694 : vector<16xi32> to vector<1x16xi32>
    tpu.vector_store %arg9[%swap3A_710, %swap3A_711], %swap3A_714 {strides = array<i32>} : memref<4x32xi32, #tpu.memory_space<vmem>>, vector<1x16xi32>,
    %swap3A_715 = arith.constant 2 : i32
    %swap3A_716 = arith.index_cast %swap3A_715 : i32 to index
    %swap3A_717 = arith.constant 0 : index
    %swap3A_718 = tpu.vector_load %arg9[%swap3A_716, %swap3A_717] {strides = array<i32>} : memref<4x32xi32, #tpu.memory_space<vmem>>, vector<1x16xi32>,
    %swap3A_719 = vector.shape_cast %swap3A_718 : vector<1x16xi32> to vector<16xi32>
    %swap3A_720 = vector.shape_cast %min3A_620 : vector<16xi32> to vector<1x16xi32>
    tpu.vector_store %arg9[%swap3A_716, %swap3A_717], %swap3A_720 {strides = array<i32>} : memref<4x32xi32, #tpu.memory_space<vmem>>, vector<1x16xi32>,
    %swap3A_721 = arith.constant 3 : i32
    %swap3A_722 = arith.index_cast %swap3A_721 : i32 to index
    %swap3A_723 = arith.constant 0 : index
    %swap3A_724 = tpu.vector_load %arg9[%swap3A_722, %swap3A_723] {strides = array<i32>} : memref<4x32xi32, #tpu.memory_space<vmem>>, vector<1x16xi32>,
    %swap3A_725 = vector.shape_cast %swap3A_724 : vector<1x16xi32> to vector<16xi32>
    %swap3A_726 = vector.shape_cast %min3A_617 : vector<16xi32> to vector<1x16xi32>
    tpu.vector_store %arg9[%swap3A_722, %swap3A_723], %swap3A_726 {strides = array<i32>} : memref<4x32xi32, #tpu.memory_space<vmem>>, vector<1x16xi32>,
    %slice3A_727 = vector.extract_strided_slice %add3A_702 {offsets = [0], sizes = [1], strides = [1]} : vector<16xi32> to vector<1xi32>
    %squeeze3A_728 = vector.extract %slice3A_727[0] : i32 from vector<1xi32>
    %dma_start3A_729 = arith.constant 1 : i32
    %dma_start3A_730 = arith.constant 0 : i32
    %dma_start3A_731 = arith.constant 0 : i32
    %dma_start3A_732 = tpu.memref_slice %arg10[%dma_start3A_729, %dma_start3A_730, %dma_start3A_731] : memref<3x32x85xf32, #tpu.memory_space<vmem>> -> memref<1x1x85xf32, #tpu.memory_space<vmem>>
    %dma_start3A_733 = tpu.memref_squeeze %dma_start3A_732 : memref<1x1x85xf32, #tpu.memory_space<vmem>> -> memref<85xf32, #tpu.memory_space<vmem>>
    %dma_start3A_734 = arith.constant 0 : i32
    %dma_start3A_735 = tpu.memref_slice %arg4[%squeeze3A_728, %add3A, %dma_start3A_734] : memref<2028x32x85xf32, #tpu.memory_space<hbm>> -> memref<1x1x85xf32, #tpu.memory_space<hbm>>
    %dma_start3A_736 = tpu.memref_squeeze %dma_start3A_735 : memref<1x1x85xf32, #tpu.memory_space<hbm>> -> memref<85xf32, #tpu.memory_space<hbm>>
    %dma_start3A_737 = arith.constant 0 : i32
    %dma_start3A_738 = tpu.memref_slice %arg10[%dma_start3A_729, %dma_start3A_730, %dma_start3A_737] : memref<3x32x85xf32, #tpu.memory_space<vmem>> -> memref<1x1x85xf32, #tpu.memory_space<vmem>>
    %dma_start3A_739 = tpu.memref_squeeze %dma_start3A_738 : memref<1x1x85xf32, #tpu.memory_space<vmem>> -> memref<85xf32, #tpu.memory_space<vmem>>
    %dma_start3A_740 = arith.constant 0 : i32
    %dma_start3A_741 = tpu.memref_slice %arg4[%squeeze3A_728, %add3A, %dma_start3A_740] : memref<2028x32x85xf32, #tpu.memory_space<hbm>> -> memref<1x1x85xf32, #tpu.memory_space<hbm>>
    %dma_start3A_742 = tpu.memref_squeeze %dma_start3A_741 : memref<1x1x85xf32, #tpu.memory_space<hbm>> -> memref<85xf32, #tpu.memory_space<hbm>>
    tpu.enqueue_dma source(%dma_start3A_742 : memref<85xf32, #tpu.memory_space<hbm>>) target(%dma_start3A_739 : memref<85xf32, #tpu.memory_space<vmem>>) target_semaphore(%arg11 : memref<!tpu.dma_semaphore, #tpu.memory_space<semaphore_mem>>)
    %slice3A_743 = vector.extract_strided_slice %add3A_702 {offsets = [1], sizes = [1], strides = [1]} : vector<16xi32> to vector<1xi32>
    %squeeze3A_744 = vector.extract %slice3A_743[0] : i32 from vector<1xi32>
    %dma_start3A_745 = arith.constant 1 : i32
    %dma_start3A_746 = arith.constant 1 : i32
    %dma_start3A_747 = arith.constant 0 : i32
    %dma_start3A_748 = tpu.memref_slice %arg10[%dma_start3A_745, %dma_start3A_746, %dma_start3A_747] : memref<3x32x85xf32, #tpu.memory_space<vmem>> -> memref<1x1x85xf32, #tpu.memory_space<vmem>>
    %dma_start3A_749 = tpu.memref_squeeze %dma_start3A_748 : memref<1x1x85xf32, #tpu.memory_space<vmem>> -> memref<85xf32, #tpu.memory_space<vmem>>
    %dma_start3A_750 = arith.constant 0 : i32
    %dma_start3A_751 = tpu.memref_slice %arg4[%squeeze3A_744, %add3A, %dma_start3A_750] : memref<2028x32x85xf32, #tpu.memory_space<hbm>> -> memref<1x1x85xf32, #tpu.memory_space<hbm>>
    %dma_start3A_752 = tpu.memref_squeeze %dma_start3A_751 : memref<1x1x85xf32, #tpu.memory_space<hbm>> -> memref<85xf32, #tpu.memory_space<hbm>>
    %dma_start3A_753 = arith.constant 0 : i32
    %dma_start3A_754 = tpu.memref_slice %arg10[%dma_start3A_745, %dma_start3A_746, %dma_start3A_753] : memref<3x32x85xf32, #tpu.memory_space<vmem>> -> memref<1x1x85xf32, #tpu.memory_space<vmem>>
    %dma_start3A_755 = tpu.memref_squeeze %dma_start3A_754 : memref<1x1x85xf32, #tpu.memory_space<vmem>> -> memref<85xf32, #tpu.memory_space<vmem>>
    %dma_start3A_756 = arith.constant 0 : i32
    %dma_start3A_757 = tpu.memref_slice %arg4[%squeeze3A_744, %add3A, %dma_start3A_756] : memref<2028x32x85xf32, #tpu.memory_space<hbm>> -> memref<1x1x85xf32, #tpu.memory_space<hbm>>
    %dma_start3A_758 = tpu.memref_squeeze %dma_start3A_757 : memref<1x1x85xf32, #tpu.memory_space<hbm>> -> memref<85xf32, #tpu.memory_space<hbm>>
    tpu.enqueue_dma source(%dma_start3A_758 : memref<85xf32, #tpu.memory_space<hbm>>) target(%dma_start3A_755 : memref<85xf32, #tpu.memory_space<vmem>>) target_semaphore(%arg11 : memref<!tpu.dma_semaphore, #tpu.memory_space<semaphore_mem>>)
    %slice3A_759 = vector.extract_strided_slice %add3A_702 {offsets = [2], sizes = [1], strides = [1]} : vector<16xi32> to vector<1xi32>
    %squeeze3A_760 = vector.extract %slice3A_759[0] : i32 from vector<1xi32>
    %dma_start3A_761 = arith.constant 1 : i32
    %dma_start3A_762 = arith.constant 2 : i32
    %dma_start3A_763 = arith.constant 0 : i32
    %dma_start3A_764 = tpu.memref_slice %arg10[%dma_start3A_761, %dma_start3A_762, %dma_start3A_763] : memref<3x32x85xf32, #tpu.memory_space<vmem>> -> memref<1x1x85xf32, #tpu.memory_space<vmem>>
    %dma_start3A_765 = tpu.memref_squeeze %dma_start3A_764 : memref<1x1x85xf32, #tpu.memory_space<vmem>> -> memref<85xf32, #tpu.memory_space<vmem>>
    %dma_start3A_766 = arith.constant 0 : i32
    %dma_start3A_767 = tpu.memref_slice %arg4[%squeeze3A_760, %add3A, %dma_start3A_766] : memref<2028x32x85xf32, #tpu.memory_space<hbm>> -> memref<1x1x85xf32, #tpu.memory_space<hbm>>
    %dma_start3A_768 = tpu.memref_squeeze %dma_start3A_767 : memref<1x1x85xf32, #tpu.memory_space<hbm>> -> memref<85xf32, #tpu.memory_space<hbm>>
    %dma_start3A_769 = arith.constant 0 : i32
    %dma_start3A_770 = tpu.memref_slice %arg10[%dma_start3A_761, %dma_start3A_762, %dma_start3A_769] : memref<3x32x85xf32, #tpu.memory_space<vmem>> -> memref<1x1x85xf32, #tpu.memory_space<vmem>>
    %dma_start3A_771 = tpu.memref_squeeze %dma_start3A_770 : memref<1x1x85xf32, #tpu.memory_space<vmem>> -> memref<85xf32, #tpu.memory_space<vmem>>
    %dma_start3A_772 = arith.constant 0 : i32
    %dma_start3A_773 = tpu.memref_slice %arg4[%squeeze3A_760, %add3A, %dma_start3A_772] : memref<2028x32x85xf32, #tpu.memory_space<hbm>> -> memref<1x1x85xf32, #tpu.memory_space<hbm>>
    %dma_start3A_774 = tpu.memref_squeeze %dma_start3A_773 : memref<1x1x85xf32, #tpu.memory_space<hbm>> -> memref<85xf32, #tpu.memory_space<hbm>>
    tpu.enqueue_dma source(%dma_start3A_774 : memref<85xf32, #tpu.memory_space<hbm>>) target(%dma_start3A_771 : memref<85xf32, #tpu.memory_space<vmem>>) target_semaphore(%arg11 : memref<!tpu.dma_semaphore, #tpu.memory_space<semaphore_mem>>)
    %slice3A_775 = vector.extract_strided_slice %add3A_702 {offsets = [3], sizes = [1], strides = [1]} : vector<16xi32> to vector<1xi32>
    %squeeze3A_776 = vector.extract %slice3A_775[0] : i32 from vector<1xi32>
    %dma_start3A_777 = arith.constant 1 : i32
    %dma_start3A_778 = arith.constant 3 : i32
    %dma_start3A_779 = arith.constant 0 : i32
    %dma_start3A_780 = tpu.memref_slice %arg10[%dma_start3A_777, %dma_start3A_778, %dma_start3A_779] : memref<3x32x85xf32, #tpu.memory_space<vmem>> -> memref<1x1x85xf32, #tpu.memory_space<vmem>>
    %dma_start3A_781 = tpu.memref_squeeze %dma_start3A_780 : memref<1x1x85xf32, #tpu.memory_space<vmem>> -> memref<85xf32, #tpu.memory_space<vmem>>
    %dma_start3A_782 = arith.constant 0 : i32
    %dma_start3A_783 = tpu.memref_slice %arg4[%squeeze3A_776, %add3A, %dma_start3A_782] : memref<2028x32x85xf32, #tpu.memory_space<hbm>> -> memref<1x1x85xf32, #tpu.memory_space<hbm>>
    %dma_start3A_784 = tpu.memref_squeeze %dma_start3A_783 : memref<1x1x85xf32, #tpu.memory_space<hbm>> -> memref<85xf32, #tpu.memory_space<hbm>>
    %dma_start3A_785 = arith.constant 0 : i32
    %dma_start3A_786 = tpu.memref_slice %arg10[%dma_start3A_777, %dma_start3A_778, %dma_start3A_785] : memref<3x32x85xf32, #tpu.memory_space<vmem>> -> memref<1x1x85xf32, #tpu.memory_space<vmem>>
    %dma_start3A_787 = tpu.memref_squeeze %dma_start3A_786 : memref<1x1x85xf32, #tpu.memory_space<vmem>> -> memref<85xf32, #tpu.memory_space<vmem>>
    %dma_start3A_788 = arith.constant 0 : i32
    %dma_start3A_789 = tpu.memref_slice %arg4[%squeeze3A_776, %add3A, %dma_start3A_788] : memref<2028x32x85xf32, #tpu.memory_space<hbm>> -> memref<1x1x85xf32, #tpu.memory_space<hbm>>
    %dma_start3A_790 = tpu.memref_squeeze %dma_start3A_789 : memref<1x1x85xf32, #tpu.memory_space<hbm>> -> memref<85xf32, #tpu.memory_space<hbm>>
    tpu.enqueue_dma source(%dma_start3A_790 : memref<85xf32, #tpu.memory_space<hbm>>) target(%dma_start3A_787 : memref<85xf32, #tpu.memory_space<vmem>>) target_semaphore(%arg11 : memref<!tpu.dma_semaphore, #tpu.memory_space<semaphore_mem>>)
    %slice3A_791 = vector.extract_strided_slice %add3A_702 {offsets = [4], sizes = [1], strides = [1]} : vector<16xi32> to vector<1xi32>
    %squeeze3A_792 = vector.extract %slice3A_791[0] : i32 from vector<1xi32>
    %dma_start3A_793 = arith.constant 1 : i32
    %dma_start3A_794 = arith.constant 4 : i32
    %dma_start3A_795 = arith.constant 0 : i32
    %dma_start3A_796 = tpu.memref_slice %arg10[%dma_start3A_793, %dma_start3A_794, %dma_start3A_795] : memref<3x32x85xf32, #tpu.memory_space<vmem>> -> memref<1x1x85xf32, #tpu.memory_space<vmem>>
    %dma_start3A_797 = tpu.memref_squeeze %dma_start3A_796 : memref<1x1x85xf32, #tpu.memory_space<vmem>> -> memref<85xf32, #tpu.memory_space<vmem>>
    %dma_start3A_798 = arith.constant 0 : i32
    %dma_start3A_799 = tpu.memref_slice %arg4[%squeeze3A_792, %add3A, %dma_start3A_798] : memref<2028x32x85xf32, #tpu.memory_space<hbm>> -> memref<1x1x85xf32, #tpu.memory_space<hbm>>
    %dma_start3A_800 = tpu.memref_squeeze %dma_start3A_799 : memref<1x1x85xf32, #tpu.memory_space<hbm>> -> memref<85xf32, #tpu.memory_space<hbm>>
    %dma_start3A_801 = arith.constant 0 : i32
    %dma_start3A_802 = tpu.memref_slice %arg10[%dma_start3A_793, %dma_start3A_794, %dma_start3A_801] : memref<3x32x85xf32, #tpu.memory_space<vmem>> -> memref<1x1x85xf32, #tpu.memory_space<vmem>>
    %dma_start3A_803 = tpu.memref_squeeze %dma_start3A_802 : memref<1x1x85xf32, #tpu.memory_space<vmem>> -> memref<85xf32, #tpu.memory_space<vmem>>
    %dma_start3A_804 = arith.constant 0 : i32
    %dma_start3A_805 = tpu.memref_slice %arg4[%squeeze3A_792, %add3A, %dma_start3A_804] : memref<2028x32x85xf32, #tpu.memory_space<hbm>> -> memref<1x1x85xf32, #tpu.memory_space<hbm>>
    %dma_start3A_806 = tpu.memref_squeeze %dma_start3A_805 : memref<1x1x85xf32, #tpu.memory_space<hbm>> -> memref<85xf32, #tpu.memory_space<hbm>>
    tpu.enqueue_dma source(%dma_start3A_806 : memref<85xf32, #tpu.memory_space<hbm>>) target(%dma_start3A_803 : memref<85xf32, #tpu.memory_space<vmem>>) target_semaphore(%arg11 : memref<!tpu.dma_semaphore, #tpu.memory_space<semaphore_mem>>)
    %slice3A_807 = vector.extract_strided_slice %add3A_702 {offsets = [5], sizes = [1], strides = [1]} : vector<16xi32> to vector<1xi32>
    %squeeze3A_808 = vector.extract %slice3A_807[0] : i32 from vector<1xi32>
    %dma_start3A_809 = arith.constant 1 : i32
    %dma_start3A_810 = arith.constant 5 : i32
    %dma_start3A_811 = arith.constant 0 : i32
    %dma_start3A_812 = tpu.memref_slice %arg10[%dma_start3A_809, %dma_start3A_810, %dma_start3A_811] : memref<3x32x85xf32, #tpu.memory_space<vmem>> -> memref<1x1x85xf32, #tpu.memory_space<vmem>>
    %dma_start3A_813 = tpu.memref_squeeze %dma_start3A_812 : memref<1x1x85xf32, #tpu.memory_space<vmem>> -> memref<85xf32, #tpu.memory_space<vmem>>
    %dma_start3A_814 = arith.constant 0 : i32
    %dma_start3A_815 = tpu.memref_slice %arg4[%squeeze3A_808, %add3A, %dma_start3A_814] : memref<2028x32x85xf32, #tpu.memory_space<hbm>> -> memref<1x1x85xf32, #tpu.memory_space<hbm>>
    %dma_start3A_816 = tpu.memref_squeeze %dma_start3A_815 : memref<1x1x85xf32, #tpu.memory_space<hbm>> -> memref<85xf32, #tpu.memory_space<hbm>>
    %dma_start3A_817 = arith.constant 0 : i32
    %dma_start3A_818 = tpu.memref_slice %arg10[%dma_start3A_809, %dma_start3A_810, %dma_start3A_817] : memref<3x32x85xf32, #tpu.memory_space<vmem>> -> memref<1x1x85xf32, #tpu.memory_space<vmem>>
    %dma_start3A_819 = tpu.memref_squeeze %dma_start3A_818 : memref<1x1x85xf32, #tpu.memory_space<vmem>> -> memref<85xf32, #tpu.memory_space<vmem>>
    %dma_start3A_820 = arith.constant 0 : i32
    %dma_start3A_821 = tpu.memref_slice %arg4[%squeeze3A_808, %add3A, %dma_start3A_820] : memref<2028x32x85xf32, #tpu.memory_space<hbm>> -> memref<1x1x85xf32, #tpu.memory_space<hbm>>
    %dma_start3A_822 = tpu.memref_squeeze %dma_start3A_821 : memref<1x1x85xf32, #tpu.memory_space<hbm>> -> memref<85xf32, #tpu.memory_space<hbm>>
    tpu.enqueue_dma source(%dma_start3A_822 : memref<85xf32, #tpu.memory_space<hbm>>) target(%dma_start3A_819 : memref<85xf32, #tpu.memory_space<vmem>>) target_semaphore(%arg11 : memref<!tpu.dma_semaphore, #tpu.memory_space<semaphore_mem>>)
    %slice3A_823 = vector.extract_strided_slice %add3A_702 {offsets = [6], sizes = [1], strides = [1]} : vector<16xi32> to vector<1xi32>
    %squeeze3A_824 = vector.extract %slice3A_823[0] : i32 from vector<1xi32>
    %dma_start3A_825 = arith.constant 1 : i32
    %dma_start3A_826 = arith.constant 6 : i32
    %dma_start3A_827 = arith.constant 0 : i32
    %dma_start3A_828 = tpu.memref_slice %arg10[%dma_start3A_825, %dma_start3A_826, %dma_start3A_827] : memref<3x32x85xf32, #tpu.memory_space<vmem>> -> memref<1x1x85xf32, #tpu.memory_space<vmem>>
    %dma_start3A_829 = tpu.memref_squeeze %dma_start3A_828 : memref<1x1x85xf32, #tpu.memory_space<vmem>> -> memref<85xf32, #tpu.memory_space<vmem>>
    %dma_start3A_830 = arith.constant 0 : i32
    %dma_start3A_831 = tpu.memref_slice %arg4[%squeeze3A_824, %add3A, %dma_start3A_830] : memref<2028x32x85xf32, #tpu.memory_space<hbm>> -> memref<1x1x85xf32, #tpu.memory_space<hbm>>
    %dma_start3A_832 = tpu.memref_squeeze %dma_start3A_831 : memref<1x1x85xf32, #tpu.memory_space<hbm>> -> memref<85xf32, #tpu.memory_space<hbm>>
    %dma_start3A_833 = arith.constant 0 : i32
    %dma_start3A_834 = tpu.memref_slice %arg10[%dma_start3A_825, %dma_start3A_826, %dma_start3A_833] : memref<3x32x85xf32, #tpu.memory_space<vmem>> -> memref<1x1x85xf32, #tpu.memory_space<vmem>>
    %dma_start3A_835 = tpu.memref_squeeze %dma_start3A_834 : memref<1x1x85xf32, #tpu.memory_space<vmem>> -> memref<85xf32, #tpu.memory_space<vmem>>
    %dma_start3A_836 = arith.constant 0 : i32
    %dma_start3A_837 = tpu.memref_slice %arg4[%squeeze3A_824, %add3A, %dma_start3A_836] : memref<2028x32x85xf32, #tpu.memory_space<hbm>> -> memref<1x1x85xf32, #tpu.memory_space<hbm>>
    %dma_start3A_838 = tpu.memref_squeeze %dma_start3A_837 : memref<1x1x85xf32, #tpu.memory_space<hbm>> -> memref<85xf32, #tpu.memory_space<hbm>>
    tpu.enqueue_dma source(%dma_start3A_838 : memref<85xf32, #tpu.memory_space<hbm>>) target(%dma_start3A_835 : memref<85xf32, #tpu.memory_space<vmem>>) target_semaphore(%arg11 : memref<!tpu.dma_semaphore, #tpu.memory_space<semaphore_mem>>)
    %slice3A_839 = vector.extract_strided_slice %add3A_702 {offsets = [7], sizes = [1], strides = [1]} : vector<16xi32> to vector<1xi32>
    %squeeze3A_840 = vector.extract %slice3A_839[0] : i32 from vector<1xi32>
    %dma_start3A_841 = arith.constant 1 : i32
    %dma_start3A_842 = arith.constant 7 : i32
    %dma_start3A_843 = arith.constant 0 : i32
    %dma_start3A_844 = tpu.memref_slice %arg10[%dma_start3A_841, %dma_start3A_842, %dma_start3A_843] : memref<3x32x85xf32, #tpu.memory_space<vmem>> -> memref<1x1x85xf32, #tpu.memory_space<vmem>>
    %dma_start3A_845 = tpu.memref_squeeze %dma_start3A_844 : memref<1x1x85xf32, #tpu.memory_space<vmem>> -> memref<85xf32, #tpu.memory_space<vmem>>
    %dma_start3A_846 = arith.constant 0 : i32
    %dma_start3A_847 = tpu.memref_slice %arg4[%squeeze3A_840, %add3A, %dma_start3A_846] : memref<2028x32x85xf32, #tpu.memory_space<hbm>> -> memref<1x1x85xf32, #tpu.memory_space<hbm>>
    %dma_start3A_848 = tpu.memref_squeeze %dma_start3A_847 : memref<1x1x85xf32, #tpu.memory_space<hbm>> -> memref<85xf32, #tpu.memory_space<hbm>>
    %dma_start3A_849 = arith.constant 0 : i32
    %dma_start3A_850 = tpu.memref_slice %arg10[%dma_start3A_841, %dma_start3A_842, %dma_start3A_849] : memref<3x32x85xf32, #tpu.memory_space<vmem>> -> memref<1x1x85xf32, #tpu.memory_space<vmem>>
    %dma_start3A_851 = tpu.memref_squeeze %dma_start3A_850 : memref<1x1x85xf32, #tpu.memory_space<vmem>> -> memref<85xf32, #tpu.memory_space<vmem>>
    %dma_start3A_852 = arith.constant 0 : i32
    %dma_start3A_853 = tpu.memref_slice %arg4[%squeeze3A_840, %add3A, %dma_start3A_852] : memref<2028x32x85xf32, #tpu.memory_space<hbm>> -> memref<1x1x85xf32, #tpu.memory_space<hbm>>
    %dma_start3A_854 = tpu.memref_squeeze %dma_start3A_853 : memref<1x1x85xf32, #tpu.memory_space<hbm>> -> memref<85xf32, #tpu.memory_space<hbm>>
    tpu.enqueue_dma source(%dma_start3A_854 : memref<85xf32, #tpu.memory_space<hbm>>) target(%dma_start3A_851 : memref<85xf32, #tpu.memory_space<vmem>>) target_semaphore(%arg11 : memref<!tpu.dma_semaphore, #tpu.memory_space<semaphore_mem>>)
    %slice3A_855 = vector.extract_strided_slice %add3A_702 {offsets = [8], sizes = [1], strides = [1]} : vector<16xi32> to vector<1xi32>
    %squeeze3A_856 = vector.extract %slice3A_855[0] : i32 from vector<1xi32>
    %dma_start3A_857 = arith.constant 1 : i32
    %dma_start3A_858 = arith.constant 8 : i32
    %dma_start3A_859 = arith.constant 0 : i32
    %dma_start3A_860 = tpu.memref_slice %arg10[%dma_start3A_857, %dma_start3A_858, %dma_start3A_859] : memref<3x32x85xf32, #tpu.memory_space<vmem>> -> memref<1x1x85xf32, #tpu.memory_space<vmem>>
    %dma_start3A_861 = tpu.memref_squeeze %dma_start3A_860 : memref<1x1x85xf32, #tpu.memory_space<vmem>> -> memref<85xf32, #tpu.memory_space<vmem>>
    %dma_start3A_862 = arith.constant 0 : i32
    %dma_start3A_863 = tpu.memref_slice %arg4[%squeeze3A_856, %add3A, %dma_start3A_862] : memref<2028x32x85xf32, #tpu.memory_space<hbm>> -> memref<1x1x85xf32, #tpu.memory_space<hbm>>
    %dma_start3A_864 = tpu.memref_squeeze %dma_start3A_863 : memref<1x1x85xf32, #tpu.memory_space<hbm>> -> memref<85xf32, #tpu.memory_space<hbm>>
    %dma_start3A_865 = arith.constant 0 : i32
    %dma_start3A_866 = tpu.memref_slice %arg10[%dma_start3A_857, %dma_start3A_858, %dma_start3A_865] : memref<3x32x85xf32, #tpu.memory_space<vmem>> -> memref<1x1x85xf32, #tpu.memory_space<vmem>>
    %dma_start3A_867 = tpu.memref_squeeze %dma_start3A_866 : memref<1x1x85xf32, #tpu.memory_space<vmem>> -> memref<85xf32, #tpu.memory_space<vmem>>
    %dma_start3A_868 = arith.constant 0 : i32
    %dma_start3A_869 = tpu.memref_slice %arg4[%squeeze3A_856, %add3A, %dma_start3A_868] : memref<2028x32x85xf32, #tpu.memory_space<hbm>> -> memref<1x1x85xf32, #tpu.memory_space<hbm>>
    %dma_start3A_870 = tpu.memref_squeeze %dma_start3A_869 : memref<1x1x85xf32, #tpu.memory_space<hbm>> -> memref<85xf32, #tpu.memory_space<hbm>>
    tpu.enqueue_dma source(%dma_start3A_870 : memref<85xf32, #tpu.memory_space<hbm>>) target(%dma_start3A_867 : memref<85xf32, #tpu.memory_space<vmem>>) target_semaphore(%arg11 : memref<!tpu.dma_semaphore, #tpu.memory_space<semaphore_mem>>)
    %slice3A_871 = vector.extract_strided_slice %add3A_702 {offsets = [9], sizes = [1], strides = [1]} : vector<16xi32> to vector<1xi32>
    %squeeze3A_872 = vector.extract %slice3A_871[0] : i32 from vector<1xi32>
    %dma_start3A_873 = arith.constant 1 : i32
    %dma_start3A_874 = arith.constant 9 : i32
    %dma_start3A_875 = arith.constant 0 : i32
    %dma_start3A_876 = tpu.memref_slice %arg10[%dma_start3A_873, %dma_start3A_874, %dma_start3A_875] : memref<3x32x85xf32, #tpu.memory_space<vmem>> -> memref<1x1x85xf32, #tpu.memory_space<vmem>>
    %dma_start3A_877 = tpu.memref_squeeze %dma_start3A_876 : memref<1x1x85xf32, #tpu.memory_space<vmem>> -> memref<85xf32, #tpu.memory_space<vmem>>
    %dma_start3A_878 = arith.constant 0 : i32
    %dma_start3A_879 = tpu.memref_slice %arg4[%squeeze3A_872, %add3A, %dma_start3A_878] : memref<2028x32x85xf32, #tpu.memory_space<hbm>> -> memref<1x1x85xf32, #tpu.memory_space<hbm>>
    %dma_start3A_880 = tpu.memref_squeeze %dma_start3A_879 : memref<1x1x85xf32, #tpu.memory_space<hbm>> -> memref<85xf32, #tpu.memory_space<hbm>>
    %dma_start3A_881 = arith.constant 0 : i32
    %dma_start3A_882 = tpu.memref_slice %arg10[%dma_start3A_873, %dma_start3A_874, %dma_start3A_881] : memref<3x32x85xf32, #tpu.memory_space<vmem>> -> memref<1x1x85xf32, #tpu.memory_space<vmem>>
    %dma_start3A_883 = tpu.memref_squeeze %dma_start3A_882 : memref<1x1x85xf32, #tpu.memory_space<vmem>> -> memref<85xf32, #tpu.memory_space<vmem>>
    %dma_start3A_884 = arith.constant 0 : i32
    %dma_start3A_885 = tpu.memref_slice %arg4[%squeeze3A_872, %add3A, %dma_start3A_884] : memref<2028x32x85xf32, #tpu.memory_space<hbm>> -> memref<1x1x85xf32, #tpu.memory_space<hbm>>
    %dma_start3A_886 = tpu.memref_squeeze %dma_start3A_885 : memref<1x1x85xf32, #tpu.memory_space<hbm>> -> memref<85xf32, #tpu.memory_space<hbm>>
    tpu.enqueue_dma source(%dma_start3A_886 : memref<85xf32, #tpu.memory_space<hbm>>) target(%dma_start3A_883 : memref<85xf32, #tpu.memory_space<vmem>>) target_semaphore(%arg11 : memref<!tpu.dma_semaphore, #tpu.memory_space<semaphore_mem>>)
    %slice3A_887 = vector.extract_strided_slice %add3A_702 {offsets = [10], sizes = [1], strides = [1]} : vector<16xi32> to vector<1xi32>
    %squeeze3A_888 = vector.extract %slice3A_887[0] : i32 from vector<1xi32>
    %dma_start3A_889 = arith.constant 1 : i32
    %dma_start3A_890 = arith.constant 10 : i32
    %dma_start3A_891 = arith.constant 0 : i32
    %dma_start3A_892 = tpu.memref_slice %arg10[%dma_start3A_889, %dma_start3A_890, %dma_start3A_891] : memref<3x32x85xf32, #tpu.memory_space<vmem>> -> memref<1x1x85xf32, #tpu.memory_space<vmem>>
    %dma_start3A_893 = tpu.memref_squeeze %dma_start3A_892 : memref<1x1x85xf32, #tpu.memory_space<vmem>> -> memref<85xf32, #tpu.memory_space<vmem>>
    %dma_start3A_894 = arith.constant 0 : i32
    %dma_start3A_895 = tpu.memref_slice %arg4[%squeeze3A_888, %add3A, %dma_start3A_894] : memref<2028x32x85xf32, #tpu.memory_space<hbm>> -> memref<1x1x85xf32, #tpu.memory_space<hbm>>
    %dma_start3A_896 = tpu.memref_squeeze %dma_start3A_895 : memref<1x1x85xf32, #tpu.memory_space<hbm>> -> memref<85xf32, #tpu.memory_space<hbm>>
    %dma_start3A_897 = arith.constant 0 : i32
    %dma_start3A_898 = tpu.memref_slice %arg10[%dma_start3A_889, %dma_start3A_890, %dma_start3A_897] : memref<3x32x85xf32, #tpu.memory_space<vmem>> -> memref<1x1x85xf32, #tpu.memory_space<vmem>>
    %dma_start3A_899 = tpu.memref_squeeze %dma_start3A_898 : memref<1x1x85xf32, #tpu.memory_space<vmem>> -> memref<85xf32, #tpu.memory_space<vmem>>
    %dma_start3A_900 = arith.constant 0 : i32
    %dma_start3A_901 = tpu.memref_slice %arg4[%squeeze3A_888, %add3A, %dma_start3A_900] : memref<2028x32x85xf32, #tpu.memory_space<hbm>> -> memref<1x1x85xf32, #tpu.memory_space<hbm>>
    %dma_start3A_902 = tpu.memref_squeeze %dma_start3A_901 : memref<1x1x85xf32, #tpu.memory_space<hbm>> -> memref<85xf32, #tpu.memory_space<hbm>>
    tpu.enqueue_dma source(%dma_start3A_902 : memref<85xf32, #tpu.memory_space<hbm>>) target(%dma_start3A_899 : memref<85xf32, #tpu.memory_space<vmem>>) target_semaphore(%arg11 : memref<!tpu.dma_semaphore, #tpu.memory_space<semaphore_mem>>)
    %slice3A_903 = vector.extract_strided_slice %add3A_702 {offsets = [11], sizes = [1], strides = [1]} : vector<16xi32> to vector<1xi32>
    %squeeze3A_904 = vector.extract %slice3A_903[0] : i32 from vector<1xi32>
    %dma_start3A_905 = arith.constant 1 : i32
    %dma_start3A_906 = arith.constant 11 : i32
    %dma_start3A_907 = arith.constant 0 : i32
    %dma_start3A_908 = tpu.memref_slice %arg10[%dma_start3A_905, %dma_start3A_906, %dma_start3A_907] : memref<3x32x85xf32, #tpu.memory_space<vmem>> -> memref<1x1x85xf32, #tpu.memory_space<vmem>>
    %dma_start3A_909 = tpu.memref_squeeze %dma_start3A_908 : memref<1x1x85xf32, #tpu.memory_space<vmem>> -> memref<85xf32, #tpu.memory_space<vmem>>
    %dma_start3A_910 = arith.constant 0 : i32
    %dma_start3A_911 = tpu.memref_slice %arg4[%squeeze3A_904, %add3A, %dma_start3A_910] : memref<2028x32x85xf32, #tpu.memory_space<hbm>> -> memref<1x1x85xf32, #tpu.memory_space<hbm>>
    %dma_start3A_912 = tpu.memref_squeeze %dma_start3A_911 : memref<1x1x85xf32, #tpu.memory_space<hbm>> -> memref<85xf32, #tpu.memory_space<hbm>>
    %dma_start3A_913 = arith.constant 0 : i32
    %dma_start3A_914 = tpu.memref_slice %arg10[%dma_start3A_905, %dma_start3A_906, %dma_start3A_913] : memref<3x32x85xf32, #tpu.memory_space<vmem>> -> memref<1x1x85xf32, #tpu.memory_space<vmem>>
    %dma_start3A_915 = tpu.memref_squeeze %dma_start3A_914 : memref<1x1x85xf32, #tpu.memory_space<vmem>> -> memref<85xf32, #tpu.memory_space<vmem>>
    %dma_start3A_916 = arith.constant 0 : i32
    %dma_start3A_917 = tpu.memref_slice %arg4[%squeeze3A_904, %add3A, %dma_start3A_916] : memref<2028x32x85xf32, #tpu.memory_space<hbm>> -> memref<1x1x85xf32, #tpu.memory_space<hbm>>
    %dma_start3A_918 = tpu.memref_squeeze %dma_start3A_917 : memref<1x1x85xf32, #tpu.memory_space<hbm>> -> memref<85xf32, #tpu.memory_space<hbm>>
    tpu.enqueue_dma source(%dma_start3A_918 : memref<85xf32, #tpu.memory_space<hbm>>) target(%dma_start3A_915 : memref<85xf32, #tpu.memory_space<vmem>>) target_semaphore(%arg11 : memref<!tpu.dma_semaphore, #tpu.memory_space<semaphore_mem>>)
    %slice3A_919 = vector.extract_strided_slice %add3A_702 {offsets = [12], sizes = [1], strides = [1]} : vector<16xi32> to vector<1xi32>
    %squeeze3A_920 = vector.extract %slice3A_919[0] : i32 from vector<1xi32>
    %dma_start3A_921 = arith.constant 1 : i32
    %dma_start3A_922 = arith.constant 12 : i32
    %dma_start3A_923 = arith.constant 0 : i32
    %dma_start3A_924 = tpu.memref_slice %arg10[%dma_start3A_921, %dma_start3A_922, %dma_start3A_923] : memref<3x32x85xf32, #tpu.memory_space<vmem>> -> memref<1x1x85xf32, #tpu.memory_space<vmem>>
    %dma_start3A_925 = tpu.memref_squeeze %dma_start3A_924 : memref<1x1x85xf32, #tpu.memory_space<vmem>> -> memref<85xf32, #tpu.memory_space<vmem>>
    %dma_start3A_926 = arith.constant 0 : i32
    %dma_start3A_927 = tpu.memref_slice %arg4[%squeeze3A_920, %add3A, %dma_start3A_926] : memref<2028x32x85xf32, #tpu.memory_space<hbm>> -> memref<1x1x85xf32, #tpu.memory_space<hbm>>
    %dma_start3A_928 = tpu.memref_squeeze %dma_start3A_927 : memref<1x1x85xf32, #tpu.memory_space<hbm>> -> memref<85xf32, #tpu.memory_space<hbm>>
    %dma_start3A_929 = arith.constant 0 : i32
    %dma_start3A_930 = tpu.memref_slice %arg10[%dma_start3A_921, %dma_start3A_922, %dma_start3A_929] : memref<3x32x85xf32, #tpu.memory_space<vmem>> -> memref<1x1x85xf32, #tpu.memory_space<vmem>>
    %dma_start3A_931 = tpu.memref_squeeze %dma_start3A_930 : memref<1x1x85xf32, #tpu.memory_space<vmem>> -> memref<85xf32, #tpu.memory_space<vmem>>
    %dma_start3A_932 = arith.constant 0 : i32
    %dma_start3A_933 = tpu.memref_slice %arg4[%squeeze3A_920, %add3A, %dma_start3A_932] : memref<2028x32x85xf32, #tpu.memory_space<hbm>> -> memref<1x1x85xf32, #tpu.memory_space<hbm>>
    %dma_start3A_934 = tpu.memref_squeeze %dma_start3A_933 : memref<1x1x85xf32, #tpu.memory_space<hbm>> -> memref<85xf32, #tpu.memory_space<hbm>>
    tpu.enqueue_dma source(%dma_start3A_934 : memref<85xf32, #tpu.memory_space<hbm>>) target(%dma_start3A_931 : memref<85xf32, #tpu.memory_space<vmem>>) target_semaphore(%arg11 : memref<!tpu.dma_semaphore, #tpu.memory_space<semaphore_mem>>)
    %slice3A_935 = vector.extract_strided_slice %add3A_702 {offsets = [13], sizes = [1], strides = [1]} : vector<16xi32> to vector<1xi32>
    %squeeze3A_936 = vector.extract %slice3A_935[0] : i32 from vector<1xi32>
    %dma_start3A_937 = arith.constant 1 : i32
    %dma_start3A_938 = arith.constant 13 : i32
    %dma_start3A_939 = arith.constant 0 : i32
    %dma_start3A_940 = tpu.memref_slice %arg10[%dma_start3A_937, %dma_start3A_938, %dma_start3A_939] : memref<3x32x85xf32, #tpu.memory_space<vmem>> -> memref<1x1x85xf32, #tpu.memory_space<vmem>>
    %dma_start3A_941 = tpu.memref_squeeze %dma_start3A_940 : memref<1x1x85xf32, #tpu.memory_space<vmem>> -> memref<85xf32, #tpu.memory_space<vmem>>
    %dma_start3A_942 = arith.constant 0 : i32
    %dma_start3A_943 = tpu.memref_slice %arg4[%squeeze3A_936, %add3A, %dma_start3A_942] : memref<2028x32x85xf32, #tpu.memory_space<hbm>> -> memref<1x1x85xf32, #tpu.memory_space<hbm>>
    %dma_start3A_944 = tpu.memref_squeeze %dma_start3A_943 : memref<1x1x85xf32, #tpu.memory_space<hbm>> -> memref<85xf32, #tpu.memory_space<hbm>>
    %dma_start3A_945 = arith.constant 0 : i32
    %dma_start3A_946 = tpu.memref_slice %arg10[%dma_start3A_937, %dma_start3A_938, %dma_start3A_945] : memref<3x32x85xf32, #tpu.memory_space<vmem>> -> memref<1x1x85xf32, #tpu.memory_space<vmem>>
    %dma_start3A_947 = tpu.memref_squeeze %dma_start3A_946 : memref<1x1x85xf32, #tpu.memory_space<vmem>> -> memref<85xf32, #tpu.memory_space<vmem>>
    %dma_start3A_948 = arith.constant 0 : i32
    %dma_start3A_949 = tpu.memref_slice %arg4[%squeeze3A_936, %add3A, %dma_start3A_948] : memref<2028x32x85xf32, #tpu.memory_space<hbm>> -> memref<1x1x85xf32, #tpu.memory_space<hbm>>
    %dma_start3A_950 = tpu.memref_squeeze %dma_start3A_949 : memref<1x1x85xf32, #tpu.memory_space<hbm>> -> memref<85xf32, #tpu.memory_space<hbm>>
    tpu.enqueue_dma source(%dma_start3A_950 : memref<85xf32, #tpu.memory_space<hbm>>) target(%dma_start3A_947 : memref<85xf32, #tpu.memory_space<vmem>>) target_semaphore(%arg11 : memref<!tpu.dma_semaphore, #tpu.memory_space<semaphore_mem>>)
    %slice3A_951 = vector.extract_strided_slice %add3A_702 {offsets = [14], sizes = [1], strides = [1]} : vector<16xi32> to vector<1xi32>
    %squeeze3A_952 = vector.extract %slice3A_951[0] : i32 from vector<1xi32>
    %dma_start3A_953 = arith.constant 1 : i32
    %dma_start3A_954 = arith.constant 14 : i32
    %dma_start3A_955 = arith.constant 0 : i32
    %dma_start3A_956 = tpu.memref_slice %arg10[%dma_start3A_953, %dma_start3A_954, %dma_start3A_955] : memref<3x32x85xf32, #tpu.memory_space<vmem>> -> memref<1x1x85xf32, #tpu.memory_space<vmem>>
    %dma_start3A_957 = tpu.memref_squeeze %dma_start3A_956 : memref<1x1x85xf32, #tpu.memory_space<vmem>> -> memref<85xf32, #tpu.memory_space<vmem>>
    %dma_start3A_958 = arith.constant 0 : i32
    %dma_start3A_959 = tpu.memref_slice %arg4[%squeeze3A_952, %add3A, %dma_start3A_958] : memref<2028x32x85xf32, #tpu.memory_space<hbm>> -> memref<1x1x85xf32, #tpu.memory_space<hbm>>
    %dma_start3A_960 = tpu.memref_squeeze %dma_start3A_959 : memref<1x1x85xf32, #tpu.memory_space<hbm>> -> memref<85xf32, #tpu.memory_space<hbm>>
    %dma_start3A_961 = arith.constant 0 : i32
    %dma_start3A_962 = tpu.memref_slice %arg10[%dma_start3A_953, %dma_start3A_954, %dma_start3A_961] : memref<3x32x85xf32, #tpu.memory_space<vmem>> -> memref<1x1x85xf32, #tpu.memory_space<vmem>>
    %dma_start3A_963 = tpu.memref_squeeze %dma_start3A_962 : memref<1x1x85xf32, #tpu.memory_space<vmem>> -> memref<85xf32, #tpu.memory_space<vmem>>
    %dma_start3A_964 = arith.constant 0 : i32
    %dma_start3A_965 = tpu.memref_slice %arg4[%squeeze3A_952, %add3A, %dma_start3A_964] : memref<2028x32x85xf32, #tpu.memory_space<hbm>> -> memref<1x1x85xf32, #tpu.memory_space<hbm>>
    %dma_start3A_966 = tpu.memref_squeeze %dma_start3A_965 : memref<1x1x85xf32, #tpu.memory_space<hbm>> -> memref<85xf32, #tpu.memory_space<hbm>>
    tpu.enqueue_dma source(%dma_start3A_966 : memref<85xf32, #tpu.memory_space<hbm>>) target(%dma_start3A_963 : memref<85xf32, #tpu.memory_space<vmem>>) target_semaphore(%arg11 : memref<!tpu.dma_semaphore, #tpu.memory_space<semaphore_mem>>)
    %slice3A_967 = vector.extract_strided_slice %add3A_702 {offsets = [15], sizes = [1], strides = [1]} : vector<16xi32> to vector<1xi32>
    %squeeze3A_968 = vector.extract %slice3A_967[0] : i32 from vector<1xi32>
    %dma_start3A_969 = arith.constant 1 : i32
    %dma_start3A_970 = arith.constant 15 : i32
    %dma_start3A_971 = arith.constant 0 : i32
    %dma_start3A_972 = tpu.memref_slice %arg10[%dma_start3A_969, %dma_start3A_970, %dma_start3A_971] : memref<3x32x85xf32, #tpu.memory_space<vmem>> -> memref<1x1x85xf32, #tpu.memory_space<vmem>>
    %dma_start3A_973 = tpu.memref_squeeze %dma_start3A_972 : memref<1x1x85xf32, #tpu.memory_space<vmem>> -> memref<85xf32, #tpu.memory_space<vmem>>
    %dma_start3A_974 = arith.constant 0 : i32
    %dma_start3A_975 = tpu.memref_slice %arg4[%squeeze3A_968, %add3A, %dma_start3A_974] : memref<2028x32x85xf32, #tpu.memory_space<hbm>> -> memref<1x1x85xf32, #tpu.memory_space<hbm>>
    %dma_start3A_976 = tpu.memref_squeeze %dma_start3A_975 : memref<1x1x85xf32, #tpu.memory_space<hbm>> -> memref<85xf32, #tpu.memory_space<hbm>>
    %dma_start3A_977 = arith.constant 0 : i32
    %dma_start3A_978 = tpu.memref_slice %arg10[%dma_start3A_969, %dma_start3A_970, %dma_start3A_977] : memref<3x32x85xf32, #tpu.memory_space<vmem>> -> memref<1x1x85xf32, #tpu.memory_space<vmem>>
    %dma_start3A_979 = tpu.memref_squeeze %dma_start3A_978 : memref<1x1x85xf32, #tpu.memory_space<vmem>> -> memref<85xf32, #tpu.memory_space<vmem>>
    %dma_start3A_980 = arith.constant 0 : i32
    %dma_start3A_981 = tpu.memref_slice %arg4[%squeeze3A_968, %add3A, %dma_start3A_980] : memref<2028x32x85xf32, #tpu.memory_space<hbm>> -> memref<1x1x85xf32, #tpu.memory_space<hbm>>
    %dma_start3A_982 = tpu.memref_squeeze %dma_start3A_981 : memref<1x1x85xf32, #tpu.memory_space<hbm>> -> memref<85xf32, #tpu.memory_space<hbm>>
    tpu.enqueue_dma source(%dma_start3A_982 : memref<85xf32, #tpu.memory_space<hbm>>) target(%dma_start3A_979 : memref<85xf32, #tpu.memory_space<vmem>>) target_semaphore(%arg11 : memref<!tpu.dma_semaphore, #tpu.memory_space<semaphore_mem>>)
    %get3A_983 = arith.constant 0 : i32
    %get3A_984 = arith.index_cast %get3A_983 : i32 to index
    %get3A_985 = arith.constant 16 : index
    %get3A_986 = tpu.vector_load %arg8[%get3A_984, %get3A_985] {strides = array<i32>} : memref<4x32xf32, #tpu.memory_space<vmem>>, vector<1x16xf32>,
    %get3A_987 = vector.shape_cast %get3A_986 : vector<1x16xf32> to vector<16xf32>
    %get3A_988 = arith.constant 1 : i32
    %get3A_989 = arith.index_cast %get3A_988 : i32 to index
    %get3A_990 = arith.constant 16 : index
    %get3A_991 = tpu.vector_load %arg8[%get3A_989, %get3A_990] {strides = array<i32>} : memref<4x32xf32, #tpu.memory_space<vmem>>, vector<1x16xf32>,
    %get3A_992 = vector.shape_cast %get3A_991 : vector<1x16xf32> to vector<16xf32>
    %get3A_993 = arith.constant 2 : i32
    %get3A_994 = arith.index_cast %get3A_993 : i32 to index
    %get3A_995 = arith.constant 16 : index
    %get3A_996 = tpu.vector_load %arg8[%get3A_994, %get3A_995] {strides = array<i32>} : memref<4x32xf32, #tpu.memory_space<vmem>>, vector<1x16xf32>,
    %get3A_997 = vector.shape_cast %get3A_996 : vector<1x16xf32> to vector<16xf32>
    %get3A_998 = arith.constant 3 : i32
    %get3A_999 = arith.index_cast %get3A_998 : i32 to index
    %get3A_1000 = arith.constant 16 : index
    %get3A_1001 = tpu.vector_load %arg8[%get3A_999, %get3A_1000] {strides = array<i32>} : memref<4x32xf32, #tpu.memory_space<vmem>>, vector<1x16xf32>,
    %get3A_1002 = vector.shape_cast %get3A_1001 : vector<1x16xf32> to vector<16xf32>
    %mul3A_1003 = arith.constant 2.600000e+01 : f32
    %mul3A_1004 = vector.broadcast %mul3A_1003 : f32 to vector<16xf32>
    %mul3A_1005 = arith.mulf %get3A_987, %mul3A_1004 : vector<16xf32>
    %mul3A_1006 = arith.constant 2.600000e+01 : f32
    %mul3A_1007 = vector.broadcast %mul3A_1006 : f32 to vector<16xf32>
    %mul3A_1008 = arith.mulf %get3A_992, %mul3A_1007 : vector<16xf32>
    %convert_element_type3A_1009 = arith.fptosi %mul3A_1005 : vector<16xf32> to vector<16xi32>
    %convert_element_type3A_1010 = arith.fptosi %mul3A_1008 : vector<16xf32> to vector<16xi32>
    %min3A_1011 = arith.constant 25 : i32
    %min3A_1012 = vector.broadcast %min3A_1011 : i32 to vector<16xi32>
    %min3A_1013 = arith.minsi %convert_element_type3A_1009, %min3A_1012 : vector<16xi32>
    %min3A_1014 = arith.constant 25 : i32
    %min3A_1015 = vector.broadcast %min3A_1014 : i32 to vector<16xi32>
    %min3A_1016 = arith.minsi %convert_element_type3A_1010, %min3A_1015 : vector<16xi32>
    %mul3A_1017 = arith.constant 2.600000e+01 : f32
    %mul3A_1018 = vector.broadcast %mul3A_1017 : f32 to vector<16xf32>
    %mul3A_1019 = arith.mulf %get3A_997, %mul3A_1018 : vector<16xf32>
    %mul3A_1020 = arith.constant 2.600000e+01 : f32
    %mul3A_1021 = vector.broadcast %mul3A_1020 : f32 to vector<16xf32>
    %mul3A_1022 = arith.mulf %get3A_1002, %mul3A_1021 : vector<16xf32>
    %min3A_1023 = arith.constant 1.875000e+00 : f32
    %min3A_1024 = vector.broadcast %min3A_1023 : f32 to vector<16xf32>
    %min3A_1025 = arith.minimumf %mul3A_1019, %min3A_1024 : vector<16xf32>
    %min3A_1026 = arith.constant 3.812500e+00 : f32
    %min3A_1027 = vector.broadcast %min3A_1026 : f32 to vector<16xf32>
    %min3A_1028 = arith.minimumf %mul3A_1022, %min3A_1027 : vector<16xf32>
    %mul3A_1029 = arith.mulf %min3A_1025, %min3A_1028 : vector<16xf32>
    %add3A_1030 = arith.constant 7.1484375 : f32
    %add3A_1031 = vector.broadcast %add3A_1030 : f32 to vector<16xf32>
    %add3A_1032 = arith.addf %add3A_1031, %mul3A_1019 : vector<16xf32>
    %add3A_1033 = arith.addf %add3A_1032, %mul3A_1022 : vector<16xf32>
    %sub3A_1034 = arith.subf %add3A_1033, %mul3A_1029 : vector<16xf32>
    %gt3A_1035 = arith.constant 0.000000e+00 : f32
    %gt3A_1036 = vector.broadcast %gt3A_1035 : f32 to vector<16xf32>
    %gt3A_1037 = arith.cmpf ogt, %sub3A_1034, %gt3A_1036 : vector<16xf32>
    %div3A_1038 = arith.divf %mul3A_1029, %sub3A_1034 : vector<16xf32>
    %jit3A_1039 = arith.constant 0.000000e+00 : f32
    %broadcast_in_dim3A_1040 = vector.broadcast %jit3A_1039 : f32 to vector<16xf32>
    %select_n3A_1041 = arith.select %gt3A_1037, %div3A_1038, %broadcast_in_dim3A_1040 : vector<16xi1>, vector<16xf32>
    %min3A_1042 = arith.constant 3.875000e+00 : f32
    %min3A_1043 = vector.broadcast %min3A_1042 : f32 to vector<16xf32>
    %min3A_1044 = arith.minimumf %mul3A_1019, %min3A_1043 : vector<16xf32>
    %min3A_1045 = arith.constant 2.812500e+00 : f32
    %min3A_1046 = vector.broadcast %min3A_1045 : f32 to vector<16xf32>
    %min3A_1047 = arith.minimumf %mul3A_1022, %min3A_1046 : vector<16xf32>
    %mul3A_1048 = arith.mulf %min3A_1044, %min3A_1047 : vector<16xf32>
    %add3A_1049 = arith.constant 10.8984375 : f32
    %add3A_1050 = vector.broadcast %add3A_1049 : f32 to vector<16xf32>
    %add3A_1051 = arith.addf %add3A_1050, %mul3A_1019 : vector<16xf32>
    %add3A_1052 = arith.addf %add3A_1051, %mul3A_1022 : vector<16xf32>
    %sub3A_1053 = arith.subf %add3A_1052, %mul3A_1048 : vector<16xf32>
    %gt3A_1054 = arith.constant 0.000000e+00 : f32
    %gt3A_1055 = vector.broadcast %gt3A_1054 : f32 to vector<16xf32>
    %gt3A_1056 = arith.cmpf ogt, %sub3A_1053, %gt3A_1055 : vector<16xf32>
    %div3A_1057 = arith.divf %mul3A_1048, %sub3A_1053 : vector<16xf32>
    %jit3A_1058 = arith.constant 0.000000e+00 : f32
    %broadcast_in_dim3A_1059 = vector.broadcast %jit3A_1058 : f32 to vector<16xf32>
    %select_n3A_1060 = arith.select %gt3A_1056, %div3A_1057, %broadcast_in_dim3A_1059 : vector<16xi1>, vector<16xf32>
    %min3A_1061 = arith.constant 3.687500e+00 : f32
    %min3A_1062 = vector.broadcast %min3A_1061 : f32 to vector<16xf32>
    %min3A_1063 = arith.minimumf %mul3A_1019, %min3A_1062 : vector<16xf32>
    %min3A_1064 = arith.constant 7.437500e+00 : f32
    %min3A_1065 = vector.broadcast %min3A_1064 : f32 to vector<16xf32>
    %min3A_1066 = arith.minimumf %mul3A_1022, %min3A_1065 : vector<16xf32>
    %mul3A_1067 = arith.mulf %min3A_1063, %min3A_1066 : vector<16xf32>
    %add3A_1068 = arith.constant 27.4257813 : f32
    %add3A_1069 = vector.broadcast %add3A_1068 : f32 to vector<16xf32>
    %add3A_1070 = arith.addf %add3A_1069, %mul3A_1019 : vector<16xf32>
    %add3A_1071 = arith.addf %add3A_1070, %mul3A_1022 : vector<16xf32>
    %sub3A_1072 = arith.subf %add3A_1071, %mul3A_1067 : vector<16xf32>
    %gt3A_1073 = arith.constant 0.000000e+00 : f32
    %gt3A_1074 = vector.broadcast %gt3A_1073 : f32 to vector<16xf32>
    %gt3A_1075 = arith.cmpf ogt, %sub3A_1072, %gt3A_1074 : vector<16xf32>
    %div3A_1076 = arith.divf %mul3A_1067, %sub3A_1072 : vector<16xf32>
    %jit3A_1077 = arith.constant 0.000000e+00 : f32
    %broadcast_in_dim3A_1078 = vector.broadcast %jit3A_1077 : f32 to vector<16xf32>
    %select_n3A_1079 = arith.select %gt3A_1075, %div3A_1076, %broadcast_in_dim3A_1078 : vector<16xi1>, vector<16xf32>
    %gt3A_1080 = arith.cmpf ogt, %select_n3A_1060, %select_n3A_1041 : vector<16xf32>
    %broadcast_in_dim3A_1081 = arith.constant 1 : i32
    %broadcast_in_dim3A_1082 = vector.broadcast %broadcast_in_dim3A_1081 : i32 to vector<16xi32>
    %broadcast_in_dim3A_1083 = arith.constant 0 : i32
    %broadcast_in_dim3A_1084 = vector.broadcast %broadcast_in_dim3A_1083 : i32 to vector<16xi32>
    %select_n3A_1085 = arith.select %gt3A_1080, %broadcast_in_dim3A_1082, %broadcast_in_dim3A_1084 : vector<16xi1>, vector<16xi32>
    %max3A_1086 = arith.maximumf %select_n3A_1041, %select_n3A_1060 : vector<16xf32>
    %gt3A_1087 = arith.cmpf ogt, %select_n3A_1079, %max3A_1086 : vector<16xf32>
    %broadcast_in_dim3A_1088 = arith.constant 2 : i32
    %broadcast_in_dim3A_1089 = vector.broadcast %broadcast_in_dim3A_1088 : i32 to vector<16xi32>
    %select_n3A_1090 = arith.select %gt3A_1087, %broadcast_in_dim3A_1089, %select_n3A_1085 : vector<16xi1>, vector<16xi32>
    %mul3A_1091 = arith.constant 26 : i32
    %mul3A_1092 = vector.broadcast %mul3A_1091 : i32 to vector<16xi32>
    %mul3A_1093 = arith.muli %select_n3A_1090, %mul3A_1092 : vector<16xi32>
    %add3A_1094 = arith.addi %mul3A_1093, %min3A_1016 : vector<16xi32>
    %mul3A_1095 = arith.constant 26 : i32
    %mul3A_1096 = vector.broadcast %mul3A_1095 : i32 to vector<16xi32>
    %mul3A_1097 = arith.muli %add3A_1094, %mul3A_1096 : vector<16xi32>
    %add3A_1098 = arith.addi %mul3A_1097, %min3A_1013 : vector<16xi32>
    %swap3A_1099 = arith.constant 0 : i32
    %swap3A_1100 = arith.index_cast %swap3A_1099 : i32 to index
    %swap3A_1101 = arith.constant 16 : index
    %swap3A_1102 = tpu.vector_load %arg9[%swap3A_1100, %swap3A_1101] {strides = array<i32>} : memref<4x32xi32, #tpu.memory_space<vmem>>, vector<1x16xi32>,
    %swap3A_1103 = vector.shape_cast %swap3A_1102 : vector<1x16xi32> to vector<16xi32>
    %swap3A_1104 = vector.shape_cast %add3A_1098 : vector<16xi32> to vector<1x16xi32>
    tpu.vector_store %arg9[%swap3A_1100, %swap3A_1101], %swap3A_1104 {strides = array<i32>} : memref<4x32xi32, #tpu.memory_space<vmem>>, vector<1x16xi32>,
    %swap3A_1105 = arith.constant 1 : i32
    %swap3A_1106 = arith.index_cast %swap3A_1105 : i32 to index
    %swap3A_1107 = arith.constant 16 : index
    %swap3A_1108 = tpu.vector_load %arg9[%swap3A_1106, %swap3A_1107] {strides = array<i32>} : memref<4x32xi32, #tpu.memory_space<vmem>>, vector<1x16xi32>,
    %swap3A_1109 = vector.shape_cast %swap3A_1108 : vector<1x16xi32> to vector<16xi32>
    %swap3A_1110 = vector.shape_cast %select_n3A_1090 : vector<16xi32> to vector<1x16xi32>
    tpu.vector_store %arg9[%swap3A_1106, %swap3A_1107], %swap3A_1110 {strides = array<i32>} : memref<4x32xi32, #tpu.memory_space<vmem>>, vector<1x16xi32>,
    %swap3A_1111 = arith.constant 2 : i32
    %swap3A_1112 = arith.index_cast %swap3A_1111 : i32 to index
    %swap3A_1113 = arith.constant 16 : index
    %swap3A_1114 = tpu.vector_load %arg9[%swap3A_1112, %swap3A_1113] {strides = array<i32>} : memref<4x32xi32, #tpu.memory_space<vmem>>, vector<1x16xi32>,
    %swap3A_1115 = vector.shape_cast %swap3A_1114 : vector<1x16xi32> to vector<16xi32>
    %swap3A_1116 = vector.shape_cast %min3A_1016 : vector<16xi32> to vector<1x16xi32>
    tpu.vector_store %arg9[%swap3A_1112, %swap3A_1113], %swap3A_1116 {strides = array<i32>} : memref<4x32xi32, #tpu.memory_space<vmem>>, vector<1x16xi32>,
    %swap3A_1117 = arith.constant 3 : i32
    %swap3A_1118 = arith.index_cast %swap3A_1117 : i32 to index
    %swap3A_1119 = arith.constant 16 : index
    %swap3A_1120 = tpu.vector_load %arg9[%swap3A_1118, %swap3A_1119] {strides = array<i32>} : memref<4x32xi32, #tpu.memory_space<vmem>>, vector<1x16xi32>,
    %swap3A_1121 = vector.shape_cast %swap3A_1120 : vector<1x16xi32> to vector<16xi32>
    %swap3A_1122 = vector.shape_cast %min3A_1013 : vector<16xi32> to vector<1x16xi32>
    tpu.vector_store %arg9[%swap3A_1118, %swap3A_1119], %swap3A_1122 {strides = array<i32>} : memref<4x32xi32, #tpu.memory_space<vmem>>, vector<1x16xi32>,
    %slice3A_1123 = vector.extract_strided_slice %add3A_1098 {offsets = [0], sizes = [1], strides = [1]} : vector<16xi32> to vector<1xi32>
    %squeeze3A_1124 = vector.extract %slice3A_1123[0] : i32 from vector<1xi32>
    %dma_start3A_1125 = arith.constant 1 : i32
    %dma_start3A_1126 = arith.constant 16 : i32
    %dma_start3A_1127 = arith.constant 0 : i32
    %dma_start3A_1128 = tpu.memref_slice %arg10[%dma_start3A_1125, %dma_start3A_1126, %dma_start3A_1127] : memref<3x32x85xf32, #tpu.memory_space<vmem>> -> memref<1x1x85xf32, #tpu.memory_space<vmem>>
    %dma_start3A_1129 = tpu.memref_squeeze %dma_start3A_1128 : memref<1x1x85xf32, #tpu.memory_space<vmem>> -> memref<85xf32, #tpu.memory_space<vmem>>
    %dma_start3A_1130 = arith.constant 0 : i32
    %dma_start3A_1131 = tpu.memref_slice %arg4[%squeeze3A_1124, %add3A, %dma_start3A_1130] : memref<2028x32x85xf32, #tpu.memory_space<hbm>> -> memref<1x1x85xf32, #tpu.memory_space<hbm>>
    %dma_start3A_1132 = tpu.memref_squeeze %dma_start3A_1131 : memref<1x1x85xf32, #tpu.memory_space<hbm>> -> memref<85xf32, #tpu.memory_space<hbm>>
    %dma_start3A_1133 = arith.constant 0 : i32
    %dma_start3A_1134 = tpu.memref_slice %arg10[%dma_start3A_1125, %dma_start3A_1126, %dma_start3A_1133] : memref<3x32x85xf32, #tpu.memory_space<vmem>> -> memref<1x1x85xf32, #tpu.memory_space<vmem>>
    %dma_start3A_1135 = tpu.memref_squeeze %dma_start3A_1134 : memref<1x1x85xf32, #tpu.memory_space<vmem>> -> memref<85xf32, #tpu.memory_space<vmem>>
    %dma_start3A_1136 = arith.constant 0 : i32
    %dma_start3A_1137 = tpu.memref_slice %arg4[%squeeze3A_1124, %add3A, %dma_start3A_1136] : memref<2028x32x85xf32, #tpu.memory_space<hbm>> -> memref<1x1x85xf32, #tpu.memory_space<hbm>>
    %dma_start3A_1138 = tpu.memref_squeeze %dma_start3A_1137 : memref<1x1x85xf32, #tpu.memory_space<hbm>> -> memref<85xf32, #tpu.memory_space<hbm>>
    tpu.enqueue_dma source(%dma_start3A_1138 : memref<85xf32, #tpu.memory_space<hbm>>) target(%dma_start3A_1135 : memref<85xf32, #tpu.memory_space<vmem>>) target_semaphore(%arg11 : memref<!tpu.dma_semaphore, #tpu.memory_space<semaphore_mem>>)
    %slice3A_1139 = vector.extract_strided_slice %add3A_1098 {offsets = [1], sizes = [1], strides = [1]} : vector<16xi32> to vector<1xi32>
    %squeeze3A_1140 = vector.extract %slice3A_1139[0] : i32 from vector<1xi32>
    %dma_start3A_1141 = arith.constant 1 : i32
    %dma_start3A_1142 = arith.constant 17 : i32
    %dma_start3A_1143 = arith.constant 0 : i32
    %dma_start3A_1144 = tpu.memref_slice %arg10[%dma_start3A_1141, %dma_start3A_1142, %dma_start3A_1143] : memref<3x32x85xf32, #tpu.memory_space<vmem>> -> memref<1x1x85xf32, #tpu.memory_space<vmem>>
    %dma_start3A_1145 = tpu.memref_squeeze %dma_start3A_1144 : memref<1x1x85xf32, #tpu.memory_space<vmem>> -> memref<85xf32, #tpu.memory_space<vmem>>
    %dma_start3A_1146 = arith.constant 0 : i32
    %dma_start3A_1147 = tpu.memref_slice %arg4[%squeeze3A_1140, %add3A, %dma_start3A_1146] : memref<2028x32x85xf32, #tpu.memory_space<hbm>> -> memref<1x1x85xf32, #tpu.memory_space<hbm>>
    %dma_start3A_1148 = tpu.memref_squeeze %dma_start3A_1147 : memref<1x1x85xf32, #tpu.memory_space<hbm>> -> memref<85xf32, #tpu.memory_space<hbm>>
    %dma_start3A_1149 = arith.constant 0 : i32
    %dma_start3A_1150 = tpu.memref_slice %arg10[%dma_start3A_1141, %dma_start3A_1142, %dma_start3A_1149] : memref<3x32x85xf32, #tpu.memory_space<vmem>> -> memref<1x1x85xf32, #tpu.memory_space<vmem>>
    %dma_start3A_1151 = tpu.memref_squeeze %dma_start3A_1150 : memref<1x1x85xf32, #tpu.memory_space<vmem>> -> memref<85xf32, #tpu.memory_space<vmem>>
    %dma_start3A_1152 = arith.constant 0 : i32
    %dma_start3A_1153 = tpu.memref_slice %arg4[%squeeze3A_1140, %add3A, %dma_start3A_1152] : memref<2028x32x85xf32, #tpu.memory_space<hbm>> -> memref<1x1x85xf32, #tpu.memory_space<hbm>>
    %dma_start3A_1154 = tpu.memref_squeeze %dma_start3A_1153 : memref<1x1x85xf32, #tpu.memory_space<hbm>> -> memref<85xf32, #tpu.memory_space<hbm>>
    tpu.enqueue_dma source(%dma_start3A_1154 : memref<85xf32, #tpu.memory_space<hbm>>) target(%dma_start3A_1151 : memref<85xf32, #tpu.memory_space<vmem>>) target_semaphore(%arg11 : memref<!tpu.dma_semaphore, #tpu.memory_space<semaphore_mem>>)
    %slice3A_1155 = vector.extract_strided_slice %add3A_1098 {offsets = [2], sizes = [1], strides = [1]} : vector<16xi32> to vector<1xi32>
    %squeeze3A_1156 = vector.extract %slice3A_1155[0] : i32 from vector<1xi32>
    %dma_start3A_1157 = arith.constant 1 : i32
    %dma_start3A_1158 = arith.constant 18 : i32
    %dma_start3A_1159 = arith.constant 0 : i32
    %dma_start3A_1160 = tpu.memref_slice %arg10[%dma_start3A_1157, %dma_start3A_1158, %dma_start3A_1159] : memref<3x32x85xf32, #tpu.memory_space<vmem>> -> memref<1x1x85xf32, #tpu.memory_space<vmem>>
    %dma_start3A_1161 = tpu.memref_squeeze %dma_start3A_1160 : memref<1x1x85xf32, #tpu.memory_space<vmem>> -> memref<85xf32, #tpu.memory_space<vmem>>
    %dma_start3A_1162 = arith.constant 0 : i32
    %dma_start3A_1163 = tpu.memref_slice %arg4[%squeeze3A_1156, %add3A, %dma_start3A_1162] : memref<2028x32x85xf32, #tpu.memory_space<hbm>> -> memref<1x1x85xf32, #tpu.memory_space<hbm>>
    %dma_start3A_1164 = tpu.memref_squeeze %dma_start3A_1163 : memref<1x1x85xf32, #tpu.memory_space<hbm>> -> memref<85xf32, #tpu.memory_space<hbm>>
    %dma_start3A_1165 = arith.constant 0 : i32
    %dma_start3A_1166 = tpu.memref_slice %arg10[%dma_start3A_1157, %dma_start3A_1158, %dma_start3A_1165] : memref<3x32x85xf32, #tpu.memory_space<vmem>> -> memref<1x1x85xf32, #tpu.memory_space<vmem>>
    %dma_start3A_1167 = tpu.memref_squeeze %dma_start3A_1166 : memref<1x1x85xf32, #tpu.memory_space<vmem>> -> memref<85xf32, #tpu.memory_space<vmem>>
    %dma_start3A_1168 = arith.constant 0 : i32
    %dma_start3A_1169 = tpu.memref_slice %arg4[%squeeze3A_1156, %add3A, %dma_start3A_1168] : memref<2028x32x85xf32, #tpu.memory_space<hbm>> -> memref<1x1x85xf32, #tpu.memory_space<hbm>>
    %dma_start3A_1170 = tpu.memref_squeeze %dma_start3A_1169 : memref<1x1x85xf32, #tpu.memory_space<hbm>> -> memref<85xf32, #tpu.memory_space<hbm>>
    tpu.enqueue_dma source(%dma_start3A_1170 : memref<85xf32, #tpu.memory_space<hbm>>) target(%dma_start3A_1167 : memref<85xf32, #tpu.memory_space<vmem>>) target_semaphore(%arg11 : memref<!tpu.dma_semaphore, #tpu.memory_space<semaphore_mem>>)
    %slice3A_1171 = vector.extract_strided_slice %add3A_1098 {offsets = [3], sizes = [1], strides = [1]} : vector<16xi32> to vector<1xi32>
    %squeeze3A_1172 = vector.extract %slice3A_1171[0] : i32 from vector<1xi32>
    %dma_start3A_1173 = arith.constant 1 : i32
    %dma_start3A_1174 = arith.constant 19 : i32
    %dma_start3A_1175 = arith.constant 0 : i32
    %dma_start3A_1176 = tpu.memref_slice %arg10[%dma_start3A_1173, %dma_start3A_1174, %dma_start3A_1175] : memref<3x32x85xf32, #tpu.memory_space<vmem>> -> memref<1x1x85xf32, #tpu.memory_space<vmem>>
    %dma_start3A_1177 = tpu.memref_squeeze %dma_start3A_1176 : memref<1x1x85xf32, #tpu.memory_space<vmem>> -> memref<85xf32, #tpu.memory_space<vmem>>
    %dma_start3A_1178 = arith.constant 0 : i32
    %dma_start3A_1179 = tpu.memref_slice %arg4[%squeeze3A_1172, %add3A, %dma_start3A_1178] : memref<2028x32x85xf32, #tpu.memory_space<hbm>> -> memref<1x1x85xf32, #tpu.memory_space<hbm>>
    %dma_start3A_1180 = tpu.memref_squeeze %dma_start3A_1179 : memref<1x1x85xf32, #tpu.memory_space<hbm>> -> memref<85xf32, #tpu.memory_space<hbm>>
    %dma_start3A_1181 = arith.constant 0 : i32
    %dma_start3A_1182 = tpu.memref_slice %arg10[%dma_start3A_1173, %dma_start3A_1174, %dma_start3A_1181] : memref<3x32x85xf32, #tpu.memory_space<vmem>> -> memref<1x1x85xf32, #tpu.memory_space<vmem>>
    %dma_start3A_1183 = tpu.memref_squeeze %dma_start3A_1182 : memref<1x1x85xf32, #tpu.memory_space<vmem>> -> memref<85xf32, #tpu.memory_space<vmem>>
    %dma_start3A_1184 = arith.constant 0 : i32
    %dma_start3A_1185 = tpu.memref_slice %arg4[%squeeze3A_1172, %add3A, %dma_start3A_1184] : memref<2028x32x85xf32, #tpu.memory_space<hbm>> -> memref<1x1x85xf32, #tpu.memory_space<hbm>>
    %dma_start3A_1186 = tpu.memref_squeeze %dma_start3A_1185 : memref<1x1x85xf32, #tpu.memory_space<hbm>> -> memref<85xf32, #tpu.memory_space<hbm>>
    tpu.enqueue_dma source(%dma_start3A_1186 : memref<85xf32, #tpu.memory_space<hbm>>) target(%dma_start3A_1183 : memref<85xf32, #tpu.memory_space<vmem>>) target_semaphore(%arg11 : memref<!tpu.dma_semaphore, #tpu.memory_space<semaphore_mem>>)
    %run_scoped3A_1187 = arith.constant 1 : i32
    "tpu.region"() ({
      %run_scoped3A_2634 = tpu.sem_alloc : memref<!tpu.dma_semaphore, #tpu.memory_space<semaphore_mem>>
      %dma_start3A_2635 = arith.constant 0 : i32
      %dma_start3A_2636 = arith.constant 0 : i32
      %dma_start3A_2637 = tpu.memref_slice %arg7[%run_scoped3A_1187, %add3A, %dma_start3A_2635, %dma_start3A_2636] : memref<3x32x4x32xi32, #tpu.memory_space<hbm>> -> memref<1x1x4x32xi32, #tpu.memory_space<hbm>>
      %dma_start3A_2638 = tpu.memref_squeeze %dma_start3A_2637 : memref<1x1x4x32xi32, #tpu.memory_space<hbm>> -> memref<4x32xi32, #tpu.memory_space<hbm>>
      %dma_start3A_2639 = arith.constant 0 : i32
      %dma_start3A_2640 = arith.constant 0 : i32
      %dma_start3A_2641 = tpu.memref_slice %arg7[%run_scoped3A_1187, %add3A, %dma_start3A_2639, %dma_start3A_2640] : memref<3x32x4x32xi32, #tpu.memory_space<hbm>> -> memref<1x1x4x32xi32, #tpu.memory_space<hbm>>
      %dma_start3A_2642 = tpu.memref_squeeze %dma_start3A_2641 : memref<1x1x4x32xi32, #tpu.memory_space<hbm>> -> memref<4x32xi32, #tpu.memory_space<hbm>>
      tpu.enqueue_dma source(%arg9 : memref<4x32xi32, #tpu.memory_space<vmem>>) target(%dma_start3A_2642 : memref<4x32xi32, #tpu.memory_space<hbm>>) target_semaphore(%run_scoped3A_2634 : memref<!tpu.dma_semaphore, #tpu.memory_space<semaphore_mem>>)
      %dma_wait3A_2643 = arith.constant 0 : i32
      %dma_wait3A_2644 = arith.constant 0 : i32
      %dma_wait3A_2645 = tpu.memref_slice %arg7[%run_scoped3A_1187, %add3A, %dma_wait3A_2643, %dma_wait3A_2644] : memref<3x32x4x32xi32, #tpu.memory_space<hbm>> -> memref<1x1x4x32xi32, #tpu.memory_space<hbm>>
      %dma_wait3A_2646 = tpu.memref_squeeze %dma_wait3A_2645 : memref<1x1x4x32xi32, #tpu.memory_space<hbm>> -> memref<4x32xi32, #tpu.memory_space<hbm>>
      %dma_wait3A_2647 = arith.constant 0 : i32
      %dma_wait3A_2648 = arith.constant 0 : i32
      %dma_wait3A_2649 = tpu.memref_slice %arg7[%run_scoped3A_1187, %add3A, %dma_wait3A_2647, %dma_wait3A_2648] : memref<3x32x4x32xi32, #tpu.memory_space<hbm>> -> memref<1x1x4x32xi32, #tpu.memory_space<hbm>>
      %dma_wait3A_2650 = tpu.memref_squeeze %dma_wait3A_2649 : memref<1x1x4x32xi32, #tpu.memory_space<hbm>> -> memref<4x32xi32, #tpu.memory_space<hbm>>
      tpu.wait_dma2 semaphore(%run_scoped3A_2634 : memref<!tpu.dma_semaphore, #tpu.memory_space<semaphore_mem>>) src(%arg9 : memref<4x32xi32, #tpu.memory_space<vmem>>) dst(%dma_wait3A_2650 : memref<4x32xi32, #tpu.memory_space<hbm>>)
      tpu.yield
    }) : () -> ()
    %get3A_1188 = arith.constant 0 : i32
    %get3A_1189 = arith.index_cast %get3A_1188 : i32 to index
    %get3A_1190 = arith.constant 0 : index
    %get3A_1191 = tpu.vector_load %arg8[%get3A_1189, %get3A_1190] {strides = array<i32>} : memref<4x32xf32, #tpu.memory_space<vmem>>, vector<1x16xf32>,
    %get3A_1192 = vector.shape_cast %get3A_1191 : vector<1x16xf32> to vector<16xf32>
    %get3A_1193 = arith.constant 1 : i32
    %get3A_1194 = arith.index_cast %get3A_1193 : i32 to index
    %get3A_1195 = arith.constant 0 : index
    %get3A_1196 = tpu.vector_load %arg8[%get3A_1194, %get3A_1195] {strides = array<i32>} : memref<4x32xf32, #tpu.memory_space<vmem>>, vector<1x16xf32>,
    %get3A_1197 = vector.shape_cast %get3A_1196 : vector<1x16xf32> to vector<16xf32>
    %get3A_1198 = arith.constant 2 : i32
    %get3A_1199 = arith.index_cast %get3A_1198 : i32 to index
    %get3A_1200 = arith.constant 0 : index
    %get3A_1201 = tpu.vector_load %arg8[%get3A_1199, %get3A_1200] {strides = array<i32>} : memref<4x32xf32, #tpu.memory_space<vmem>>, vector<1x16xf32>,
    %get3A_1202 = vector.shape_cast %get3A_1201 : vector<1x16xf32> to vector<16xf32>
    %get3A_1203 = arith.constant 3 : i32
    %get3A_1204 = arith.index_cast %get3A_1203 : i32 to index
    %get3A_1205 = arith.constant 0 : index
    %get3A_1206 = tpu.vector_load %arg8[%get3A_1204, %get3A_1205] {strides = array<i32>} : memref<4x32xf32, #tpu.memory_space<vmem>>, vector<1x16xf32>,
    %get3A_1207 = vector.shape_cast %get3A_1206 : vector<1x16xf32> to vector<16xf32>
    %mul3A_1208 = arith.constant 5.200000e+01 : f32
    %mul3A_1209 = vector.broadcast %mul3A_1208 : f32 to vector<16xf32>
    %mul3A_1210 = arith.mulf %get3A_1192, %mul3A_1209 : vector<16xf32>
    %mul3A_1211 = arith.constant 5.200000e+01 : f32
    %mul3A_1212 = vector.broadcast %mul3A_1211 : f32 to vector<16xf32>
    %mul3A_1213 = arith.mulf %get3A_1197, %mul3A_1212 : vector<16xf32>
    %convert_element_type3A_1214 = arith.fptosi %mul3A_1210 : vector<16xf32> to vector<16xi32>
    %convert_element_type3A_1215 = arith.fptosi %mul3A_1213 : vector<16xf32> to vector<16xi32>
    %min3A_1216 = arith.constant 51 : i32
    %min3A_1217 = vector.broadcast %min3A_1216 : i32 to vector<16xi32>
    %min3A_1218 = arith.minsi %convert_element_type3A_1214, %min3A_1217 : vector<16xi32>
    %min3A_1219 = arith.constant 51 : i32
    %min3A_1220 = vector.broadcast %min3A_1219 : i32 to vector<16xi32>
    %min3A_1221 = arith.minsi %convert_element_type3A_1215, %min3A_1220 : vector<16xi32>
    %mul3A_1222 = arith.constant 5.200000e+01 : f32
    %mul3A_1223 = vector.broadcast %mul3A_1222 : f32 to vector<16xf32>
    %mul3A_1224 = arith.mulf %get3A_1202, %mul3A_1223 : vector<16xf32>
    %mul3A_1225 = arith.constant 5.200000e+01 : f32
    %mul3A_1226 = vector.broadcast %mul3A_1225 : f32 to vector<16xf32>
    %mul3A_1227 = arith.mulf %get3A_1207, %mul3A_1226 : vector<16xf32>
    %min3A_1228 = arith.constant 1.250000e+00 : f32
    %min3A_1229 = vector.broadcast %min3A_1228 : f32 to vector<16xf32>
    %min3A_1230 = arith.minimumf %mul3A_1224, %min3A_1229 : vector<16xf32>
    %min3A_1231 = arith.constant 1.625000e+00 : f32
    %min3A_1232 = vector.broadcast %min3A_1231 : f32 to vector<16xf32>
    %min3A_1233 = arith.minimumf %mul3A_1227, %min3A_1232 : vector<16xf32>
    %mul3A_1234 = arith.mulf %min3A_1230, %min3A_1233 : vector<16xf32>
    %add3A_1235 = arith.constant 2.031250e+00 : f32
    %add3A_1236 = vector.broadcast %add3A_1235 : f32 to vector<16xf32>
    %add3A_1237 = arith.addf %add3A_1236, %mul3A_1224 : vector<16xf32>
    %add3A_1238 = arith.addf %add3A_1237, %mul3A_1227 : vector<16xf32>
    %sub3A_1239 = arith.subf %add3A_1238, %mul3A_1234 : vector<16xf32>
    %gt3A_1240 = arith.constant 0.000000e+00 : f32
    %gt3A_1241 = vector.broadcast %gt3A_1240 : f32 to vector<16xf32>
    %gt3A_1242 = arith.cmpf ogt, %sub3A_1239, %gt3A_1241 : vector<16xf32>
    %div3A_1243 = arith.divf %mul3A_1234, %sub3A_1239 : vector<16xf32>
    %jit3A_1244 = arith.constant 0.000000e+00 : f32
    %broadcast_in_dim3A_1245 = vector.broadcast %jit3A_1244 : f32 to vector<16xf32>
    %select_n3A_1246 = arith.select %gt3A_1242, %div3A_1243, %broadcast_in_dim3A_1245 : vector<16xi1>, vector<16xf32>
    %min3A_1247 = arith.constant 2.000000e+00 : f32
    %min3A_1248 = vector.broadcast %min3A_1247 : f32 to vector<16xf32>
    %min3A_1249 = arith.minimumf %mul3A_1224, %min3A_1248 : vector<16xf32>
    %min3A_1250 = arith.constant 3.750000e+00 : f32
    %min3A_1251 = vector.broadcast %min3A_1250 : f32 to vector<16xf32>
    %min3A_1252 = arith.minimumf %mul3A_1227, %min3A_1251 : vector<16xf32>
    %mul3A_1253 = arith.mulf %min3A_1249, %min3A_1252 : vector<16xf32>
    %add3A_1254 = arith.constant 7.500000e+00 : f32
    %add3A_1255 = vector.broadcast %add3A_1254 : f32 to vector<16xf32>
    %add3A_1256 = arith.addf %add3A_1255, %mul3A_1224 : vector<16xf32>
    %add3A_1257 = arith.addf %add3A_1256, %mul3A_1227 : vector<16xf32>
    %sub3A_1258 = arith.subf %add3A_1257, %mul3A_1253 : vector<16xf32>
    %gt3A_1259 = arith.constant 0.000000e+00 : f32
    %gt3A_1260 = vector.broadcast %gt3A_1259 : f32 to vector<16xf32>
    %gt3A_1261 = arith.cmpf ogt, %sub3A_1258, %gt3A_1260 : vector<16xf32>
    %div3A_1262 = arith.divf %mul3A_1253, %sub3A_1258 : vector<16xf32>
    %jit3A_1263 = arith.constant 0.000000e+00 : f32
    %broadcast_in_dim3A_1264 = vector.broadcast %jit3A_1263 : f32 to vector<16xf32>
    %select_n3A_1265 = arith.select %gt3A_1261, %div3A_1262, %broadcast_in_dim3A_1264 : vector<16xi1>, vector<16xf32>
    %min3A_1266 = arith.constant 4.125000e+00 : f32
    %min3A_1267 = vector.broadcast %min3A_1266 : f32 to vector<16xf32>
    %min3A_1268 = arith.minimumf %mul3A_1224, %min3A_1267 : vector<16xf32>
    %min3A_1269 = arith.constant 2.875000e+00 : f32
    %min3A_1270 = vector.broadcast %min3A_1269 : f32 to vector<16xf32>
    %min3A_1271 = arith.minimumf %mul3A_1227, %min3A_1270 : vector<16xf32>
    %mul3A_1272 = arith.mulf %min3A_1268, %min3A_1271 : vector<16xf32>
    %add3A_1273 = arith.constant 11.859375 : f32
    %add3A_1274 = vector.broadcast %add3A_1273 : f32 to vector<16xf32>
    %add3A_1275 = arith.addf %add3A_1274, %mul3A_1224 : vector<16xf32>
    %add3A_1276 = arith.addf %add3A_1275, %mul3A_1227 : vector<16xf32>
    %sub3A_1277 = arith.subf %add3A_1276, %mul3A_1272 : vector<16xf32>
    %gt3A_1278 = arith.constant 0.000000e+00 : f32
    %gt3A_1279 = vector.broadcast %gt3A_1278 : f32 to vector<16xf32>
    %gt3A_1280 = arith.cmpf ogt, %sub3A_1277, %gt3A_1279 : vector<16xf32>
    %div3A_1281 = arith.divf %mul3A_1272, %sub3A_1277 : vector<16xf32>
    %jit3A_1282 = arith.constant 0.000000e+00 : f32
    %broadcast_in_dim3A_1283 = vector.broadcast %jit3A_1282 : f32 to vector<16xf32>
    %select_n3A_1284 = arith.select %gt3A_1280, %div3A_1281, %broadcast_in_dim3A_1283 : vector<16xi1>, vector<16xf32>
    %gt3A_1285 = arith.cmpf ogt, %select_n3A_1265, %select_n3A_1246 : vector<16xf32>
    %broadcast_in_dim3A_1286 = arith.constant 1 : i32
    %broadcast_in_dim3A_1287 = vector.broadcast %broadcast_in_dim3A_1286 : i32 to vector<16xi32>
    %broadcast_in_dim3A_1288 = arith.constant 0 : i32
    %broadcast_in_dim3A_1289 = vector.broadcast %broadcast_in_dim3A_1288 : i32 to vector<16xi32>
    %select_n3A_1290 = arith.select %gt3A_1285, %broadcast_in_dim3A_1287, %broadcast_in_dim3A_1289 : vector<16xi1>, vector<16xi32>
    %max3A_1291 = arith.maximumf %select_n3A_1246, %select_n3A_1265 : vector<16xf32>
    %gt3A_1292 = arith.cmpf ogt, %select_n3A_1284, %max3A_1291 : vector<16xf32>
    %broadcast_in_dim3A_1293 = arith.constant 2 : i32
    %broadcast_in_dim3A_1294 = vector.broadcast %broadcast_in_dim3A_1293 : i32 to vector<16xi32>
    %select_n3A_1295 = arith.select %gt3A_1292, %broadcast_in_dim3A_1294, %select_n3A_1290 : vector<16xi1>, vector<16xi32>
    %mul3A_1296 = arith.constant 52 : i32
    %mul3A_1297 = vector.broadcast %mul3A_1296 : i32 to vector<16xi32>
    %mul3A_1298 = arith.muli %select_n3A_1295, %mul3A_1297 : vector<16xi32>
    %add3A_1299 = arith.addi %mul3A_1298, %min3A_1221 : vector<16xi32>
    %mul3A_1300 = arith.constant 52 : i32
    %mul3A_1301 = vector.broadcast %mul3A_1300 : i32 to vector<16xi32>
    %mul3A_1302 = arith.muli %add3A_1299, %mul3A_1301 : vector<16xi32>
    %add3A_1303 = arith.addi %mul3A_1302, %min3A_1218 : vector<16xi32>
    %swap3A_1304 = arith.constant 0 : i32
    %swap3A_1305 = arith.index_cast %swap3A_1304 : i32 to index
    %swap3A_1306 = arith.constant 0 : index
    %swap3A_1307 = tpu.vector_load %arg9[%swap3A_1305, %swap3A_1306] {strides = array<i32>} : memref<4x32xi32, #tpu.memory_space<vmem>>, vector<1x16xi32>,
    %swap3A_1308 = vector.shape_cast %swap3A_1307 : vector<1x16xi32> to vector<16xi32>
    %swap3A_1309 = vector.shape_cast %add3A_1303 : vector<16xi32> to vector<1x16xi32>
    tpu.vector_store %arg9[%swap3A_1305, %swap3A_1306], %swap3A_1309 {strides = array<i32>} : memref<4x32xi32, #tpu.memory_space<vmem>>, vector<1x16xi32>,
    %swap3A_1310 = arith.constant 1 : i32
    %swap3A_1311 = arith.index_cast %swap3A_1310 : i32 to index
    %swap3A_1312 = arith.constant 0 : index
    %swap3A_1313 = tpu.vector_load %arg9[%swap3A_1311, %swap3A_1312] {strides = array<i32>} : memref<4x32xi32, #tpu.memory_space<vmem>>, vector<1x16xi32>,
    %swap3A_1314 = vector.shape_cast %swap3A_1313 : vector<1x16xi32> to vector<16xi32>
    %swap3A_1315 = vector.shape_cast %select_n3A_1295 : vector<16xi32> to vector<1x16xi32>
    tpu.vector_store %arg9[%swap3A_1311, %swap3A_1312], %swap3A_1315 {strides = array<i32>} : memref<4x32xi32, #tpu.memory_space<vmem>>, vector<1x16xi32>,
    %swap3A_1316 = arith.constant 2 : i32
    %swap3A_1317 = arith.index_cast %swap3A_1316 : i32 to index
    %swap3A_1318 = arith.constant 0 : index
    %swap3A_1319 = tpu.vector_load %arg9[%swap3A_1317, %swap3A_1318] {strides = array<i32>} : memref<4x32xi32, #tpu.memory_space<vmem>>, vector<1x16xi32>,
    %swap3A_1320 = vector.shape_cast %swap3A_1319 : vector<1x16xi32> to vector<16xi32>
    %swap3A_1321 = vector.shape_cast %min3A_1221 : vector<16xi32> to vector<1x16xi32>
    tpu.vector_store %arg9[%swap3A_1317, %swap3A_1318], %swap3A_1321 {strides = array<i32>} : memref<4x32xi32, #tpu.memory_space<vmem>>, vector<1x16xi32>,
    %swap3A_1322 = arith.constant 3 : i32
    %swap3A_1323 = arith.index_cast %swap3A_1322 : i32 to index
    %swap3A_1324 = arith.constant 0 : index
    %swap3A_1325 = tpu.vector_load %arg9[%swap3A_1323, %swap3A_1324] {strides = array<i32>} : memref<4x32xi32, #tpu.memory_space<vmem>>, vector<1x16xi32>,
    %swap3A_1326 = vector.shape_cast %swap3A_1325 : vector<1x16xi32> to vector<16xi32>
    %swap3A_1327 = vector.shape_cast %min3A_1218 : vector<16xi32> to vector<1x16xi32>
    tpu.vector_store %arg9[%swap3A_1323, %swap3A_1324], %swap3A_1327 {strides = array<i32>} : memref<4x32xi32, #tpu.memory_space<vmem>>, vector<1x16xi32>,
    %slice3A_1328 = vector.extract_strided_slice %add3A_1303 {offsets = [0], sizes = [1], strides = [1]} : vector<16xi32> to vector<1xi32>
    %squeeze3A_1329 = vector.extract %slice3A_1328[0] : i32 from vector<1xi32>
    %dma_start3A_1330 = arith.constant 2 : i32
    %dma_start3A_1331 = arith.constant 0 : i32
    %dma_start3A_1332 = arith.constant 0 : i32
    %dma_start3A_1333 = tpu.memref_slice %arg10[%dma_start3A_1330, %dma_start3A_1331, %dma_start3A_1332] : memref<3x32x85xf32, #tpu.memory_space<vmem>> -> memref<1x1x85xf32, #tpu.memory_space<vmem>>
    %dma_start3A_1334 = tpu.memref_squeeze %dma_start3A_1333 : memref<1x1x85xf32, #tpu.memory_space<vmem>> -> memref<85xf32, #tpu.memory_space<vmem>>
    %dma_start3A_1335 = arith.constant 0 : i32
    %dma_start3A_1336 = tpu.memref_slice %arg5[%squeeze3A_1329, %add3A, %dma_start3A_1335] : memref<8112x32x85xf32, #tpu.memory_space<hbm>> -> memref<1x1x85xf32, #tpu.memory_space<hbm>>
    %dma_start3A_1337 = tpu.memref_squeeze %dma_start3A_1336 : memref<1x1x85xf32, #tpu.memory_space<hbm>> -> memref<85xf32, #tpu.memory_space<hbm>>
    %dma_start3A_1338 = arith.constant 0 : i32
    %dma_start3A_1339 = tpu.memref_slice %arg10[%dma_start3A_1330, %dma_start3A_1331, %dma_start3A_1338] : memref<3x32x85xf32, #tpu.memory_space<vmem>> -> memref<1x1x85xf32, #tpu.memory_space<vmem>>
    %dma_start3A_1340 = tpu.memref_squeeze %dma_start3A_1339 : memref<1x1x85xf32, #tpu.memory_space<vmem>> -> memref<85xf32, #tpu.memory_space<vmem>>
    %dma_start3A_1341 = arith.constant 0 : i32
    %dma_start3A_1342 = tpu.memref_slice %arg5[%squeeze3A_1329, %add3A, %dma_start3A_1341] : memref<8112x32x85xf32, #tpu.memory_space<hbm>> -> memref<1x1x85xf32, #tpu.memory_space<hbm>>
    %dma_start3A_1343 = tpu.memref_squeeze %dma_start3A_1342 : memref<1x1x85xf32, #tpu.memory_space<hbm>> -> memref<85xf32, #tpu.memory_space<hbm>>
    tpu.enqueue_dma source(%dma_start3A_1343 : memref<85xf32, #tpu.memory_space<hbm>>) target(%dma_start3A_1340 : memref<85xf32, #tpu.memory_space<vmem>>) target_semaphore(%arg11 : memref<!tpu.dma_semaphore, #tpu.memory_space<semaphore_mem>>)
    %slice3A_1344 = vector.extract_strided_slice %add3A_1303 {offsets = [1], sizes = [1], strides = [1]} : vector<16xi32> to vector<1xi32>
    %squeeze3A_1345 = vector.extract %slice3A_1344[0] : i32 from vector<1xi32>
    %dma_start3A_1346 = arith.constant 2 : i32
    %dma_start3A_1347 = arith.constant 1 : i32
    %dma_start3A_1348 = arith.constant 0 : i32
    %dma_start3A_1349 = tpu.memref_slice %arg10[%dma_start3A_1346, %dma_start3A_1347, %dma_start3A_1348] : memref<3x32x85xf32, #tpu.memory_space<vmem>> -> memref<1x1x85xf32, #tpu.memory_space<vmem>>
    %dma_start3A_1350 = tpu.memref_squeeze %dma_start3A_1349 : memref<1x1x85xf32, #tpu.memory_space<vmem>> -> memref<85xf32, #tpu.memory_space<vmem>>
    %dma_start3A_1351 = arith.constant 0 : i32
    %dma_start3A_1352 = tpu.memref_slice %arg5[%squeeze3A_1345, %add3A, %dma_start3A_1351] : memref<8112x32x85xf32, #tpu.memory_space<hbm>> -> memref<1x1x85xf32, #tpu.memory_space<hbm>>
    %dma_start3A_1353 = tpu.memref_squeeze %dma_start3A_1352 : memref<1x1x85xf32, #tpu.memory_space<hbm>> -> memref<85xf32, #tpu.memory_space<hbm>>
    %dma_start3A_1354 = arith.constant 0 : i32
    %dma_start3A_1355 = tpu.memref_slice %arg10[%dma_start3A_1346, %dma_start3A_1347, %dma_start3A_1354] : memref<3x32x85xf32, #tpu.memory_space<vmem>> -> memref<1x1x85xf32, #tpu.memory_space<vmem>>
    %dma_start3A_1356 = tpu.memref_squeeze %dma_start3A_1355 : memref<1x1x85xf32, #tpu.memory_space<vmem>> -> memref<85xf32, #tpu.memory_space<vmem>>
    %dma_start3A_1357 = arith.constant 0 : i32
    %dma_start3A_1358 = tpu.memref_slice %arg5[%squeeze3A_1345, %add3A, %dma_start3A_1357] : memref<8112x32x85xf32, #tpu.memory_space<hbm>> -> memref<1x1x85xf32, #tpu.memory_space<hbm>>
    %dma_start3A_1359 = tpu.memref_squeeze %dma_start3A_1358 : memref<1x1x85xf32, #tpu.memory_space<hbm>> -> memref<85xf32, #tpu.memory_space<hbm>>
    tpu.enqueue_dma source(%dma_start3A_1359 : memref<85xf32, #tpu.memory_space<hbm>>) target(%dma_start3A_1356 : memref<85xf32, #tpu.memory_space<vmem>>) target_semaphore(%arg11 : memref<!tpu.dma_semaphore, #tpu.memory_space<semaphore_mem>>)
    %slice3A_1360 = vector.extract_strided_slice %add3A_1303 {offsets = [2], sizes = [1], strides = [1]} : vector<16xi32> to vector<1xi32>
    %squeeze3A_1361 = vector.extract %slice3A_1360[0] : i32 from vector<1xi32>
    %dma_start3A_1362 = arith.constant 2 : i32
    %dma_start3A_1363 = arith.constant 2 : i32
    %dma_start3A_1364 = arith.constant 0 : i32
    %dma_start3A_1365 = tpu.memref_slice %arg10[%dma_start3A_1362, %dma_start3A_1363, %dma_start3A_1364] : memref<3x32x85xf32, #tpu.memory_space<vmem>> -> memref<1x1x85xf32, #tpu.memory_space<vmem>>
    %dma_start3A_1366 = tpu.memref_squeeze %dma_start3A_1365 : memref<1x1x85xf32, #tpu.memory_space<vmem>> -> memref<85xf32, #tpu.memory_space<vmem>>
    %dma_start3A_1367 = arith.constant 0 : i32
    %dma_start3A_1368 = tpu.memref_slice %arg5[%squeeze3A_1361, %add3A, %dma_start3A_1367] : memref<8112x32x85xf32, #tpu.memory_space<hbm>> -> memref<1x1x85xf32, #tpu.memory_space<hbm>>
    %dma_start3A_1369 = tpu.memref_squeeze %dma_start3A_1368 : memref<1x1x85xf32, #tpu.memory_space<hbm>> -> memref<85xf32, #tpu.memory_space<hbm>>
    %dma_start3A_1370 = arith.constant 0 : i32
    %dma_start3A_1371 = tpu.memref_slice %arg10[%dma_start3A_1362, %dma_start3A_1363, %dma_start3A_1370] : memref<3x32x85xf32, #tpu.memory_space<vmem>> -> memref<1x1x85xf32, #tpu.memory_space<vmem>>
    %dma_start3A_1372 = tpu.memref_squeeze %dma_start3A_1371 : memref<1x1x85xf32, #tpu.memory_space<vmem>> -> memref<85xf32, #tpu.memory_space<vmem>>
    %dma_start3A_1373 = arith.constant 0 : i32
    %dma_start3A_1374 = tpu.memref_slice %arg5[%squeeze3A_1361, %add3A, %dma_start3A_1373] : memref<8112x32x85xf32, #tpu.memory_space<hbm>> -> memref<1x1x85xf32, #tpu.memory_space<hbm>>
    %dma_start3A_1375 = tpu.memref_squeeze %dma_start3A_1374 : memref<1x1x85xf32, #tpu.memory_space<hbm>> -> memref<85xf32, #tpu.memory_space<hbm>>
    tpu.enqueue_dma source(%dma_start3A_1375 : memref<85xf32, #tpu.memory_space<hbm>>) target(%dma_start3A_1372 : memref<85xf32, #tpu.memory_space<vmem>>) target_semaphore(%arg11 : memref<!tpu.dma_semaphore, #tpu.memory_space<semaphore_mem>>)
    %slice3A_1376 = vector.extract_strided_slice %add3A_1303 {offsets = [3], sizes = [1], strides = [1]} : vector<16xi32> to vector<1xi32>
    %squeeze3A_1377 = vector.extract %slice3A_1376[0] : i32 from vector<1xi32>
    %dma_start3A_1378 = arith.constant 2 : i32
    %dma_start3A_1379 = arith.constant 3 : i32
    %dma_start3A_1380 = arith.constant 0 : i32
    %dma_start3A_1381 = tpu.memref_slice %arg10[%dma_start3A_1378, %dma_start3A_1379, %dma_start3A_1380] : memref<3x32x85xf32, #tpu.memory_space<vmem>> -> memref<1x1x85xf32, #tpu.memory_space<vmem>>
    %dma_start3A_1382 = tpu.memref_squeeze %dma_start3A_1381 : memref<1x1x85xf32, #tpu.memory_space<vmem>> -> memref<85xf32, #tpu.memory_space<vmem>>
    %dma_start3A_1383 = arith.constant 0 : i32
    %dma_start3A_1384 = tpu.memref_slice %arg5[%squeeze3A_1377, %add3A, %dma_start3A_1383] : memref<8112x32x85xf32, #tpu.memory_space<hbm>> -> memref<1x1x85xf32, #tpu.memory_space<hbm>>
    %dma_start3A_1385 = tpu.memref_squeeze %dma_start3A_1384 : memref<1x1x85xf32, #tpu.memory_space<hbm>> -> memref<85xf32, #tpu.memory_space<hbm>>
    %dma_start3A_1386 = arith.constant 0 : i32
    %dma_start3A_1387 = tpu.memref_slice %arg10[%dma_start3A_1378, %dma_start3A_1379, %dma_start3A_1386] : memref<3x32x85xf32, #tpu.memory_space<vmem>> -> memref<1x1x85xf32, #tpu.memory_space<vmem>>
    %dma_start3A_1388 = tpu.memref_squeeze %dma_start3A_1387 : memref<1x1x85xf32, #tpu.memory_space<vmem>> -> memref<85xf32, #tpu.memory_space<vmem>>
    %dma_start3A_1389 = arith.constant 0 : i32
    %dma_start3A_1390 = tpu.memref_slice %arg5[%squeeze3A_1377, %add3A, %dma_start3A_1389] : memref<8112x32x85xf32, #tpu.memory_space<hbm>> -> memref<1x1x85xf32, #tpu.memory_space<hbm>>
    %dma_start3A_1391 = tpu.memref_squeeze %dma_start3A_1390 : memref<1x1x85xf32, #tpu.memory_space<hbm>> -> memref<85xf32, #tpu.memory_space<hbm>>
    tpu.enqueue_dma source(%dma_start3A_1391 : memref<85xf32, #tpu.memory_space<hbm>>) target(%dma_start3A_1388 : memref<85xf32, #tpu.memory_space<vmem>>) target_semaphore(%arg11 : memref<!tpu.dma_semaphore, #tpu.memory_space<semaphore_mem>>)
    %slice3A_1392 = vector.extract_strided_slice %add3A_1303 {offsets = [4], sizes = [1], strides = [1]} : vector<16xi32> to vector<1xi32>
    %squeeze3A_1393 = vector.extract %slice3A_1392[0] : i32 from vector<1xi32>
    %dma_start3A_1394 = arith.constant 2 : i32
    %dma_start3A_1395 = arith.constant 4 : i32
    %dma_start3A_1396 = arith.constant 0 : i32
    %dma_start3A_1397 = tpu.memref_slice %arg10[%dma_start3A_1394, %dma_start3A_1395, %dma_start3A_1396] : memref<3x32x85xf32, #tpu.memory_space<vmem>> -> memref<1x1x85xf32, #tpu.memory_space<vmem>>
    %dma_start3A_1398 = tpu.memref_squeeze %dma_start3A_1397 : memref<1x1x85xf32, #tpu.memory_space<vmem>> -> memref<85xf32, #tpu.memory_space<vmem>>
    %dma_start3A_1399 = arith.constant 0 : i32
    %dma_start3A_1400 = tpu.memref_slice %arg5[%squeeze3A_1393, %add3A, %dma_start3A_1399] : memref<8112x32x85xf32, #tpu.memory_space<hbm>> -> memref<1x1x85xf32, #tpu.memory_space<hbm>>
    %dma_start3A_1401 = tpu.memref_squeeze %dma_start3A_1400 : memref<1x1x85xf32, #tpu.memory_space<hbm>> -> memref<85xf32, #tpu.memory_space<hbm>>
    %dma_start3A_1402 = arith.constant 0 : i32
    %dma_start3A_1403 = tpu.memref_slice %arg10[%dma_start3A_1394, %dma_start3A_1395, %dma_start3A_1402] : memref<3x32x85xf32, #tpu.memory_space<vmem>> -> memref<1x1x85xf32, #tpu.memory_space<vmem>>
    %dma_start3A_1404 = tpu.memref_squeeze %dma_start3A_1403 : memref<1x1x85xf32, #tpu.memory_space<vmem>> -> memref<85xf32, #tpu.memory_space<vmem>>
    %dma_start3A_1405 = arith.constant 0 : i32
    %dma_start3A_1406 = tpu.memref_slice %arg5[%squeeze3A_1393, %add3A, %dma_start3A_1405] : memref<8112x32x85xf32, #tpu.memory_space<hbm>> -> memref<1x1x85xf32, #tpu.memory_space<hbm>>
    %dma_start3A_1407 = tpu.memref_squeeze %dma_start3A_1406 : memref<1x1x85xf32, #tpu.memory_space<hbm>> -> memref<85xf32, #tpu.memory_space<hbm>>
    tpu.enqueue_dma source(%dma_start3A_1407 : memref<85xf32, #tpu.memory_space<hbm>>) target(%dma_start3A_1404 : memref<85xf32, #tpu.memory_space<vmem>>) target_semaphore(%arg11 : memref<!tpu.dma_semaphore, #tpu.memory_space<semaphore_mem>>)
    %slice3A_1408 = vector.extract_strided_slice %add3A_1303 {offsets = [5], sizes = [1], strides = [1]} : vector<16xi32> to vector<1xi32>
    %squeeze3A_1409 = vector.extract %slice3A_1408[0] : i32 from vector<1xi32>
    %dma_start3A_1410 = arith.constant 2 : i32
    %dma_start3A_1411 = arith.constant 5 : i32
    %dma_start3A_1412 = arith.constant 0 : i32
    %dma_start3A_1413 = tpu.memref_slice %arg10[%dma_start3A_1410, %dma_start3A_1411, %dma_start3A_1412] : memref<3x32x85xf32, #tpu.memory_space<vmem>> -> memref<1x1x85xf32, #tpu.memory_space<vmem>>
    %dma_start3A_1414 = tpu.memref_squeeze %dma_start3A_1413 : memref<1x1x85xf32, #tpu.memory_space<vmem>> -> memref<85xf32, #tpu.memory_space<vmem>>
    %dma_start3A_1415 = arith.constant 0 : i32
    %dma_start3A_1416 = tpu.memref_slice %arg5[%squeeze3A_1409, %add3A, %dma_start3A_1415] : memref<8112x32x85xf32, #tpu.memory_space<hbm>> -> memref<1x1x85xf32, #tpu.memory_space<hbm>>
    %dma_start3A_1417 = tpu.memref_squeeze %dma_start3A_1416 : memref<1x1x85xf32, #tpu.memory_space<hbm>> -> memref<85xf32, #tpu.memory_space<hbm>>
    %dma_start3A_1418 = arith.constant 0 : i32
    %dma_start3A_1419 = tpu.memref_slice %arg10[%dma_start3A_1410, %dma_start3A_1411, %dma_start3A_1418] : memref<3x32x85xf32, #tpu.memory_space<vmem>> -> memref<1x1x85xf32, #tpu.memory_space<vmem>>
    %dma_start3A_1420 = tpu.memref_squeeze %dma_start3A_1419 : memref<1x1x85xf32, #tpu.memory_space<vmem>> -> memref<85xf32, #tpu.memory_space<vmem>>
    %dma_start3A_1421 = arith.constant 0 : i32
    %dma_start3A_1422 = tpu.memref_slice %arg5[%squeeze3A_1409, %add3A, %dma_start3A_1421] : memref<8112x32x85xf32, #tpu.memory_space<hbm>> -> memref<1x1x85xf32, #tpu.memory_space<hbm>>
    %dma_start3A_1423 = tpu.memref_squeeze %dma_start3A_1422 : memref<1x1x85xf32, #tpu.memory_space<hbm>> -> memref<85xf32, #tpu.memory_space<hbm>>
    tpu.enqueue_dma source(%dma_start3A_1423 : memref<85xf32, #tpu.memory_space<hbm>>) target(%dma_start3A_1420 : memref<85xf32, #tpu.memory_space<vmem>>) target_semaphore(%arg11 : memref<!tpu.dma_semaphore, #tpu.memory_space<semaphore_mem>>)
    %slice3A_1424 = vector.extract_strided_slice %add3A_1303 {offsets = [6], sizes = [1], strides = [1]} : vector<16xi32> to vector<1xi32>
    %squeeze3A_1425 = vector.extract %slice3A_1424[0] : i32 from vector<1xi32>
    %dma_start3A_1426 = arith.constant 2 : i32
    %dma_start3A_1427 = arith.constant 6 : i32
    %dma_start3A_1428 = arith.constant 0 : i32
    %dma_start3A_1429 = tpu.memref_slice %arg10[%dma_start3A_1426, %dma_start3A_1427, %dma_start3A_1428] : memref<3x32x85xf32, #tpu.memory_space<vmem>> -> memref<1x1x85xf32, #tpu.memory_space<vmem>>
    %dma_start3A_1430 = tpu.memref_squeeze %dma_start3A_1429 : memref<1x1x85xf32, #tpu.memory_space<vmem>> -> memref<85xf32, #tpu.memory_space<vmem>>
    %dma_start3A_1431 = arith.constant 0 : i32
    %dma_start3A_1432 = tpu.memref_slice %arg5[%squeeze3A_1425, %add3A, %dma_start3A_1431] : memref<8112x32x85xf32, #tpu.memory_space<hbm>> -> memref<1x1x85xf32, #tpu.memory_space<hbm>>
    %dma_start3A_1433 = tpu.memref_squeeze %dma_start3A_1432 : memref<1x1x85xf32, #tpu.memory_space<hbm>> -> memref<85xf32, #tpu.memory_space<hbm>>
    %dma_start3A_1434 = arith.constant 0 : i32
    %dma_start3A_1435 = tpu.memref_slice %arg10[%dma_start3A_1426, %dma_start3A_1427, %dma_start3A_1434] : memref<3x32x85xf32, #tpu.memory_space<vmem>> -> memref<1x1x85xf32, #tpu.memory_space<vmem>>
    %dma_start3A_1436 = tpu.memref_squeeze %dma_start3A_1435 : memref<1x1x85xf32, #tpu.memory_space<vmem>> -> memref<85xf32, #tpu.memory_space<vmem>>
    %dma_start3A_1437 = arith.constant 0 : i32
    %dma_start3A_1438 = tpu.memref_slice %arg5[%squeeze3A_1425, %add3A, %dma_start3A_1437] : memref<8112x32x85xf32, #tpu.memory_space<hbm>> -> memref<1x1x85xf32, #tpu.memory_space<hbm>>
    %dma_start3A_1439 = tpu.memref_squeeze %dma_start3A_1438 : memref<1x1x85xf32, #tpu.memory_space<hbm>> -> memref<85xf32, #tpu.memory_space<hbm>>
    tpu.enqueue_dma source(%dma_start3A_1439 : memref<85xf32, #tpu.memory_space<hbm>>) target(%dma_start3A_1436 : memref<85xf32, #tpu.memory_space<vmem>>) target_semaphore(%arg11 : memref<!tpu.dma_semaphore, #tpu.memory_space<semaphore_mem>>)
    %slice3A_1440 = vector.extract_strided_slice %add3A_1303 {offsets = [7], sizes = [1], strides = [1]} : vector<16xi32> to vector<1xi32>
    %squeeze3A_1441 = vector.extract %slice3A_1440[0] : i32 from vector<1xi32>
    %dma_start3A_1442 = arith.constant 2 : i32
    %dma_start3A_1443 = arith.constant 7 : i32
    %dma_start3A_1444 = arith.constant 0 : i32
    %dma_start3A_1445 = tpu.memref_slice %arg10[%dma_start3A_1442, %dma_start3A_1443, %dma_start3A_1444] : memref<3x32x85xf32, #tpu.memory_space<vmem>> -> memref<1x1x85xf32, #tpu.memory_space<vmem>>
    %dma_start3A_1446 = tpu.memref_squeeze %dma_start3A_1445 : memref<1x1x85xf32, #tpu.memory_space<vmem>> -> memref<85xf32, #tpu.memory_space<vmem>>
    %dma_start3A_1447 = arith.constant 0 : i32
    %dma_start3A_1448 = tpu.memref_slice %arg5[%squeeze3A_1441, %add3A, %dma_start3A_1447] : memref<8112x32x85xf32, #tpu.memory_space<hbm>> -> memref<1x1x85xf32, #tpu.memory_space<hbm>>
    %dma_start3A_1449 = tpu.memref_squeeze %dma_start3A_1448 : memref<1x1x85xf32, #tpu.memory_space<hbm>> -> memref<85xf32, #tpu.memory_space<hbm>>
    %dma_start3A_1450 = arith.constant 0 : i32
    %dma_start3A_1451 = tpu.memref_slice %arg10[%dma_start3A_1442, %dma_start3A_1443, %dma_start3A_1450] : memref<3x32x85xf32, #tpu.memory_space<vmem>> -> memref<1x1x85xf32, #tpu.memory_space<vmem>>
    %dma_start3A_1452 = tpu.memref_squeeze %dma_start3A_1451 : memref<1x1x85xf32, #tpu.memory_space<vmem>> -> memref<85xf32, #tpu.memory_space<vmem>>
    %dma_start3A_1453 = arith.constant 0 : i32
    %dma_start3A_1454 = tpu.memref_slice %arg5[%squeeze3A_1441, %add3A, %dma_start3A_1453] : memref<8112x32x85xf32, #tpu.memory_space<hbm>> -> memref<1x1x85xf32, #tpu.memory_space<hbm>>
    %dma_start3A_1455 = tpu.memref_squeeze %dma_start3A_1454 : memref<1x1x85xf32, #tpu.memory_space<hbm>> -> memref<85xf32, #tpu.memory_space<hbm>>
    tpu.enqueue_dma source(%dma_start3A_1455 : memref<85xf32, #tpu.memory_space<hbm>>) target(%dma_start3A_1452 : memref<85xf32, #tpu.memory_space<vmem>>) target_semaphore(%arg11 : memref<!tpu.dma_semaphore, #tpu.memory_space<semaphore_mem>>)
    %slice3A_1456 = vector.extract_strided_slice %add3A_1303 {offsets = [8], sizes = [1], strides = [1]} : vector<16xi32> to vector<1xi32>
    %squeeze3A_1457 = vector.extract %slice3A_1456[0] : i32 from vector<1xi32>
    %dma_start3A_1458 = arith.constant 2 : i32
    %dma_start3A_1459 = arith.constant 8 : i32
    %dma_start3A_1460 = arith.constant 0 : i32
    %dma_start3A_1461 = tpu.memref_slice %arg10[%dma_start3A_1458, %dma_start3A_1459, %dma_start3A_1460] : memref<3x32x85xf32, #tpu.memory_space<vmem>> -> memref<1x1x85xf32, #tpu.memory_space<vmem>>
    %dma_start3A_1462 = tpu.memref_squeeze %dma_start3A_1461 : memref<1x1x85xf32, #tpu.memory_space<vmem>> -> memref<85xf32, #tpu.memory_space<vmem>>
    %dma_start3A_1463 = arith.constant 0 : i32
    %dma_start3A_1464 = tpu.memref_slice %arg5[%squeeze3A_1457, %add3A, %dma_start3A_1463] : memref<8112x32x85xf32, #tpu.memory_space<hbm>> -> memref<1x1x85xf32, #tpu.memory_space<hbm>>
    %dma_start3A_1465 = tpu.memref_squeeze %dma_start3A_1464 : memref<1x1x85xf32, #tpu.memory_space<hbm>> -> memref<85xf32, #tpu.memory_space<hbm>>
    %dma_start3A_1466 = arith.constant 0 : i32
    %dma_start3A_1467 = tpu.memref_slice %arg10[%dma_start3A_1458, %dma_start3A_1459, %dma_start3A_1466] : memref<3x32x85xf32, #tpu.memory_space<vmem>> -> memref<1x1x85xf32, #tpu.memory_space<vmem>>
    %dma_start3A_1468 = tpu.memref_squeeze %dma_start3A_1467 : memref<1x1x85xf32, #tpu.memory_space<vmem>> -> memref<85xf32, #tpu.memory_space<vmem>>
    %dma_start3A_1469 = arith.constant 0 : i32
    %dma_start3A_1470 = tpu.memref_slice %arg5[%squeeze3A_1457, %add3A, %dma_start3A_1469] : memref<8112x32x85xf32, #tpu.memory_space<hbm>> -> memref<1x1x85xf32, #tpu.memory_space<hbm>>
    %dma_start3A_1471 = tpu.memref_squeeze %dma_start3A_1470 : memref<1x1x85xf32, #tpu.memory_space<hbm>> -> memref<85xf32, #tpu.memory_space<hbm>>
    tpu.enqueue_dma source(%dma_start3A_1471 : memref<85xf32, #tpu.memory_space<hbm>>) target(%dma_start3A_1468 : memref<85xf32, #tpu.memory_space<vmem>>) target_semaphore(%arg11 : memref<!tpu.dma_semaphore, #tpu.memory_space<semaphore_mem>>)
    %slice3A_1472 = vector.extract_strided_slice %add3A_1303 {offsets = [9], sizes = [1], strides = [1]} : vector<16xi32> to vector<1xi32>
    %squeeze3A_1473 = vector.extract %slice3A_1472[0] : i32 from vector<1xi32>
    %dma_start3A_1474 = arith.constant 2 : i32
    %dma_start3A_1475 = arith.constant 9 : i32
    %dma_start3A_1476 = arith.constant 0 : i32
    %dma_start3A_1477 = tpu.memref_slice %arg10[%dma_start3A_1474, %dma_start3A_1475, %dma_start3A_1476] : memref<3x32x85xf32, #tpu.memory_space<vmem>> -> memref<1x1x85xf32, #tpu.memory_space<vmem>>
    %dma_start3A_1478 = tpu.memref_squeeze %dma_start3A_1477 : memref<1x1x85xf32, #tpu.memory_space<vmem>> -> memref<85xf32, #tpu.memory_space<vmem>>
    %dma_start3A_1479 = arith.constant 0 : i32
    %dma_start3A_1480 = tpu.memref_slice %arg5[%squeeze3A_1473, %add3A, %dma_start3A_1479] : memref<8112x32x85xf32, #tpu.memory_space<hbm>> -> memref<1x1x85xf32, #tpu.memory_space<hbm>>
    %dma_start3A_1481 = tpu.memref_squeeze %dma_start3A_1480 : memref<1x1x85xf32, #tpu.memory_space<hbm>> -> memref<85xf32, #tpu.memory_space<hbm>>
    %dma_start3A_1482 = arith.constant 0 : i32
    %dma_start3A_1483 = tpu.memref_slice %arg10[%dma_start3A_1474, %dma_start3A_1475, %dma_start3A_1482] : memref<3x32x85xf32, #tpu.memory_space<vmem>> -> memref<1x1x85xf32, #tpu.memory_space<vmem>>
    %dma_start3A_1484 = tpu.memref_squeeze %dma_start3A_1483 : memref<1x1x85xf32, #tpu.memory_space<vmem>> -> memref<85xf32, #tpu.memory_space<vmem>>
    %dma_start3A_1485 = arith.constant 0 : i32
    %dma_start3A_1486 = tpu.memref_slice %arg5[%squeeze3A_1473, %add3A, %dma_start3A_1485] : memref<8112x32x85xf32, #tpu.memory_space<hbm>> -> memref<1x1x85xf32, #tpu.memory_space<hbm>>
    %dma_start3A_1487 = tpu.memref_squeeze %dma_start3A_1486 : memref<1x1x85xf32, #tpu.memory_space<hbm>> -> memref<85xf32, #tpu.memory_space<hbm>>
    tpu.enqueue_dma source(%dma_start3A_1487 : memref<85xf32, #tpu.memory_space<hbm>>) target(%dma_start3A_1484 : memref<85xf32, #tpu.memory_space<vmem>>) target_semaphore(%arg11 : memref<!tpu.dma_semaphore, #tpu.memory_space<semaphore_mem>>)
    %slice3A_1488 = vector.extract_strided_slice %add3A_1303 {offsets = [10], sizes = [1], strides = [1]} : vector<16xi32> to vector<1xi32>
    %squeeze3A_1489 = vector.extract %slice3A_1488[0] : i32 from vector<1xi32>
    %dma_start3A_1490 = arith.constant 2 : i32
    %dma_start3A_1491 = arith.constant 10 : i32
    %dma_start3A_1492 = arith.constant 0 : i32
    %dma_start3A_1493 = tpu.memref_slice %arg10[%dma_start3A_1490, %dma_start3A_1491, %dma_start3A_1492] : memref<3x32x85xf32, #tpu.memory_space<vmem>> -> memref<1x1x85xf32, #tpu.memory_space<vmem>>
    %dma_start3A_1494 = tpu.memref_squeeze %dma_start3A_1493 : memref<1x1x85xf32, #tpu.memory_space<vmem>> -> memref<85xf32, #tpu.memory_space<vmem>>
    %dma_start3A_1495 = arith.constant 0 : i32
    %dma_start3A_1496 = tpu.memref_slice %arg5[%squeeze3A_1489, %add3A, %dma_start3A_1495] : memref<8112x32x85xf32, #tpu.memory_space<hbm>> -> memref<1x1x85xf32, #tpu.memory_space<hbm>>
    %dma_start3A_1497 = tpu.memref_squeeze %dma_start3A_1496 : memref<1x1x85xf32, #tpu.memory_space<hbm>> -> memref<85xf32, #tpu.memory_space<hbm>>
    %dma_start3A_1498 = arith.constant 0 : i32
    %dma_start3A_1499 = tpu.memref_slice %arg10[%dma_start3A_1490, %dma_start3A_1491, %dma_start3A_1498] : memref<3x32x85xf32, #tpu.memory_space<vmem>> -> memref<1x1x85xf32, #tpu.memory_space<vmem>>
    %dma_start3A_1500 = tpu.memref_squeeze %dma_start3A_1499 : memref<1x1x85xf32, #tpu.memory_space<vmem>> -> memref<85xf32, #tpu.memory_space<vmem>>
    %dma_start3A_1501 = arith.constant 0 : i32
    %dma_start3A_1502 = tpu.memref_slice %arg5[%squeeze3A_1489, %add3A, %dma_start3A_1501] : memref<8112x32x85xf32, #tpu.memory_space<hbm>> -> memref<1x1x85xf32, #tpu.memory_space<hbm>>
    %dma_start3A_1503 = tpu.memref_squeeze %dma_start3A_1502 : memref<1x1x85xf32, #tpu.memory_space<hbm>> -> memref<85xf32, #tpu.memory_space<hbm>>
    tpu.enqueue_dma source(%dma_start3A_1503 : memref<85xf32, #tpu.memory_space<hbm>>) target(%dma_start3A_1500 : memref<85xf32, #tpu.memory_space<vmem>>) target_semaphore(%arg11 : memref<!tpu.dma_semaphore, #tpu.memory_space<semaphore_mem>>)
    %slice3A_1504 = vector.extract_strided_slice %add3A_1303 {offsets = [11], sizes = [1], strides = [1]} : vector<16xi32> to vector<1xi32>
    %squeeze3A_1505 = vector.extract %slice3A_1504[0] : i32 from vector<1xi32>
    %dma_start3A_1506 = arith.constant 2 : i32
    %dma_start3A_1507 = arith.constant 11 : i32
    %dma_start3A_1508 = arith.constant 0 : i32
    %dma_start3A_1509 = tpu.memref_slice %arg10[%dma_start3A_1506, %dma_start3A_1507, %dma_start3A_1508] : memref<3x32x85xf32, #tpu.memory_space<vmem>> -> memref<1x1x85xf32, #tpu.memory_space<vmem>>
    %dma_start3A_1510 = tpu.memref_squeeze %dma_start3A_1509 : memref<1x1x85xf32, #tpu.memory_space<vmem>> -> memref<85xf32, #tpu.memory_space<vmem>>
    %dma_start3A_1511 = arith.constant 0 : i32
    %dma_start3A_1512 = tpu.memref_slice %arg5[%squeeze3A_1505, %add3A, %dma_start3A_1511] : memref<8112x32x85xf32, #tpu.memory_space<hbm>> -> memref<1x1x85xf32, #tpu.memory_space<hbm>>
    %dma_start3A_1513 = tpu.memref_squeeze %dma_start3A_1512 : memref<1x1x85xf32, #tpu.memory_space<hbm>> -> memref<85xf32, #tpu.memory_space<hbm>>
    %dma_start3A_1514 = arith.constant 0 : i32
    %dma_start3A_1515 = tpu.memref_slice %arg10[%dma_start3A_1506, %dma_start3A_1507, %dma_start3A_1514] : memref<3x32x85xf32, #tpu.memory_space<vmem>> -> memref<1x1x85xf32, #tpu.memory_space<vmem>>
    %dma_start3A_1516 = tpu.memref_squeeze %dma_start3A_1515 : memref<1x1x85xf32, #tpu.memory_space<vmem>> -> memref<85xf32, #tpu.memory_space<vmem>>
    %dma_start3A_1517 = arith.constant 0 : i32
    %dma_start3A_1518 = tpu.memref_slice %arg5[%squeeze3A_1505, %add3A, %dma_start3A_1517] : memref<8112x32x85xf32, #tpu.memory_space<hbm>> -> memref<1x1x85xf32, #tpu.memory_space<hbm>>
    %dma_start3A_1519 = tpu.memref_squeeze %dma_start3A_1518 : memref<1x1x85xf32, #tpu.memory_space<hbm>> -> memref<85xf32, #tpu.memory_space<hbm>>
    tpu.enqueue_dma source(%dma_start3A_1519 : memref<85xf32, #tpu.memory_space<hbm>>) target(%dma_start3A_1516 : memref<85xf32, #tpu.memory_space<vmem>>) target_semaphore(%arg11 : memref<!tpu.dma_semaphore, #tpu.memory_space<semaphore_mem>>)
    %slice3A_1520 = vector.extract_strided_slice %add3A_1303 {offsets = [12], sizes = [1], strides = [1]} : vector<16xi32> to vector<1xi32>
    %squeeze3A_1521 = vector.extract %slice3A_1520[0] : i32 from vector<1xi32>
    %dma_start3A_1522 = arith.constant 2 : i32
    %dma_start3A_1523 = arith.constant 12 : i32
    %dma_start3A_1524 = arith.constant 0 : i32
    %dma_start3A_1525 = tpu.memref_slice %arg10[%dma_start3A_1522, %dma_start3A_1523, %dma_start3A_1524] : memref<3x32x85xf32, #tpu.memory_space<vmem>> -> memref<1x1x85xf32, #tpu.memory_space<vmem>>
    %dma_start3A_1526 = tpu.memref_squeeze %dma_start3A_1525 : memref<1x1x85xf32, #tpu.memory_space<vmem>> -> memref<85xf32, #tpu.memory_space<vmem>>
    %dma_start3A_1527 = arith.constant 0 : i32
    %dma_start3A_1528 = tpu.memref_slice %arg5[%squeeze3A_1521, %add3A, %dma_start3A_1527] : memref<8112x32x85xf32, #tpu.memory_space<hbm>> -> memref<1x1x85xf32, #tpu.memory_space<hbm>>
    %dma_start3A_1529 = tpu.memref_squeeze %dma_start3A_1528 : memref<1x1x85xf32, #tpu.memory_space<hbm>> -> memref<85xf32, #tpu.memory_space<hbm>>
    %dma_start3A_1530 = arith.constant 0 : i32
    %dma_start3A_1531 = tpu.memref_slice %arg10[%dma_start3A_1522, %dma_start3A_1523, %dma_start3A_1530] : memref<3x32x85xf32, #tpu.memory_space<vmem>> -> memref<1x1x85xf32, #tpu.memory_space<vmem>>
    %dma_start3A_1532 = tpu.memref_squeeze %dma_start3A_1531 : memref<1x1x85xf32, #tpu.memory_space<vmem>> -> memref<85xf32, #tpu.memory_space<vmem>>
    %dma_start3A_1533 = arith.constant 0 : i32
    %dma_start3A_1534 = tpu.memref_slice %arg5[%squeeze3A_1521, %add3A, %dma_start3A_1533] : memref<8112x32x85xf32, #tpu.memory_space<hbm>> -> memref<1x1x85xf32, #tpu.memory_space<hbm>>
    %dma_start3A_1535 = tpu.memref_squeeze %dma_start3A_1534 : memref<1x1x85xf32, #tpu.memory_space<hbm>> -> memref<85xf32, #tpu.memory_space<hbm>>
    tpu.enqueue_dma source(%dma_start3A_1535 : memref<85xf32, #tpu.memory_space<hbm>>) target(%dma_start3A_1532 : memref<85xf32, #tpu.memory_space<vmem>>) target_semaphore(%arg11 : memref<!tpu.dma_semaphore, #tpu.memory_space<semaphore_mem>>)
    %slice3A_1536 = vector.extract_strided_slice %add3A_1303 {offsets = [13], sizes = [1], strides = [1]} : vector<16xi32> to vector<1xi32>
    %squeeze3A_1537 = vector.extract %slice3A_1536[0] : i32 from vector<1xi32>
    %dma_start3A_1538 = arith.constant 2 : i32
    %dma_start3A_1539 = arith.constant 13 : i32
    %dma_start3A_1540 = arith.constant 0 : i32
    %dma_start3A_1541 = tpu.memref_slice %arg10[%dma_start3A_1538, %dma_start3A_1539, %dma_start3A_1540] : memref<3x32x85xf32, #tpu.memory_space<vmem>> -> memref<1x1x85xf32, #tpu.memory_space<vmem>>
    %dma_start3A_1542 = tpu.memref_squeeze %dma_start3A_1541 : memref<1x1x85xf32, #tpu.memory_space<vmem>> -> memref<85xf32, #tpu.memory_space<vmem>>
    %dma_start3A_1543 = arith.constant 0 : i32
    %dma_start3A_1544 = tpu.memref_slice %arg5[%squeeze3A_1537, %add3A, %dma_start3A_1543] : memref<8112x32x85xf32, #tpu.memory_space<hbm>> -> memref<1x1x85xf32, #tpu.memory_space<hbm>>
    %dma_start3A_1545 = tpu.memref_squeeze %dma_start3A_1544 : memref<1x1x85xf32, #tpu.memory_space<hbm>> -> memref<85xf32, #tpu.memory_space<hbm>>
    %dma_start3A_1546 = arith.constant 0 : i32
    %dma_start3A_1547 = tpu.memref_slice %arg10[%dma_start3A_1538, %dma_start3A_1539, %dma_start3A_1546] : memref<3x32x85xf32, #tpu.memory_space<vmem>> -> memref<1x1x85xf32, #tpu.memory_space<vmem>>
    %dma_start3A_1548 = tpu.memref_squeeze %dma_start3A_1547 : memref<1x1x85xf32, #tpu.memory_space<vmem>> -> memref<85xf32, #tpu.memory_space<vmem>>
    %dma_start3A_1549 = arith.constant 0 : i32
    %dma_start3A_1550 = tpu.memref_slice %arg5[%squeeze3A_1537, %add3A, %dma_start3A_1549] : memref<8112x32x85xf32, #tpu.memory_space<hbm>> -> memref<1x1x85xf32, #tpu.memory_space<hbm>>
    %dma_start3A_1551 = tpu.memref_squeeze %dma_start3A_1550 : memref<1x1x85xf32, #tpu.memory_space<hbm>> -> memref<85xf32, #tpu.memory_space<hbm>>
    tpu.enqueue_dma source(%dma_start3A_1551 : memref<85xf32, #tpu.memory_space<hbm>>) target(%dma_start3A_1548 : memref<85xf32, #tpu.memory_space<vmem>>) target_semaphore(%arg11 : memref<!tpu.dma_semaphore, #tpu.memory_space<semaphore_mem>>)
    %slice3A_1552 = vector.extract_strided_slice %add3A_1303 {offsets = [14], sizes = [1], strides = [1]} : vector<16xi32> to vector<1xi32>
    %squeeze3A_1553 = vector.extract %slice3A_1552[0] : i32 from vector<1xi32>
    %dma_start3A_1554 = arith.constant 2 : i32
    %dma_start3A_1555 = arith.constant 14 : i32
    %dma_start3A_1556 = arith.constant 0 : i32
    %dma_start3A_1557 = tpu.memref_slice %arg10[%dma_start3A_1554, %dma_start3A_1555, %dma_start3A_1556] : memref<3x32x85xf32, #tpu.memory_space<vmem>> -> memref<1x1x85xf32, #tpu.memory_space<vmem>>
    %dma_start3A_1558 = tpu.memref_squeeze %dma_start3A_1557 : memref<1x1x85xf32, #tpu.memory_space<vmem>> -> memref<85xf32, #tpu.memory_space<vmem>>
    %dma_start3A_1559 = arith.constant 0 : i32
    %dma_start3A_1560 = tpu.memref_slice %arg5[%squeeze3A_1553, %add3A, %dma_start3A_1559] : memref<8112x32x85xf32, #tpu.memory_space<hbm>> -> memref<1x1x85xf32, #tpu.memory_space<hbm>>
    %dma_start3A_1561 = tpu.memref_squeeze %dma_start3A_1560 : memref<1x1x85xf32, #tpu.memory_space<hbm>> -> memref<85xf32, #tpu.memory_space<hbm>>
    %dma_start3A_1562 = arith.constant 0 : i32
    %dma_start3A_1563 = tpu.memref_slice %arg10[%dma_start3A_1554, %dma_start3A_1555, %dma_start3A_1562] : memref<3x32x85xf32, #tpu.memory_space<vmem>> -> memref<1x1x85xf32, #tpu.memory_space<vmem>>
    %dma_start3A_1564 = tpu.memref_squeeze %dma_start3A_1563 : memref<1x1x85xf32, #tpu.memory_space<vmem>> -> memref<85xf32, #tpu.memory_space<vmem>>
    %dma_start3A_1565 = arith.constant 0 : i32
    %dma_start3A_1566 = tpu.memref_slice %arg5[%squeeze3A_1553, %add3A, %dma_start3A_1565] : memref<8112x32x85xf32, #tpu.memory_space<hbm>> -> memref<1x1x85xf32, #tpu.memory_space<hbm>>
    %dma_start3A_1567 = tpu.memref_squeeze %dma_start3A_1566 : memref<1x1x85xf32, #tpu.memory_space<hbm>> -> memref<85xf32, #tpu.memory_space<hbm>>
    tpu.enqueue_dma source(%dma_start3A_1567 : memref<85xf32, #tpu.memory_space<hbm>>) target(%dma_start3A_1564 : memref<85xf32, #tpu.memory_space<vmem>>) target_semaphore(%arg11 : memref<!tpu.dma_semaphore, #tpu.memory_space<semaphore_mem>>)
    %slice3A_1568 = vector.extract_strided_slice %add3A_1303 {offsets = [15], sizes = [1], strides = [1]} : vector<16xi32> to vector<1xi32>
    %squeeze3A_1569 = vector.extract %slice3A_1568[0] : i32 from vector<1xi32>
    %dma_start3A_1570 = arith.constant 2 : i32
    %dma_start3A_1571 = arith.constant 15 : i32
    %dma_start3A_1572 = arith.constant 0 : i32
    %dma_start3A_1573 = tpu.memref_slice %arg10[%dma_start3A_1570, %dma_start3A_1571, %dma_start3A_1572] : memref<3x32x85xf32, #tpu.memory_space<vmem>> -> memref<1x1x85xf32, #tpu.memory_space<vmem>>
    %dma_start3A_1574 = tpu.memref_squeeze %dma_start3A_1573 : memref<1x1x85xf32, #tpu.memory_space<vmem>> -> memref<85xf32, #tpu.memory_space<vmem>>
    %dma_start3A_1575 = arith.constant 0 : i32
    %dma_start3A_1576 = tpu.memref_slice %arg5[%squeeze3A_1569, %add3A, %dma_start3A_1575] : memref<8112x32x85xf32, #tpu.memory_space<hbm>> -> memref<1x1x85xf32, #tpu.memory_space<hbm>>
    %dma_start3A_1577 = tpu.memref_squeeze %dma_start3A_1576 : memref<1x1x85xf32, #tpu.memory_space<hbm>> -> memref<85xf32, #tpu.memory_space<hbm>>
    %dma_start3A_1578 = arith.constant 0 : i32
    %dma_start3A_1579 = tpu.memref_slice %arg10[%dma_start3A_1570, %dma_start3A_1571, %dma_start3A_1578] : memref<3x32x85xf32, #tpu.memory_space<vmem>> -> memref<1x1x85xf32, #tpu.memory_space<vmem>>
    %dma_start3A_1580 = tpu.memref_squeeze %dma_start3A_1579 : memref<1x1x85xf32, #tpu.memory_space<vmem>> -> memref<85xf32, #tpu.memory_space<vmem>>
    %dma_start3A_1581 = arith.constant 0 : i32
    %dma_start3A_1582 = tpu.memref_slice %arg5[%squeeze3A_1569, %add3A, %dma_start3A_1581] : memref<8112x32x85xf32, #tpu.memory_space<hbm>> -> memref<1x1x85xf32, #tpu.memory_space<hbm>>
    %dma_start3A_1583 = tpu.memref_squeeze %dma_start3A_1582 : memref<1x1x85xf32, #tpu.memory_space<hbm>> -> memref<85xf32, #tpu.memory_space<hbm>>
    tpu.enqueue_dma source(%dma_start3A_1583 : memref<85xf32, #tpu.memory_space<hbm>>) target(%dma_start3A_1580 : memref<85xf32, #tpu.memory_space<vmem>>) target_semaphore(%arg11 : memref<!tpu.dma_semaphore, #tpu.memory_space<semaphore_mem>>)
    %get3A_1584 = arith.constant 0 : i32
    %get3A_1585 = arith.index_cast %get3A_1584 : i32 to index
    %get3A_1586 = arith.constant 16 : index
    %get3A_1587 = tpu.vector_load %arg8[%get3A_1585, %get3A_1586] {strides = array<i32>} : memref<4x32xf32, #tpu.memory_space<vmem>>, vector<1x16xf32>,
    %get3A_1588 = vector.shape_cast %get3A_1587 : vector<1x16xf32> to vector<16xf32>
    %get3A_1589 = arith.constant 1 : i32
    %get3A_1590 = arith.index_cast %get3A_1589 : i32 to index
    %get3A_1591 = arith.constant 16 : index
    %get3A_1592 = tpu.vector_load %arg8[%get3A_1590, %get3A_1591] {strides = array<i32>} : memref<4x32xf32, #tpu.memory_space<vmem>>, vector<1x16xf32>,
    %get3A_1593 = vector.shape_cast %get3A_1592 : vector<1x16xf32> to vector<16xf32>
    %get3A_1594 = arith.constant 2 : i32
    %get3A_1595 = arith.index_cast %get3A_1594 : i32 to index
    %get3A_1596 = arith.constant 16 : index
    %get3A_1597 = tpu.vector_load %arg8[%get3A_1595, %get3A_1596] {strides = array<i32>} : memref<4x32xf32, #tpu.memory_space<vmem>>, vector<1x16xf32>,
    %get3A_1598 = vector.shape_cast %get3A_1597 : vector<1x16xf32> to vector<16xf32>
    %get3A_1599 = arith.constant 3 : i32
    %get3A_1600 = arith.index_cast %get3A_1599 : i32 to index
    %get3A_1601 = arith.constant 16 : index
    %get3A_1602 = tpu.vector_load %arg8[%get3A_1600, %get3A_1601] {strides = array<i32>} : memref<4x32xf32, #tpu.memory_space<vmem>>, vector<1x16xf32>,
    %get3A_1603 = vector.shape_cast %get3A_1602 : vector<1x16xf32> to vector<16xf32>
    %mul3A_1604 = arith.constant 5.200000e+01 : f32
    %mul3A_1605 = vector.broadcast %mul3A_1604 : f32 to vector<16xf32>
    %mul3A_1606 = arith.mulf %get3A_1588, %mul3A_1605 : vector<16xf32>
    %mul3A_1607 = arith.constant 5.200000e+01 : f32
    %mul3A_1608 = vector.broadcast %mul3A_1607 : f32 to vector<16xf32>
    %mul3A_1609 = arith.mulf %get3A_1593, %mul3A_1608 : vector<16xf32>
    %convert_element_type3A_1610 = arith.fptosi %mul3A_1606 : vector<16xf32> to vector<16xi32>
    %convert_element_type3A_1611 = arith.fptosi %mul3A_1609 : vector<16xf32> to vector<16xi32>
    %min3A_1612 = arith.constant 51 : i32
    %min3A_1613 = vector.broadcast %min3A_1612 : i32 to vector<16xi32>
    %min3A_1614 = arith.minsi %convert_element_type3A_1610, %min3A_1613 : vector<16xi32>
    %min3A_1615 = arith.constant 51 : i32
    %min3A_1616 = vector.broadcast %min3A_1615 : i32 to vector<16xi32>
    %min3A_1617 = arith.minsi %convert_element_type3A_1611, %min3A_1616 : vector<16xi32>
    %mul3A_1618 = arith.constant 5.200000e+01 : f32
    %mul3A_1619 = vector.broadcast %mul3A_1618 : f32 to vector<16xf32>
    %mul3A_1620 = arith.mulf %get3A_1598, %mul3A_1619 : vector<16xf32>
    %mul3A_1621 = arith.constant 5.200000e+01 : f32
    %mul3A_1622 = vector.broadcast %mul3A_1621 : f32 to vector<16xf32>
    %mul3A_1623 = arith.mulf %get3A_1603, %mul3A_1622 : vector<16xf32>
    %min3A_1624 = arith.constant 1.250000e+00 : f32
    %min3A_1625 = vector.broadcast %min3A_1624 : f32 to vector<16xf32>
    %min3A_1626 = arith.minimumf %mul3A_1620, %min3A_1625 : vector<16xf32>
    %min3A_1627 = arith.constant 1.625000e+00 : f32
    %min3A_1628 = vector.broadcast %min3A_1627 : f32 to vector<16xf32>
    %min3A_1629 = arith.minimumf %mul3A_1623, %min3A_1628 : vector<16xf32>
    %mul3A_1630 = arith.mulf %min3A_1626, %min3A_1629 : vector<16xf32>
    %add3A_1631 = arith.constant 2.031250e+00 : f32
    %add3A_1632 = vector.broadcast %add3A_1631 : f32 to vector<16xf32>
    %add3A_1633 = arith.addf %add3A_1632, %mul3A_1620 : vector<16xf32>
    %add3A_1634 = arith.addf %add3A_1633, %mul3A_1623 : vector<16xf32>
    %sub3A_1635 = arith.subf %add3A_1634, %mul3A_1630 : vector<16xf32>
    %gt3A_1636 = arith.constant 0.000000e+00 : f32
    %gt3A_1637 = vector.broadcast %gt3A_1636 : f32 to vector<16xf32>
    %gt3A_1638 = arith.cmpf ogt, %sub3A_1635, %gt3A_1637 : vector<16xf32>
    %div3A_1639 = arith.divf %mul3A_1630, %sub3A_1635 : vector<16xf32>
    %jit3A_1640 = arith.constant 0.000000e+00 : f32
    %broadcast_in_dim3A_1641 = vector.broadcast %jit3A_1640 : f32 to vector<16xf32>
    %select_n3A_1642 = arith.select %gt3A_1638, %div3A_1639, %broadcast_in_dim3A_1641 : vector<16xi1>, vector<16xf32>
    %min3A_1643 = arith.constant 2.000000e+00 : f32
    %min3A_1644 = vector.broadcast %min3A_1643 : f32 to vector<16xf32>
    %min3A_1645 = arith.minimumf %mul3A_1620, %min3A_1644 : vector<16xf32>
    %min3A_1646 = arith.constant 3.750000e+00 : f32
    %min3A_1647 = vector.broadcast %min3A_1646 : f32 to vector<16xf32>
    %min3A_1648 = arith.minimumf %mul3A_1623, %min3A_1647 : vector<16xf32>
    %mul3A_1649 = arith.mulf %min3A_1645, %min3A_1648 : vector<16xf32>
    %add3A_1650 = arith.constant 7.500000e+00 : f32
    %add3A_1651 = vector.broadcast %add3A_1650 : f32 to vector<16xf32>
    %add3A_1652 = arith.addf %add3A_1651, %mul3A_1620 : vector<16xf32>
    %add3A_1653 = arith.addf %add3A_1652, %mul3A_1623 : vector<16xf32>
    %sub3A_1654 = arith.subf %add3A_1653, %mul3A_1649 : vector<16xf32>
    %gt3A_1655 = arith.constant 0.000000e+00 : f32
    %gt3A_1656 = vector.broadcast %gt3A_1655 : f32 to vector<16xf32>
    %gt3A_1657 = arith.cmpf ogt, %sub3A_1654, %gt3A_1656 : vector<16xf32>
    %div3A_1658 = arith.divf %mul3A_1649, %sub3A_1654 : vector<16xf32>
    %jit3A_1659 = arith.constant 0.000000e+00 : f32
    %broadcast_in_dim3A_1660 = vector.broadcast %jit3A_1659 : f32 to vector<16xf32>
    %select_n3A_1661 = arith.select %gt3A_1657, %div3A_1658, %broadcast_in_dim3A_1660 : vector<16xi1>, vector<16xf32>
    %min3A_1662 = arith.constant 4.125000e+00 : f32
    %min3A_1663 = vector.broadcast %min3A_1662 : f32 to vector<16xf32>
    %min3A_1664 = arith.minimumf %mul3A_1620, %min3A_1663 : vector<16xf32>
    %min3A_1665 = arith.constant 2.875000e+00 : f32
    %min3A_1666 = vector.broadcast %min3A_1665 : f32 to vector<16xf32>
    %min3A_1667 = arith.minimumf %mul3A_1623, %min3A_1666 : vector<16xf32>
    %mul3A_1668 = arith.mulf %min3A_1664, %min3A_1667 : vector<16xf32>
    %add3A_1669 = arith.constant 11.859375 : f32
    %add3A_1670 = vector.broadcast %add3A_1669 : f32 to vector<16xf32>
    %add3A_1671 = arith.addf %add3A_1670, %mul3A_1620 : vector<16xf32>
    %add3A_1672 = arith.addf %add3A_1671, %mul3A_1623 : vector<16xf32>
    %sub3A_1673 = arith.subf %add3A_1672, %mul3A_1668 : vector<16xf32>
    %gt3A_1674 = arith.constant 0.000000e+00 : f32
    %gt3A_1675 = vector.broadcast %gt3A_1674 : f32 to vector<16xf32>
    %gt3A_1676 = arith.cmpf ogt, %sub3A_1673, %gt3A_1675 : vector<16xf32>
    %div3A_1677 = arith.divf %mul3A_1668, %sub3A_1673 : vector<16xf32>
    %jit3A_1678 = arith.constant 0.000000e+00 : f32
    %broadcast_in_dim3A_1679 = vector.broadcast %jit3A_1678 : f32 to vector<16xf32>
    %select_n3A_1680 = arith.select %gt3A_1676, %div3A_1677, %broadcast_in_dim3A_1679 : vector<16xi1>, vector<16xf32>
    %gt3A_1681 = arith.cmpf ogt, %select_n3A_1661, %select_n3A_1642 : vector<16xf32>
    %broadcast_in_dim3A_1682 = arith.constant 1 : i32
    %broadcast_in_dim3A_1683 = vector.broadcast %broadcast_in_dim3A_1682 : i32 to vector<16xi32>
    %broadcast_in_dim3A_1684 = arith.constant 0 : i32
    %broadcast_in_dim3A_1685 = vector.broadcast %broadcast_in_dim3A_1684 : i32 to vector<16xi32>
    %select_n3A_1686 = arith.select %gt3A_1681, %broadcast_in_dim3A_1683, %broadcast_in_dim3A_1685 : vector<16xi1>, vector<16xi32>
    %max3A_1687 = arith.maximumf %select_n3A_1642, %select_n3A_1661 : vector<16xf32>
    %gt3A_1688 = arith.cmpf ogt, %select_n3A_1680, %max3A_1687 : vector<16xf32>
    %broadcast_in_dim3A_1689 = arith.constant 2 : i32
    %broadcast_in_dim3A_1690 = vector.broadcast %broadcast_in_dim3A_1689 : i32 to vector<16xi32>
    %select_n3A_1691 = arith.select %gt3A_1688, %broadcast_in_dim3A_1690, %select_n3A_1686 : vector<16xi1>, vector<16xi32>
    %mul3A_1692 = arith.constant 52 : i32
    %mul3A_1693 = vector.broadcast %mul3A_1692 : i32 to vector<16xi32>
    %mul3A_1694 = arith.muli %select_n3A_1691, %mul3A_1693 : vector<16xi32>
    %add3A_1695 = arith.addi %mul3A_1694, %min3A_1617 : vector<16xi32>
    %mul3A_1696 = arith.constant 52 : i32
    %mul3A_1697 = vector.broadcast %mul3A_1696 : i32 to vector<16xi32>
    %mul3A_1698 = arith.muli %add3A_1695, %mul3A_1697 : vector<16xi32>
    %add3A_1699 = arith.addi %mul3A_1698, %min3A_1614 : vector<16xi32>
    %swap3A_1700 = arith.constant 0 : i32
    %swap3A_1701 = arith.index_cast %swap3A_1700 : i32 to index
    %swap3A_1702 = arith.constant 16 : index
    %swap3A_1703 = tpu.vector_load %arg9[%swap3A_1701, %swap3A_1702] {strides = array<i32>} : memref<4x32xi32, #tpu.memory_space<vmem>>, vector<1x16xi32>,
    %swap3A_1704 = vector.shape_cast %swap3A_1703 : vector<1x16xi32> to vector<16xi32>
    %swap3A_1705 = vector.shape_cast %add3A_1699 : vector<16xi32> to vector<1x16xi32>
    tpu.vector_store %arg9[%swap3A_1701, %swap3A_1702], %swap3A_1705 {strides = array<i32>} : memref<4x32xi32, #tpu.memory_space<vmem>>, vector<1x16xi32>,
    %swap3A_1706 = arith.constant 1 : i32
    %swap3A_1707 = arith.index_cast %swap3A_1706 : i32 to index
    %swap3A_1708 = arith.constant 16 : index
    %swap3A_1709 = tpu.vector_load %arg9[%swap3A_1707, %swap3A_1708] {strides = array<i32>} : memref<4x32xi32, #tpu.memory_space<vmem>>, vector<1x16xi32>,
    %swap3A_1710 = vector.shape_cast %swap3A_1709 : vector<1x16xi32> to vector<16xi32>
    %swap3A_1711 = vector.shape_cast %select_n3A_1691 : vector<16xi32> to vector<1x16xi32>
    tpu.vector_store %arg9[%swap3A_1707, %swap3A_1708], %swap3A_1711 {strides = array<i32>} : memref<4x32xi32, #tpu.memory_space<vmem>>, vector<1x16xi32>,
    %swap3A_1712 = arith.constant 2 : i32
    %swap3A_1713 = arith.index_cast %swap3A_1712 : i32 to index
    %swap3A_1714 = arith.constant 16 : index
    %swap3A_1715 = tpu.vector_load %arg9[%swap3A_1713, %swap3A_1714] {strides = array<i32>} : memref<4x32xi32, #tpu.memory_space<vmem>>, vector<1x16xi32>,
    %swap3A_1716 = vector.shape_cast %swap3A_1715 : vector<1x16xi32> to vector<16xi32>
    %swap3A_1717 = vector.shape_cast %min3A_1617 : vector<16xi32> to vector<1x16xi32>
    tpu.vector_store %arg9[%swap3A_1713, %swap3A_1714], %swap3A_1717 {strides = array<i32>} : memref<4x32xi32, #tpu.memory_space<vmem>>, vector<1x16xi32>,
    %swap3A_1718 = arith.constant 3 : i32
    %swap3A_1719 = arith.index_cast %swap3A_1718 : i32 to index
    %swap3A_1720 = arith.constant 16 : index
    %swap3A_1721 = tpu.vector_load %arg9[%swap3A_1719, %swap3A_1720] {strides = array<i32>} : memref<4x32xi32, #tpu.memory_space<vmem>>, vector<1x16xi32>,
    %swap3A_1722 = vector.shape_cast %swap3A_1721 : vector<1x16xi32> to vector<16xi32>
    %swap3A_1723 = vector.shape_cast %min3A_1614 : vector<16xi32> to vector<1x16xi32>
    tpu.vector_store %arg9[%swap3A_1719, %swap3A_1720], %swap3A_1723 {strides = array<i32>} : memref<4x32xi32, #tpu.memory_space<vmem>>, vector<1x16xi32>,
    %slice3A_1724 = vector.extract_strided_slice %add3A_1699 {offsets = [0], sizes = [1], strides = [1]} : vector<16xi32> to vector<1xi32>
    %squeeze3A_1725 = vector.extract %slice3A_1724[0] : i32 from vector<1xi32>
    %dma_start3A_1726 = arith.constant 2 : i32
    %dma_start3A_1727 = arith.constant 16 : i32
    %dma_start3A_1728 = arith.constant 0 : i32
    %dma_start3A_1729 = tpu.memref_slice %arg10[%dma_start3A_1726, %dma_start3A_1727, %dma_start3A_1728] : memref<3x32x85xf32, #tpu.memory_space<vmem>> -> memref<1x1x85xf32, #tpu.memory_space<vmem>>
    %dma_start3A_1730 = tpu.memref_squeeze %dma_start3A_1729 : memref<1x1x85xf32, #tpu.memory_space<vmem>> -> memref<85xf32, #tpu.memory_space<vmem>>
    %dma_start3A_1731 = arith.constant 0 : i32
    %dma_start3A_1732 = tpu.memref_slice %arg5[%squeeze3A_1725, %add3A, %dma_start3A_1731] : memref<8112x32x85xf32, #tpu.memory_space<hbm>> -> memref<1x1x85xf32, #tpu.memory_space<hbm>>
    %dma_start3A_1733 = tpu.memref_squeeze %dma_start3A_1732 : memref<1x1x85xf32, #tpu.memory_space<hbm>> -> memref<85xf32, #tpu.memory_space<hbm>>
    %dma_start3A_1734 = arith.constant 0 : i32
    %dma_start3A_1735 = tpu.memref_slice %arg10[%dma_start3A_1726, %dma_start3A_1727, %dma_start3A_1734] : memref<3x32x85xf32, #tpu.memory_space<vmem>> -> memref<1x1x85xf32, #tpu.memory_space<vmem>>
    %dma_start3A_1736 = tpu.memref_squeeze %dma_start3A_1735 : memref<1x1x85xf32, #tpu.memory_space<vmem>> -> memref<85xf32, #tpu.memory_space<vmem>>
    %dma_start3A_1737 = arith.constant 0 : i32
    %dma_start3A_1738 = tpu.memref_slice %arg5[%squeeze3A_1725, %add3A, %dma_start3A_1737] : memref<8112x32x85xf32, #tpu.memory_space<hbm>> -> memref<1x1x85xf32, #tpu.memory_space<hbm>>
    %dma_start3A_1739 = tpu.memref_squeeze %dma_start3A_1738 : memref<1x1x85xf32, #tpu.memory_space<hbm>> -> memref<85xf32, #tpu.memory_space<hbm>>
    tpu.enqueue_dma source(%dma_start3A_1739 : memref<85xf32, #tpu.memory_space<hbm>>) target(%dma_start3A_1736 : memref<85xf32, #tpu.memory_space<vmem>>) target_semaphore(%arg11 : memref<!tpu.dma_semaphore, #tpu.memory_space<semaphore_mem>>)
    %slice3A_1740 = vector.extract_strided_slice %add3A_1699 {offsets = [1], sizes = [1], strides = [1]} : vector<16xi32> to vector<1xi32>
    %squeeze3A_1741 = vector.extract %slice3A_1740[0] : i32 from vector<1xi32>
    %dma_start3A_1742 = arith.constant 2 : i32
    %dma_start3A_1743 = arith.constant 17 : i32
    %dma_start3A_1744 = arith.constant 0 : i32
    %dma_start3A_1745 = tpu.memref_slice %arg10[%dma_start3A_1742, %dma_start3A_1743, %dma_start3A_1744] : memref<3x32x85xf32, #tpu.memory_space<vmem>> -> memref<1x1x85xf32, #tpu.memory_space<vmem>>
    %dma_start3A_1746 = tpu.memref_squeeze %dma_start3A_1745 : memref<1x1x85xf32, #tpu.memory_space<vmem>> -> memref<85xf32, #tpu.memory_space<vmem>>
    %dma_start3A_1747 = arith.constant 0 : i32
    %dma_start3A_1748 = tpu.memref_slice %arg5[%squeeze3A_1741, %add3A, %dma_start3A_1747] : memref<8112x32x85xf32, #tpu.memory_space<hbm>> -> memref<1x1x85xf32, #tpu.memory_space<hbm>>
    %dma_start3A_1749 = tpu.memref_squeeze %dma_start3A_1748 : memref<1x1x85xf32, #tpu.memory_space<hbm>> -> memref<85xf32, #tpu.memory_space<hbm>>
    %dma_start3A_1750 = arith.constant 0 : i32
    %dma_start3A_1751 = tpu.memref_slice %arg10[%dma_start3A_1742, %dma_start3A_1743, %dma_start3A_1750] : memref<3x32x85xf32, #tpu.memory_space<vmem>> -> memref<1x1x85xf32, #tpu.memory_space<vmem>>
    %dma_start3A_1752 = tpu.memref_squeeze %dma_start3A_1751 : memref<1x1x85xf32, #tpu.memory_space<vmem>> -> memref<85xf32, #tpu.memory_space<vmem>>
    %dma_start3A_1753 = arith.constant 0 : i32
    %dma_start3A_1754 = tpu.memref_slice %arg5[%squeeze3A_1741, %add3A, %dma_start3A_1753] : memref<8112x32x85xf32, #tpu.memory_space<hbm>> -> memref<1x1x85xf32, #tpu.memory_space<hbm>>
    %dma_start3A_1755 = tpu.memref_squeeze %dma_start3A_1754 : memref<1x1x85xf32, #tpu.memory_space<hbm>> -> memref<85xf32, #tpu.memory_space<hbm>>
    tpu.enqueue_dma source(%dma_start3A_1755 : memref<85xf32, #tpu.memory_space<hbm>>) target(%dma_start3A_1752 : memref<85xf32, #tpu.memory_space<vmem>>) target_semaphore(%arg11 : memref<!tpu.dma_semaphore, #tpu.memory_space<semaphore_mem>>)
    %slice3A_1756 = vector.extract_strided_slice %add3A_1699 {offsets = [2], sizes = [1], strides = [1]} : vector<16xi32> to vector<1xi32>
    %squeeze3A_1757 = vector.extract %slice3A_1756[0] : i32 from vector<1xi32>
    %dma_start3A_1758 = arith.constant 2 : i32
    %dma_start3A_1759 = arith.constant 18 : i32
    %dma_start3A_1760 = arith.constant 0 : i32
    %dma_start3A_1761 = tpu.memref_slice %arg10[%dma_start3A_1758, %dma_start3A_1759, %dma_start3A_1760] : memref<3x32x85xf32, #tpu.memory_space<vmem>> -> memref<1x1x85xf32, #tpu.memory_space<vmem>>
    %dma_start3A_1762 = tpu.memref_squeeze %dma_start3A_1761 : memref<1x1x85xf32, #tpu.memory_space<vmem>> -> memref<85xf32, #tpu.memory_space<vmem>>
    %dma_start3A_1763 = arith.constant 0 : i32
    %dma_start3A_1764 = tpu.memref_slice %arg5[%squeeze3A_1757, %add3A, %dma_start3A_1763] : memref<8112x32x85xf32, #tpu.memory_space<hbm>> -> memref<1x1x85xf32, #tpu.memory_space<hbm>>
    %dma_start3A_1765 = tpu.memref_squeeze %dma_start3A_1764 : memref<1x1x85xf32, #tpu.memory_space<hbm>> -> memref<85xf32, #tpu.memory_space<hbm>>
    %dma_start3A_1766 = arith.constant 0 : i32
    %dma_start3A_1767 = tpu.memref_slice %arg10[%dma_start3A_1758, %dma_start3A_1759, %dma_start3A_1766] : memref<3x32x85xf32, #tpu.memory_space<vmem>> -> memref<1x1x85xf32, #tpu.memory_space<vmem>>
    %dma_start3A_1768 = tpu.memref_squeeze %dma_start3A_1767 : memref<1x1x85xf32, #tpu.memory_space<vmem>> -> memref<85xf32, #tpu.memory_space<vmem>>
    %dma_start3A_1769 = arith.constant 0 : i32
    %dma_start3A_1770 = tpu.memref_slice %arg5[%squeeze3A_1757, %add3A, %dma_start3A_1769] : memref<8112x32x85xf32, #tpu.memory_space<hbm>> -> memref<1x1x85xf32, #tpu.memory_space<hbm>>
    %dma_start3A_1771 = tpu.memref_squeeze %dma_start3A_1770 : memref<1x1x85xf32, #tpu.memory_space<hbm>> -> memref<85xf32, #tpu.memory_space<hbm>>
    tpu.enqueue_dma source(%dma_start3A_1771 : memref<85xf32, #tpu.memory_space<hbm>>) target(%dma_start3A_1768 : memref<85xf32, #tpu.memory_space<vmem>>) target_semaphore(%arg11 : memref<!tpu.dma_semaphore, #tpu.memory_space<semaphore_mem>>)
    %slice3A_1772 = vector.extract_strided_slice %add3A_1699 {offsets = [3], sizes = [1], strides = [1]} : vector<16xi32> to vector<1xi32>
    %squeeze3A_1773 = vector.extract %slice3A_1772[0] : i32 from vector<1xi32>
    %dma_start3A_1774 = arith.constant 2 : i32
    %dma_start3A_1775 = arith.constant 19 : i32
    %dma_start3A_1776 = arith.constant 0 : i32
    %dma_start3A_1777 = tpu.memref_slice %arg10[%dma_start3A_1774, %dma_start3A_1775, %dma_start3A_1776] : memref<3x32x85xf32, #tpu.memory_space<vmem>> -> memref<1x1x85xf32, #tpu.memory_space<vmem>>
    %dma_start3A_1778 = tpu.memref_squeeze %dma_start3A_1777 : memref<1x1x85xf32, #tpu.memory_space<vmem>> -> memref<85xf32, #tpu.memory_space<vmem>>
    %dma_start3A_1779 = arith.constant 0 : i32
    %dma_start3A_1780 = tpu.memref_slice %arg5[%squeeze3A_1773, %add3A, %dma_start3A_1779] : memref<8112x32x85xf32, #tpu.memory_space<hbm>> -> memref<1x1x85xf32, #tpu.memory_space<hbm>>
    %dma_start3A_1781 = tpu.memref_squeeze %dma_start3A_1780 : memref<1x1x85xf32, #tpu.memory_space<hbm>> -> memref<85xf32, #tpu.memory_space<hbm>>
    %dma_start3A_1782 = arith.constant 0 : i32
    %dma_start3A_1783 = tpu.memref_slice %arg10[%dma_start3A_1774, %dma_start3A_1775, %dma_start3A_1782] : memref<3x32x85xf32, #tpu.memory_space<vmem>> -> memref<1x1x85xf32, #tpu.memory_space<vmem>>
    %dma_start3A_1784 = tpu.memref_squeeze %dma_start3A_1783 : memref<1x1x85xf32, #tpu.memory_space<vmem>> -> memref<85xf32, #tpu.memory_space<vmem>>
    %dma_start3A_1785 = arith.constant 0 : i32
    %dma_start3A_1786 = tpu.memref_slice %arg5[%squeeze3A_1773, %add3A, %dma_start3A_1785] : memref<8112x32x85xf32, #tpu.memory_space<hbm>> -> memref<1x1x85xf32, #tpu.memory_space<hbm>>
    %dma_start3A_1787 = tpu.memref_squeeze %dma_start3A_1786 : memref<1x1x85xf32, #tpu.memory_space<hbm>> -> memref<85xf32, #tpu.memory_space<hbm>>
    tpu.enqueue_dma source(%dma_start3A_1787 : memref<85xf32, #tpu.memory_space<hbm>>) target(%dma_start3A_1784 : memref<85xf32, #tpu.memory_space<vmem>>) target_semaphore(%arg11 : memref<!tpu.dma_semaphore, #tpu.memory_space<semaphore_mem>>)
    %run_scoped3A_1788 = arith.constant 2 : i32
    "tpu.region"() ({
      %run_scoped3A_2634 = tpu.sem_alloc : memref<!tpu.dma_semaphore, #tpu.memory_space<semaphore_mem>>
      %dma_start3A_2635 = arith.constant 0 : i32
      %dma_start3A_2636 = arith.constant 0 : i32
      %dma_start3A_2637 = tpu.memref_slice %arg7[%run_scoped3A_1788, %add3A, %dma_start3A_2635, %dma_start3A_2636] : memref<3x32x4x32xi32, #tpu.memory_space<hbm>> -> memref<1x1x4x32xi32, #tpu.memory_space<hbm>>
      %dma_start3A_2638 = tpu.memref_squeeze %dma_start3A_2637 : memref<1x1x4x32xi32, #tpu.memory_space<hbm>> -> memref<4x32xi32, #tpu.memory_space<hbm>>
      %dma_start3A_2639 = arith.constant 0 : i32
      %dma_start3A_2640 = arith.constant 0 : i32
      %dma_start3A_2641 = tpu.memref_slice %arg7[%run_scoped3A_1788, %add3A, %dma_start3A_2639, %dma_start3A_2640] : memref<3x32x4x32xi32, #tpu.memory_space<hbm>> -> memref<1x1x4x32xi32, #tpu.memory_space<hbm>>
      %dma_start3A_2642 = tpu.memref_squeeze %dma_start3A_2641 : memref<1x1x4x32xi32, #tpu.memory_space<hbm>> -> memref<4x32xi32, #tpu.memory_space<hbm>>
      tpu.enqueue_dma source(%arg9 : memref<4x32xi32, #tpu.memory_space<vmem>>) target(%dma_start3A_2642 : memref<4x32xi32, #tpu.memory_space<hbm>>) target_semaphore(%run_scoped3A_2634 : memref<!tpu.dma_semaphore, #tpu.memory_space<semaphore_mem>>)
      %dma_wait3A_2643 = arith.constant 0 : i32
      %dma_wait3A_2644 = arith.constant 0 : i32
      %dma_wait3A_2645 = tpu.memref_slice %arg7[%run_scoped3A_1788, %add3A, %dma_wait3A_2643, %dma_wait3A_2644] : memref<3x32x4x32xi32, #tpu.memory_space<hbm>> -> memref<1x1x4x32xi32, #tpu.memory_space<hbm>>
      %dma_wait3A_2646 = tpu.memref_squeeze %dma_wait3A_2645 : memref<1x1x4x32xi32, #tpu.memory_space<hbm>> -> memref<4x32xi32, #tpu.memory_space<hbm>>
      %dma_wait3A_2647 = arith.constant 0 : i32
      %dma_wait3A_2648 = arith.constant 0 : i32
      %dma_wait3A_2649 = tpu.memref_slice %arg7[%run_scoped3A_1788, %add3A, %dma_wait3A_2647, %dma_wait3A_2648] : memref<3x32x4x32xi32, #tpu.memory_space<hbm>> -> memref<1x1x4x32xi32, #tpu.memory_space<hbm>>
      %dma_wait3A_2650 = tpu.memref_squeeze %dma_wait3A_2649 : memref<1x1x4x32xi32, #tpu.memory_space<hbm>> -> memref<4x32xi32, #tpu.memory_space<hbm>>
      tpu.wait_dma2 semaphore(%run_scoped3A_2634 : memref<!tpu.dma_semaphore, #tpu.memory_space<semaphore_mem>>) src(%arg9 : memref<4x32xi32, #tpu.memory_space<vmem>>) dst(%dma_wait3A_2650 : memref<4x32xi32, #tpu.memory_space<hbm>>)
      tpu.yield
    }) : () -> ()
    %dma_wait3A = arith.constant 0 : i32
    %dma_wait3A_1789 = arith.constant 0 : i32
    %dma_wait3A_1790 = arith.constant 0 : i32
    %dma_wait3A_1791 = tpu.memref_slice %arg10[%dma_wait3A, %dma_wait3A_1789, %dma_wait3A_1790] : memref<3x32x85xf32, #tpu.memory_space<vmem>> -> memref<1x1x85xf32, #tpu.memory_space<vmem>>
    %dma_wait3A_1792 = tpu.memref_squeeze %dma_wait3A_1791 : memref<1x1x85xf32, #tpu.memory_space<vmem>> -> memref<85xf32, #tpu.memory_space<vmem>>
    %dma_wait3A_1793 = arith.constant 0 : i32
    %dma_wait3A_1794 = tpu.memref_slice %arg3[%squeeze3A, %add3A, %dma_wait3A_1793] : memref<507x32x85xf32, #tpu.memory_space<hbm>> -> memref<1x1x85xf32, #tpu.memory_space<hbm>>
    %dma_wait3A_1795 = tpu.memref_squeeze %dma_wait3A_1794 : memref<1x1x85xf32, #tpu.memory_space<hbm>> -> memref<85xf32, #tpu.memory_space<hbm>>
    %dma_wait3A_1796 = arith.constant 0 : i32
    %dma_wait3A_1797 = tpu.memref_slice %arg10[%dma_wait3A, %dma_wait3A_1789, %dma_wait3A_1796] : memref<3x32x85xf32, #tpu.memory_space<vmem>> -> memref<1x1x85xf32, #tpu.memory_space<vmem>>
    %dma_wait3A_1798 = tpu.memref_squeeze %dma_wait3A_1797 : memref<1x1x85xf32, #tpu.memory_space<vmem>> -> memref<85xf32, #tpu.memory_space<vmem>>
    %dma_wait3A_1799 = arith.constant 0 : i32
    %dma_wait3A_1800 = tpu.memref_slice %arg3[%squeeze3A, %add3A, %dma_wait3A_1799] : memref<507x32x85xf32, #tpu.memory_space<hbm>> -> memref<1x1x85xf32, #tpu.memory_space<hbm>>
    %dma_wait3A_1801 = tpu.memref_squeeze %dma_wait3A_1800 : memref<1x1x85xf32, #tpu.memory_space<hbm>> -> memref<85xf32, #tpu.memory_space<hbm>>
    tpu.wait_dma2 semaphore(%arg11 : memref<!tpu.dma_semaphore, #tpu.memory_space<semaphore_mem>>) src(%dma_wait3A_1801 : memref<85xf32, #tpu.memory_space<hbm>>) dst(%dma_wait3A_1798 : memref<85xf32, #tpu.memory_space<vmem>>)
    %dma_wait3A_1802 = arith.constant 0 : i32
    %dma_wait3A_1803 = arith.constant 1 : i32
    %dma_wait3A_1804 = arith.constant 0 : i32
    %dma_wait3A_1805 = tpu.memref_slice %arg10[%dma_wait3A_1802, %dma_wait3A_1803, %dma_wait3A_1804] : memref<3x32x85xf32, #tpu.memory_space<vmem>> -> memref<1x1x85xf32, #tpu.memory_space<vmem>>
    %dma_wait3A_1806 = tpu.memref_squeeze %dma_wait3A_1805 : memref<1x1x85xf32, #tpu.memory_space<vmem>> -> memref<85xf32, #tpu.memory_space<vmem>>
    %dma_wait3A_1807 = arith.constant 0 : i32
    %dma_wait3A_1808 = tpu.memref_slice %arg3[%squeeze3A_144, %add3A, %dma_wait3A_1807] : memref<507x32x85xf32, #tpu.memory_space<hbm>> -> memref<1x1x85xf32, #tpu.memory_space<hbm>>
    %dma_wait3A_1809 = tpu.memref_squeeze %dma_wait3A_1808 : memref<1x1x85xf32, #tpu.memory_space<hbm>> -> memref<85xf32, #tpu.memory_space<hbm>>
    %dma_wait3A_1810 = arith.constant 0 : i32
    %dma_wait3A_1811 = tpu.memref_slice %arg10[%dma_wait3A_1802, %dma_wait3A_1803, %dma_wait3A_1810] : memref<3x32x85xf32, #tpu.memory_space<vmem>> -> memref<1x1x85xf32, #tpu.memory_space<vmem>>
    %dma_wait3A_1812 = tpu.memref_squeeze %dma_wait3A_1811 : memref<1x1x85xf32, #tpu.memory_space<vmem>> -> memref<85xf32, #tpu.memory_space<vmem>>
    %dma_wait3A_1813 = arith.constant 0 : i32
    %dma_wait3A_1814 = tpu.memref_slice %arg3[%squeeze3A_144, %add3A, %dma_wait3A_1813] : memref<507x32x85xf32, #tpu.memory_space<hbm>> -> memref<1x1x85xf32, #tpu.memory_space<hbm>>
    %dma_wait3A_1815 = tpu.memref_squeeze %dma_wait3A_1814 : memref<1x1x85xf32, #tpu.memory_space<hbm>> -> memref<85xf32, #tpu.memory_space<hbm>>
    tpu.wait_dma2 semaphore(%arg11 : memref<!tpu.dma_semaphore, #tpu.memory_space<semaphore_mem>>) src(%dma_wait3A_1815 : memref<85xf32, #tpu.memory_space<hbm>>) dst(%dma_wait3A_1812 : memref<85xf32, #tpu.memory_space<vmem>>)
    %dma_wait3A_1816 = arith.constant 0 : i32
    %dma_wait3A_1817 = arith.constant 2 : i32
    %dma_wait3A_1818 = arith.constant 0 : i32
    %dma_wait3A_1819 = tpu.memref_slice %arg10[%dma_wait3A_1816, %dma_wait3A_1817, %dma_wait3A_1818] : memref<3x32x85xf32, #tpu.memory_space<vmem>> -> memref<1x1x85xf32, #tpu.memory_space<vmem>>
    %dma_wait3A_1820 = tpu.memref_squeeze %dma_wait3A_1819 : memref<1x1x85xf32, #tpu.memory_space<vmem>> -> memref<85xf32, #tpu.memory_space<vmem>>
    %dma_wait3A_1821 = arith.constant 0 : i32
    %dma_wait3A_1822 = tpu.memref_slice %arg3[%squeeze3A_160, %add3A, %dma_wait3A_1821] : memref<507x32x85xf32, #tpu.memory_space<hbm>> -> memref<1x1x85xf32, #tpu.memory_space<hbm>>
    %dma_wait3A_1823 = tpu.memref_squeeze %dma_wait3A_1822 : memref<1x1x85xf32, #tpu.memory_space<hbm>> -> memref<85xf32, #tpu.memory_space<hbm>>
    %dma_wait3A_1824 = arith.constant 0 : i32
    %dma_wait3A_1825 = tpu.memref_slice %arg10[%dma_wait3A_1816, %dma_wait3A_1817, %dma_wait3A_1824] : memref<3x32x85xf32, #tpu.memory_space<vmem>> -> memref<1x1x85xf32, #tpu.memory_space<vmem>>
    %dma_wait3A_1826 = tpu.memref_squeeze %dma_wait3A_1825 : memref<1x1x85xf32, #tpu.memory_space<vmem>> -> memref<85xf32, #tpu.memory_space<vmem>>
    %dma_wait3A_1827 = arith.constant 0 : i32
    %dma_wait3A_1828 = tpu.memref_slice %arg3[%squeeze3A_160, %add3A, %dma_wait3A_1827] : memref<507x32x85xf32, #tpu.memory_space<hbm>> -> memref<1x1x85xf32, #tpu.memory_space<hbm>>
    %dma_wait3A_1829 = tpu.memref_squeeze %dma_wait3A_1828 : memref<1x1x85xf32, #tpu.memory_space<hbm>> -> memref<85xf32, #tpu.memory_space<hbm>>
    tpu.wait_dma2 semaphore(%arg11 : memref<!tpu.dma_semaphore, #tpu.memory_space<semaphore_mem>>) src(%dma_wait3A_1829 : memref<85xf32, #tpu.memory_space<hbm>>) dst(%dma_wait3A_1826 : memref<85xf32, #tpu.memory_space<vmem>>)
    %dma_wait3A_1830 = arith.constant 0 : i32
    %dma_wait3A_1831 = arith.constant 3 : i32
    %dma_wait3A_1832 = arith.constant 0 : i32
    %dma_wait3A_1833 = tpu.memref_slice %arg10[%dma_wait3A_1830, %dma_wait3A_1831, %dma_wait3A_1832] : memref<3x32x85xf32, #tpu.memory_space<vmem>> -> memref<1x1x85xf32, #tpu.memory_space<vmem>>
    %dma_wait3A_1834 = tpu.memref_squeeze %dma_wait3A_1833 : memref<1x1x85xf32, #tpu.memory_space<vmem>> -> memref<85xf32, #tpu.memory_space<vmem>>
    %dma_wait3A_1835 = arith.constant 0 : i32
    %dma_wait3A_1836 = tpu.memref_slice %arg3[%squeeze3A_176, %add3A, %dma_wait3A_1835] : memref<507x32x85xf32, #tpu.memory_space<hbm>> -> memref<1x1x85xf32, #tpu.memory_space<hbm>>
    %dma_wait3A_1837 = tpu.memref_squeeze %dma_wait3A_1836 : memref<1x1x85xf32, #tpu.memory_space<hbm>> -> memref<85xf32, #tpu.memory_space<hbm>>
    %dma_wait3A_1838 = arith.constant 0 : i32
    %dma_wait3A_1839 = tpu.memref_slice %arg10[%dma_wait3A_1830, %dma_wait3A_1831, %dma_wait3A_1838] : memref<3x32x85xf32, #tpu.memory_space<vmem>> -> memref<1x1x85xf32, #tpu.memory_space<vmem>>
    %dma_wait3A_1840 = tpu.memref_squeeze %dma_wait3A_1839 : memref<1x1x85xf32, #tpu.memory_space<vmem>> -> memref<85xf32, #tpu.memory_space<vmem>>
    %dma_wait3A_1841 = arith.constant 0 : i32
    %dma_wait3A_1842 = tpu.memref_slice %arg3[%squeeze3A_176, %add3A, %dma_wait3A_1841] : memref<507x32x85xf32, #tpu.memory_space<hbm>> -> memref<1x1x85xf32, #tpu.memory_space<hbm>>
    %dma_wait3A_1843 = tpu.memref_squeeze %dma_wait3A_1842 : memref<1x1x85xf32, #tpu.memory_space<hbm>> -> memref<85xf32, #tpu.memory_space<hbm>>
    tpu.wait_dma2 semaphore(%arg11 : memref<!tpu.dma_semaphore, #tpu.memory_space<semaphore_mem>>) src(%dma_wait3A_1843 : memref<85xf32, #tpu.memory_space<hbm>>) dst(%dma_wait3A_1840 : memref<85xf32, #tpu.memory_space<vmem>>)
    %dma_wait3A_1844 = arith.constant 0 : i32
    %dma_wait3A_1845 = arith.constant 4 : i32
    %dma_wait3A_1846 = arith.constant 0 : i32
    %dma_wait3A_1847 = tpu.memref_slice %arg10[%dma_wait3A_1844, %dma_wait3A_1845, %dma_wait3A_1846] : memref<3x32x85xf32, #tpu.memory_space<vmem>> -> memref<1x1x85xf32, #tpu.memory_space<vmem>>
    %dma_wait3A_1848 = tpu.memref_squeeze %dma_wait3A_1847 : memref<1x1x85xf32, #tpu.memory_space<vmem>> -> memref<85xf32, #tpu.memory_space<vmem>>
    %dma_wait3A_1849 = arith.constant 0 : i32
    %dma_wait3A_1850 = tpu.memref_slice %arg3[%squeeze3A_192, %add3A, %dma_wait3A_1849] : memref<507x32x85xf32, #tpu.memory_space<hbm>> -> memref<1x1x85xf32, #tpu.memory_space<hbm>>
    %dma_wait3A_1851 = tpu.memref_squeeze %dma_wait3A_1850 : memref<1x1x85xf32, #tpu.memory_space<hbm>> -> memref<85xf32, #tpu.memory_space<hbm>>
    %dma_wait3A_1852 = arith.constant 0 : i32
    %dma_wait3A_1853 = tpu.memref_slice %arg10[%dma_wait3A_1844, %dma_wait3A_1845, %dma_wait3A_1852] : memref<3x32x85xf32, #tpu.memory_space<vmem>> -> memref<1x1x85xf32, #tpu.memory_space<vmem>>
    %dma_wait3A_1854 = tpu.memref_squeeze %dma_wait3A_1853 : memref<1x1x85xf32, #tpu.memory_space<vmem>> -> memref<85xf32, #tpu.memory_space<vmem>>
    %dma_wait3A_1855 = arith.constant 0 : i32
    %dma_wait3A_1856 = tpu.memref_slice %arg3[%squeeze3A_192, %add3A, %dma_wait3A_1855] : memref<507x32x85xf32, #tpu.memory_space<hbm>> -> memref<1x1x85xf32, #tpu.memory_space<hbm>>
    %dma_wait3A_1857 = tpu.memref_squeeze %dma_wait3A_1856 : memref<1x1x85xf32, #tpu.memory_space<hbm>> -> memref<85xf32, #tpu.memory_space<hbm>>
    tpu.wait_dma2 semaphore(%arg11 : memref<!tpu.dma_semaphore, #tpu.memory_space<semaphore_mem>>) src(%dma_wait3A_1857 : memref<85xf32, #tpu.memory_space<hbm>>) dst(%dma_wait3A_1854 : memref<85xf32, #tpu.memory_space<vmem>>)
    %dma_wait3A_1858 = arith.constant 0 : i32
    %dma_wait3A_1859 = arith.constant 5 : i32
    %dma_wait3A_1860 = arith.constant 0 : i32
    %dma_wait3A_1861 = tpu.memref_slice %arg10[%dma_wait3A_1858, %dma_wait3A_1859, %dma_wait3A_1860] : memref<3x32x85xf32, #tpu.memory_space<vmem>> -> memref<1x1x85xf32, #tpu.memory_space<vmem>>
    %dma_wait3A_1862 = tpu.memref_squeeze %dma_wait3A_1861 : memref<1x1x85xf32, #tpu.memory_space<vmem>> -> memref<85xf32, #tpu.memory_space<vmem>>
    %dma_wait3A_1863 = arith.constant 0 : i32
    %dma_wait3A_1864 = tpu.memref_slice %arg3[%squeeze3A_208, %add3A, %dma_wait3A_1863] : memref<507x32x85xf32, #tpu.memory_space<hbm>> -> memref<1x1x85xf32, #tpu.memory_space<hbm>>
    %dma_wait3A_1865 = tpu.memref_squeeze %dma_wait3A_1864 : memref<1x1x85xf32, #tpu.memory_space<hbm>> -> memref<85xf32, #tpu.memory_space<hbm>>
    %dma_wait3A_1866 = arith.constant 0 : i32
    %dma_wait3A_1867 = tpu.memref_slice %arg10[%dma_wait3A_1858, %dma_wait3A_1859, %dma_wait3A_1866] : memref<3x32x85xf32, #tpu.memory_space<vmem>> -> memref<1x1x85xf32, #tpu.memory_space<vmem>>
    %dma_wait3A_1868 = tpu.memref_squeeze %dma_wait3A_1867 : memref<1x1x85xf32, #tpu.memory_space<vmem>> -> memref<85xf32, #tpu.memory_space<vmem>>
    %dma_wait3A_1869 = arith.constant 0 : i32
    %dma_wait3A_1870 = tpu.memref_slice %arg3[%squeeze3A_208, %add3A, %dma_wait3A_1869] : memref<507x32x85xf32, #tpu.memory_space<hbm>> -> memref<1x1x85xf32, #tpu.memory_space<hbm>>
    %dma_wait3A_1871 = tpu.memref_squeeze %dma_wait3A_1870 : memref<1x1x85xf32, #tpu.memory_space<hbm>> -> memref<85xf32, #tpu.memory_space<hbm>>
    tpu.wait_dma2 semaphore(%arg11 : memref<!tpu.dma_semaphore, #tpu.memory_space<semaphore_mem>>) src(%dma_wait3A_1871 : memref<85xf32, #tpu.memory_space<hbm>>) dst(%dma_wait3A_1868 : memref<85xf32, #tpu.memory_space<vmem>>)
    %dma_wait3A_1872 = arith.constant 0 : i32
    %dma_wait3A_1873 = arith.constant 6 : i32
    %dma_wait3A_1874 = arith.constant 0 : i32
    %dma_wait3A_1875 = tpu.memref_slice %arg10[%dma_wait3A_1872, %dma_wait3A_1873, %dma_wait3A_1874] : memref<3x32x85xf32, #tpu.memory_space<vmem>> -> memref<1x1x85xf32, #tpu.memory_space<vmem>>
    %dma_wait3A_1876 = tpu.memref_squeeze %dma_wait3A_1875 : memref<1x1x85xf32, #tpu.memory_space<vmem>> -> memref<85xf32, #tpu.memory_space<vmem>>
    %dma_wait3A_1877 = arith.constant 0 : i32
    %dma_wait3A_1878 = tpu.memref_slice %arg3[%squeeze3A_224, %add3A, %dma_wait3A_1877] : memref<507x32x85xf32, #tpu.memory_space<hbm>> -> memref<1x1x85xf32, #tpu.memory_space<hbm>>
    %dma_wait3A_1879 = tpu.memref_squeeze %dma_wait3A_1878 : memref<1x1x85xf32, #tpu.memory_space<hbm>> -> memref<85xf32, #tpu.memory_space<hbm>>
    %dma_wait3A_1880 = arith.constant 0 : i32
    %dma_wait3A_1881 = tpu.memref_slice %arg10[%dma_wait3A_1872, %dma_wait3A_1873, %dma_wait3A_1880] : memref<3x32x85xf32, #tpu.memory_space<vmem>> -> memref<1x1x85xf32, #tpu.memory_space<vmem>>
    %dma_wait3A_1882 = tpu.memref_squeeze %dma_wait3A_1881 : memref<1x1x85xf32, #tpu.memory_space<vmem>> -> memref<85xf32, #tpu.memory_space<vmem>>
    %dma_wait3A_1883 = arith.constant 0 : i32
    %dma_wait3A_1884 = tpu.memref_slice %arg3[%squeeze3A_224, %add3A, %dma_wait3A_1883] : memref<507x32x85xf32, #tpu.memory_space<hbm>> -> memref<1x1x85xf32, #tpu.memory_space<hbm>>
    %dma_wait3A_1885 = tpu.memref_squeeze %dma_wait3A_1884 : memref<1x1x85xf32, #tpu.memory_space<hbm>> -> memref<85xf32, #tpu.memory_space<hbm>>
    tpu.wait_dma2 semaphore(%arg11 : memref<!tpu.dma_semaphore, #tpu.memory_space<semaphore_mem>>) src(%dma_wait3A_1885 : memref<85xf32, #tpu.memory_space<hbm>>) dst(%dma_wait3A_1882 : memref<85xf32, #tpu.memory_space<vmem>>)
    %dma_wait3A_1886 = arith.constant 0 : i32
    %dma_wait3A_1887 = arith.constant 7 : i32
    %dma_wait3A_1888 = arith.constant 0 : i32
    %dma_wait3A_1889 = tpu.memref_slice %arg10[%dma_wait3A_1886, %dma_wait3A_1887, %dma_wait3A_1888] : memref<3x32x85xf32, #tpu.memory_space<vmem>> -> memref<1x1x85xf32, #tpu.memory_space<vmem>>
    %dma_wait3A_1890 = tpu.memref_squeeze %dma_wait3A_1889 : memref<1x1x85xf32, #tpu.memory_space<vmem>> -> memref<85xf32, #tpu.memory_space<vmem>>
    %dma_wait3A_1891 = arith.constant 0 : i32
    %dma_wait3A_1892 = tpu.memref_slice %arg3[%squeeze3A_240, %add3A, %dma_wait3A_1891] : memref<507x32x85xf32, #tpu.memory_space<hbm>> -> memref<1x1x85xf32, #tpu.memory_space<hbm>>
    %dma_wait3A_1893 = tpu.memref_squeeze %dma_wait3A_1892 : memref<1x1x85xf32, #tpu.memory_space<hbm>> -> memref<85xf32, #tpu.memory_space<hbm>>
    %dma_wait3A_1894 = arith.constant 0 : i32
    %dma_wait3A_1895 = tpu.memref_slice %arg10[%dma_wait3A_1886, %dma_wait3A_1887, %dma_wait3A_1894] : memref<3x32x85xf32, #tpu.memory_space<vmem>> -> memref<1x1x85xf32, #tpu.memory_space<vmem>>
    %dma_wait3A_1896 = tpu.memref_squeeze %dma_wait3A_1895 : memref<1x1x85xf32, #tpu.memory_space<vmem>> -> memref<85xf32, #tpu.memory_space<vmem>>
    %dma_wait3A_1897 = arith.constant 0 : i32
    %dma_wait3A_1898 = tpu.memref_slice %arg3[%squeeze3A_240, %add3A, %dma_wait3A_1897] : memref<507x32x85xf32, #tpu.memory_space<hbm>> -> memref<1x1x85xf32, #tpu.memory_space<hbm>>
    %dma_wait3A_1899 = tpu.memref_squeeze %dma_wait3A_1898 : memref<1x1x85xf32, #tpu.memory_space<hbm>> -> memref<85xf32, #tpu.memory_space<hbm>>
    tpu.wait_dma2 semaphore(%arg11 : memref<!tpu.dma_semaphore, #tpu.memory_space<semaphore_mem>>) src(%dma_wait3A_1899 : memref<85xf32, #tpu.memory_space<hbm>>) dst(%dma_wait3A_1896 : memref<85xf32, #tpu.memory_space<vmem>>)
    %dma_wait3A_1900 = arith.constant 0 : i32
    %dma_wait3A_1901 = arith.constant 8 : i32
    %dma_wait3A_1902 = arith.constant 0 : i32
    %dma_wait3A_1903 = tpu.memref_slice %arg10[%dma_wait3A_1900, %dma_wait3A_1901, %dma_wait3A_1902] : memref<3x32x85xf32, #tpu.memory_space<vmem>> -> memref<1x1x85xf32, #tpu.memory_space<vmem>>
    %dma_wait3A_1904 = tpu.memref_squeeze %dma_wait3A_1903 : memref<1x1x85xf32, #tpu.memory_space<vmem>> -> memref<85xf32, #tpu.memory_space<vmem>>
    %dma_wait3A_1905 = arith.constant 0 : i32
    %dma_wait3A_1906 = tpu.memref_slice %arg3[%squeeze3A_256, %add3A, %dma_wait3A_1905] : memref<507x32x85xf32, #tpu.memory_space<hbm>> -> memref<1x1x85xf32, #tpu.memory_space<hbm>>
    %dma_wait3A_1907 = tpu.memref_squeeze %dma_wait3A_1906 : memref<1x1x85xf32, #tpu.memory_space<hbm>> -> memref<85xf32, #tpu.memory_space<hbm>>
    %dma_wait3A_1908 = arith.constant 0 : i32
    %dma_wait3A_1909 = tpu.memref_slice %arg10[%dma_wait3A_1900, %dma_wait3A_1901, %dma_wait3A_1908] : memref<3x32x85xf32, #tpu.memory_space<vmem>> -> memref<1x1x85xf32, #tpu.memory_space<vmem>>
    %dma_wait3A_1910 = tpu.memref_squeeze %dma_wait3A_1909 : memref<1x1x85xf32, #tpu.memory_space<vmem>> -> memref<85xf32, #tpu.memory_space<vmem>>
    %dma_wait3A_1911 = arith.constant 0 : i32
    %dma_wait3A_1912 = tpu.memref_slice %arg3[%squeeze3A_256, %add3A, %dma_wait3A_1911] : memref<507x32x85xf32, #tpu.memory_space<hbm>> -> memref<1x1x85xf32, #tpu.memory_space<hbm>>
    %dma_wait3A_1913 = tpu.memref_squeeze %dma_wait3A_1912 : memref<1x1x85xf32, #tpu.memory_space<hbm>> -> memref<85xf32, #tpu.memory_space<hbm>>
    tpu.wait_dma2 semaphore(%arg11 : memref<!tpu.dma_semaphore, #tpu.memory_space<semaphore_mem>>) src(%dma_wait3A_1913 : memref<85xf32, #tpu.memory_space<hbm>>) dst(%dma_wait3A_1910 : memref<85xf32, #tpu.memory_space<vmem>>)
    %dma_wait3A_1914 = arith.constant 0 : i32
    %dma_wait3A_1915 = arith.constant 9 : i32
    %dma_wait3A_1916 = arith.constant 0 : i32
    %dma_wait3A_1917 = tpu.memref_slice %arg10[%dma_wait3A_1914, %dma_wait3A_1915, %dma_wait3A_1916] : memref<3x32x85xf32, #tpu.memory_space<vmem>> -> memref<1x1x85xf32, #tpu.memory_space<vmem>>
    %dma_wait3A_1918 = tpu.memref_squeeze %dma_wait3A_1917 : memref<1x1x85xf32, #tpu.memory_space<vmem>> -> memref<85xf32, #tpu.memory_space<vmem>>
    %dma_wait3A_1919 = arith.constant 0 : i32
    %dma_wait3A_1920 = tpu.memref_slice %arg3[%squeeze3A_272, %add3A, %dma_wait3A_1919] : memref<507x32x85xf32, #tpu.memory_space<hbm>> -> memref<1x1x85xf32, #tpu.memory_space<hbm>>
    %dma_wait3A_1921 = tpu.memref_squeeze %dma_wait3A_1920 : memref<1x1x85xf32, #tpu.memory_space<hbm>> -> memref<85xf32, #tpu.memory_space<hbm>>
    %dma_wait3A_1922 = arith.constant 0 : i32
    %dma_wait3A_1923 = tpu.memref_slice %arg10[%dma_wait3A_1914, %dma_wait3A_1915, %dma_wait3A_1922] : memref<3x32x85xf32, #tpu.memory_space<vmem>> -> memref<1x1x85xf32, #tpu.memory_space<vmem>>
    %dma_wait3A_1924 = tpu.memref_squeeze %dma_wait3A_1923 : memref<1x1x85xf32, #tpu.memory_space<vmem>> -> memref<85xf32, #tpu.memory_space<vmem>>
    %dma_wait3A_1925 = arith.constant 0 : i32
    %dma_wait3A_1926 = tpu.memref_slice %arg3[%squeeze3A_272, %add3A, %dma_wait3A_1925] : memref<507x32x85xf32, #tpu.memory_space<hbm>> -> memref<1x1x85xf32, #tpu.memory_space<hbm>>
    %dma_wait3A_1927 = tpu.memref_squeeze %dma_wait3A_1926 : memref<1x1x85xf32, #tpu.memory_space<hbm>> -> memref<85xf32, #tpu.memory_space<hbm>>
    tpu.wait_dma2 semaphore(%arg11 : memref<!tpu.dma_semaphore, #tpu.memory_space<semaphore_mem>>) src(%dma_wait3A_1927 : memref<85xf32, #tpu.memory_space<hbm>>) dst(%dma_wait3A_1924 : memref<85xf32, #tpu.memory_space<vmem>>)
    %dma_wait3A_1928 = arith.constant 0 : i32
    %dma_wait3A_1929 = arith.constant 10 : i32
    %dma_wait3A_1930 = arith.constant 0 : i32
    %dma_wait3A_1931 = tpu.memref_slice %arg10[%dma_wait3A_1928, %dma_wait3A_1929, %dma_wait3A_1930] : memref<3x32x85xf32, #tpu.memory_space<vmem>> -> memref<1x1x85xf32, #tpu.memory_space<vmem>>
    %dma_wait3A_1932 = tpu.memref_squeeze %dma_wait3A_1931 : memref<1x1x85xf32, #tpu.memory_space<vmem>> -> memref<85xf32, #tpu.memory_space<vmem>>
    %dma_wait3A_1933 = arith.constant 0 : i32
    %dma_wait3A_1934 = tpu.memref_slice %arg3[%squeeze3A_288, %add3A, %dma_wait3A_1933] : memref<507x32x85xf32, #tpu.memory_space<hbm>> -> memref<1x1x85xf32, #tpu.memory_space<hbm>>
    %dma_wait3A_1935 = tpu.memref_squeeze %dma_wait3A_1934 : memref<1x1x85xf32, #tpu.memory_space<hbm>> -> memref<85xf32, #tpu.memory_space<hbm>>
    %dma_wait3A_1936 = arith.constant 0 : i32
    %dma_wait3A_1937 = tpu.memref_slice %arg10[%dma_wait3A_1928, %dma_wait3A_1929, %dma_wait3A_1936] : memref<3x32x85xf32, #tpu.memory_space<vmem>> -> memref<1x1x85xf32, #tpu.memory_space<vmem>>
    %dma_wait3A_1938 = tpu.memref_squeeze %dma_wait3A_1937 : memref<1x1x85xf32, #tpu.memory_space<vmem>> -> memref<85xf32, #tpu.memory_space<vmem>>
    %dma_wait3A_1939 = arith.constant 0 : i32
    %dma_wait3A_1940 = tpu.memref_slice %arg3[%squeeze3A_288, %add3A, %dma_wait3A_1939] : memref<507x32x85xf32, #tpu.memory_space<hbm>> -> memref<1x1x85xf32, #tpu.memory_space<hbm>>
    %dma_wait3A_1941 = tpu.memref_squeeze %dma_wait3A_1940 : memref<1x1x85xf32, #tpu.memory_space<hbm>> -> memref<85xf32, #tpu.memory_space<hbm>>
    tpu.wait_dma2 semaphore(%arg11 : memref<!tpu.dma_semaphore, #tpu.memory_space<semaphore_mem>>) src(%dma_wait3A_1941 : memref<85xf32, #tpu.memory_space<hbm>>) dst(%dma_wait3A_1938 : memref<85xf32, #tpu.memory_space<vmem>>)
    %dma_wait3A_1942 = arith.constant 0 : i32
    %dma_wait3A_1943 = arith.constant 11 : i32
    %dma_wait3A_1944 = arith.constant 0 : i32
    %dma_wait3A_1945 = tpu.memref_slice %arg10[%dma_wait3A_1942, %dma_wait3A_1943, %dma_wait3A_1944] : memref<3x32x85xf32, #tpu.memory_space<vmem>> -> memref<1x1x85xf32, #tpu.memory_space<vmem>>
    %dma_wait3A_1946 = tpu.memref_squeeze %dma_wait3A_1945 : memref<1x1x85xf32, #tpu.memory_space<vmem>> -> memref<85xf32, #tpu.memory_space<vmem>>
    %dma_wait3A_1947 = arith.constant 0 : i32
    %dma_wait3A_1948 = tpu.memref_slice %arg3[%squeeze3A_304, %add3A, %dma_wait3A_1947] : memref<507x32x85xf32, #tpu.memory_space<hbm>> -> memref<1x1x85xf32, #tpu.memory_space<hbm>>
    %dma_wait3A_1949 = tpu.memref_squeeze %dma_wait3A_1948 : memref<1x1x85xf32, #tpu.memory_space<hbm>> -> memref<85xf32, #tpu.memory_space<hbm>>
    %dma_wait3A_1950 = arith.constant 0 : i32
    %dma_wait3A_1951 = tpu.memref_slice %arg10[%dma_wait3A_1942, %dma_wait3A_1943, %dma_wait3A_1950] : memref<3x32x85xf32, #tpu.memory_space<vmem>> -> memref<1x1x85xf32, #tpu.memory_space<vmem>>
    %dma_wait3A_1952 = tpu.memref_squeeze %dma_wait3A_1951 : memref<1x1x85xf32, #tpu.memory_space<vmem>> -> memref<85xf32, #tpu.memory_space<vmem>>
    %dma_wait3A_1953 = arith.constant 0 : i32
    %dma_wait3A_1954 = tpu.memref_slice %arg3[%squeeze3A_304, %add3A, %dma_wait3A_1953] : memref<507x32x85xf32, #tpu.memory_space<hbm>> -> memref<1x1x85xf32, #tpu.memory_space<hbm>>
    %dma_wait3A_1955 = tpu.memref_squeeze %dma_wait3A_1954 : memref<1x1x85xf32, #tpu.memory_space<hbm>> -> memref<85xf32, #tpu.memory_space<hbm>>
    tpu.wait_dma2 semaphore(%arg11 : memref<!tpu.dma_semaphore, #tpu.memory_space<semaphore_mem>>) src(%dma_wait3A_1955 : memref<85xf32, #tpu.memory_space<hbm>>) dst(%dma_wait3A_1952 : memref<85xf32, #tpu.memory_space<vmem>>)
    %dma_wait3A_1956 = arith.constant 0 : i32
    %dma_wait3A_1957 = arith.constant 12 : i32
    %dma_wait3A_1958 = arith.constant 0 : i32
    %dma_wait3A_1959 = tpu.memref_slice %arg10[%dma_wait3A_1956, %dma_wait3A_1957, %dma_wait3A_1958] : memref<3x32x85xf32, #tpu.memory_space<vmem>> -> memref<1x1x85xf32, #tpu.memory_space<vmem>>
    %dma_wait3A_1960 = tpu.memref_squeeze %dma_wait3A_1959 : memref<1x1x85xf32, #tpu.memory_space<vmem>> -> memref<85xf32, #tpu.memory_space<vmem>>
    %dma_wait3A_1961 = arith.constant 0 : i32
    %dma_wait3A_1962 = tpu.memref_slice %arg3[%squeeze3A_320, %add3A, %dma_wait3A_1961] : memref<507x32x85xf32, #tpu.memory_space<hbm>> -> memref<1x1x85xf32, #tpu.memory_space<hbm>>
    %dma_wait3A_1963 = tpu.memref_squeeze %dma_wait3A_1962 : memref<1x1x85xf32, #tpu.memory_space<hbm>> -> memref<85xf32, #tpu.memory_space<hbm>>
    %dma_wait3A_1964 = arith.constant 0 : i32
    %dma_wait3A_1965 = tpu.memref_slice %arg10[%dma_wait3A_1956, %dma_wait3A_1957, %dma_wait3A_1964] : memref<3x32x85xf32, #tpu.memory_space<vmem>> -> memref<1x1x85xf32, #tpu.memory_space<vmem>>
    %dma_wait3A_1966 = tpu.memref_squeeze %dma_wait3A_1965 : memref<1x1x85xf32, #tpu.memory_space<vmem>> -> memref<85xf32, #tpu.memory_space<vmem>>
    %dma_wait3A_1967 = arith.constant 0 : i32
    %dma_wait3A_1968 = tpu.memref_slice %arg3[%squeeze3A_320, %add3A, %dma_wait3A_1967] : memref<507x32x85xf32, #tpu.memory_space<hbm>> -> memref<1x1x85xf32, #tpu.memory_space<hbm>>
    %dma_wait3A_1969 = tpu.memref_squeeze %dma_wait3A_1968 : memref<1x1x85xf32, #tpu.memory_space<hbm>> -> memref<85xf32, #tpu.memory_space<hbm>>
    tpu.wait_dma2 semaphore(%arg11 : memref<!tpu.dma_semaphore, #tpu.memory_space<semaphore_mem>>) src(%dma_wait3A_1969 : memref<85xf32, #tpu.memory_space<hbm>>) dst(%dma_wait3A_1966 : memref<85xf32, #tpu.memory_space<vmem>>)
    %dma_wait3A_1970 = arith.constant 0 : i32
    %dma_wait3A_1971 = arith.constant 13 : i32
    %dma_wait3A_1972 = arith.constant 0 : i32
    %dma_wait3A_1973 = tpu.memref_slice %arg10[%dma_wait3A_1970, %dma_wait3A_1971, %dma_wait3A_1972] : memref<3x32x85xf32, #tpu.memory_space<vmem>> -> memref<1x1x85xf32, #tpu.memory_space<vmem>>
    %dma_wait3A_1974 = tpu.memref_squeeze %dma_wait3A_1973 : memref<1x1x85xf32, #tpu.memory_space<vmem>> -> memref<85xf32, #tpu.memory_space<vmem>>
    %dma_wait3A_1975 = arith.constant 0 : i32
    %dma_wait3A_1976 = tpu.memref_slice %arg3[%squeeze3A_336, %add3A, %dma_wait3A_1975] : memref<507x32x85xf32, #tpu.memory_space<hbm>> -> memref<1x1x85xf32, #tpu.memory_space<hbm>>
    %dma_wait3A_1977 = tpu.memref_squeeze %dma_wait3A_1976 : memref<1x1x85xf32, #tpu.memory_space<hbm>> -> memref<85xf32, #tpu.memory_space<hbm>>
    %dma_wait3A_1978 = arith.constant 0 : i32
    %dma_wait3A_1979 = tpu.memref_slice %arg10[%dma_wait3A_1970, %dma_wait3A_1971, %dma_wait3A_1978] : memref<3x32x85xf32, #tpu.memory_space<vmem>> -> memref<1x1x85xf32, #tpu.memory_space<vmem>>
    %dma_wait3A_1980 = tpu.memref_squeeze %dma_wait3A_1979 : memref<1x1x85xf32, #tpu.memory_space<vmem>> -> memref<85xf32, #tpu.memory_space<vmem>>
    %dma_wait3A_1981 = arith.constant 0 : i32
    %dma_wait3A_1982 = tpu.memref_slice %arg3[%squeeze3A_336, %add3A, %dma_wait3A_1981] : memref<507x32x85xf32, #tpu.memory_space<hbm>> -> memref<1x1x85xf32, #tpu.memory_space<hbm>>
    %dma_wait3A_1983 = tpu.memref_squeeze %dma_wait3A_1982 : memref<1x1x85xf32, #tpu.memory_space<hbm>> -> memref<85xf32, #tpu.memory_space<hbm>>
    tpu.wait_dma2 semaphore(%arg11 : memref<!tpu.dma_semaphore, #tpu.memory_space<semaphore_mem>>) src(%dma_wait3A_1983 : memref<85xf32, #tpu.memory_space<hbm>>) dst(%dma_wait3A_1980 : memref<85xf32, #tpu.memory_space<vmem>>)
    %dma_wait3A_1984 = arith.constant 0 : i32
    %dma_wait3A_1985 = arith.constant 14 : i32
    %dma_wait3A_1986 = arith.constant 0 : i32
    %dma_wait3A_1987 = tpu.memref_slice %arg10[%dma_wait3A_1984, %dma_wait3A_1985, %dma_wait3A_1986] : memref<3x32x85xf32, #tpu.memory_space<vmem>> -> memref<1x1x85xf32, #tpu.memory_space<vmem>>
    %dma_wait3A_1988 = tpu.memref_squeeze %dma_wait3A_1987 : memref<1x1x85xf32, #tpu.memory_space<vmem>> -> memref<85xf32, #tpu.memory_space<vmem>>
    %dma_wait3A_1989 = arith.constant 0 : i32
    %dma_wait3A_1990 = tpu.memref_slice %arg3[%squeeze3A_352, %add3A, %dma_wait3A_1989] : memref<507x32x85xf32, #tpu.memory_space<hbm>> -> memref<1x1x85xf32, #tpu.memory_space<hbm>>
    %dma_wait3A_1991 = tpu.memref_squeeze %dma_wait3A_1990 : memref<1x1x85xf32, #tpu.memory_space<hbm>> -> memref<85xf32, #tpu.memory_space<hbm>>
    %dma_wait3A_1992 = arith.constant 0 : i32
    %dma_wait3A_1993 = tpu.memref_slice %arg10[%dma_wait3A_1984, %dma_wait3A_1985, %dma_wait3A_1992] : memref<3x32x85xf32, #tpu.memory_space<vmem>> -> memref<1x1x85xf32, #tpu.memory_space<vmem>>
    %dma_wait3A_1994 = tpu.memref_squeeze %dma_wait3A_1993 : memref<1x1x85xf32, #tpu.memory_space<vmem>> -> memref<85xf32, #tpu.memory_space<vmem>>
    %dma_wait3A_1995 = arith.constant 0 : i32
    %dma_wait3A_1996 = tpu.memref_slice %arg3[%squeeze3A_352, %add3A, %dma_wait3A_1995] : memref<507x32x85xf32, #tpu.memory_space<hbm>> -> memref<1x1x85xf32, #tpu.memory_space<hbm>>
    %dma_wait3A_1997 = tpu.memref_squeeze %dma_wait3A_1996 : memref<1x1x85xf32, #tpu.memory_space<hbm>> -> memref<85xf32, #tpu.memory_space<hbm>>
    tpu.wait_dma2 semaphore(%arg11 : memref<!tpu.dma_semaphore, #tpu.memory_space<semaphore_mem>>) src(%dma_wait3A_1997 : memref<85xf32, #tpu.memory_space<hbm>>) dst(%dma_wait3A_1994 : memref<85xf32, #tpu.memory_space<vmem>>)
    %dma_wait3A_1998 = arith.constant 0 : i32
    %dma_wait3A_1999 = arith.constant 15 : i32
    %dma_wait3A_2000 = arith.constant 0 : i32
    %dma_wait3A_2001 = tpu.memref_slice %arg10[%dma_wait3A_1998, %dma_wait3A_1999, %dma_wait3A_2000] : memref<3x32x85xf32, #tpu.memory_space<vmem>> -> memref<1x1x85xf32, #tpu.memory_space<vmem>>
    %dma_wait3A_2002 = tpu.memref_squeeze %dma_wait3A_2001 : memref<1x1x85xf32, #tpu.memory_space<vmem>> -> memref<85xf32, #tpu.memory_space<vmem>>
    %dma_wait3A_2003 = arith.constant 0 : i32
    %dma_wait3A_2004 = tpu.memref_slice %arg3[%squeeze3A_368, %add3A, %dma_wait3A_2003] : memref<507x32x85xf32, #tpu.memory_space<hbm>> -> memref<1x1x85xf32, #tpu.memory_space<hbm>>
    %dma_wait3A_2005 = tpu.memref_squeeze %dma_wait3A_2004 : memref<1x1x85xf32, #tpu.memory_space<hbm>> -> memref<85xf32, #tpu.memory_space<hbm>>
    %dma_wait3A_2006 = arith.constant 0 : i32
    %dma_wait3A_2007 = tpu.memref_slice %arg10[%dma_wait3A_1998, %dma_wait3A_1999, %dma_wait3A_2006] : memref<3x32x85xf32, #tpu.memory_space<vmem>> -> memref<1x1x85xf32, #tpu.memory_space<vmem>>
    %dma_wait3A_2008 = tpu.memref_squeeze %dma_wait3A_2007 : memref<1x1x85xf32, #tpu.memory_space<vmem>> -> memref<85xf32, #tpu.memory_space<vmem>>
    %dma_wait3A_2009 = arith.constant 0 : i32
    %dma_wait3A_2010 = tpu.memref_slice %arg3[%squeeze3A_368, %add3A, %dma_wait3A_2009] : memref<507x32x85xf32, #tpu.memory_space<hbm>> -> memref<1x1x85xf32, #tpu.memory_space<hbm>>
    %dma_wait3A_2011 = tpu.memref_squeeze %dma_wait3A_2010 : memref<1x1x85xf32, #tpu.memory_space<hbm>> -> memref<85xf32, #tpu.memory_space<hbm>>
    tpu.wait_dma2 semaphore(%arg11 : memref<!tpu.dma_semaphore, #tpu.memory_space<semaphore_mem>>) src(%dma_wait3A_2011 : memref<85xf32, #tpu.memory_space<hbm>>) dst(%dma_wait3A_2008 : memref<85xf32, #tpu.memory_space<vmem>>)
    %dma_wait3A_2012 = arith.constant 0 : i32
    %dma_wait3A_2013 = arith.constant 16 : i32
    %dma_wait3A_2014 = arith.constant 0 : i32
    %dma_wait3A_2015 = tpu.memref_slice %arg10[%dma_wait3A_2012, %dma_wait3A_2013, %dma_wait3A_2014] : memref<3x32x85xf32, #tpu.memory_space<vmem>> -> memref<1x1x85xf32, #tpu.memory_space<vmem>>
    %dma_wait3A_2016 = tpu.memref_squeeze %dma_wait3A_2015 : memref<1x1x85xf32, #tpu.memory_space<vmem>> -> memref<85xf32, #tpu.memory_space<vmem>>
    %dma_wait3A_2017 = arith.constant 0 : i32
    %dma_wait3A_2018 = tpu.memref_slice %arg3[%squeeze3A_524, %add3A, %dma_wait3A_2017] : memref<507x32x85xf32, #tpu.memory_space<hbm>> -> memref<1x1x85xf32, #tpu.memory_space<hbm>>
    %dma_wait3A_2019 = tpu.memref_squeeze %dma_wait3A_2018 : memref<1x1x85xf32, #tpu.memory_space<hbm>> -> memref<85xf32, #tpu.memory_space<hbm>>
    %dma_wait3A_2020 = arith.constant 0 : i32
    %dma_wait3A_2021 = tpu.memref_slice %arg10[%dma_wait3A_2012, %dma_wait3A_2013, %dma_wait3A_2020] : memref<3x32x85xf32, #tpu.memory_space<vmem>> -> memref<1x1x85xf32, #tpu.memory_space<vmem>>
    %dma_wait3A_2022 = tpu.memref_squeeze %dma_wait3A_2021 : memref<1x1x85xf32, #tpu.memory_space<vmem>> -> memref<85xf32, #tpu.memory_space<vmem>>
    %dma_wait3A_2023 = arith.constant 0 : i32
    %dma_wait3A_2024 = tpu.memref_slice %arg3[%squeeze3A_524, %add3A, %dma_wait3A_2023] : memref<507x32x85xf32, #tpu.memory_space<hbm>> -> memref<1x1x85xf32, #tpu.memory_space<hbm>>
    %dma_wait3A_2025 = tpu.memref_squeeze %dma_wait3A_2024 : memref<1x1x85xf32, #tpu.memory_space<hbm>> -> memref<85xf32, #tpu.memory_space<hbm>>
    tpu.wait_dma2 semaphore(%arg11 : memref<!tpu.dma_semaphore, #tpu.memory_space<semaphore_mem>>) src(%dma_wait3A_2025 : memref<85xf32, #tpu.memory_space<hbm>>) dst(%dma_wait3A_2022 : memref<85xf32, #tpu.memory_space<vmem>>)
    %dma_wait3A_2026 = arith.constant 0 : i32
    %dma_wait3A_2027 = arith.constant 17 : i32
    %dma_wait3A_2028 = arith.constant 0 : i32
    %dma_wait3A_2029 = tpu.memref_slice %arg10[%dma_wait3A_2026, %dma_wait3A_2027, %dma_wait3A_2028] : memref<3x32x85xf32, #tpu.memory_space<vmem>> -> memref<1x1x85xf32, #tpu.memory_space<vmem>>
    %dma_wait3A_2030 = tpu.memref_squeeze %dma_wait3A_2029 : memref<1x1x85xf32, #tpu.memory_space<vmem>> -> memref<85xf32, #tpu.memory_space<vmem>>
    %dma_wait3A_2031 = arith.constant 0 : i32
    %dma_wait3A_2032 = tpu.memref_slice %arg3[%squeeze3A_540, %add3A, %dma_wait3A_2031] : memref<507x32x85xf32, #tpu.memory_space<hbm>> -> memref<1x1x85xf32, #tpu.memory_space<hbm>>
    %dma_wait3A_2033 = tpu.memref_squeeze %dma_wait3A_2032 : memref<1x1x85xf32, #tpu.memory_space<hbm>> -> memref<85xf32, #tpu.memory_space<hbm>>
    %dma_wait3A_2034 = arith.constant 0 : i32
    %dma_wait3A_2035 = tpu.memref_slice %arg10[%dma_wait3A_2026, %dma_wait3A_2027, %dma_wait3A_2034] : memref<3x32x85xf32, #tpu.memory_space<vmem>> -> memref<1x1x85xf32, #tpu.memory_space<vmem>>
    %dma_wait3A_2036 = tpu.memref_squeeze %dma_wait3A_2035 : memref<1x1x85xf32, #tpu.memory_space<vmem>> -> memref<85xf32, #tpu.memory_space<vmem>>
    %dma_wait3A_2037 = arith.constant 0 : i32
    %dma_wait3A_2038 = tpu.memref_slice %arg3[%squeeze3A_540, %add3A, %dma_wait3A_2037] : memref<507x32x85xf32, #tpu.memory_space<hbm>> -> memref<1x1x85xf32, #tpu.memory_space<hbm>>
    %dma_wait3A_2039 = tpu.memref_squeeze %dma_wait3A_2038 : memref<1x1x85xf32, #tpu.memory_space<hbm>> -> memref<85xf32, #tpu.memory_space<hbm>>
    tpu.wait_dma2 semaphore(%arg11 : memref<!tpu.dma_semaphore, #tpu.memory_space<semaphore_mem>>) src(%dma_wait3A_2039 : memref<85xf32, #tpu.memory_space<hbm>>) dst(%dma_wait3A_2036 : memref<85xf32, #tpu.memory_space<vmem>>)
    %dma_wait3A_2040 = arith.constant 0 : i32
    %dma_wait3A_2041 = arith.constant 18 : i32
    %dma_wait3A_2042 = arith.constant 0 : i32
    %dma_wait3A_2043 = tpu.memref_slice %arg10[%dma_wait3A_2040, %dma_wait3A_2041, %dma_wait3A_2042] : memref<3x32x85xf32, #tpu.memory_space<vmem>> -> memref<1x1x85xf32, #tpu.memory_space<vmem>>
    %dma_wait3A_2044 = tpu.memref_squeeze %dma_wait3A_2043 : memref<1x1x85xf32, #tpu.memory_space<vmem>> -> memref<85xf32, #tpu.memory_space<vmem>>
    %dma_wait3A_2045 = arith.constant 0 : i32
    %dma_wait3A_2046 = tpu.memref_slice %arg3[%squeeze3A_556, %add3A, %dma_wait3A_2045] : memref<507x32x85xf32, #tpu.memory_space<hbm>> -> memref<1x1x85xf32, #tpu.memory_space<hbm>>
    %dma_wait3A_2047 = tpu.memref_squeeze %dma_wait3A_2046 : memref<1x1x85xf32, #tpu.memory_space<hbm>> -> memref<85xf32, #tpu.memory_space<hbm>>
    %dma_wait3A_2048 = arith.constant 0 : i32
    %dma_wait3A_2049 = tpu.memref_slice %arg10[%dma_wait3A_2040, %dma_wait3A_2041, %dma_wait3A_2048] : memref<3x32x85xf32, #tpu.memory_space<vmem>> -> memref<1x1x85xf32, #tpu.memory_space<vmem>>
    %dma_wait3A_2050 = tpu.memref_squeeze %dma_wait3A_2049 : memref<1x1x85xf32, #tpu.memory_space<vmem>> -> memref<85xf32, #tpu.memory_space<vmem>>
    %dma_wait3A_2051 = arith.constant 0 : i32
    %dma_wait3A_2052 = tpu.memref_slice %arg3[%squeeze3A_556, %add3A, %dma_wait3A_2051] : memref<507x32x85xf32, #tpu.memory_space<hbm>> -> memref<1x1x85xf32, #tpu.memory_space<hbm>>
    %dma_wait3A_2053 = tpu.memref_squeeze %dma_wait3A_2052 : memref<1x1x85xf32, #tpu.memory_space<hbm>> -> memref<85xf32, #tpu.memory_space<hbm>>
    tpu.wait_dma2 semaphore(%arg11 : memref<!tpu.dma_semaphore, #tpu.memory_space<semaphore_mem>>) src(%dma_wait3A_2053 : memref<85xf32, #tpu.memory_space<hbm>>) dst(%dma_wait3A_2050 : memref<85xf32, #tpu.memory_space<vmem>>)
    %dma_wait3A_2054 = arith.constant 0 : i32
    %dma_wait3A_2055 = arith.constant 19 : i32
    %dma_wait3A_2056 = arith.constant 0 : i32
    %dma_wait3A_2057 = tpu.memref_slice %arg10[%dma_wait3A_2054, %dma_wait3A_2055, %dma_wait3A_2056] : memref<3x32x85xf32, #tpu.memory_space<vmem>> -> memref<1x1x85xf32, #tpu.memory_space<vmem>>
    %dma_wait3A_2058 = tpu.memref_squeeze %dma_wait3A_2057 : memref<1x1x85xf32, #tpu.memory_space<vmem>> -> memref<85xf32, #tpu.memory_space<vmem>>
    %dma_wait3A_2059 = arith.constant 0 : i32
    %dma_wait3A_2060 = tpu.memref_slice %arg3[%squeeze3A_572, %add3A, %dma_wait3A_2059] : memref<507x32x85xf32, #tpu.memory_space<hbm>> -> memref<1x1x85xf32, #tpu.memory_space<hbm>>
    %dma_wait3A_2061 = tpu.memref_squeeze %dma_wait3A_2060 : memref<1x1x85xf32, #tpu.memory_space<hbm>> -> memref<85xf32, #tpu.memory_space<hbm>>
    %dma_wait3A_2062 = arith.constant 0 : i32
    %dma_wait3A_2063 = tpu.memref_slice %arg10[%dma_wait3A_2054, %dma_wait3A_2055, %dma_wait3A_2062] : memref<3x32x85xf32, #tpu.memory_space<vmem>> -> memref<1x1x85xf32, #tpu.memory_space<vmem>>
    %dma_wait3A_2064 = tpu.memref_squeeze %dma_wait3A_2063 : memref<1x1x85xf32, #tpu.memory_space<vmem>> -> memref<85xf32, #tpu.memory_space<vmem>>
    %dma_wait3A_2065 = arith.constant 0 : i32
    %dma_wait3A_2066 = tpu.memref_slice %arg3[%squeeze3A_572, %add3A, %dma_wait3A_2065] : memref<507x32x85xf32, #tpu.memory_space<hbm>> -> memref<1x1x85xf32, #tpu.memory_space<hbm>>
    %dma_wait3A_2067 = tpu.memref_squeeze %dma_wait3A_2066 : memref<1x1x85xf32, #tpu.memory_space<hbm>> -> memref<85xf32, #tpu.memory_space<hbm>>
    tpu.wait_dma2 semaphore(%arg11 : memref<!tpu.dma_semaphore, #tpu.memory_space<semaphore_mem>>) src(%dma_wait3A_2067 : memref<85xf32, #tpu.memory_space<hbm>>) dst(%dma_wait3A_2064 : memref<85xf32, #tpu.memory_space<vmem>>)
    %dma_wait3A_2068 = arith.constant 1 : i32
    %dma_wait3A_2069 = arith.constant 0 : i32
    %dma_wait3A_2070 = arith.constant 0 : i32
    %dma_wait3A_2071 = tpu.memref_slice %arg10[%dma_wait3A_2068, %dma_wait3A_2069, %dma_wait3A_2070] : memref<3x32x85xf32, #tpu.memory_space<vmem>> -> memref<1x1x85xf32, #tpu.memory_space<vmem>>
    %dma_wait3A_2072 = tpu.memref_squeeze %dma_wait3A_2071 : memref<1x1x85xf32, #tpu.memory_space<vmem>> -> memref<85xf32, #tpu.memory_space<vmem>>
    %dma_wait3A_2073 = arith.constant 0 : i32
    %dma_wait3A_2074 = tpu.memref_slice %arg4[%squeeze3A_728, %add3A, %dma_wait3A_2073] : memref<2028x32x85xf32, #tpu.memory_space<hbm>> -> memref<1x1x85xf32, #tpu.memory_space<hbm>>
    %dma_wait3A_2075 = tpu.memref_squeeze %dma_wait3A_2074 : memref<1x1x85xf32, #tpu.memory_space<hbm>> -> memref<85xf32, #tpu.memory_space<hbm>>
    %dma_wait3A_2076 = arith.constant 0 : i32
    %dma_wait3A_2077 = tpu.memref_slice %arg10[%dma_wait3A_2068, %dma_wait3A_2069, %dma_wait3A_2076] : memref<3x32x85xf32, #tpu.memory_space<vmem>> -> memref<1x1x85xf32, #tpu.memory_space<vmem>>
    %dma_wait3A_2078 = tpu.memref_squeeze %dma_wait3A_2077 : memref<1x1x85xf32, #tpu.memory_space<vmem>> -> memref<85xf32, #tpu.memory_space<vmem>>
    %dma_wait3A_2079 = arith.constant 0 : i32
    %dma_wait3A_2080 = tpu.memref_slice %arg4[%squeeze3A_728, %add3A, %dma_wait3A_2079] : memref<2028x32x85xf32, #tpu.memory_space<hbm>> -> memref<1x1x85xf32, #tpu.memory_space<hbm>>
    %dma_wait3A_2081 = tpu.memref_squeeze %dma_wait3A_2080 : memref<1x1x85xf32, #tpu.memory_space<hbm>> -> memref<85xf32, #tpu.memory_space<hbm>>
    tpu.wait_dma2 semaphore(%arg11 : memref<!tpu.dma_semaphore, #tpu.memory_space<semaphore_mem>>) src(%dma_wait3A_2081 : memref<85xf32, #tpu.memory_space<hbm>>) dst(%dma_wait3A_2078 : memref<85xf32, #tpu.memory_space<vmem>>)
    %dma_wait3A_2082 = arith.constant 1 : i32
    %dma_wait3A_2083 = arith.constant 1 : i32
    %dma_wait3A_2084 = arith.constant 0 : i32
    %dma_wait3A_2085 = tpu.memref_slice %arg10[%dma_wait3A_2082, %dma_wait3A_2083, %dma_wait3A_2084] : memref<3x32x85xf32, #tpu.memory_space<vmem>> -> memref<1x1x85xf32, #tpu.memory_space<vmem>>
    %dma_wait3A_2086 = tpu.memref_squeeze %dma_wait3A_2085 : memref<1x1x85xf32, #tpu.memory_space<vmem>> -> memref<85xf32, #tpu.memory_space<vmem>>
    %dma_wait3A_2087 = arith.constant 0 : i32
    %dma_wait3A_2088 = tpu.memref_slice %arg4[%squeeze3A_744, %add3A, %dma_wait3A_2087] : memref<2028x32x85xf32, #tpu.memory_space<hbm>> -> memref<1x1x85xf32, #tpu.memory_space<hbm>>
    %dma_wait3A_2089 = tpu.memref_squeeze %dma_wait3A_2088 : memref<1x1x85xf32, #tpu.memory_space<hbm>> -> memref<85xf32, #tpu.memory_space<hbm>>
    %dma_wait3A_2090 = arith.constant 0 : i32
    %dma_wait3A_2091 = tpu.memref_slice %arg10[%dma_wait3A_2082, %dma_wait3A_2083, %dma_wait3A_2090] : memref<3x32x85xf32, #tpu.memory_space<vmem>> -> memref<1x1x85xf32, #tpu.memory_space<vmem>>
    %dma_wait3A_2092 = tpu.memref_squeeze %dma_wait3A_2091 : memref<1x1x85xf32, #tpu.memory_space<vmem>> -> memref<85xf32, #tpu.memory_space<vmem>>
    %dma_wait3A_2093 = arith.constant 0 : i32
    %dma_wait3A_2094 = tpu.memref_slice %arg4[%squeeze3A_744, %add3A, %dma_wait3A_2093] : memref<2028x32x85xf32, #tpu.memory_space<hbm>> -> memref<1x1x85xf32, #tpu.memory_space<hbm>>
    %dma_wait3A_2095 = tpu.memref_squeeze %dma_wait3A_2094 : memref<1x1x85xf32, #tpu.memory_space<hbm>> -> memref<85xf32, #tpu.memory_space<hbm>>
    tpu.wait_dma2 semaphore(%arg11 : memref<!tpu.dma_semaphore, #tpu.memory_space<semaphore_mem>>) src(%dma_wait3A_2095 : memref<85xf32, #tpu.memory_space<hbm>>) dst(%dma_wait3A_2092 : memref<85xf32, #tpu.memory_space<vmem>>)
    %dma_wait3A_2096 = arith.constant 1 : i32
    %dma_wait3A_2097 = arith.constant 2 : i32
    %dma_wait3A_2098 = arith.constant 0 : i32
    %dma_wait3A_2099 = tpu.memref_slice %arg10[%dma_wait3A_2096, %dma_wait3A_2097, %dma_wait3A_2098] : memref<3x32x85xf32, #tpu.memory_space<vmem>> -> memref<1x1x85xf32, #tpu.memory_space<vmem>>
    %dma_wait3A_2100 = tpu.memref_squeeze %dma_wait3A_2099 : memref<1x1x85xf32, #tpu.memory_space<vmem>> -> memref<85xf32, #tpu.memory_space<vmem>>
    %dma_wait3A_2101 = arith.constant 0 : i32
    %dma_wait3A_2102 = tpu.memref_slice %arg4[%squeeze3A_760, %add3A, %dma_wait3A_2101] : memref<2028x32x85xf32, #tpu.memory_space<hbm>> -> memref<1x1x85xf32, #tpu.memory_space<hbm>>
    %dma_wait3A_2103 = tpu.memref_squeeze %dma_wait3A_2102 : memref<1x1x85xf32, #tpu.memory_space<hbm>> -> memref<85xf32, #tpu.memory_space<hbm>>
    %dma_wait3A_2104 = arith.constant 0 : i32
    %dma_wait3A_2105 = tpu.memref_slice %arg10[%dma_wait3A_2096, %dma_wait3A_2097, %dma_wait3A_2104] : memref<3x32x85xf32, #tpu.memory_space<vmem>> -> memref<1x1x85xf32, #tpu.memory_space<vmem>>
    %dma_wait3A_2106 = tpu.memref_squeeze %dma_wait3A_2105 : memref<1x1x85xf32, #tpu.memory_space<vmem>> -> memref<85xf32, #tpu.memory_space<vmem>>
    %dma_wait3A_2107 = arith.constant 0 : i32
    %dma_wait3A_2108 = tpu.memref_slice %arg4[%squeeze3A_760, %add3A, %dma_wait3A_2107] : memref<2028x32x85xf32, #tpu.memory_space<hbm>> -> memref<1x1x85xf32, #tpu.memory_space<hbm>>
    %dma_wait3A_2109 = tpu.memref_squeeze %dma_wait3A_2108 : memref<1x1x85xf32, #tpu.memory_space<hbm>> -> memref<85xf32, #tpu.memory_space<hbm>>
    tpu.wait_dma2 semaphore(%arg11 : memref<!tpu.dma_semaphore, #tpu.memory_space<semaphore_mem>>) src(%dma_wait3A_2109 : memref<85xf32, #tpu.memory_space<hbm>>) dst(%dma_wait3A_2106 : memref<85xf32, #tpu.memory_space<vmem>>)
    %dma_wait3A_2110 = arith.constant 1 : i32
    %dma_wait3A_2111 = arith.constant 3 : i32
    %dma_wait3A_2112 = arith.constant 0 : i32
    %dma_wait3A_2113 = tpu.memref_slice %arg10[%dma_wait3A_2110, %dma_wait3A_2111, %dma_wait3A_2112] : memref<3x32x85xf32, #tpu.memory_space<vmem>> -> memref<1x1x85xf32, #tpu.memory_space<vmem>>
    %dma_wait3A_2114 = tpu.memref_squeeze %dma_wait3A_2113 : memref<1x1x85xf32, #tpu.memory_space<vmem>> -> memref<85xf32, #tpu.memory_space<vmem>>
    %dma_wait3A_2115 = arith.constant 0 : i32
    %dma_wait3A_2116 = tpu.memref_slice %arg4[%squeeze3A_776, %add3A, %dma_wait3A_2115] : memref<2028x32x85xf32, #tpu.memory_space<hbm>> -> memref<1x1x85xf32, #tpu.memory_space<hbm>>
    %dma_wait3A_2117 = tpu.memref_squeeze %dma_wait3A_2116 : memref<1x1x85xf32, #tpu.memory_space<hbm>> -> memref<85xf32, #tpu.memory_space<hbm>>
    %dma_wait3A_2118 = arith.constant 0 : i32
    %dma_wait3A_2119 = tpu.memref_slice %arg10[%dma_wait3A_2110, %dma_wait3A_2111, %dma_wait3A_2118] : memref<3x32x85xf32, #tpu.memory_space<vmem>> -> memref<1x1x85xf32, #tpu.memory_space<vmem>>
    %dma_wait3A_2120 = tpu.memref_squeeze %dma_wait3A_2119 : memref<1x1x85xf32, #tpu.memory_space<vmem>> -> memref<85xf32, #tpu.memory_space<vmem>>
    %dma_wait3A_2121 = arith.constant 0 : i32
    %dma_wait3A_2122 = tpu.memref_slice %arg4[%squeeze3A_776, %add3A, %dma_wait3A_2121] : memref<2028x32x85xf32, #tpu.memory_space<hbm>> -> memref<1x1x85xf32, #tpu.memory_space<hbm>>
    %dma_wait3A_2123 = tpu.memref_squeeze %dma_wait3A_2122 : memref<1x1x85xf32, #tpu.memory_space<hbm>> -> memref<85xf32, #tpu.memory_space<hbm>>
    tpu.wait_dma2 semaphore(%arg11 : memref<!tpu.dma_semaphore, #tpu.memory_space<semaphore_mem>>) src(%dma_wait3A_2123 : memref<85xf32, #tpu.memory_space<hbm>>) dst(%dma_wait3A_2120 : memref<85xf32, #tpu.memory_space<vmem>>)
    %dma_wait3A_2124 = arith.constant 1 : i32
    %dma_wait3A_2125 = arith.constant 4 : i32
    %dma_wait3A_2126 = arith.constant 0 : i32
    %dma_wait3A_2127 = tpu.memref_slice %arg10[%dma_wait3A_2124, %dma_wait3A_2125, %dma_wait3A_2126] : memref<3x32x85xf32, #tpu.memory_space<vmem>> -> memref<1x1x85xf32, #tpu.memory_space<vmem>>
    %dma_wait3A_2128 = tpu.memref_squeeze %dma_wait3A_2127 : memref<1x1x85xf32, #tpu.memory_space<vmem>> -> memref<85xf32, #tpu.memory_space<vmem>>
    %dma_wait3A_2129 = arith.constant 0 : i32
    %dma_wait3A_2130 = tpu.memref_slice %arg4[%squeeze3A_792, %add3A, %dma_wait3A_2129] : memref<2028x32x85xf32, #tpu.memory_space<hbm>> -> memref<1x1x85xf32, #tpu.memory_space<hbm>>
    %dma_wait3A_2131 = tpu.memref_squeeze %dma_wait3A_2130 : memref<1x1x85xf32, #tpu.memory_space<hbm>> -> memref<85xf32, #tpu.memory_space<hbm>>
    %dma_wait3A_2132 = arith.constant 0 : i32
    %dma_wait3A_2133 = tpu.memref_slice %arg10[%dma_wait3A_2124, %dma_wait3A_2125, %dma_wait3A_2132] : memref<3x32x85xf32, #tpu.memory_space<vmem>> -> memref<1x1x85xf32, #tpu.memory_space<vmem>>
    %dma_wait3A_2134 = tpu.memref_squeeze %dma_wait3A_2133 : memref<1x1x85xf32, #tpu.memory_space<vmem>> -> memref<85xf32, #tpu.memory_space<vmem>>
    %dma_wait3A_2135 = arith.constant 0 : i32
    %dma_wait3A_2136 = tpu.memref_slice %arg4[%squeeze3A_792, %add3A, %dma_wait3A_2135] : memref<2028x32x85xf32, #tpu.memory_space<hbm>> -> memref<1x1x85xf32, #tpu.memory_space<hbm>>
    %dma_wait3A_2137 = tpu.memref_squeeze %dma_wait3A_2136 : memref<1x1x85xf32, #tpu.memory_space<hbm>> -> memref<85xf32, #tpu.memory_space<hbm>>
    tpu.wait_dma2 semaphore(%arg11 : memref<!tpu.dma_semaphore, #tpu.memory_space<semaphore_mem>>) src(%dma_wait3A_2137 : memref<85xf32, #tpu.memory_space<hbm>>) dst(%dma_wait3A_2134 : memref<85xf32, #tpu.memory_space<vmem>>)
    %dma_wait3A_2138 = arith.constant 1 : i32
    %dma_wait3A_2139 = arith.constant 5 : i32
    %dma_wait3A_2140 = arith.constant 0 : i32
    %dma_wait3A_2141 = tpu.memref_slice %arg10[%dma_wait3A_2138, %dma_wait3A_2139, %dma_wait3A_2140] : memref<3x32x85xf32, #tpu.memory_space<vmem>> -> memref<1x1x85xf32, #tpu.memory_space<vmem>>
    %dma_wait3A_2142 = tpu.memref_squeeze %dma_wait3A_2141 : memref<1x1x85xf32, #tpu.memory_space<vmem>> -> memref<85xf32, #tpu.memory_space<vmem>>
    %dma_wait3A_2143 = arith.constant 0 : i32
    %dma_wait3A_2144 = tpu.memref_slice %arg4[%squeeze3A_808, %add3A, %dma_wait3A_2143] : memref<2028x32x85xf32, #tpu.memory_space<hbm>> -> memref<1x1x85xf32, #tpu.memory_space<hbm>>
    %dma_wait3A_2145 = tpu.memref_squeeze %dma_wait3A_2144 : memref<1x1x85xf32, #tpu.memory_space<hbm>> -> memref<85xf32, #tpu.memory_space<hbm>>
    %dma_wait3A_2146 = arith.constant 0 : i32
    %dma_wait3A_2147 = tpu.memref_slice %arg10[%dma_wait3A_2138, %dma_wait3A_2139, %dma_wait3A_2146] : memref<3x32x85xf32, #tpu.memory_space<vmem>> -> memref<1x1x85xf32, #tpu.memory_space<vmem>>
    %dma_wait3A_2148 = tpu.memref_squeeze %dma_wait3A_2147 : memref<1x1x85xf32, #tpu.memory_space<vmem>> -> memref<85xf32, #tpu.memory_space<vmem>>
    %dma_wait3A_2149 = arith.constant 0 : i32
    %dma_wait3A_2150 = tpu.memref_slice %arg4[%squeeze3A_808, %add3A, %dma_wait3A_2149] : memref<2028x32x85xf32, #tpu.memory_space<hbm>> -> memref<1x1x85xf32, #tpu.memory_space<hbm>>
    %dma_wait3A_2151 = tpu.memref_squeeze %dma_wait3A_2150 : memref<1x1x85xf32, #tpu.memory_space<hbm>> -> memref<85xf32, #tpu.memory_space<hbm>>
    tpu.wait_dma2 semaphore(%arg11 : memref<!tpu.dma_semaphore, #tpu.memory_space<semaphore_mem>>) src(%dma_wait3A_2151 : memref<85xf32, #tpu.memory_space<hbm>>) dst(%dma_wait3A_2148 : memref<85xf32, #tpu.memory_space<vmem>>)
    %dma_wait3A_2152 = arith.constant 1 : i32
    %dma_wait3A_2153 = arith.constant 6 : i32
    %dma_wait3A_2154 = arith.constant 0 : i32
    %dma_wait3A_2155 = tpu.memref_slice %arg10[%dma_wait3A_2152, %dma_wait3A_2153, %dma_wait3A_2154] : memref<3x32x85xf32, #tpu.memory_space<vmem>> -> memref<1x1x85xf32, #tpu.memory_space<vmem>>
    %dma_wait3A_2156 = tpu.memref_squeeze %dma_wait3A_2155 : memref<1x1x85xf32, #tpu.memory_space<vmem>> -> memref<85xf32, #tpu.memory_space<vmem>>
    %dma_wait3A_2157 = arith.constant 0 : i32
    %dma_wait3A_2158 = tpu.memref_slice %arg4[%squeeze3A_824, %add3A, %dma_wait3A_2157] : memref<2028x32x85xf32, #tpu.memory_space<hbm>> -> memref<1x1x85xf32, #tpu.memory_space<hbm>>
    %dma_wait3A_2159 = tpu.memref_squeeze %dma_wait3A_2158 : memref<1x1x85xf32, #tpu.memory_space<hbm>> -> memref<85xf32, #tpu.memory_space<hbm>>
    %dma_wait3A_2160 = arith.constant 0 : i32
    %dma_wait3A_2161 = tpu.memref_slice %arg10[%dma_wait3A_2152, %dma_wait3A_2153, %dma_wait3A_2160] : memref<3x32x85xf32, #tpu.memory_space<vmem>> -> memref<1x1x85xf32, #tpu.memory_space<vmem>>
    %dma_wait3A_2162 = tpu.memref_squeeze %dma_wait3A_2161 : memref<1x1x85xf32, #tpu.memory_space<vmem>> -> memref<85xf32, #tpu.memory_space<vmem>>
    %dma_wait3A_2163 = arith.constant 0 : i32
    %dma_wait3A_2164 = tpu.memref_slice %arg4[%squeeze3A_824, %add3A, %dma_wait3A_2163] : memref<2028x32x85xf32, #tpu.memory_space<hbm>> -> memref<1x1x85xf32, #tpu.memory_space<hbm>>
    %dma_wait3A_2165 = tpu.memref_squeeze %dma_wait3A_2164 : memref<1x1x85xf32, #tpu.memory_space<hbm>> -> memref<85xf32, #tpu.memory_space<hbm>>
    tpu.wait_dma2 semaphore(%arg11 : memref<!tpu.dma_semaphore, #tpu.memory_space<semaphore_mem>>) src(%dma_wait3A_2165 : memref<85xf32, #tpu.memory_space<hbm>>) dst(%dma_wait3A_2162 : memref<85xf32, #tpu.memory_space<vmem>>)
    %dma_wait3A_2166 = arith.constant 1 : i32
    %dma_wait3A_2167 = arith.constant 7 : i32
    %dma_wait3A_2168 = arith.constant 0 : i32
    %dma_wait3A_2169 = tpu.memref_slice %arg10[%dma_wait3A_2166, %dma_wait3A_2167, %dma_wait3A_2168] : memref<3x32x85xf32, #tpu.memory_space<vmem>> -> memref<1x1x85xf32, #tpu.memory_space<vmem>>
    %dma_wait3A_2170 = tpu.memref_squeeze %dma_wait3A_2169 : memref<1x1x85xf32, #tpu.memory_space<vmem>> -> memref<85xf32, #tpu.memory_space<vmem>>
    %dma_wait3A_2171 = arith.constant 0 : i32
    %dma_wait3A_2172 = tpu.memref_slice %arg4[%squeeze3A_840, %add3A, %dma_wait3A_2171] : memref<2028x32x85xf32, #tpu.memory_space<hbm>> -> memref<1x1x85xf32, #tpu.memory_space<hbm>>
    %dma_wait3A_2173 = tpu.memref_squeeze %dma_wait3A_2172 : memref<1x1x85xf32, #tpu.memory_space<hbm>> -> memref<85xf32, #tpu.memory_space<hbm>>
    %dma_wait3A_2174 = arith.constant 0 : i32
    %dma_wait3A_2175 = tpu.memref_slice %arg10[%dma_wait3A_2166, %dma_wait3A_2167, %dma_wait3A_2174] : memref<3x32x85xf32, #tpu.memory_space<vmem>> -> memref<1x1x85xf32, #tpu.memory_space<vmem>>
    %dma_wait3A_2176 = tpu.memref_squeeze %dma_wait3A_2175 : memref<1x1x85xf32, #tpu.memory_space<vmem>> -> memref<85xf32, #tpu.memory_space<vmem>>
    %dma_wait3A_2177 = arith.constant 0 : i32
    %dma_wait3A_2178 = tpu.memref_slice %arg4[%squeeze3A_840, %add3A, %dma_wait3A_2177] : memref<2028x32x85xf32, #tpu.memory_space<hbm>> -> memref<1x1x85xf32, #tpu.memory_space<hbm>>
    %dma_wait3A_2179 = tpu.memref_squeeze %dma_wait3A_2178 : memref<1x1x85xf32, #tpu.memory_space<hbm>> -> memref<85xf32, #tpu.memory_space<hbm>>
    tpu.wait_dma2 semaphore(%arg11 : memref<!tpu.dma_semaphore, #tpu.memory_space<semaphore_mem>>) src(%dma_wait3A_2179 : memref<85xf32, #tpu.memory_space<hbm>>) dst(%dma_wait3A_2176 : memref<85xf32, #tpu.memory_space<vmem>>)
    %dma_wait3A_2180 = arith.constant 1 : i32
    %dma_wait3A_2181 = arith.constant 8 : i32
    %dma_wait3A_2182 = arith.constant 0 : i32
    %dma_wait3A_2183 = tpu.memref_slice %arg10[%dma_wait3A_2180, %dma_wait3A_2181, %dma_wait3A_2182] : memref<3x32x85xf32, #tpu.memory_space<vmem>> -> memref<1x1x85xf32, #tpu.memory_space<vmem>>
    %dma_wait3A_2184 = tpu.memref_squeeze %dma_wait3A_2183 : memref<1x1x85xf32, #tpu.memory_space<vmem>> -> memref<85xf32, #tpu.memory_space<vmem>>
    %dma_wait3A_2185 = arith.constant 0 : i32
    %dma_wait3A_2186 = tpu.memref_slice %arg4[%squeeze3A_856, %add3A, %dma_wait3A_2185] : memref<2028x32x85xf32, #tpu.memory_space<hbm>> -> memref<1x1x85xf32, #tpu.memory_space<hbm>>
    %dma_wait3A_2187 = tpu.memref_squeeze %dma_wait3A_2186 : memref<1x1x85xf32, #tpu.memory_space<hbm>> -> memref<85xf32, #tpu.memory_space<hbm>>
    %dma_wait3A_2188 = arith.constant 0 : i32
    %dma_wait3A_2189 = tpu.memref_slice %arg10[%dma_wait3A_2180, %dma_wait3A_2181, %dma_wait3A_2188] : memref<3x32x85xf32, #tpu.memory_space<vmem>> -> memref<1x1x85xf32, #tpu.memory_space<vmem>>
    %dma_wait3A_2190 = tpu.memref_squeeze %dma_wait3A_2189 : memref<1x1x85xf32, #tpu.memory_space<vmem>> -> memref<85xf32, #tpu.memory_space<vmem>>
    %dma_wait3A_2191 = arith.constant 0 : i32
    %dma_wait3A_2192 = tpu.memref_slice %arg4[%squeeze3A_856, %add3A, %dma_wait3A_2191] : memref<2028x32x85xf32, #tpu.memory_space<hbm>> -> memref<1x1x85xf32, #tpu.memory_space<hbm>>
    %dma_wait3A_2193 = tpu.memref_squeeze %dma_wait3A_2192 : memref<1x1x85xf32, #tpu.memory_space<hbm>> -> memref<85xf32, #tpu.memory_space<hbm>>
    tpu.wait_dma2 semaphore(%arg11 : memref<!tpu.dma_semaphore, #tpu.memory_space<semaphore_mem>>) src(%dma_wait3A_2193 : memref<85xf32, #tpu.memory_space<hbm>>) dst(%dma_wait3A_2190 : memref<85xf32, #tpu.memory_space<vmem>>)
    %dma_wait3A_2194 = arith.constant 1 : i32
    %dma_wait3A_2195 = arith.constant 9 : i32
    %dma_wait3A_2196 = arith.constant 0 : i32
    %dma_wait3A_2197 = tpu.memref_slice %arg10[%dma_wait3A_2194, %dma_wait3A_2195, %dma_wait3A_2196] : memref<3x32x85xf32, #tpu.memory_space<vmem>> -> memref<1x1x85xf32, #tpu.memory_space<vmem>>
    %dma_wait3A_2198 = tpu.memref_squeeze %dma_wait3A_2197 : memref<1x1x85xf32, #tpu.memory_space<vmem>> -> memref<85xf32, #tpu.memory_space<vmem>>
    %dma_wait3A_2199 = arith.constant 0 : i32
    %dma_wait3A_2200 = tpu.memref_slice %arg4[%squeeze3A_872, %add3A, %dma_wait3A_2199] : memref<2028x32x85xf32, #tpu.memory_space<hbm>> -> memref<1x1x85xf32, #tpu.memory_space<hbm>>
    %dma_wait3A_2201 = tpu.memref_squeeze %dma_wait3A_2200 : memref<1x1x85xf32, #tpu.memory_space<hbm>> -> memref<85xf32, #tpu.memory_space<hbm>>
    %dma_wait3A_2202 = arith.constant 0 : i32
    %dma_wait3A_2203 = tpu.memref_slice %arg10[%dma_wait3A_2194, %dma_wait3A_2195, %dma_wait3A_2202] : memref<3x32x85xf32, #tpu.memory_space<vmem>> -> memref<1x1x85xf32, #tpu.memory_space<vmem>>
    %dma_wait3A_2204 = tpu.memref_squeeze %dma_wait3A_2203 : memref<1x1x85xf32, #tpu.memory_space<vmem>> -> memref<85xf32, #tpu.memory_space<vmem>>
    %dma_wait3A_2205 = arith.constant 0 : i32
    %dma_wait3A_2206 = tpu.memref_slice %arg4[%squeeze3A_872, %add3A, %dma_wait3A_2205] : memref<2028x32x85xf32, #tpu.memory_space<hbm>> -> memref<1x1x85xf32, #tpu.memory_space<hbm>>
    %dma_wait3A_2207 = tpu.memref_squeeze %dma_wait3A_2206 : memref<1x1x85xf32, #tpu.memory_space<hbm>> -> memref<85xf32, #tpu.memory_space<hbm>>
    tpu.wait_dma2 semaphore(%arg11 : memref<!tpu.dma_semaphore, #tpu.memory_space<semaphore_mem>>) src(%dma_wait3A_2207 : memref<85xf32, #tpu.memory_space<hbm>>) dst(%dma_wait3A_2204 : memref<85xf32, #tpu.memory_space<vmem>>)
    %dma_wait3A_2208 = arith.constant 1 : i32
    %dma_wait3A_2209 = arith.constant 10 : i32
    %dma_wait3A_2210 = arith.constant 0 : i32
    %dma_wait3A_2211 = tpu.memref_slice %arg10[%dma_wait3A_2208, %dma_wait3A_2209, %dma_wait3A_2210] : memref<3x32x85xf32, #tpu.memory_space<vmem>> -> memref<1x1x85xf32, #tpu.memory_space<vmem>>
    %dma_wait3A_2212 = tpu.memref_squeeze %dma_wait3A_2211 : memref<1x1x85xf32, #tpu.memory_space<vmem>> -> memref<85xf32, #tpu.memory_space<vmem>>
    %dma_wait3A_2213 = arith.constant 0 : i32
    %dma_wait3A_2214 = tpu.memref_slice %arg4[%squeeze3A_888, %add3A, %dma_wait3A_2213] : memref<2028x32x85xf32, #tpu.memory_space<hbm>> -> memref<1x1x85xf32, #tpu.memory_space<hbm>>
    %dma_wait3A_2215 = tpu.memref_squeeze %dma_wait3A_2214 : memref<1x1x85xf32, #tpu.memory_space<hbm>> -> memref<85xf32, #tpu.memory_space<hbm>>
    %dma_wait3A_2216 = arith.constant 0 : i32
    %dma_wait3A_2217 = tpu.memref_slice %arg10[%dma_wait3A_2208, %dma_wait3A_2209, %dma_wait3A_2216] : memref<3x32x85xf32, #tpu.memory_space<vmem>> -> memref<1x1x85xf32, #tpu.memory_space<vmem>>
    %dma_wait3A_2218 = tpu.memref_squeeze %dma_wait3A_2217 : memref<1x1x85xf32, #tpu.memory_space<vmem>> -> memref<85xf32, #tpu.memory_space<vmem>>
    %dma_wait3A_2219 = arith.constant 0 : i32
    %dma_wait3A_2220 = tpu.memref_slice %arg4[%squeeze3A_888, %add3A, %dma_wait3A_2219] : memref<2028x32x85xf32, #tpu.memory_space<hbm>> -> memref<1x1x85xf32, #tpu.memory_space<hbm>>
    %dma_wait3A_2221 = tpu.memref_squeeze %dma_wait3A_2220 : memref<1x1x85xf32, #tpu.memory_space<hbm>> -> memref<85xf32, #tpu.memory_space<hbm>>
    tpu.wait_dma2 semaphore(%arg11 : memref<!tpu.dma_semaphore, #tpu.memory_space<semaphore_mem>>) src(%dma_wait3A_2221 : memref<85xf32, #tpu.memory_space<hbm>>) dst(%dma_wait3A_2218 : memref<85xf32, #tpu.memory_space<vmem>>)
    %dma_wait3A_2222 = arith.constant 1 : i32
    %dma_wait3A_2223 = arith.constant 11 : i32
    %dma_wait3A_2224 = arith.constant 0 : i32
    %dma_wait3A_2225 = tpu.memref_slice %arg10[%dma_wait3A_2222, %dma_wait3A_2223, %dma_wait3A_2224] : memref<3x32x85xf32, #tpu.memory_space<vmem>> -> memref<1x1x85xf32, #tpu.memory_space<vmem>>
    %dma_wait3A_2226 = tpu.memref_squeeze %dma_wait3A_2225 : memref<1x1x85xf32, #tpu.memory_space<vmem>> -> memref<85xf32, #tpu.memory_space<vmem>>
    %dma_wait3A_2227 = arith.constant 0 : i32
    %dma_wait3A_2228 = tpu.memref_slice %arg4[%squeeze3A_904, %add3A, %dma_wait3A_2227] : memref<2028x32x85xf32, #tpu.memory_space<hbm>> -> memref<1x1x85xf32, #tpu.memory_space<hbm>>
    %dma_wait3A_2229 = tpu.memref_squeeze %dma_wait3A_2228 : memref<1x1x85xf32, #tpu.memory_space<hbm>> -> memref<85xf32, #tpu.memory_space<hbm>>
    %dma_wait3A_2230 = arith.constant 0 : i32
    %dma_wait3A_2231 = tpu.memref_slice %arg10[%dma_wait3A_2222, %dma_wait3A_2223, %dma_wait3A_2230] : memref<3x32x85xf32, #tpu.memory_space<vmem>> -> memref<1x1x85xf32, #tpu.memory_space<vmem>>
    %dma_wait3A_2232 = tpu.memref_squeeze %dma_wait3A_2231 : memref<1x1x85xf32, #tpu.memory_space<vmem>> -> memref<85xf32, #tpu.memory_space<vmem>>
    %dma_wait3A_2233 = arith.constant 0 : i32
    %dma_wait3A_2234 = tpu.memref_slice %arg4[%squeeze3A_904, %add3A, %dma_wait3A_2233] : memref<2028x32x85xf32, #tpu.memory_space<hbm>> -> memref<1x1x85xf32, #tpu.memory_space<hbm>>
    %dma_wait3A_2235 = tpu.memref_squeeze %dma_wait3A_2234 : memref<1x1x85xf32, #tpu.memory_space<hbm>> -> memref<85xf32, #tpu.memory_space<hbm>>
    tpu.wait_dma2 semaphore(%arg11 : memref<!tpu.dma_semaphore, #tpu.memory_space<semaphore_mem>>) src(%dma_wait3A_2235 : memref<85xf32, #tpu.memory_space<hbm>>) dst(%dma_wait3A_2232 : memref<85xf32, #tpu.memory_space<vmem>>)
    %dma_wait3A_2236 = arith.constant 1 : i32
    %dma_wait3A_2237 = arith.constant 12 : i32
    %dma_wait3A_2238 = arith.constant 0 : i32
    %dma_wait3A_2239 = tpu.memref_slice %arg10[%dma_wait3A_2236, %dma_wait3A_2237, %dma_wait3A_2238] : memref<3x32x85xf32, #tpu.memory_space<vmem>> -> memref<1x1x85xf32, #tpu.memory_space<vmem>>
    %dma_wait3A_2240 = tpu.memref_squeeze %dma_wait3A_2239 : memref<1x1x85xf32, #tpu.memory_space<vmem>> -> memref<85xf32, #tpu.memory_space<vmem>>
    %dma_wait3A_2241 = arith.constant 0 : i32
    %dma_wait3A_2242 = tpu.memref_slice %arg4[%squeeze3A_920, %add3A, %dma_wait3A_2241] : memref<2028x32x85xf32, #tpu.memory_space<hbm>> -> memref<1x1x85xf32, #tpu.memory_space<hbm>>
    %dma_wait3A_2243 = tpu.memref_squeeze %dma_wait3A_2242 : memref<1x1x85xf32, #tpu.memory_space<hbm>> -> memref<85xf32, #tpu.memory_space<hbm>>
    %dma_wait3A_2244 = arith.constant 0 : i32
    %dma_wait3A_2245 = tpu.memref_slice %arg10[%dma_wait3A_2236, %dma_wait3A_2237, %dma_wait3A_2244] : memref<3x32x85xf32, #tpu.memory_space<vmem>> -> memref<1x1x85xf32, #tpu.memory_space<vmem>>
    %dma_wait3A_2246 = tpu.memref_squeeze %dma_wait3A_2245 : memref<1x1x85xf32, #tpu.memory_space<vmem>> -> memref<85xf32, #tpu.memory_space<vmem>>
    %dma_wait3A_2247 = arith.constant 0 : i32
    %dma_wait3A_2248 = tpu.memref_slice %arg4[%squeeze3A_920, %add3A, %dma_wait3A_2247] : memref<2028x32x85xf32, #tpu.memory_space<hbm>> -> memref<1x1x85xf32, #tpu.memory_space<hbm>>
    %dma_wait3A_2249 = tpu.memref_squeeze %dma_wait3A_2248 : memref<1x1x85xf32, #tpu.memory_space<hbm>> -> memref<85xf32, #tpu.memory_space<hbm>>
    tpu.wait_dma2 semaphore(%arg11 : memref<!tpu.dma_semaphore, #tpu.memory_space<semaphore_mem>>) src(%dma_wait3A_2249 : memref<85xf32, #tpu.memory_space<hbm>>) dst(%dma_wait3A_2246 : memref<85xf32, #tpu.memory_space<vmem>>)
    %dma_wait3A_2250 = arith.constant 1 : i32
    %dma_wait3A_2251 = arith.constant 13 : i32
    %dma_wait3A_2252 = arith.constant 0 : i32
    %dma_wait3A_2253 = tpu.memref_slice %arg10[%dma_wait3A_2250, %dma_wait3A_2251, %dma_wait3A_2252] : memref<3x32x85xf32, #tpu.memory_space<vmem>> -> memref<1x1x85xf32, #tpu.memory_space<vmem>>
    %dma_wait3A_2254 = tpu.memref_squeeze %dma_wait3A_2253 : memref<1x1x85xf32, #tpu.memory_space<vmem>> -> memref<85xf32, #tpu.memory_space<vmem>>
    %dma_wait3A_2255 = arith.constant 0 : i32
    %dma_wait3A_2256 = tpu.memref_slice %arg4[%squeeze3A_936, %add3A, %dma_wait3A_2255] : memref<2028x32x85xf32, #tpu.memory_space<hbm>> -> memref<1x1x85xf32, #tpu.memory_space<hbm>>
    %dma_wait3A_2257 = tpu.memref_squeeze %dma_wait3A_2256 : memref<1x1x85xf32, #tpu.memory_space<hbm>> -> memref<85xf32, #tpu.memory_space<hbm>>
    %dma_wait3A_2258 = arith.constant 0 : i32
    %dma_wait3A_2259 = tpu.memref_slice %arg10[%dma_wait3A_2250, %dma_wait3A_2251, %dma_wait3A_2258] : memref<3x32x85xf32, #tpu.memory_space<vmem>> -> memref<1x1x85xf32, #tpu.memory_space<vmem>>
    %dma_wait3A_2260 = tpu.memref_squeeze %dma_wait3A_2259 : memref<1x1x85xf32, #tpu.memory_space<vmem>> -> memref<85xf32, #tpu.memory_space<vmem>>
    %dma_wait3A_2261 = arith.constant 0 : i32
    %dma_wait3A_2262 = tpu.memref_slice %arg4[%squeeze3A_936, %add3A, %dma_wait3A_2261] : memref<2028x32x85xf32, #tpu.memory_space<hbm>> -> memref<1x1x85xf32, #tpu.memory_space<hbm>>
    %dma_wait3A_2263 = tpu.memref_squeeze %dma_wait3A_2262 : memref<1x1x85xf32, #tpu.memory_space<hbm>> -> memref<85xf32, #tpu.memory_space<hbm>>
    tpu.wait_dma2 semaphore(%arg11 : memref<!tpu.dma_semaphore, #tpu.memory_space<semaphore_mem>>) src(%dma_wait3A_2263 : memref<85xf32, #tpu.memory_space<hbm>>) dst(%dma_wait3A_2260 : memref<85xf32, #tpu.memory_space<vmem>>)
    %dma_wait3A_2264 = arith.constant 1 : i32
    %dma_wait3A_2265 = arith.constant 14 : i32
    %dma_wait3A_2266 = arith.constant 0 : i32
    %dma_wait3A_2267 = tpu.memref_slice %arg10[%dma_wait3A_2264, %dma_wait3A_2265, %dma_wait3A_2266] : memref<3x32x85xf32, #tpu.memory_space<vmem>> -> memref<1x1x85xf32, #tpu.memory_space<vmem>>
    %dma_wait3A_2268 = tpu.memref_squeeze %dma_wait3A_2267 : memref<1x1x85xf32, #tpu.memory_space<vmem>> -> memref<85xf32, #tpu.memory_space<vmem>>
    %dma_wait3A_2269 = arith.constant 0 : i32
    %dma_wait3A_2270 = tpu.memref_slice %arg4[%squeeze3A_952, %add3A, %dma_wait3A_2269] : memref<2028x32x85xf32, #tpu.memory_space<hbm>> -> memref<1x1x85xf32, #tpu.memory_space<hbm>>
    %dma_wait3A_2271 = tpu.memref_squeeze %dma_wait3A_2270 : memref<1x1x85xf32, #tpu.memory_space<hbm>> -> memref<85xf32, #tpu.memory_space<hbm>>
    %dma_wait3A_2272 = arith.constant 0 : i32
    %dma_wait3A_2273 = tpu.memref_slice %arg10[%dma_wait3A_2264, %dma_wait3A_2265, %dma_wait3A_2272] : memref<3x32x85xf32, #tpu.memory_space<vmem>> -> memref<1x1x85xf32, #tpu.memory_space<vmem>>
    %dma_wait3A_2274 = tpu.memref_squeeze %dma_wait3A_2273 : memref<1x1x85xf32, #tpu.memory_space<vmem>> -> memref<85xf32, #tpu.memory_space<vmem>>
    %dma_wait3A_2275 = arith.constant 0 : i32
    %dma_wait3A_2276 = tpu.memref_slice %arg4[%squeeze3A_952, %add3A, %dma_wait3A_2275] : memref<2028x32x85xf32, #tpu.memory_space<hbm>> -> memref<1x1x85xf32, #tpu.memory_space<hbm>>
    %dma_wait3A_2277 = tpu.memref_squeeze %dma_wait3A_2276 : memref<1x1x85xf32, #tpu.memory_space<hbm>> -> memref<85xf32, #tpu.memory_space<hbm>>
    tpu.wait_dma2 semaphore(%arg11 : memref<!tpu.dma_semaphore, #tpu.memory_space<semaphore_mem>>) src(%dma_wait3A_2277 : memref<85xf32, #tpu.memory_space<hbm>>) dst(%dma_wait3A_2274 : memref<85xf32, #tpu.memory_space<vmem>>)
    %dma_wait3A_2278 = arith.constant 1 : i32
    %dma_wait3A_2279 = arith.constant 15 : i32
    %dma_wait3A_2280 = arith.constant 0 : i32
    %dma_wait3A_2281 = tpu.memref_slice %arg10[%dma_wait3A_2278, %dma_wait3A_2279, %dma_wait3A_2280] : memref<3x32x85xf32, #tpu.memory_space<vmem>> -> memref<1x1x85xf32, #tpu.memory_space<vmem>>
    %dma_wait3A_2282 = tpu.memref_squeeze %dma_wait3A_2281 : memref<1x1x85xf32, #tpu.memory_space<vmem>> -> memref<85xf32, #tpu.memory_space<vmem>>
    %dma_wait3A_2283 = arith.constant 0 : i32
    %dma_wait3A_2284 = tpu.memref_slice %arg4[%squeeze3A_968, %add3A, %dma_wait3A_2283] : memref<2028x32x85xf32, #tpu.memory_space<hbm>> -> memref<1x1x85xf32, #tpu.memory_space<hbm>>
    %dma_wait3A_2285 = tpu.memref_squeeze %dma_wait3A_2284 : memref<1x1x85xf32, #tpu.memory_space<hbm>> -> memref<85xf32, #tpu.memory_space<hbm>>
    %dma_wait3A_2286 = arith.constant 0 : i32
    %dma_wait3A_2287 = tpu.memref_slice %arg10[%dma_wait3A_2278, %dma_wait3A_2279, %dma_wait3A_2286] : memref<3x32x85xf32, #tpu.memory_space<vmem>> -> memref<1x1x85xf32, #tpu.memory_space<vmem>>
    %dma_wait3A_2288 = tpu.memref_squeeze %dma_wait3A_2287 : memref<1x1x85xf32, #tpu.memory_space<vmem>> -> memref<85xf32, #tpu.memory_space<vmem>>
    %dma_wait3A_2289 = arith.constant 0 : i32
    %dma_wait3A_2290 = tpu.memref_slice %arg4[%squeeze3A_968, %add3A, %dma_wait3A_2289] : memref<2028x32x85xf32, #tpu.memory_space<hbm>> -> memref<1x1x85xf32, #tpu.memory_space<hbm>>
    %dma_wait3A_2291 = tpu.memref_squeeze %dma_wait3A_2290 : memref<1x1x85xf32, #tpu.memory_space<hbm>> -> memref<85xf32, #tpu.memory_space<hbm>>
    tpu.wait_dma2 semaphore(%arg11 : memref<!tpu.dma_semaphore, #tpu.memory_space<semaphore_mem>>) src(%dma_wait3A_2291 : memref<85xf32, #tpu.memory_space<hbm>>) dst(%dma_wait3A_2288 : memref<85xf32, #tpu.memory_space<vmem>>)
    %dma_wait3A_2292 = arith.constant 1 : i32
    %dma_wait3A_2293 = arith.constant 16 : i32
    %dma_wait3A_2294 = arith.constant 0 : i32
    %dma_wait3A_2295 = tpu.memref_slice %arg10[%dma_wait3A_2292, %dma_wait3A_2293, %dma_wait3A_2294] : memref<3x32x85xf32, #tpu.memory_space<vmem>> -> memref<1x1x85xf32, #tpu.memory_space<vmem>>
    %dma_wait3A_2296 = tpu.memref_squeeze %dma_wait3A_2295 : memref<1x1x85xf32, #tpu.memory_space<vmem>> -> memref<85xf32, #tpu.memory_space<vmem>>
    %dma_wait3A_2297 = arith.constant 0 : i32
    %dma_wait3A_2298 = tpu.memref_slice %arg4[%squeeze3A_1124, %add3A, %dma_wait3A_2297] : memref<2028x32x85xf32, #tpu.memory_space<hbm>> -> memref<1x1x85xf32, #tpu.memory_space<hbm>>
    %dma_wait3A_2299 = tpu.memref_squeeze %dma_wait3A_2298 : memref<1x1x85xf32, #tpu.memory_space<hbm>> -> memref<85xf32, #tpu.memory_space<hbm>>
    %dma_wait3A_2300 = arith.constant 0 : i32
    %dma_wait3A_2301 = tpu.memref_slice %arg10[%dma_wait3A_2292, %dma_wait3A_2293, %dma_wait3A_2300] : memref<3x32x85xf32, #tpu.memory_space<vmem>> -> memref<1x1x85xf32, #tpu.memory_space<vmem>>
    %dma_wait3A_2302 = tpu.memref_squeeze %dma_wait3A_2301 : memref<1x1x85xf32, #tpu.memory_space<vmem>> -> memref<85xf32, #tpu.memory_space<vmem>>
    %dma_wait3A_2303 = arith.constant 0 : i32
    %dma_wait3A_2304 = tpu.memref_slice %arg4[%squeeze3A_1124, %add3A, %dma_wait3A_2303] : memref<2028x32x85xf32, #tpu.memory_space<hbm>> -> memref<1x1x85xf32, #tpu.memory_space<hbm>>
    %dma_wait3A_2305 = tpu.memref_squeeze %dma_wait3A_2304 : memref<1x1x85xf32, #tpu.memory_space<hbm>> -> memref<85xf32, #tpu.memory_space<hbm>>
    tpu.wait_dma2 semaphore(%arg11 : memref<!tpu.dma_semaphore, #tpu.memory_space<semaphore_mem>>) src(%dma_wait3A_2305 : memref<85xf32, #tpu.memory_space<hbm>>) dst(%dma_wait3A_2302 : memref<85xf32, #tpu.memory_space<vmem>>)
    %dma_wait3A_2306 = arith.constant 1 : i32
    %dma_wait3A_2307 = arith.constant 17 : i32
    %dma_wait3A_2308 = arith.constant 0 : i32
    %dma_wait3A_2309 = tpu.memref_slice %arg10[%dma_wait3A_2306, %dma_wait3A_2307, %dma_wait3A_2308] : memref<3x32x85xf32, #tpu.memory_space<vmem>> -> memref<1x1x85xf32, #tpu.memory_space<vmem>>
    %dma_wait3A_2310 = tpu.memref_squeeze %dma_wait3A_2309 : memref<1x1x85xf32, #tpu.memory_space<vmem>> -> memref<85xf32, #tpu.memory_space<vmem>>
    %dma_wait3A_2311 = arith.constant 0 : i32
    %dma_wait3A_2312 = tpu.memref_slice %arg4[%squeeze3A_1140, %add3A, %dma_wait3A_2311] : memref<2028x32x85xf32, #tpu.memory_space<hbm>> -> memref<1x1x85xf32, #tpu.memory_space<hbm>>
    %dma_wait3A_2313 = tpu.memref_squeeze %dma_wait3A_2312 : memref<1x1x85xf32, #tpu.memory_space<hbm>> -> memref<85xf32, #tpu.memory_space<hbm>>
    %dma_wait3A_2314 = arith.constant 0 : i32
    %dma_wait3A_2315 = tpu.memref_slice %arg10[%dma_wait3A_2306, %dma_wait3A_2307, %dma_wait3A_2314] : memref<3x32x85xf32, #tpu.memory_space<vmem>> -> memref<1x1x85xf32, #tpu.memory_space<vmem>>
    %dma_wait3A_2316 = tpu.memref_squeeze %dma_wait3A_2315 : memref<1x1x85xf32, #tpu.memory_space<vmem>> -> memref<85xf32, #tpu.memory_space<vmem>>
    %dma_wait3A_2317 = arith.constant 0 : i32
    %dma_wait3A_2318 = tpu.memref_slice %arg4[%squeeze3A_1140, %add3A, %dma_wait3A_2317] : memref<2028x32x85xf32, #tpu.memory_space<hbm>> -> memref<1x1x85xf32, #tpu.memory_space<hbm>>
    %dma_wait3A_2319 = tpu.memref_squeeze %dma_wait3A_2318 : memref<1x1x85xf32, #tpu.memory_space<hbm>> -> memref<85xf32, #tpu.memory_space<hbm>>
    tpu.wait_dma2 semaphore(%arg11 : memref<!tpu.dma_semaphore, #tpu.memory_space<semaphore_mem>>) src(%dma_wait3A_2319 : memref<85xf32, #tpu.memory_space<hbm>>) dst(%dma_wait3A_2316 : memref<85xf32, #tpu.memory_space<vmem>>)
    %dma_wait3A_2320 = arith.constant 1 : i32
    %dma_wait3A_2321 = arith.constant 18 : i32
    %dma_wait3A_2322 = arith.constant 0 : i32
    %dma_wait3A_2323 = tpu.memref_slice %arg10[%dma_wait3A_2320, %dma_wait3A_2321, %dma_wait3A_2322] : memref<3x32x85xf32, #tpu.memory_space<vmem>> -> memref<1x1x85xf32, #tpu.memory_space<vmem>>
    %dma_wait3A_2324 = tpu.memref_squeeze %dma_wait3A_2323 : memref<1x1x85xf32, #tpu.memory_space<vmem>> -> memref<85xf32, #tpu.memory_space<vmem>>
    %dma_wait3A_2325 = arith.constant 0 : i32
    %dma_wait3A_2326 = tpu.memref_slice %arg4[%squeeze3A_1156, %add3A, %dma_wait3A_2325] : memref<2028x32x85xf32, #tpu.memory_space<hbm>> -> memref<1x1x85xf32, #tpu.memory_space<hbm>>
    %dma_wait3A_2327 = tpu.memref_squeeze %dma_wait3A_2326 : memref<1x1x85xf32, #tpu.memory_space<hbm>> -> memref<85xf32, #tpu.memory_space<hbm>>
    %dma_wait3A_2328 = arith.constant 0 : i32
    %dma_wait3A_2329 = tpu.memref_slice %arg10[%dma_wait3A_2320, %dma_wait3A_2321, %dma_wait3A_2328] : memref<3x32x85xf32, #tpu.memory_space<vmem>> -> memref<1x1x85xf32, #tpu.memory_space<vmem>>
    %dma_wait3A_2330 = tpu.memref_squeeze %dma_wait3A_2329 : memref<1x1x85xf32, #tpu.memory_space<vmem>> -> memref<85xf32, #tpu.memory_space<vmem>>
    %dma_wait3A_2331 = arith.constant 0 : i32
    %dma_wait3A_2332 = tpu.memref_slice %arg4[%squeeze3A_1156, %add3A, %dma_wait3A_2331] : memref<2028x32x85xf32, #tpu.memory_space<hbm>> -> memref<1x1x85xf32, #tpu.memory_space<hbm>>
    %dma_wait3A_2333 = tpu.memref_squeeze %dma_wait3A_2332 : memref<1x1x85xf32, #tpu.memory_space<hbm>> -> memref<85xf32, #tpu.memory_space<hbm>>
    tpu.wait_dma2 semaphore(%arg11 : memref<!tpu.dma_semaphore, #tpu.memory_space<semaphore_mem>>) src(%dma_wait3A_2333 : memref<85xf32, #tpu.memory_space<hbm>>) dst(%dma_wait3A_2330 : memref<85xf32, #tpu.memory_space<vmem>>)
    %dma_wait3A_2334 = arith.constant 1 : i32
    %dma_wait3A_2335 = arith.constant 19 : i32
    %dma_wait3A_2336 = arith.constant 0 : i32
    %dma_wait3A_2337 = tpu.memref_slice %arg10[%dma_wait3A_2334, %dma_wait3A_2335, %dma_wait3A_2336] : memref<3x32x85xf32, #tpu.memory_space<vmem>> -> memref<1x1x85xf32, #tpu.memory_space<vmem>>
    %dma_wait3A_2338 = tpu.memref_squeeze %dma_wait3A_2337 : memref<1x1x85xf32, #tpu.memory_space<vmem>> -> memref<85xf32, #tpu.memory_space<vmem>>
    %dma_wait3A_2339 = arith.constant 0 : i32
    %dma_wait3A_2340 = tpu.memref_slice %arg4[%squeeze3A_1172, %add3A, %dma_wait3A_2339] : memref<2028x32x85xf32, #tpu.memory_space<hbm>> -> memref<1x1x85xf32, #tpu.memory_space<hbm>>
    %dma_wait3A_2341 = tpu.memref_squeeze %dma_wait3A_2340 : memref<1x1x85xf32, #tpu.memory_space<hbm>> -> memref<85xf32, #tpu.memory_space<hbm>>
    %dma_wait3A_2342 = arith.constant 0 : i32
    %dma_wait3A_2343 = tpu.memref_slice %arg10[%dma_wait3A_2334, %dma_wait3A_2335, %dma_wait3A_2342] : memref<3x32x85xf32, #tpu.memory_space<vmem>> -> memref<1x1x85xf32, #tpu.memory_space<vmem>>
    %dma_wait3A_2344 = tpu.memref_squeeze %dma_wait3A_2343 : memref<1x1x85xf32, #tpu.memory_space<vmem>> -> memref<85xf32, #tpu.memory_space<vmem>>
    %dma_wait3A_2345 = arith.constant 0 : i32
    %dma_wait3A_2346 = tpu.memref_slice %arg4[%squeeze3A_1172, %add3A, %dma_wait3A_2345] : memref<2028x32x85xf32, #tpu.memory_space<hbm>> -> memref<1x1x85xf32, #tpu.memory_space<hbm>>
    %dma_wait3A_2347 = tpu.memref_squeeze %dma_wait3A_2346 : memref<1x1x85xf32, #tpu.memory_space<hbm>> -> memref<85xf32, #tpu.memory_space<hbm>>
    tpu.wait_dma2 semaphore(%arg11 : memref<!tpu.dma_semaphore, #tpu.memory_space<semaphore_mem>>) src(%dma_wait3A_2347 : memref<85xf32, #tpu.memory_space<hbm>>) dst(%dma_wait3A_2344 : memref<85xf32, #tpu.memory_space<vmem>>)
    %dma_wait3A_2348 = arith.constant 2 : i32
    %dma_wait3A_2349 = arith.constant 0 : i32
    %dma_wait3A_2350 = arith.constant 0 : i32
    %dma_wait3A_2351 = tpu.memref_slice %arg10[%dma_wait3A_2348, %dma_wait3A_2349, %dma_wait3A_2350] : memref<3x32x85xf32, #tpu.memory_space<vmem>> -> memref<1x1x85xf32, #tpu.memory_space<vmem>>
    %dma_wait3A_2352 = tpu.memref_squeeze %dma_wait3A_2351 : memref<1x1x85xf32, #tpu.memory_space<vmem>> -> memref<85xf32, #tpu.memory_space<vmem>>
    %dma_wait3A_2353 = arith.constant 0 : i32
    %dma_wait3A_2354 = tpu.memref_slice %arg5[%squeeze3A_1329, %add3A, %dma_wait3A_2353] : memref<8112x32x85xf32, #tpu.memory_space<hbm>> -> memref<1x1x85xf32, #tpu.memory_space<hbm>>
    %dma_wait3A_2355 = tpu.memref_squeeze %dma_wait3A_2354 : memref<1x1x85xf32, #tpu.memory_space<hbm>> -> memref<85xf32, #tpu.memory_space<hbm>>
    %dma_wait3A_2356 = arith.constant 0 : i32
    %dma_wait3A_2357 = tpu.memref_slice %arg10[%dma_wait3A_2348, %dma_wait3A_2349, %dma_wait3A_2356] : memref<3x32x85xf32, #tpu.memory_space<vmem>> -> memref<1x1x85xf32, #tpu.memory_space<vmem>>
    %dma_wait3A_2358 = tpu.memref_squeeze %dma_wait3A_2357 : memref<1x1x85xf32, #tpu.memory_space<vmem>> -> memref<85xf32, #tpu.memory_space<vmem>>
    %dma_wait3A_2359 = arith.constant 0 : i32
    %dma_wait3A_2360 = tpu.memref_slice %arg5[%squeeze3A_1329, %add3A, %dma_wait3A_2359] : memref<8112x32x85xf32, #tpu.memory_space<hbm>> -> memref<1x1x85xf32, #tpu.memory_space<hbm>>
    %dma_wait3A_2361 = tpu.memref_squeeze %dma_wait3A_2360 : memref<1x1x85xf32, #tpu.memory_space<hbm>> -> memref<85xf32, #tpu.memory_space<hbm>>
    tpu.wait_dma2 semaphore(%arg11 : memref<!tpu.dma_semaphore, #tpu.memory_space<semaphore_mem>>) src(%dma_wait3A_2361 : memref<85xf32, #tpu.memory_space<hbm>>) dst(%dma_wait3A_2358 : memref<85xf32, #tpu.memory_space<vmem>>)
    %dma_wait3A_2362 = arith.constant 2 : i32
    %dma_wait3A_2363 = arith.constant 1 : i32
    %dma_wait3A_2364 = arith.constant 0 : i32
    %dma_wait3A_2365 = tpu.memref_slice %arg10[%dma_wait3A_2362, %dma_wait3A_2363, %dma_wait3A_2364] : memref<3x32x85xf32, #tpu.memory_space<vmem>> -> memref<1x1x85xf32, #tpu.memory_space<vmem>>
    %dma_wait3A_2366 = tpu.memref_squeeze %dma_wait3A_2365 : memref<1x1x85xf32, #tpu.memory_space<vmem>> -> memref<85xf32, #tpu.memory_space<vmem>>
    %dma_wait3A_2367 = arith.constant 0 : i32
    %dma_wait3A_2368 = tpu.memref_slice %arg5[%squeeze3A_1345, %add3A, %dma_wait3A_2367] : memref<8112x32x85xf32, #tpu.memory_space<hbm>> -> memref<1x1x85xf32, #tpu.memory_space<hbm>>
    %dma_wait3A_2369 = tpu.memref_squeeze %dma_wait3A_2368 : memref<1x1x85xf32, #tpu.memory_space<hbm>> -> memref<85xf32, #tpu.memory_space<hbm>>
    %dma_wait3A_2370 = arith.constant 0 : i32
    %dma_wait3A_2371 = tpu.memref_slice %arg10[%dma_wait3A_2362, %dma_wait3A_2363, %dma_wait3A_2370] : memref<3x32x85xf32, #tpu.memory_space<vmem>> -> memref<1x1x85xf32, #tpu.memory_space<vmem>>
    %dma_wait3A_2372 = tpu.memref_squeeze %dma_wait3A_2371 : memref<1x1x85xf32, #tpu.memory_space<vmem>> -> memref<85xf32, #tpu.memory_space<vmem>>
    %dma_wait3A_2373 = arith.constant 0 : i32
    %dma_wait3A_2374 = tpu.memref_slice %arg5[%squeeze3A_1345, %add3A, %dma_wait3A_2373] : memref<8112x32x85xf32, #tpu.memory_space<hbm>> -> memref<1x1x85xf32, #tpu.memory_space<hbm>>
    %dma_wait3A_2375 = tpu.memref_squeeze %dma_wait3A_2374 : memref<1x1x85xf32, #tpu.memory_space<hbm>> -> memref<85xf32, #tpu.memory_space<hbm>>
    tpu.wait_dma2 semaphore(%arg11 : memref<!tpu.dma_semaphore, #tpu.memory_space<semaphore_mem>>) src(%dma_wait3A_2375 : memref<85xf32, #tpu.memory_space<hbm>>) dst(%dma_wait3A_2372 : memref<85xf32, #tpu.memory_space<vmem>>)
    %dma_wait3A_2376 = arith.constant 2 : i32
    %dma_wait3A_2377 = arith.constant 2 : i32
    %dma_wait3A_2378 = arith.constant 0 : i32
    %dma_wait3A_2379 = tpu.memref_slice %arg10[%dma_wait3A_2376, %dma_wait3A_2377, %dma_wait3A_2378] : memref<3x32x85xf32, #tpu.memory_space<vmem>> -> memref<1x1x85xf32, #tpu.memory_space<vmem>>
    %dma_wait3A_2380 = tpu.memref_squeeze %dma_wait3A_2379 : memref<1x1x85xf32, #tpu.memory_space<vmem>> -> memref<85xf32, #tpu.memory_space<vmem>>
    %dma_wait3A_2381 = arith.constant 0 : i32
    %dma_wait3A_2382 = tpu.memref_slice %arg5[%squeeze3A_1361, %add3A, %dma_wait3A_2381] : memref<8112x32x85xf32, #tpu.memory_space<hbm>> -> memref<1x1x85xf32, #tpu.memory_space<hbm>>
    %dma_wait3A_2383 = tpu.memref_squeeze %dma_wait3A_2382 : memref<1x1x85xf32, #tpu.memory_space<hbm>> -> memref<85xf32, #tpu.memory_space<hbm>>
    %dma_wait3A_2384 = arith.constant 0 : i32
    %dma_wait3A_2385 = tpu.memref_slice %arg10[%dma_wait3A_2376, %dma_wait3A_2377, %dma_wait3A_2384] : memref<3x32x85xf32, #tpu.memory_space<vmem>> -> memref<1x1x85xf32, #tpu.memory_space<vmem>>
    %dma_wait3A_2386 = tpu.memref_squeeze %dma_wait3A_2385 : memref<1x1x85xf32, #tpu.memory_space<vmem>> -> memref<85xf32, #tpu.memory_space<vmem>>
    %dma_wait3A_2387 = arith.constant 0 : i32
    %dma_wait3A_2388 = tpu.memref_slice %arg5[%squeeze3A_1361, %add3A, %dma_wait3A_2387] : memref<8112x32x85xf32, #tpu.memory_space<hbm>> -> memref<1x1x85xf32, #tpu.memory_space<hbm>>
    %dma_wait3A_2389 = tpu.memref_squeeze %dma_wait3A_2388 : memref<1x1x85xf32, #tpu.memory_space<hbm>> -> memref<85xf32, #tpu.memory_space<hbm>>
    tpu.wait_dma2 semaphore(%arg11 : memref<!tpu.dma_semaphore, #tpu.memory_space<semaphore_mem>>) src(%dma_wait3A_2389 : memref<85xf32, #tpu.memory_space<hbm>>) dst(%dma_wait3A_2386 : memref<85xf32, #tpu.memory_space<vmem>>)
    %dma_wait3A_2390 = arith.constant 2 : i32
    %dma_wait3A_2391 = arith.constant 3 : i32
    %dma_wait3A_2392 = arith.constant 0 : i32
    %dma_wait3A_2393 = tpu.memref_slice %arg10[%dma_wait3A_2390, %dma_wait3A_2391, %dma_wait3A_2392] : memref<3x32x85xf32, #tpu.memory_space<vmem>> -> memref<1x1x85xf32, #tpu.memory_space<vmem>>
    %dma_wait3A_2394 = tpu.memref_squeeze %dma_wait3A_2393 : memref<1x1x85xf32, #tpu.memory_space<vmem>> -> memref<85xf32, #tpu.memory_space<vmem>>
    %dma_wait3A_2395 = arith.constant 0 : i32
    %dma_wait3A_2396 = tpu.memref_slice %arg5[%squeeze3A_1377, %add3A, %dma_wait3A_2395] : memref<8112x32x85xf32, #tpu.memory_space<hbm>> -> memref<1x1x85xf32, #tpu.memory_space<hbm>>
    %dma_wait3A_2397 = tpu.memref_squeeze %dma_wait3A_2396 : memref<1x1x85xf32, #tpu.memory_space<hbm>> -> memref<85xf32, #tpu.memory_space<hbm>>
    %dma_wait3A_2398 = arith.constant 0 : i32
    %dma_wait3A_2399 = tpu.memref_slice %arg10[%dma_wait3A_2390, %dma_wait3A_2391, %dma_wait3A_2398] : memref<3x32x85xf32, #tpu.memory_space<vmem>> -> memref<1x1x85xf32, #tpu.memory_space<vmem>>
    %dma_wait3A_2400 = tpu.memref_squeeze %dma_wait3A_2399 : memref<1x1x85xf32, #tpu.memory_space<vmem>> -> memref<85xf32, #tpu.memory_space<vmem>>
    %dma_wait3A_2401 = arith.constant 0 : i32
    %dma_wait3A_2402 = tpu.memref_slice %arg5[%squeeze3A_1377, %add3A, %dma_wait3A_2401] : memref<8112x32x85xf32, #tpu.memory_space<hbm>> -> memref<1x1x85xf32, #tpu.memory_space<hbm>>
    %dma_wait3A_2403 = tpu.memref_squeeze %dma_wait3A_2402 : memref<1x1x85xf32, #tpu.memory_space<hbm>> -> memref<85xf32, #tpu.memory_space<hbm>>
    tpu.wait_dma2 semaphore(%arg11 : memref<!tpu.dma_semaphore, #tpu.memory_space<semaphore_mem>>) src(%dma_wait3A_2403 : memref<85xf32, #tpu.memory_space<hbm>>) dst(%dma_wait3A_2400 : memref<85xf32, #tpu.memory_space<vmem>>)
    %dma_wait3A_2404 = arith.constant 2 : i32
    %dma_wait3A_2405 = arith.constant 4 : i32
    %dma_wait3A_2406 = arith.constant 0 : i32
    %dma_wait3A_2407 = tpu.memref_slice %arg10[%dma_wait3A_2404, %dma_wait3A_2405, %dma_wait3A_2406] : memref<3x32x85xf32, #tpu.memory_space<vmem>> -> memref<1x1x85xf32, #tpu.memory_space<vmem>>
    %dma_wait3A_2408 = tpu.memref_squeeze %dma_wait3A_2407 : memref<1x1x85xf32, #tpu.memory_space<vmem>> -> memref<85xf32, #tpu.memory_space<vmem>>
    %dma_wait3A_2409 = arith.constant 0 : i32
    %dma_wait3A_2410 = tpu.memref_slice %arg5[%squeeze3A_1393, %add3A, %dma_wait3A_2409] : memref<8112x32x85xf32, #tpu.memory_space<hbm>> -> memref<1x1x85xf32, #tpu.memory_space<hbm>>
    %dma_wait3A_2411 = tpu.memref_squeeze %dma_wait3A_2410 : memref<1x1x85xf32, #tpu.memory_space<hbm>> -> memref<85xf32, #tpu.memory_space<hbm>>
    %dma_wait3A_2412 = arith.constant 0 : i32
    %dma_wait3A_2413 = tpu.memref_slice %arg10[%dma_wait3A_2404, %dma_wait3A_2405, %dma_wait3A_2412] : memref<3x32x85xf32, #tpu.memory_space<vmem>> -> memref<1x1x85xf32, #tpu.memory_space<vmem>>
    %dma_wait3A_2414 = tpu.memref_squeeze %dma_wait3A_2413 : memref<1x1x85xf32, #tpu.memory_space<vmem>> -> memref<85xf32, #tpu.memory_space<vmem>>
    %dma_wait3A_2415 = arith.constant 0 : i32
    %dma_wait3A_2416 = tpu.memref_slice %arg5[%squeeze3A_1393, %add3A, %dma_wait3A_2415] : memref<8112x32x85xf32, #tpu.memory_space<hbm>> -> memref<1x1x85xf32, #tpu.memory_space<hbm>>
    %dma_wait3A_2417 = tpu.memref_squeeze %dma_wait3A_2416 : memref<1x1x85xf32, #tpu.memory_space<hbm>> -> memref<85xf32, #tpu.memory_space<hbm>>
    tpu.wait_dma2 semaphore(%arg11 : memref<!tpu.dma_semaphore, #tpu.memory_space<semaphore_mem>>) src(%dma_wait3A_2417 : memref<85xf32, #tpu.memory_space<hbm>>) dst(%dma_wait3A_2414 : memref<85xf32, #tpu.memory_space<vmem>>)
    %dma_wait3A_2418 = arith.constant 2 : i32
    %dma_wait3A_2419 = arith.constant 5 : i32
    %dma_wait3A_2420 = arith.constant 0 : i32
    %dma_wait3A_2421 = tpu.memref_slice %arg10[%dma_wait3A_2418, %dma_wait3A_2419, %dma_wait3A_2420] : memref<3x32x85xf32, #tpu.memory_space<vmem>> -> memref<1x1x85xf32, #tpu.memory_space<vmem>>
    %dma_wait3A_2422 = tpu.memref_squeeze %dma_wait3A_2421 : memref<1x1x85xf32, #tpu.memory_space<vmem>> -> memref<85xf32, #tpu.memory_space<vmem>>
    %dma_wait3A_2423 = arith.constant 0 : i32
    %dma_wait3A_2424 = tpu.memref_slice %arg5[%squeeze3A_1409, %add3A, %dma_wait3A_2423] : memref<8112x32x85xf32, #tpu.memory_space<hbm>> -> memref<1x1x85xf32, #tpu.memory_space<hbm>>
    %dma_wait3A_2425 = tpu.memref_squeeze %dma_wait3A_2424 : memref<1x1x85xf32, #tpu.memory_space<hbm>> -> memref<85xf32, #tpu.memory_space<hbm>>
    %dma_wait3A_2426 = arith.constant 0 : i32
    %dma_wait3A_2427 = tpu.memref_slice %arg10[%dma_wait3A_2418, %dma_wait3A_2419, %dma_wait3A_2426] : memref<3x32x85xf32, #tpu.memory_space<vmem>> -> memref<1x1x85xf32, #tpu.memory_space<vmem>>
    %dma_wait3A_2428 = tpu.memref_squeeze %dma_wait3A_2427 : memref<1x1x85xf32, #tpu.memory_space<vmem>> -> memref<85xf32, #tpu.memory_space<vmem>>
    %dma_wait3A_2429 = arith.constant 0 : i32
    %dma_wait3A_2430 = tpu.memref_slice %arg5[%squeeze3A_1409, %add3A, %dma_wait3A_2429] : memref<8112x32x85xf32, #tpu.memory_space<hbm>> -> memref<1x1x85xf32, #tpu.memory_space<hbm>>
    %dma_wait3A_2431 = tpu.memref_squeeze %dma_wait3A_2430 : memref<1x1x85xf32, #tpu.memory_space<hbm>> -> memref<85xf32, #tpu.memory_space<hbm>>
    tpu.wait_dma2 semaphore(%arg11 : memref<!tpu.dma_semaphore, #tpu.memory_space<semaphore_mem>>) src(%dma_wait3A_2431 : memref<85xf32, #tpu.memory_space<hbm>>) dst(%dma_wait3A_2428 : memref<85xf32, #tpu.memory_space<vmem>>)
    %dma_wait3A_2432 = arith.constant 2 : i32
    %dma_wait3A_2433 = arith.constant 6 : i32
    %dma_wait3A_2434 = arith.constant 0 : i32
    %dma_wait3A_2435 = tpu.memref_slice %arg10[%dma_wait3A_2432, %dma_wait3A_2433, %dma_wait3A_2434] : memref<3x32x85xf32, #tpu.memory_space<vmem>> -> memref<1x1x85xf32, #tpu.memory_space<vmem>>
    %dma_wait3A_2436 = tpu.memref_squeeze %dma_wait3A_2435 : memref<1x1x85xf32, #tpu.memory_space<vmem>> -> memref<85xf32, #tpu.memory_space<vmem>>
    %dma_wait3A_2437 = arith.constant 0 : i32
    %dma_wait3A_2438 = tpu.memref_slice %arg5[%squeeze3A_1425, %add3A, %dma_wait3A_2437] : memref<8112x32x85xf32, #tpu.memory_space<hbm>> -> memref<1x1x85xf32, #tpu.memory_space<hbm>>
    %dma_wait3A_2439 = tpu.memref_squeeze %dma_wait3A_2438 : memref<1x1x85xf32, #tpu.memory_space<hbm>> -> memref<85xf32, #tpu.memory_space<hbm>>
    %dma_wait3A_2440 = arith.constant 0 : i32
    %dma_wait3A_2441 = tpu.memref_slice %arg10[%dma_wait3A_2432, %dma_wait3A_2433, %dma_wait3A_2440] : memref<3x32x85xf32, #tpu.memory_space<vmem>> -> memref<1x1x85xf32, #tpu.memory_space<vmem>>
    %dma_wait3A_2442 = tpu.memref_squeeze %dma_wait3A_2441 : memref<1x1x85xf32, #tpu.memory_space<vmem>> -> memref<85xf32, #tpu.memory_space<vmem>>
    %dma_wait3A_2443 = arith.constant 0 : i32
    %dma_wait3A_2444 = tpu.memref_slice %arg5[%squeeze3A_1425, %add3A, %dma_wait3A_2443] : memref<8112x32x85xf32, #tpu.memory_space<hbm>> -> memref<1x1x85xf32, #tpu.memory_space<hbm>>
    %dma_wait3A_2445 = tpu.memref_squeeze %dma_wait3A_2444 : memref<1x1x85xf32, #tpu.memory_space<hbm>> -> memref<85xf32, #tpu.memory_space<hbm>>
    tpu.wait_dma2 semaphore(%arg11 : memref<!tpu.dma_semaphore, #tpu.memory_space<semaphore_mem>>) src(%dma_wait3A_2445 : memref<85xf32, #tpu.memory_space<hbm>>) dst(%dma_wait3A_2442 : memref<85xf32, #tpu.memory_space<vmem>>)
    %dma_wait3A_2446 = arith.constant 2 : i32
    %dma_wait3A_2447 = arith.constant 7 : i32
    %dma_wait3A_2448 = arith.constant 0 : i32
    %dma_wait3A_2449 = tpu.memref_slice %arg10[%dma_wait3A_2446, %dma_wait3A_2447, %dma_wait3A_2448] : memref<3x32x85xf32, #tpu.memory_space<vmem>> -> memref<1x1x85xf32, #tpu.memory_space<vmem>>
    %dma_wait3A_2450 = tpu.memref_squeeze %dma_wait3A_2449 : memref<1x1x85xf32, #tpu.memory_space<vmem>> -> memref<85xf32, #tpu.memory_space<vmem>>
    %dma_wait3A_2451 = arith.constant 0 : i32
    %dma_wait3A_2452 = tpu.memref_slice %arg5[%squeeze3A_1441, %add3A, %dma_wait3A_2451] : memref<8112x32x85xf32, #tpu.memory_space<hbm>> -> memref<1x1x85xf32, #tpu.memory_space<hbm>>
    %dma_wait3A_2453 = tpu.memref_squeeze %dma_wait3A_2452 : memref<1x1x85xf32, #tpu.memory_space<hbm>> -> memref<85xf32, #tpu.memory_space<hbm>>
    %dma_wait3A_2454 = arith.constant 0 : i32
    %dma_wait3A_2455 = tpu.memref_slice %arg10[%dma_wait3A_2446, %dma_wait3A_2447, %dma_wait3A_2454] : memref<3x32x85xf32, #tpu.memory_space<vmem>> -> memref<1x1x85xf32, #tpu.memory_space<vmem>>
    %dma_wait3A_2456 = tpu.memref_squeeze %dma_wait3A_2455 : memref<1x1x85xf32, #tpu.memory_space<vmem>> -> memref<85xf32, #tpu.memory_space<vmem>>
    %dma_wait3A_2457 = arith.constant 0 : i32
    %dma_wait3A_2458 = tpu.memref_slice %arg5[%squeeze3A_1441, %add3A, %dma_wait3A_2457] : memref<8112x32x85xf32, #tpu.memory_space<hbm>> -> memref<1x1x85xf32, #tpu.memory_space<hbm>>
    %dma_wait3A_2459 = tpu.memref_squeeze %dma_wait3A_2458 : memref<1x1x85xf32, #tpu.memory_space<hbm>> -> memref<85xf32, #tpu.memory_space<hbm>>
    tpu.wait_dma2 semaphore(%arg11 : memref<!tpu.dma_semaphore, #tpu.memory_space<semaphore_mem>>) src(%dma_wait3A_2459 : memref<85xf32, #tpu.memory_space<hbm>>) dst(%dma_wait3A_2456 : memref<85xf32, #tpu.memory_space<vmem>>)
    %dma_wait3A_2460 = arith.constant 2 : i32
    %dma_wait3A_2461 = arith.constant 8 : i32
    %dma_wait3A_2462 = arith.constant 0 : i32
    %dma_wait3A_2463 = tpu.memref_slice %arg10[%dma_wait3A_2460, %dma_wait3A_2461, %dma_wait3A_2462] : memref<3x32x85xf32, #tpu.memory_space<vmem>> -> memref<1x1x85xf32, #tpu.memory_space<vmem>>
    %dma_wait3A_2464 = tpu.memref_squeeze %dma_wait3A_2463 : memref<1x1x85xf32, #tpu.memory_space<vmem>> -> memref<85xf32, #tpu.memory_space<vmem>>
    %dma_wait3A_2465 = arith.constant 0 : i32
    %dma_wait3A_2466 = tpu.memref_slice %arg5[%squeeze3A_1457, %add3A, %dma_wait3A_2465] : memref<8112x32x85xf32, #tpu.memory_space<hbm>> -> memref<1x1x85xf32, #tpu.memory_space<hbm>>
    %dma_wait3A_2467 = tpu.memref_squeeze %dma_wait3A_2466 : memref<1x1x85xf32, #tpu.memory_space<hbm>> -> memref<85xf32, #tpu.memory_space<hbm>>
    %dma_wait3A_2468 = arith.constant 0 : i32
    %dma_wait3A_2469 = tpu.memref_slice %arg10[%dma_wait3A_2460, %dma_wait3A_2461, %dma_wait3A_2468] : memref<3x32x85xf32, #tpu.memory_space<vmem>> -> memref<1x1x85xf32, #tpu.memory_space<vmem>>
    %dma_wait3A_2470 = tpu.memref_squeeze %dma_wait3A_2469 : memref<1x1x85xf32, #tpu.memory_space<vmem>> -> memref<85xf32, #tpu.memory_space<vmem>>
    %dma_wait3A_2471 = arith.constant 0 : i32
    %dma_wait3A_2472 = tpu.memref_slice %arg5[%squeeze3A_1457, %add3A, %dma_wait3A_2471] : memref<8112x32x85xf32, #tpu.memory_space<hbm>> -> memref<1x1x85xf32, #tpu.memory_space<hbm>>
    %dma_wait3A_2473 = tpu.memref_squeeze %dma_wait3A_2472 : memref<1x1x85xf32, #tpu.memory_space<hbm>> -> memref<85xf32, #tpu.memory_space<hbm>>
    tpu.wait_dma2 semaphore(%arg11 : memref<!tpu.dma_semaphore, #tpu.memory_space<semaphore_mem>>) src(%dma_wait3A_2473 : memref<85xf32, #tpu.memory_space<hbm>>) dst(%dma_wait3A_2470 : memref<85xf32, #tpu.memory_space<vmem>>)
    %dma_wait3A_2474 = arith.constant 2 : i32
    %dma_wait3A_2475 = arith.constant 9 : i32
    %dma_wait3A_2476 = arith.constant 0 : i32
    %dma_wait3A_2477 = tpu.memref_slice %arg10[%dma_wait3A_2474, %dma_wait3A_2475, %dma_wait3A_2476] : memref<3x32x85xf32, #tpu.memory_space<vmem>> -> memref<1x1x85xf32, #tpu.memory_space<vmem>>
    %dma_wait3A_2478 = tpu.memref_squeeze %dma_wait3A_2477 : memref<1x1x85xf32, #tpu.memory_space<vmem>> -> memref<85xf32, #tpu.memory_space<vmem>>
    %dma_wait3A_2479 = arith.constant 0 : i32
    %dma_wait3A_2480 = tpu.memref_slice %arg5[%squeeze3A_1473, %add3A, %dma_wait3A_2479] : memref<8112x32x85xf32, #tpu.memory_space<hbm>> -> memref<1x1x85xf32, #tpu.memory_space<hbm>>
    %dma_wait3A_2481 = tpu.memref_squeeze %dma_wait3A_2480 : memref<1x1x85xf32, #tpu.memory_space<hbm>> -> memref<85xf32, #tpu.memory_space<hbm>>
    %dma_wait3A_2482 = arith.constant 0 : i32
    %dma_wait3A_2483 = tpu.memref_slice %arg10[%dma_wait3A_2474, %dma_wait3A_2475, %dma_wait3A_2482] : memref<3x32x85xf32, #tpu.memory_space<vmem>> -> memref<1x1x85xf32, #tpu.memory_space<vmem>>
    %dma_wait3A_2484 = tpu.memref_squeeze %dma_wait3A_2483 : memref<1x1x85xf32, #tpu.memory_space<vmem>> -> memref<85xf32, #tpu.memory_space<vmem>>
    %dma_wait3A_2485 = arith.constant 0 : i32
    %dma_wait3A_2486 = tpu.memref_slice %arg5[%squeeze3A_1473, %add3A, %dma_wait3A_2485] : memref<8112x32x85xf32, #tpu.memory_space<hbm>> -> memref<1x1x85xf32, #tpu.memory_space<hbm>>
    %dma_wait3A_2487 = tpu.memref_squeeze %dma_wait3A_2486 : memref<1x1x85xf32, #tpu.memory_space<hbm>> -> memref<85xf32, #tpu.memory_space<hbm>>
    tpu.wait_dma2 semaphore(%arg11 : memref<!tpu.dma_semaphore, #tpu.memory_space<semaphore_mem>>) src(%dma_wait3A_2487 : memref<85xf32, #tpu.memory_space<hbm>>) dst(%dma_wait3A_2484 : memref<85xf32, #tpu.memory_space<vmem>>)
    %dma_wait3A_2488 = arith.constant 2 : i32
    %dma_wait3A_2489 = arith.constant 10 : i32
    %dma_wait3A_2490 = arith.constant 0 : i32
    %dma_wait3A_2491 = tpu.memref_slice %arg10[%dma_wait3A_2488, %dma_wait3A_2489, %dma_wait3A_2490] : memref<3x32x85xf32, #tpu.memory_space<vmem>> -> memref<1x1x85xf32, #tpu.memory_space<vmem>>
    %dma_wait3A_2492 = tpu.memref_squeeze %dma_wait3A_2491 : memref<1x1x85xf32, #tpu.memory_space<vmem>> -> memref<85xf32, #tpu.memory_space<vmem>>
    %dma_wait3A_2493 = arith.constant 0 : i32
    %dma_wait3A_2494 = tpu.memref_slice %arg5[%squeeze3A_1489, %add3A, %dma_wait3A_2493] : memref<8112x32x85xf32, #tpu.memory_space<hbm>> -> memref<1x1x85xf32, #tpu.memory_space<hbm>>
    %dma_wait3A_2495 = tpu.memref_squeeze %dma_wait3A_2494 : memref<1x1x85xf32, #tpu.memory_space<hbm>> -> memref<85xf32, #tpu.memory_space<hbm>>
    %dma_wait3A_2496 = arith.constant 0 : i32
    %dma_wait3A_2497 = tpu.memref_slice %arg10[%dma_wait3A_2488, %dma_wait3A_2489, %dma_wait3A_2496] : memref<3x32x85xf32, #tpu.memory_space<vmem>> -> memref<1x1x85xf32, #tpu.memory_space<vmem>>
    %dma_wait3A_2498 = tpu.memref_squeeze %dma_wait3A_2497 : memref<1x1x85xf32, #tpu.memory_space<vmem>> -> memref<85xf32, #tpu.memory_space<vmem>>
    %dma_wait3A_2499 = arith.constant 0 : i32
    %dma_wait3A_2500 = tpu.memref_slice %arg5[%squeeze3A_1489, %add3A, %dma_wait3A_2499] : memref<8112x32x85xf32, #tpu.memory_space<hbm>> -> memref<1x1x85xf32, #tpu.memory_space<hbm>>
    %dma_wait3A_2501 = tpu.memref_squeeze %dma_wait3A_2500 : memref<1x1x85xf32, #tpu.memory_space<hbm>> -> memref<85xf32, #tpu.memory_space<hbm>>
    tpu.wait_dma2 semaphore(%arg11 : memref<!tpu.dma_semaphore, #tpu.memory_space<semaphore_mem>>) src(%dma_wait3A_2501 : memref<85xf32, #tpu.memory_space<hbm>>) dst(%dma_wait3A_2498 : memref<85xf32, #tpu.memory_space<vmem>>)
    %dma_wait3A_2502 = arith.constant 2 : i32
    %dma_wait3A_2503 = arith.constant 11 : i32
    %dma_wait3A_2504 = arith.constant 0 : i32
    %dma_wait3A_2505 = tpu.memref_slice %arg10[%dma_wait3A_2502, %dma_wait3A_2503, %dma_wait3A_2504] : memref<3x32x85xf32, #tpu.memory_space<vmem>> -> memref<1x1x85xf32, #tpu.memory_space<vmem>>
    %dma_wait3A_2506 = tpu.memref_squeeze %dma_wait3A_2505 : memref<1x1x85xf32, #tpu.memory_space<vmem>> -> memref<85xf32, #tpu.memory_space<vmem>>
    %dma_wait3A_2507 = arith.constant 0 : i32
    %dma_wait3A_2508 = tpu.memref_slice %arg5[%squeeze3A_1505, %add3A, %dma_wait3A_2507] : memref<8112x32x85xf32, #tpu.memory_space<hbm>> -> memref<1x1x85xf32, #tpu.memory_space<hbm>>
    %dma_wait3A_2509 = tpu.memref_squeeze %dma_wait3A_2508 : memref<1x1x85xf32, #tpu.memory_space<hbm>> -> memref<85xf32, #tpu.memory_space<hbm>>
    %dma_wait3A_2510 = arith.constant 0 : i32
    %dma_wait3A_2511 = tpu.memref_slice %arg10[%dma_wait3A_2502, %dma_wait3A_2503, %dma_wait3A_2510] : memref<3x32x85xf32, #tpu.memory_space<vmem>> -> memref<1x1x85xf32, #tpu.memory_space<vmem>>
    %dma_wait3A_2512 = tpu.memref_squeeze %dma_wait3A_2511 : memref<1x1x85xf32, #tpu.memory_space<vmem>> -> memref<85xf32, #tpu.memory_space<vmem>>
    %dma_wait3A_2513 = arith.constant 0 : i32
    %dma_wait3A_2514 = tpu.memref_slice %arg5[%squeeze3A_1505, %add3A, %dma_wait3A_2513] : memref<8112x32x85xf32, #tpu.memory_space<hbm>> -> memref<1x1x85xf32, #tpu.memory_space<hbm>>
    %dma_wait3A_2515 = tpu.memref_squeeze %dma_wait3A_2514 : memref<1x1x85xf32, #tpu.memory_space<hbm>> -> memref<85xf32, #tpu.memory_space<hbm>>
    tpu.wait_dma2 semaphore(%arg11 : memref<!tpu.dma_semaphore, #tpu.memory_space<semaphore_mem>>) src(%dma_wait3A_2515 : memref<85xf32, #tpu.memory_space<hbm>>) dst(%dma_wait3A_2512 : memref<85xf32, #tpu.memory_space<vmem>>)
    %dma_wait3A_2516 = arith.constant 2 : i32
    %dma_wait3A_2517 = arith.constant 12 : i32
    %dma_wait3A_2518 = arith.constant 0 : i32
    %dma_wait3A_2519 = tpu.memref_slice %arg10[%dma_wait3A_2516, %dma_wait3A_2517, %dma_wait3A_2518] : memref<3x32x85xf32, #tpu.memory_space<vmem>> -> memref<1x1x85xf32, #tpu.memory_space<vmem>>
    %dma_wait3A_2520 = tpu.memref_squeeze %dma_wait3A_2519 : memref<1x1x85xf32, #tpu.memory_space<vmem>> -> memref<85xf32, #tpu.memory_space<vmem>>
    %dma_wait3A_2521 = arith.constant 0 : i32
    %dma_wait3A_2522 = tpu.memref_slice %arg5[%squeeze3A_1521, %add3A, %dma_wait3A_2521] : memref<8112x32x85xf32, #tpu.memory_space<hbm>> -> memref<1x1x85xf32, #tpu.memory_space<hbm>>
    %dma_wait3A_2523 = tpu.memref_squeeze %dma_wait3A_2522 : memref<1x1x85xf32, #tpu.memory_space<hbm>> -> memref<85xf32, #tpu.memory_space<hbm>>
    %dma_wait3A_2524 = arith.constant 0 : i32
    %dma_wait3A_2525 = tpu.memref_slice %arg10[%dma_wait3A_2516, %dma_wait3A_2517, %dma_wait3A_2524] : memref<3x32x85xf32, #tpu.memory_space<vmem>> -> memref<1x1x85xf32, #tpu.memory_space<vmem>>
    %dma_wait3A_2526 = tpu.memref_squeeze %dma_wait3A_2525 : memref<1x1x85xf32, #tpu.memory_space<vmem>> -> memref<85xf32, #tpu.memory_space<vmem>>
    %dma_wait3A_2527 = arith.constant 0 : i32
    %dma_wait3A_2528 = tpu.memref_slice %arg5[%squeeze3A_1521, %add3A, %dma_wait3A_2527] : memref<8112x32x85xf32, #tpu.memory_space<hbm>> -> memref<1x1x85xf32, #tpu.memory_space<hbm>>
    %dma_wait3A_2529 = tpu.memref_squeeze %dma_wait3A_2528 : memref<1x1x85xf32, #tpu.memory_space<hbm>> -> memref<85xf32, #tpu.memory_space<hbm>>
    tpu.wait_dma2 semaphore(%arg11 : memref<!tpu.dma_semaphore, #tpu.memory_space<semaphore_mem>>) src(%dma_wait3A_2529 : memref<85xf32, #tpu.memory_space<hbm>>) dst(%dma_wait3A_2526 : memref<85xf32, #tpu.memory_space<vmem>>)
    %dma_wait3A_2530 = arith.constant 2 : i32
    %dma_wait3A_2531 = arith.constant 13 : i32
    %dma_wait3A_2532 = arith.constant 0 : i32
    %dma_wait3A_2533 = tpu.memref_slice %arg10[%dma_wait3A_2530, %dma_wait3A_2531, %dma_wait3A_2532] : memref<3x32x85xf32, #tpu.memory_space<vmem>> -> memref<1x1x85xf32, #tpu.memory_space<vmem>>
    %dma_wait3A_2534 = tpu.memref_squeeze %dma_wait3A_2533 : memref<1x1x85xf32, #tpu.memory_space<vmem>> -> memref<85xf32, #tpu.memory_space<vmem>>
    %dma_wait3A_2535 = arith.constant 0 : i32
    %dma_wait3A_2536 = tpu.memref_slice %arg5[%squeeze3A_1537, %add3A, %dma_wait3A_2535] : memref<8112x32x85xf32, #tpu.memory_space<hbm>> -> memref<1x1x85xf32, #tpu.memory_space<hbm>>
    %dma_wait3A_2537 = tpu.memref_squeeze %dma_wait3A_2536 : memref<1x1x85xf32, #tpu.memory_space<hbm>> -> memref<85xf32, #tpu.memory_space<hbm>>
    %dma_wait3A_2538 = arith.constant 0 : i32
    %dma_wait3A_2539 = tpu.memref_slice %arg10[%dma_wait3A_2530, %dma_wait3A_2531, %dma_wait3A_2538] : memref<3x32x85xf32, #tpu.memory_space<vmem>> -> memref<1x1x85xf32, #tpu.memory_space<vmem>>
    %dma_wait3A_2540 = tpu.memref_squeeze %dma_wait3A_2539 : memref<1x1x85xf32, #tpu.memory_space<vmem>> -> memref<85xf32, #tpu.memory_space<vmem>>
    %dma_wait3A_2541 = arith.constant 0 : i32
    %dma_wait3A_2542 = tpu.memref_slice %arg5[%squeeze3A_1537, %add3A, %dma_wait3A_2541] : memref<8112x32x85xf32, #tpu.memory_space<hbm>> -> memref<1x1x85xf32, #tpu.memory_space<hbm>>
    %dma_wait3A_2543 = tpu.memref_squeeze %dma_wait3A_2542 : memref<1x1x85xf32, #tpu.memory_space<hbm>> -> memref<85xf32, #tpu.memory_space<hbm>>
    tpu.wait_dma2 semaphore(%arg11 : memref<!tpu.dma_semaphore, #tpu.memory_space<semaphore_mem>>) src(%dma_wait3A_2543 : memref<85xf32, #tpu.memory_space<hbm>>) dst(%dma_wait3A_2540 : memref<85xf32, #tpu.memory_space<vmem>>)
    %dma_wait3A_2544 = arith.constant 2 : i32
    %dma_wait3A_2545 = arith.constant 14 : i32
    %dma_wait3A_2546 = arith.constant 0 : i32
    %dma_wait3A_2547 = tpu.memref_slice %arg10[%dma_wait3A_2544, %dma_wait3A_2545, %dma_wait3A_2546] : memref<3x32x85xf32, #tpu.memory_space<vmem>> -> memref<1x1x85xf32, #tpu.memory_space<vmem>>
    %dma_wait3A_2548 = tpu.memref_squeeze %dma_wait3A_2547 : memref<1x1x85xf32, #tpu.memory_space<vmem>> -> memref<85xf32, #tpu.memory_space<vmem>>
    %dma_wait3A_2549 = arith.constant 0 : i32
    %dma_wait3A_2550 = tpu.memref_slice %arg5[%squeeze3A_1553, %add3A, %dma_wait3A_2549] : memref<8112x32x85xf32, #tpu.memory_space<hbm>> -> memref<1x1x85xf32, #tpu.memory_space<hbm>>
    %dma_wait3A_2551 = tpu.memref_squeeze %dma_wait3A_2550 : memref<1x1x85xf32, #tpu.memory_space<hbm>> -> memref<85xf32, #tpu.memory_space<hbm>>
    %dma_wait3A_2552 = arith.constant 0 : i32
    %dma_wait3A_2553 = tpu.memref_slice %arg10[%dma_wait3A_2544, %dma_wait3A_2545, %dma_wait3A_2552] : memref<3x32x85xf32, #tpu.memory_space<vmem>> -> memref<1x1x85xf32, #tpu.memory_space<vmem>>
    %dma_wait3A_2554 = tpu.memref_squeeze %dma_wait3A_2553 : memref<1x1x85xf32, #tpu.memory_space<vmem>> -> memref<85xf32, #tpu.memory_space<vmem>>
    %dma_wait3A_2555 = arith.constant 0 : i32
    %dma_wait3A_2556 = tpu.memref_slice %arg5[%squeeze3A_1553, %add3A, %dma_wait3A_2555] : memref<8112x32x85xf32, #tpu.memory_space<hbm>> -> memref<1x1x85xf32, #tpu.memory_space<hbm>>
    %dma_wait3A_2557 = tpu.memref_squeeze %dma_wait3A_2556 : memref<1x1x85xf32, #tpu.memory_space<hbm>> -> memref<85xf32, #tpu.memory_space<hbm>>
    tpu.wait_dma2 semaphore(%arg11 : memref<!tpu.dma_semaphore, #tpu.memory_space<semaphore_mem>>) src(%dma_wait3A_2557 : memref<85xf32, #tpu.memory_space<hbm>>) dst(%dma_wait3A_2554 : memref<85xf32, #tpu.memory_space<vmem>>)
    %dma_wait3A_2558 = arith.constant 2 : i32
    %dma_wait3A_2559 = arith.constant 15 : i32
    %dma_wait3A_2560 = arith.constant 0 : i32
    %dma_wait3A_2561 = tpu.memref_slice %arg10[%dma_wait3A_2558, %dma_wait3A_2559, %dma_wait3A_2560] : memref<3x32x85xf32, #tpu.memory_space<vmem>> -> memref<1x1x85xf32, #tpu.memory_space<vmem>>
    %dma_wait3A_2562 = tpu.memref_squeeze %dma_wait3A_2561 : memref<1x1x85xf32, #tpu.memory_space<vmem>> -> memref<85xf32, #tpu.memory_space<vmem>>
    %dma_wait3A_2563 = arith.constant 0 : i32
    %dma_wait3A_2564 = tpu.memref_slice %arg5[%squeeze3A_1569, %add3A, %dma_wait3A_2563] : memref<8112x32x85xf32, #tpu.memory_space<hbm>> -> memref<1x1x85xf32, #tpu.memory_space<hbm>>
    %dma_wait3A_2565 = tpu.memref_squeeze %dma_wait3A_2564 : memref<1x1x85xf32, #tpu.memory_space<hbm>> -> memref<85xf32, #tpu.memory_space<hbm>>
    %dma_wait3A_2566 = arith.constant 0 : i32
    %dma_wait3A_2567 = tpu.memref_slice %arg10[%dma_wait3A_2558, %dma_wait3A_2559, %dma_wait3A_2566] : memref<3x32x85xf32, #tpu.memory_space<vmem>> -> memref<1x1x85xf32, #tpu.memory_space<vmem>>
    %dma_wait3A_2568 = tpu.memref_squeeze %dma_wait3A_2567 : memref<1x1x85xf32, #tpu.memory_space<vmem>> -> memref<85xf32, #tpu.memory_space<vmem>>
    %dma_wait3A_2569 = arith.constant 0 : i32
    %dma_wait3A_2570 = tpu.memref_slice %arg5[%squeeze3A_1569, %add3A, %dma_wait3A_2569] : memref<8112x32x85xf32, #tpu.memory_space<hbm>> -> memref<1x1x85xf32, #tpu.memory_space<hbm>>
    %dma_wait3A_2571 = tpu.memref_squeeze %dma_wait3A_2570 : memref<1x1x85xf32, #tpu.memory_space<hbm>> -> memref<85xf32, #tpu.memory_space<hbm>>
    tpu.wait_dma2 semaphore(%arg11 : memref<!tpu.dma_semaphore, #tpu.memory_space<semaphore_mem>>) src(%dma_wait3A_2571 : memref<85xf32, #tpu.memory_space<hbm>>) dst(%dma_wait3A_2568 : memref<85xf32, #tpu.memory_space<vmem>>)
    %dma_wait3A_2572 = arith.constant 2 : i32
    %dma_wait3A_2573 = arith.constant 16 : i32
    %dma_wait3A_2574 = arith.constant 0 : i32
    %dma_wait3A_2575 = tpu.memref_slice %arg10[%dma_wait3A_2572, %dma_wait3A_2573, %dma_wait3A_2574] : memref<3x32x85xf32, #tpu.memory_space<vmem>> -> memref<1x1x85xf32, #tpu.memory_space<vmem>>
    %dma_wait3A_2576 = tpu.memref_squeeze %dma_wait3A_2575 : memref<1x1x85xf32, #tpu.memory_space<vmem>> -> memref<85xf32, #tpu.memory_space<vmem>>
    %dma_wait3A_2577 = arith.constant 0 : i32
    %dma_wait3A_2578 = tpu.memref_slice %arg5[%squeeze3A_1725, %add3A, %dma_wait3A_2577] : memref<8112x32x85xf32, #tpu.memory_space<hbm>> -> memref<1x1x85xf32, #tpu.memory_space<hbm>>
    %dma_wait3A_2579 = tpu.memref_squeeze %dma_wait3A_2578 : memref<1x1x85xf32, #tpu.memory_space<hbm>> -> memref<85xf32, #tpu.memory_space<hbm>>
    %dma_wait3A_2580 = arith.constant 0 : i32
    %dma_wait3A_2581 = tpu.memref_slice %arg10[%dma_wait3A_2572, %dma_wait3A_2573, %dma_wait3A_2580] : memref<3x32x85xf32, #tpu.memory_space<vmem>> -> memref<1x1x85xf32, #tpu.memory_space<vmem>>
    %dma_wait3A_2582 = tpu.memref_squeeze %dma_wait3A_2581 : memref<1x1x85xf32, #tpu.memory_space<vmem>> -> memref<85xf32, #tpu.memory_space<vmem>>
    %dma_wait3A_2583 = arith.constant 0 : i32
    %dma_wait3A_2584 = tpu.memref_slice %arg5[%squeeze3A_1725, %add3A, %dma_wait3A_2583] : memref<8112x32x85xf32, #tpu.memory_space<hbm>> -> memref<1x1x85xf32, #tpu.memory_space<hbm>>
    %dma_wait3A_2585 = tpu.memref_squeeze %dma_wait3A_2584 : memref<1x1x85xf32, #tpu.memory_space<hbm>> -> memref<85xf32, #tpu.memory_space<hbm>>
    tpu.wait_dma2 semaphore(%arg11 : memref<!tpu.dma_semaphore, #tpu.memory_space<semaphore_mem>>) src(%dma_wait3A_2585 : memref<85xf32, #tpu.memory_space<hbm>>) dst(%dma_wait3A_2582 : memref<85xf32, #tpu.memory_space<vmem>>)
    %dma_wait3A_2586 = arith.constant 2 : i32
    %dma_wait3A_2587 = arith.constant 17 : i32
    %dma_wait3A_2588 = arith.constant 0 : i32
    %dma_wait3A_2589 = tpu.memref_slice %arg10[%dma_wait3A_2586, %dma_wait3A_2587, %dma_wait3A_2588] : memref<3x32x85xf32, #tpu.memory_space<vmem>> -> memref<1x1x85xf32, #tpu.memory_space<vmem>>
    %dma_wait3A_2590 = tpu.memref_squeeze %dma_wait3A_2589 : memref<1x1x85xf32, #tpu.memory_space<vmem>> -> memref<85xf32, #tpu.memory_space<vmem>>
    %dma_wait3A_2591 = arith.constant 0 : i32
    %dma_wait3A_2592 = tpu.memref_slice %arg5[%squeeze3A_1741, %add3A, %dma_wait3A_2591] : memref<8112x32x85xf32, #tpu.memory_space<hbm>> -> memref<1x1x85xf32, #tpu.memory_space<hbm>>
    %dma_wait3A_2593 = tpu.memref_squeeze %dma_wait3A_2592 : memref<1x1x85xf32, #tpu.memory_space<hbm>> -> memref<85xf32, #tpu.memory_space<hbm>>
    %dma_wait3A_2594 = arith.constant 0 : i32
    %dma_wait3A_2595 = tpu.memref_slice %arg10[%dma_wait3A_2586, %dma_wait3A_2587, %dma_wait3A_2594] : memref<3x32x85xf32, #tpu.memory_space<vmem>> -> memref<1x1x85xf32, #tpu.memory_space<vmem>>
    %dma_wait3A_2596 = tpu.memref_squeeze %dma_wait3A_2595 : memref<1x1x85xf32, #tpu.memory_space<vmem>> -> memref<85xf32, #tpu.memory_space<vmem>>
    %dma_wait3A_2597 = arith.constant 0 : i32
    %dma_wait3A_2598 = tpu.memref_slice %arg5[%squeeze3A_1741, %add3A, %dma_wait3A_2597] : memref<8112x32x85xf32, #tpu.memory_space<hbm>> -> memref<1x1x85xf32, #tpu.memory_space<hbm>>
    %dma_wait3A_2599 = tpu.memref_squeeze %dma_wait3A_2598 : memref<1x1x85xf32, #tpu.memory_space<hbm>> -> memref<85xf32, #tpu.memory_space<hbm>>
    tpu.wait_dma2 semaphore(%arg11 : memref<!tpu.dma_semaphore, #tpu.memory_space<semaphore_mem>>) src(%dma_wait3A_2599 : memref<85xf32, #tpu.memory_space<hbm>>) dst(%dma_wait3A_2596 : memref<85xf32, #tpu.memory_space<vmem>>)
    %dma_wait3A_2600 = arith.constant 2 : i32
    %dma_wait3A_2601 = arith.constant 18 : i32
    %dma_wait3A_2602 = arith.constant 0 : i32
    %dma_wait3A_2603 = tpu.memref_slice %arg10[%dma_wait3A_2600, %dma_wait3A_2601, %dma_wait3A_2602] : memref<3x32x85xf32, #tpu.memory_space<vmem>> -> memref<1x1x85xf32, #tpu.memory_space<vmem>>
    %dma_wait3A_2604 = tpu.memref_squeeze %dma_wait3A_2603 : memref<1x1x85xf32, #tpu.memory_space<vmem>> -> memref<85xf32, #tpu.memory_space<vmem>>
    %dma_wait3A_2605 = arith.constant 0 : i32
    %dma_wait3A_2606 = tpu.memref_slice %arg5[%squeeze3A_1757, %add3A, %dma_wait3A_2605] : memref<8112x32x85xf32, #tpu.memory_space<hbm>> -> memref<1x1x85xf32, #tpu.memory_space<hbm>>
    %dma_wait3A_2607 = tpu.memref_squeeze %dma_wait3A_2606 : memref<1x1x85xf32, #tpu.memory_space<hbm>> -> memref<85xf32, #tpu.memory_space<hbm>>
    %dma_wait3A_2608 = arith.constant 0 : i32
    %dma_wait3A_2609 = tpu.memref_slice %arg10[%dma_wait3A_2600, %dma_wait3A_2601, %dma_wait3A_2608] : memref<3x32x85xf32, #tpu.memory_space<vmem>> -> memref<1x1x85xf32, #tpu.memory_space<vmem>>
    %dma_wait3A_2610 = tpu.memref_squeeze %dma_wait3A_2609 : memref<1x1x85xf32, #tpu.memory_space<vmem>> -> memref<85xf32, #tpu.memory_space<vmem>>
    %dma_wait3A_2611 = arith.constant 0 : i32
    %dma_wait3A_2612 = tpu.memref_slice %arg5[%squeeze3A_1757, %add3A, %dma_wait3A_2611] : memref<8112x32x85xf32, #tpu.memory_space<hbm>> -> memref<1x1x85xf32, #tpu.memory_space<hbm>>
    %dma_wait3A_2613 = tpu.memref_squeeze %dma_wait3A_2612 : memref<1x1x85xf32, #tpu.memory_space<hbm>> -> memref<85xf32, #tpu.memory_space<hbm>>
    tpu.wait_dma2 semaphore(%arg11 : memref<!tpu.dma_semaphore, #tpu.memory_space<semaphore_mem>>) src(%dma_wait3A_2613 : memref<85xf32, #tpu.memory_space<hbm>>) dst(%dma_wait3A_2610 : memref<85xf32, #tpu.memory_space<vmem>>)
    %dma_wait3A_2614 = arith.constant 2 : i32
    %dma_wait3A_2615 = arith.constant 19 : i32
    %dma_wait3A_2616 = arith.constant 0 : i32
    %dma_wait3A_2617 = tpu.memref_slice %arg10[%dma_wait3A_2614, %dma_wait3A_2615, %dma_wait3A_2616] : memref<3x32x85xf32, #tpu.memory_space<vmem>> -> memref<1x1x85xf32, #tpu.memory_space<vmem>>
    %dma_wait3A_2618 = tpu.memref_squeeze %dma_wait3A_2617 : memref<1x1x85xf32, #tpu.memory_space<vmem>> -> memref<85xf32, #tpu.memory_space<vmem>>
    %dma_wait3A_2619 = arith.constant 0 : i32
    %dma_wait3A_2620 = tpu.memref_slice %arg5[%squeeze3A_1773, %add3A, %dma_wait3A_2619] : memref<8112x32x85xf32, #tpu.memory_space<hbm>> -> memref<1x1x85xf32, #tpu.memory_space<hbm>>
    %dma_wait3A_2621 = tpu.memref_squeeze %dma_wait3A_2620 : memref<1x1x85xf32, #tpu.memory_space<hbm>> -> memref<85xf32, #tpu.memory_space<hbm>>
    %dma_wait3A_2622 = arith.constant 0 : i32
    %dma_wait3A_2623 = tpu.memref_slice %arg10[%dma_wait3A_2614, %dma_wait3A_2615, %dma_wait3A_2622] : memref<3x32x85xf32, #tpu.memory_space<vmem>> -> memref<1x1x85xf32, #tpu.memory_space<vmem>>
    %dma_wait3A_2624 = tpu.memref_squeeze %dma_wait3A_2623 : memref<1x1x85xf32, #tpu.memory_space<vmem>> -> memref<85xf32, #tpu.memory_space<vmem>>
    %dma_wait3A_2625 = arith.constant 0 : i32
    %dma_wait3A_2626 = tpu.memref_slice %arg5[%squeeze3A_1773, %add3A, %dma_wait3A_2625] : memref<8112x32x85xf32, #tpu.memory_space<hbm>> -> memref<1x1x85xf32, #tpu.memory_space<hbm>>
    %dma_wait3A_2627 = tpu.memref_squeeze %dma_wait3A_2626 : memref<1x1x85xf32, #tpu.memory_space<hbm>> -> memref<85xf32, #tpu.memory_space<hbm>>
    tpu.wait_dma2 semaphore(%arg11 : memref<!tpu.dma_semaphore, #tpu.memory_space<semaphore_mem>>) src(%dma_wait3A_2627 : memref<85xf32, #tpu.memory_space<hbm>>) dst(%dma_wait3A_2624 : memref<85xf32, #tpu.memory_space<vmem>>)
    %run_scoped3A_2628 = arith.constant 0 : i32
    %run_scoped3A_2629 = arith.constant 0 : i32
    "tpu.region"() ({
      %run_scoped3A_2634 = tpu.sem_alloc : memref<!tpu.dma_semaphore, #tpu.memory_space<semaphore_mem>>
      %dma_start3A_2635 = arith.constant 0 : i32
      %dma_start3A_2636 = arith.constant 0 : i32
      %dma_start3A_2637 = tpu.memref_slice %arg10[%run_scoped3A_2628, %dma_start3A_2635, %dma_start3A_2636] : memref<3x32x85xf32, #tpu.memory_space<vmem>> -> memref<1x32x85xf32, #tpu.memory_space<vmem>>
      %dma_start3A_2638 = tpu.memref_squeeze %dma_start3A_2637 : memref<1x32x85xf32, #tpu.memory_space<vmem>> -> memref<32x85xf32, #tpu.memory_space<vmem>>
      %dma_start3A_2639 = arith.constant 0 : i32
      %dma_start3A_2640 = arith.constant 0 : i32
      %dma_start3A_2641 = tpu.memref_slice %arg6[%run_scoped3A_2629, %add3A, %dma_start3A_2639, %dma_start3A_2640] : memref<3x32x32x85xf32, #tpu.memory_space<hbm>> -> memref<1x1x32x85xf32, #tpu.memory_space<hbm>>
      %dma_start3A_2642 = tpu.memref_squeeze %dma_start3A_2641 : memref<1x1x32x85xf32, #tpu.memory_space<hbm>> -> memref<32x85xf32, #tpu.memory_space<hbm>>
      %dma_start3A_2643 = arith.constant 0 : i32
      %dma_start3A_2644 = arith.constant 0 : i32
      %dma_start3A_2645 = tpu.memref_slice %arg6[%run_scoped3A_2629, %add3A, %dma_start3A_2643, %dma_start3A_2644] : memref<3x32x32x85xf32, #tpu.memory_space<hbm>> -> memref<1x1x32x85xf32, #tpu.memory_space<hbm>>
      %dma_start3A_2646 = tpu.memref_squeeze %dma_start3A_2645 : memref<1x1x32x85xf32, #tpu.memory_space<hbm>> -> memref<32x85xf32, #tpu.memory_space<hbm>>
      %dma_start3A_2647 = arith.constant 0 : i32
      %dma_start3A_2648 = arith.constant 0 : i32
      %dma_start3A_2649 = tpu.memref_slice %arg10[%run_scoped3A_2628, %dma_start3A_2647, %dma_start3A_2648] : memref<3x32x85xf32, #tpu.memory_space<vmem>> -> memref<1x32x85xf32, #tpu.memory_space<vmem>>
      %dma_start3A_2650 = tpu.memref_squeeze %dma_start3A_2649 : memref<1x32x85xf32, #tpu.memory_space<vmem>> -> memref<32x85xf32, #tpu.memory_space<vmem>>
      tpu.enqueue_dma source(%dma_start3A_2650 : memref<32x85xf32, #tpu.memory_space<vmem>>) target(%dma_start3A_2646 : memref<32x85xf32, #tpu.memory_space<hbm>>) target_semaphore(%run_scoped3A_2634 : memref<!tpu.dma_semaphore, #tpu.memory_space<semaphore_mem>>)
      %dma_wait3A_2651 = arith.constant 0 : i32
      %dma_wait3A_2652 = arith.constant 0 : i32
      %dma_wait3A_2653 = tpu.memref_slice %arg10[%run_scoped3A_2628, %dma_wait3A_2651, %dma_wait3A_2652] : memref<3x32x85xf32, #tpu.memory_space<vmem>> -> memref<1x32x85xf32, #tpu.memory_space<vmem>>
      %dma_wait3A_2654 = tpu.memref_squeeze %dma_wait3A_2653 : memref<1x32x85xf32, #tpu.memory_space<vmem>> -> memref<32x85xf32, #tpu.memory_space<vmem>>
      %dma_wait3A_2655 = arith.constant 0 : i32
      %dma_wait3A_2656 = arith.constant 0 : i32
      %dma_wait3A_2657 = tpu.memref_slice %arg6[%run_scoped3A_2629, %add3A, %dma_wait3A_2655, %dma_wait3A_2656] : memref<3x32x32x85xf32, #tpu.memory_space<hbm>> -> memref<1x1x32x85xf32, #tpu.memory_space<hbm>>
      %dma_wait3A_2658 = tpu.memref_squeeze %dma_wait3A_2657 : memref<1x1x32x85xf32, #tpu.memory_space<hbm>> -> memref<32x85xf32, #tpu.memory_space<hbm>>
      %dma_wait3A_2659 = arith.constant 0 : i32
      %dma_wait3A_2660 = arith.constant 0 : i32
      %dma_wait3A_2661 = tpu.memref_slice %arg6[%run_scoped3A_2629, %add3A, %dma_wait3A_2659, %dma_wait3A_2660] : memref<3x32x32x85xf32, #tpu.memory_space<hbm>> -> memref<1x1x32x85xf32, #tpu.memory_space<hbm>>
      %dma_wait3A_2662 = tpu.memref_squeeze %dma_wait3A_2661 : memref<1x1x32x85xf32, #tpu.memory_space<hbm>> -> memref<32x85xf32, #tpu.memory_space<hbm>>
      %dma_wait3A_2663 = arith.constant 0 : i32
      %dma_wait3A_2664 = arith.constant 0 : i32
      %dma_wait3A_2665 = tpu.memref_slice %arg10[%run_scoped3A_2628, %dma_wait3A_2663, %dma_wait3A_2664] : memref<3x32x85xf32, #tpu.memory_space<vmem>> -> memref<1x32x85xf32, #tpu.memory_space<vmem>>
      %dma_wait3A_2666 = tpu.memref_squeeze %dma_wait3A_2665 : memref<1x32x85xf32, #tpu.memory_space<vmem>> -> memref<32x85xf32, #tpu.memory_space<vmem>>
      tpu.wait_dma2 semaphore(%run_scoped3A_2634 : memref<!tpu.dma_semaphore, #tpu.memory_space<semaphore_mem>>) src(%dma_wait3A_2666 : memref<32x85xf32, #tpu.memory_space<vmem>>) dst(%dma_wait3A_2662 : memref<32x85xf32, #tpu.memory_space<hbm>>)
      tpu.yield
    }) : () -> ()
    %run_scoped3A_2630 = arith.constant 1 : i32
    %run_scoped3A_2631 = arith.constant 1 : i32
    "tpu.region"() ({
      %run_scoped3A_2634 = tpu.sem_alloc : memref<!tpu.dma_semaphore, #tpu.memory_space<semaphore_mem>>
      %dma_start3A_2635 = arith.constant 0 : i32
      %dma_start3A_2636 = arith.constant 0 : i32
      %dma_start3A_2637 = tpu.memref_slice %arg10[%run_scoped3A_2630, %dma_start3A_2635, %dma_start3A_2636] : memref<3x32x85xf32, #tpu.memory_space<vmem>> -> memref<1x32x85xf32, #tpu.memory_space<vmem>>
      %dma_start3A_2638 = tpu.memref_squeeze %dma_start3A_2637 : memref<1x32x85xf32, #tpu.memory_space<vmem>> -> memref<32x85xf32, #tpu.memory_space<vmem>>
      %dma_start3A_2639 = arith.constant 0 : i32
      %dma_start3A_2640 = arith.constant 0 : i32
      %dma_start3A_2641 = tpu.memref_slice %arg6[%run_scoped3A_2631, %add3A, %dma_start3A_2639, %dma_start3A_2640] : memref<3x32x32x85xf32, #tpu.memory_space<hbm>> -> memref<1x1x32x85xf32, #tpu.memory_space<hbm>>
      %dma_start3A_2642 = tpu.memref_squeeze %dma_start3A_2641 : memref<1x1x32x85xf32, #tpu.memory_space<hbm>> -> memref<32x85xf32, #tpu.memory_space<hbm>>
      %dma_start3A_2643 = arith.constant 0 : i32
      %dma_start3A_2644 = arith.constant 0 : i32
      %dma_start3A_2645 = tpu.memref_slice %arg6[%run_scoped3A_2631, %add3A, %dma_start3A_2643, %dma_start3A_2644] : memref<3x32x32x85xf32, #tpu.memory_space<hbm>> -> memref<1x1x32x85xf32, #tpu.memory_space<hbm>>
      %dma_start3A_2646 = tpu.memref_squeeze %dma_start3A_2645 : memref<1x1x32x85xf32, #tpu.memory_space<hbm>> -> memref<32x85xf32, #tpu.memory_space<hbm>>
      %dma_start3A_2647 = arith.constant 0 : i32
      %dma_start3A_2648 = arith.constant 0 : i32
      %dma_start3A_2649 = tpu.memref_slice %arg10[%run_scoped3A_2630, %dma_start3A_2647, %dma_start3A_2648] : memref<3x32x85xf32, #tpu.memory_space<vmem>> -> memref<1x32x85xf32, #tpu.memory_space<vmem>>
      %dma_start3A_2650 = tpu.memref_squeeze %dma_start3A_2649 : memref<1x32x85xf32, #tpu.memory_space<vmem>> -> memref<32x85xf32, #tpu.memory_space<vmem>>
      tpu.enqueue_dma source(%dma_start3A_2650 : memref<32x85xf32, #tpu.memory_space<vmem>>) target(%dma_start3A_2646 : memref<32x85xf32, #tpu.memory_space<hbm>>) target_semaphore(%run_scoped3A_2634 : memref<!tpu.dma_semaphore, #tpu.memory_space<semaphore_mem>>)
      %dma_wait3A_2651 = arith.constant 0 : i32
      %dma_wait3A_2652 = arith.constant 0 : i32
      %dma_wait3A_2653 = tpu.memref_slice %arg10[%run_scoped3A_2630, %dma_wait3A_2651, %dma_wait3A_2652] : memref<3x32x85xf32, #tpu.memory_space<vmem>> -> memref<1x32x85xf32, #tpu.memory_space<vmem>>
      %dma_wait3A_2654 = tpu.memref_squeeze %dma_wait3A_2653 : memref<1x32x85xf32, #tpu.memory_space<vmem>> -> memref<32x85xf32, #tpu.memory_space<vmem>>
      %dma_wait3A_2655 = arith.constant 0 : i32
      %dma_wait3A_2656 = arith.constant 0 : i32
      %dma_wait3A_2657 = tpu.memref_slice %arg6[%run_scoped3A_2631, %add3A, %dma_wait3A_2655, %dma_wait3A_2656] : memref<3x32x32x85xf32, #tpu.memory_space<hbm>> -> memref<1x1x32x85xf32, #tpu.memory_space<hbm>>
      %dma_wait3A_2658 = tpu.memref_squeeze %dma_wait3A_2657 : memref<1x1x32x85xf32, #tpu.memory_space<hbm>> -> memref<32x85xf32, #tpu.memory_space<hbm>>
      %dma_wait3A_2659 = arith.constant 0 : i32
      %dma_wait3A_2660 = arith.constant 0 : i32
      %dma_wait3A_2661 = tpu.memref_slice %arg6[%run_scoped3A_2631, %add3A, %dma_wait3A_2659, %dma_wait3A_2660] : memref<3x32x32x85xf32, #tpu.memory_space<hbm>> -> memref<1x1x32x85xf32, #tpu.memory_space<hbm>>
      %dma_wait3A_2662 = tpu.memref_squeeze %dma_wait3A_2661 : memref<1x1x32x85xf32, #tpu.memory_space<hbm>> -> memref<32x85xf32, #tpu.memory_space<hbm>>
      %dma_wait3A_2663 = arith.constant 0 : i32
      %dma_wait3A_2664 = arith.constant 0 : i32
      %dma_wait3A_2665 = tpu.memref_slice %arg10[%run_scoped3A_2630, %dma_wait3A_2663, %dma_wait3A_2664] : memref<3x32x85xf32, #tpu.memory_space<vmem>> -> memref<1x32x85xf32, #tpu.memory_space<vmem>>
      %dma_wait3A_2666 = tpu.memref_squeeze %dma_wait3A_2665 : memref<1x32x85xf32, #tpu.memory_space<vmem>> -> memref<32x85xf32, #tpu.memory_space<vmem>>
      tpu.wait_dma2 semaphore(%run_scoped3A_2634 : memref<!tpu.dma_semaphore, #tpu.memory_space<semaphore_mem>>) src(%dma_wait3A_2666 : memref<32x85xf32, #tpu.memory_space<vmem>>) dst(%dma_wait3A_2662 : memref<32x85xf32, #tpu.memory_space<hbm>>)
      tpu.yield
    }) : () -> ()
    %run_scoped3A_2632 = arith.constant 2 : i32
    %run_scoped3A_2633 = arith.constant 2 : i32
    "tpu.region"() ({
      %run_scoped3A_2634 = tpu.sem_alloc : memref<!tpu.dma_semaphore, #tpu.memory_space<semaphore_mem>>
      %dma_start3A_2635 = arith.constant 0 : i32
      %dma_start3A_2636 = arith.constant 0 : i32
      %dma_start3A_2637 = tpu.memref_slice %arg10[%run_scoped3A_2632, %dma_start3A_2635, %dma_start3A_2636] : memref<3x32x85xf32, #tpu.memory_space<vmem>> -> memref<1x32x85xf32, #tpu.memory_space<vmem>>
      %dma_start3A_2638 = tpu.memref_squeeze %dma_start3A_2637 : memref<1x32x85xf32, #tpu.memory_space<vmem>> -> memref<32x85xf32, #tpu.memory_space<vmem>>
      %dma_start3A_2639 = arith.constant 0 : i32
      %dma_start3A_2640 = arith.constant 0 : i32
      %dma_start3A_2641 = tpu.memref_slice %arg6[%run_scoped3A_2633, %add3A, %dma_start3A_2639, %dma_start3A_2640] : memref<3x32x32x85xf32, #tpu.memory_space<hbm>> -> memref<1x1x32x85xf32, #tpu.memory_space<hbm>>
      %dma_start3A_2642 = tpu.memref_squeeze %dma_start3A_2641 : memref<1x1x32x85xf32, #tpu.memory_space<hbm>> -> memref<32x85xf32, #tpu.memory_space<hbm>>
      %dma_start3A_2643 = arith.constant 0 : i32
      %dma_start3A_2644 = arith.constant 0 : i32
      %dma_start3A_2645 = tpu.memref_slice %arg6[%run_scoped3A_2633, %add3A, %dma_start3A_2643, %dma_start3A_2644] : memref<3x32x32x85xf32, #tpu.memory_space<hbm>> -> memref<1x1x32x85xf32, #tpu.memory_space<hbm>>
      %dma_start3A_2646 = tpu.memref_squeeze %dma_start3A_2645 : memref<1x1x32x85xf32, #tpu.memory_space<hbm>> -> memref<32x85xf32, #tpu.memory_space<hbm>>
      %dma_start3A_2647 = arith.constant 0 : i32
      %dma_start3A_2648 = arith.constant 0 : i32
      %dma_start3A_2649 = tpu.memref_slice %arg10[%run_scoped3A_2632, %dma_start3A_2647, %dma_start3A_2648] : memref<3x32x85xf32, #tpu.memory_space<vmem>> -> memref<1x32x85xf32, #tpu.memory_space<vmem>>
      %dma_start3A_2650 = tpu.memref_squeeze %dma_start3A_2649 : memref<1x32x85xf32, #tpu.memory_space<vmem>> -> memref<32x85xf32, #tpu.memory_space<vmem>>
      tpu.enqueue_dma source(%dma_start3A_2650 : memref<32x85xf32, #tpu.memory_space<vmem>>) target(%dma_start3A_2646 : memref<32x85xf32, #tpu.memory_space<hbm>>) target_semaphore(%run_scoped3A_2634 : memref<!tpu.dma_semaphore, #tpu.memory_space<semaphore_mem>>)
      %dma_wait3A_2651 = arith.constant 0 : i32
      %dma_wait3A_2652 = arith.constant 0 : i32
      %dma_wait3A_2653 = tpu.memref_slice %arg10[%run_scoped3A_2632, %dma_wait3A_2651, %dma_wait3A_2652] : memref<3x32x85xf32, #tpu.memory_space<vmem>> -> memref<1x32x85xf32, #tpu.memory_space<vmem>>
      %dma_wait3A_2654 = tpu.memref_squeeze %dma_wait3A_2653 : memref<1x32x85xf32, #tpu.memory_space<vmem>> -> memref<32x85xf32, #tpu.memory_space<vmem>>
      %dma_wait3A_2655 = arith.constant 0 : i32
      %dma_wait3A_2656 = arith.constant 0 : i32
      %dma_wait3A_2657 = tpu.memref_slice %arg6[%run_scoped3A_2633, %add3A, %dma_wait3A_2655, %dma_wait3A_2656] : memref<3x32x32x85xf32, #tpu.memory_space<hbm>> -> memref<1x1x32x85xf32, #tpu.memory_space<hbm>>
      %dma_wait3A_2658 = tpu.memref_squeeze %dma_wait3A_2657 : memref<1x1x32x85xf32, #tpu.memory_space<hbm>> -> memref<32x85xf32, #tpu.memory_space<hbm>>
      %dma_wait3A_2659 = arith.constant 0 : i32
      %dma_wait3A_2660 = arith.constant 0 : i32
      %dma_wait3A_2661 = tpu.memref_slice %arg6[%run_scoped3A_2633, %add3A, %dma_wait3A_2659, %dma_wait3A_2660] : memref<3x32x32x85xf32, #tpu.memory_space<hbm>> -> memref<1x1x32x85xf32, #tpu.memory_space<hbm>>
      %dma_wait3A_2662 = tpu.memref_squeeze %dma_wait3A_2661 : memref<1x1x32x85xf32, #tpu.memory_space<hbm>> -> memref<32x85xf32, #tpu.memory_space<hbm>>
      %dma_wait3A_2663 = arith.constant 0 : i32
      %dma_wait3A_2664 = arith.constant 0 : i32
      %dma_wait3A_2665 = tpu.memref_slice %arg10[%run_scoped3A_2632, %dma_wait3A_2663, %dma_wait3A_2664] : memref<3x32x85xf32, #tpu.memory_space<vmem>> -> memref<1x32x85xf32, #tpu.memory_space<vmem>>
      %dma_wait3A_2666 = tpu.memref_squeeze %dma_wait3A_2665 : memref<1x32x85xf32, #tpu.memory_space<vmem>> -> memref<32x85xf32, #tpu.memory_space<vmem>>
      tpu.wait_dma2 semaphore(%run_scoped3A_2634 : memref<!tpu.dma_semaphore, #tpu.memory_space<semaphore_mem>>) src(%dma_wait3A_2666 : memref<32x85xf32, #tpu.memory_space<vmem>>) dst(%dma_wait3A_2662 : memref<32x85xf32, #tpu.memory_space<hbm>>)
      tpu.yield
    }) : () -> ()
    return
  }
}

module attributes {stable_mosaic.version = 14 : i64} {
  func.func @_dense_body(%arg0: i32, %arg1: memref<39x32x85xf32, #tpu.memory_space<vmem>>, %arg2: memref<156x32x85xf32, #tpu.memory_space<vmem>>, %arg3: memref<624x32x85xf32, #tpu.memory_space<vmem>>, %arg4: memref<1x1x1xf32, #tpu.memory_space<vmem>>, %arg5: memref<1x1x1xf32, #tpu.memory_space<vmem>>, %arg6: memref<1x1x1xf32, #tpu.memory_space<vmem>>) attributes {dimension_semantics = [#tpu.dimension_semantics<parallel>], iteration_bounds = array<i64: 13>, scalar_prefetch = 0 : i64, scratch_operands = 0 : i64, tpu.core_type = #tpu.core_type<tc>, window_params = [{transform_indices = @transform_0, window_bounds = array<i64: 39, 32, 85>}, {transform_indices = @transform_1, window_bounds = array<i64: 156, 32, 85>}, {transform_indices = @transform_2, window_bounds = array<i64: 624, 32, 85>}, {transform_indices = @transform_3, window_bounds = array<i64: 1, 1, 1>}, {transform_indices = @transform_4, window_bounds = array<i64: 1, 1, 1>}, {transform_indices = @transform_5, window_bounds = array<i64: 1, 1, 1>}]} {
    %get3A = arith.constant 0 : index
    %get3A_0 = arith.constant 0 : index
    %get3A_1 = arith.constant 4 : index
    %get3A_2 = vector.load %arg1[%get3A, %get3A_0, %get3A_1] : memref<39x32x85xf32, #tpu.memory_space<vmem>>, vector<39x32x1xf32>
    %jit3A = arith.constant 1.000000e-07 : f32
    %jit3A_3 = arith.constant 0.99999988 : f32
    %max3A = vector.broadcast %jit3A : f32 to vector<39x32x1xf32>
    %max3A_4 = arith.maximumf %max3A, %get3A_2 : vector<39x32x1xf32>
    %min3A = vector.broadcast %jit3A_3 : f32 to vector<39x32x1xf32>
    %min3A_5 = arith.minimumf %min3A, %max3A_4 : vector<39x32x1xf32>
    %sub3A = arith.constant 1.000000e+00 : f32
    %sub3A_6 = vector.broadcast %sub3A : f32 to vector<39x32x1xf32>
    %sub3A_7 = arith.subf %sub3A_6, %min3A_5 : vector<39x32x1xf32>
    %log3A = math.log %sub3A_7 : vector<39x32x1xf32>
    %neg3A = arith.constant 0.000000e+00 : f32
    %neg3A_8 = vector.broadcast %neg3A : f32 to vector<39x32x1xf32>
    %neg3A_9 = arith.subf %neg3A_8, %log3A : vector<39x32x1xf32>
    %reduce_sum3A = vector.shape_cast %neg3A_9 : vector<39x32x1xf32> to vector<1x39x32x1xf32>
    %reduce_sum3A_10 = arith.constant dense<0.000000e+00> : vector<1xf32>
    %reduce_sum3A_11 = vector.multi_reduction <add>, %reduce_sum3A, %reduce_sum3A_10 [1, 2, 3] : vector<1x39x32x1xf32> to vector<1xf32>
    %reduce_sum3A_12 = vector.shape_cast %reduce_sum3A_11 : vector<1xf32> to vector<1x1x1x1xf32>
    %reduce_sum3A_13 = vector.extract %reduce_sum3A_12[0, 0, 0, 0] : f32 from vector<1x1x1x1xf32>
    %broadcast_in_dim3A = vector.broadcast %reduce_sum3A_13 : f32 to vector<1x1x1xf32>
    %swap3A = arith.constant 0 : index
    %swap3A_14 = arith.constant 0 : index
    %swap3A_15 = arith.constant 0 : index
    %swap3A_16 = vector.load %arg4[%swap3A, %swap3A_14, %swap3A_15] : memref<1x1x1xf32, #tpu.memory_space<vmem>>, vector<1x1x1xf32>
    tpu.vector_store %arg4[%swap3A, %swap3A_14, %swap3A_15], %broadcast_in_dim3A {strides = array<i32>} : memref<1x1x1xf32, #tpu.memory_space<vmem>>, vector<1x1x1xf32>,
    %get3A_17 = arith.constant 0 : index
    %get3A_18 = arith.constant 0 : index
    %get3A_19 = arith.constant 4 : index
    %get3A_20 = vector.load %arg2[%get3A_17, %get3A_18, %get3A_19] : memref<156x32x85xf32, #tpu.memory_space<vmem>>, vector<156x32x1xf32>
    %jit3A_21 = arith.constant 1.000000e-07 : f32
    %jit3A_22 = arith.constant 0.99999988 : f32
    %max3A_23 = vector.broadcast %jit3A_21 : f32 to vector<156x32x1xf32>
    %max3A_24 = arith.maximumf %max3A_23, %get3A_20 : vector<156x32x1xf32>
    %min3A_25 = vector.broadcast %jit3A_22 : f32 to vector<156x32x1xf32>
    %min3A_26 = arith.minimumf %min3A_25, %max3A_24 : vector<156x32x1xf32>
    %sub3A_27 = arith.constant 1.000000e+00 : f32
    %sub3A_28 = vector.broadcast %sub3A_27 : f32 to vector<156x32x1xf32>
    %sub3A_29 = arith.subf %sub3A_28, %min3A_26 : vector<156x32x1xf32>
    %log3A_30 = math.log %sub3A_29 : vector<156x32x1xf32>
    %neg3A_31 = arith.constant 0.000000e+00 : f32
    %neg3A_32 = vector.broadcast %neg3A_31 : f32 to vector<156x32x1xf32>
    %neg3A_33 = arith.subf %neg3A_32, %log3A_30 : vector<156x32x1xf32>
    %reduce_sum3A_34 = vector.shape_cast %neg3A_33 : vector<156x32x1xf32> to vector<1x156x32x1xf32>
    %reduce_sum3A_35 = arith.constant dense<0.000000e+00> : vector<1xf32>
    %reduce_sum3A_36 = vector.multi_reduction <add>, %reduce_sum3A_34, %reduce_sum3A_35 [1, 2, 3] : vector<1x156x32x1xf32> to vector<1xf32>
    %reduce_sum3A_37 = vector.shape_cast %reduce_sum3A_36 : vector<1xf32> to vector<1x1x1x1xf32>
    %reduce_sum3A_38 = vector.extract %reduce_sum3A_37[0, 0, 0, 0] : f32 from vector<1x1x1x1xf32>
    %broadcast_in_dim3A_39 = vector.broadcast %reduce_sum3A_38 : f32 to vector<1x1x1xf32>
    %swap3A_40 = arith.constant 0 : index
    %swap3A_41 = arith.constant 0 : index
    %swap3A_42 = arith.constant 0 : index
    %swap3A_43 = vector.load %arg5[%swap3A_40, %swap3A_41, %swap3A_42] : memref<1x1x1xf32, #tpu.memory_space<vmem>>, vector<1x1x1xf32>
    tpu.vector_store %arg5[%swap3A_40, %swap3A_41, %swap3A_42], %broadcast_in_dim3A_39 {strides = array<i32>} : memref<1x1x1xf32, #tpu.memory_space<vmem>>, vector<1x1x1xf32>,
    %get3A_44 = arith.constant 0 : index
    %get3A_45 = arith.constant 0 : index
    %get3A_46 = arith.constant 4 : index
    %get3A_47 = vector.load %arg3[%get3A_44, %get3A_45, %get3A_46] : memref<624x32x85xf32, #tpu.memory_space<vmem>>, vector<624x32x1xf32>
    %jit3A_48 = arith.constant 1.000000e-07 : f32
    %jit3A_49 = arith.constant 0.99999988 : f32
    %max3A_50 = vector.broadcast %jit3A_48 : f32 to vector<624x32x1xf32>
    %max3A_51 = arith.maximumf %max3A_50, %get3A_47 : vector<624x32x1xf32>
    %min3A_52 = vector.broadcast %jit3A_49 : f32 to vector<624x32x1xf32>
    %min3A_53 = arith.minimumf %min3A_52, %max3A_51 : vector<624x32x1xf32>
    %sub3A_54 = arith.constant 1.000000e+00 : f32
    %sub3A_55 = vector.broadcast %sub3A_54 : f32 to vector<624x32x1xf32>
    %sub3A_56 = arith.subf %sub3A_55, %min3A_53 : vector<624x32x1xf32>
    %log3A_57 = math.log %sub3A_56 : vector<624x32x1xf32>
    %neg3A_58 = arith.constant 0.000000e+00 : f32
    %neg3A_59 = vector.broadcast %neg3A_58 : f32 to vector<624x32x1xf32>
    %neg3A_60 = arith.subf %neg3A_59, %log3A_57 : vector<624x32x1xf32>
    %reduce_sum3A_61 = vector.shape_cast %neg3A_60 : vector<624x32x1xf32> to vector<1x624x32x1xf32>
    %reduce_sum3A_62 = arith.constant dense<0.000000e+00> : vector<1xf32>
    %reduce_sum3A_63 = vector.multi_reduction <add>, %reduce_sum3A_61, %reduce_sum3A_62 [1, 2, 3] : vector<1x624x32x1xf32> to vector<1xf32>
    %reduce_sum3A_64 = vector.shape_cast %reduce_sum3A_63 : vector<1xf32> to vector<1x1x1x1xf32>
    %reduce_sum3A_65 = vector.extract %reduce_sum3A_64[0, 0, 0, 0] : f32 from vector<1x1x1x1xf32>
    %broadcast_in_dim3A_66 = vector.broadcast %reduce_sum3A_65 : f32 to vector<1x1x1xf32>
    %swap3A_67 = arith.constant 0 : index
    %swap3A_68 = arith.constant 0 : index
    %swap3A_69 = arith.constant 0 : index
    %swap3A_70 = vector.load %arg6[%swap3A_67, %swap3A_68, %swap3A_69] : memref<1x1x1xf32, #tpu.memory_space<vmem>>, vector<1x1x1xf32>
    tpu.vector_store %arg6[%swap3A_67, %swap3A_68, %swap3A_69], %broadcast_in_dim3A_66 {strides = array<i32>} : memref<1x1x1xf32, #tpu.memory_space<vmem>>, vector<1x1x1xf32>,
    return
  }
  func.func @transform_0(%arg0: i32) -> (i32, i32, i32) {
    %c0_i32 = arith.constant 0 : i32
    %c0_i32_0 = arith.constant 0 : i32
    %c0_i32_1 = arith.constant 0 : i32
    return %arg0, %c0_i32, %c0_i32_0 : i32, i32, i32
  }
  func.func @transform_1(%arg0: i32) -> (i32, i32, i32) {
    %c0_i32 = arith.constant 0 : i32
    %c0_i32_0 = arith.constant 0 : i32
    %c0_i32_1 = arith.constant 0 : i32
    return %arg0, %c0_i32, %c0_i32_0 : i32, i32, i32
  }
  func.func @transform_2(%arg0: i32) -> (i32, i32, i32) {
    %c0_i32 = arith.constant 0 : i32
    %c0_i32_0 = arith.constant 0 : i32
    %c0_i32_1 = arith.constant 0 : i32
    return %arg0, %c0_i32, %c0_i32_0 : i32, i32, i32
  }
  func.func @transform_3(%arg0: i32) -> (i32, i32, i32) {
    %c0_i32 = arith.constant 0 : i32
    %c0_i32_0 = arith.constant 0 : i32
    %c0_i32_1 = arith.constant 0 : i32
    return %arg0, %c0_i32, %c0_i32_0 : i32, i32, i32
  }
  func.func @transform_4(%arg0: i32) -> (i32, i32, i32) {
    %c0_i32 = arith.constant 0 : i32
    %c0_i32_0 = arith.constant 0 : i32
    %c0_i32_1 = arith.constant 0 : i32
    return %arg0, %c0_i32, %c0_i32_0 : i32, i32, i32
  }
  func.func @transform_5(%arg0: i32) -> (i32, i32, i32) {
    %c0_i32 = arith.constant 0 : i32
    %c0_i32_0 = arith.constant 0 : i32
    %c0_i32_1 = arith.constant 0 : i32
    return %arg0, %c0_i32, %c0_i32_0 : i32, i32, i32
  }
}

module attributes {stable_mosaic.version = 14 : i64} {
  func.func @body(%arg0: memref<13x1x1xf32, #tpu.memory_space<vmem>>, %arg1: memref<13x1x1xf32, #tpu.memory_space<vmem>>, %arg2: memref<13x1x1xf32, #tpu.memory_space<vmem>>, %arg3: memref<32x4x32xf32, #tpu.memory_space<vmem>>, %arg4: memref<32x20xi32, #tpu.memory_space<vmem>>, %arg5: memref<3x32x32x85xf32, #tpu.memory_space<vmem>>, %arg6: memref<3x32x4x32xi32, #tpu.memory_space<vmem>>, %arg7: memref<1x1xf32, #tpu.memory_space<vmem>>, %arg8: memref<1x1xf32, #tpu.memory_space<vmem>>, %arg9: memref<1x1xf32, #tpu.memory_space<vmem>>, %arg10: memref<1x1xf32, #tpu.memory_space<vmem>>, %arg11: memref<1x1xf32, #tpu.memory_space<vmem>>) attributes {dimension_semantics = [], scalar_prefetch = 0 : i64, scratch_operands = 0 : i64, tpu.core_type = #tpu.core_type<tc>} {
    %get3A = arith.constant 0 : index
    %get3A_0 = arith.constant 0 : index
    %get3A_1 = arith.constant 0 : index
    %get3A_2 = vector.load %arg0[%get3A, %get3A_0, %get3A_1] : memref<13x1x1xf32, #tpu.memory_space<vmem>>, vector<13x1x1xf32>
    %reduce_sum3A = vector.shape_cast %get3A_2 : vector<13x1x1xf32> to vector<1x13x1x1xf32>
    %reduce_sum3A_3 = arith.constant dense<0.000000e+00> : vector<1xf32>
    %reduce_sum3A_4 = vector.multi_reduction <add>, %reduce_sum3A, %reduce_sum3A_3 [1, 2, 3] : vector<1x13x1x1xf32> to vector<1xf32>
    %reduce_sum3A_5 = vector.shape_cast %reduce_sum3A_4 : vector<1xf32> to vector<1x1x1x1xf32>
    %reduce_sum3A_6 = vector.extract %reduce_sum3A_5[0, 0, 0, 0] : f32 from vector<1x1x1x1xf32>
    %get3A_7 = arith.constant 0 : index
    %get3A_8 = arith.constant 0 : index
    %get3A_9 = arith.constant 0 : index
    %get3A_10 = vector.load %arg1[%get3A_7, %get3A_8, %get3A_9] : memref<13x1x1xf32, #tpu.memory_space<vmem>>, vector<13x1x1xf32>
    %reduce_sum3A_11 = vector.shape_cast %get3A_10 : vector<13x1x1xf32> to vector<1x13x1x1xf32>
    %reduce_sum3A_12 = arith.constant dense<0.000000e+00> : vector<1xf32>
    %reduce_sum3A_13 = vector.multi_reduction <add>, %reduce_sum3A_11, %reduce_sum3A_12 [1, 2, 3] : vector<1x13x1x1xf32> to vector<1xf32>
    %reduce_sum3A_14 = vector.shape_cast %reduce_sum3A_13 : vector<1xf32> to vector<1x1x1x1xf32>
    %reduce_sum3A_15 = vector.extract %reduce_sum3A_14[0, 0, 0, 0] : f32 from vector<1x1x1x1xf32>
    %get3A_16 = arith.constant 0 : index
    %get3A_17 = arith.constant 0 : index
    %get3A_18 = arith.constant 0 : index
    %get3A_19 = vector.load %arg2[%get3A_16, %get3A_17, %get3A_18] : memref<13x1x1xf32, #tpu.memory_space<vmem>>, vector<13x1x1xf32>
    %reduce_sum3A_20 = vector.shape_cast %get3A_19 : vector<13x1x1xf32> to vector<1x13x1x1xf32>
    %reduce_sum3A_21 = arith.constant dense<0.000000e+00> : vector<1xf32>
    %reduce_sum3A_22 = vector.multi_reduction <add>, %reduce_sum3A_20, %reduce_sum3A_21 [1, 2, 3] : vector<1x13x1x1xf32> to vector<1xf32>
    %reduce_sum3A_23 = vector.shape_cast %reduce_sum3A_22 : vector<1xf32> to vector<1x1x1x1xf32>
    %reduce_sum3A_24 = vector.extract %reduce_sum3A_23[0, 0, 0, 0] : f32 from vector<1x1x1x1xf32>
    %get3A_25 = arith.constant 0 : index
    %get3A_26 = arith.constant 0 : index
    %get3A_27 = vector.load %arg4[%get3A_25, %get3A_26] : memref<32x20xi32, #tpu.memory_space<vmem>>, vector<32x20xi32>
    %get3A_28 = arith.constant 0 : index
    %get3A_29 = arith.constant 0 : index
    %get3A_30 = arith.constant 0 : index
    %get3A_31 = vector.load %arg3[%get3A_28, %get3A_29, %get3A_30] : memref<32x4x32xf32, #tpu.memory_space<vmem>>, vector<32x1x20xf32>
    %get3A_32 = vector.shape_cast %get3A_31 : vector<32x1x20xf32> to vector<32x20xf32>
    %get3A_33 = arith.constant 0 : index
    %get3A_34 = arith.constant 1 : index
    %get3A_35 = arith.constant 0 : index
    %get3A_36 = vector.load %arg3[%get3A_33, %get3A_34, %get3A_35] : memref<32x4x32xf32, #tpu.memory_space<vmem>>, vector<32x1x20xf32>
    %get3A_37 = vector.shape_cast %get3A_36 : vector<32x1x20xf32> to vector<32x20xf32>
    %get3A_38 = arith.constant 0 : index
    %get3A_39 = arith.constant 2 : index
    %get3A_40 = arith.constant 0 : index
    %get3A_41 = vector.load %arg3[%get3A_38, %get3A_39, %get3A_40] : memref<32x4x32xf32, #tpu.memory_space<vmem>>, vector<32x1x20xf32>
    %get3A_42 = vector.shape_cast %get3A_41 : vector<32x1x20xf32> to vector<32x20xf32>
    %get3A_43 = arith.constant 0 : index
    %get3A_44 = arith.constant 3 : index
    %get3A_45 = arith.constant 0 : index
    %get3A_46 = vector.load %arg3[%get3A_43, %get3A_44, %get3A_45] : memref<32x4x32xf32, #tpu.memory_space<vmem>>, vector<32x1x20xf32>
    %get3A_47 = vector.shape_cast %get3A_46 : vector<32x1x20xf32> to vector<32x20xf32>
    %iota3A = tpu.iota {dimensions = array<i32: 1>} : vector<32x20x20xi32>
    %iota3A_48 = tpu.iota {dimensions = array<i32: 2>} : vector<32x20x20xi32>
    %gt3A = arith.cmpi sgt, %iota3A_48, %iota3A : vector<32x20x20xi32>
    %mul3A = arith.constant 1.300000e+01 : f32
    %mul3A_49 = vector.broadcast %mul3A : f32 to vector<32x20xf32>
    %mul3A_50 = arith.mulf %get3A_32, %mul3A_49 : vector<32x20xf32>
    %mul3A_51 = arith.constant 1.300000e+01 : f32
    %mul3A_52 = vector.broadcast %mul3A_51 : f32 to vector<32x20xf32>
    %mul3A_53 = arith.mulf %get3A_37, %mul3A_52 : vector<32x20xf32>
    %convert_element_type3A = arith.fptosi %mul3A_50 : vector<32x20xf32> to vector<32x20xi32>
    %convert_element_type3A_54 = arith.fptosi %mul3A_53 : vector<32x20xf32> to vector<32x20xi32>
    %lt3A = arith.constant 13 : i32
    %lt3A_55 = vector.broadcast %lt3A : i32 to vector<32x20xi32>
    %lt3A_56 = arith.cmpi slt, %convert_element_type3A, %lt3A_55 : vector<32x20xi32>
    %lt3A_57 = arith.constant 13 : i32
    %lt3A_58 = vector.broadcast %lt3A_57 : i32 to vector<32x20xi32>
    %lt3A_59 = arith.cmpi slt, %convert_element_type3A_54, %lt3A_58 : vector<32x20xi32>
    %and3A = arith.andi %lt3A_56, %lt3A_59 : vector<32x20xi1>
    %convert_element_type3A_60 = arith.sitofp %convert_element_type3A : vector<32x20xi32> to vector<32x20xf32>
    %sub3A = arith.subf %mul3A_50, %convert_element_type3A_60 : vector<32x20xf32>
    %convert_element_type3A_61 = arith.sitofp %convert_element_type3A_54 : vector<32x20xi32> to vector<32x20xf32>
    %sub3A_62 = arith.subf %mul3A_53, %convert_element_type3A_61 : vector<32x20xf32>
    %mul3A_63 = arith.constant 1.300000e+01 : f32
    %mul3A_64 = vector.broadcast %mul3A_63 : f32 to vector<32x20xf32>
    %mul3A_65 = arith.mulf %get3A_42, %mul3A_64 : vector<32x20xf32>
    %mul3A_66 = arith.constant 1.300000e+01 : f32
    %mul3A_67 = vector.broadcast %mul3A_66 : f32 to vector<32x20xf32>
    %mul3A_68 = arith.mulf %get3A_47, %mul3A_67 : vector<32x20xf32>
    %min3A = arith.constant 3.625000e+00 : f32
    %min3A_69 = vector.broadcast %min3A : f32 to vector<32x20xf32>
    %min3A_70 = arith.minimumf %mul3A_65, %min3A_69 : vector<32x20xf32>
    %min3A_71 = arith.constant 2.812500e+00 : f32
    %min3A_72 = vector.broadcast %min3A_71 : f32 to vector<32x20xf32>
    %min3A_73 = arith.minimumf %mul3A_68, %min3A_72 : vector<32x20xf32>
    %mul3A_74 = arith.mulf %min3A_70, %min3A_73 : vector<32x20xf32>
    %add3A = arith.constant 10.1953125 : f32
    %add3A_75 = vector.broadcast %add3A : f32 to vector<32x20xf32>
    %add3A_76 = arith.addf %add3A_75, %mul3A_65 : vector<32x20xf32>
    %add3A_77 = arith.addf %add3A_76, %mul3A_68 : vector<32x20xf32>
    %sub3A_78 = arith.subf %add3A_77, %mul3A_74 : vector<32x20xf32>
    %gt3A_79 = arith.constant 0.000000e+00 : f32
    %gt3A_80 = vector.broadcast %gt3A_79 : f32 to vector<32x20xf32>
    %gt3A_81 = arith.cmpf ogt, %sub3A_78, %gt3A_80 : vector<32x20xf32>
    %div3A = arith.divf %mul3A_74, %sub3A_78 : vector<32x20xf32>
    %jit3A = arith.constant 0.000000e+00 : f32
    %broadcast_in_dim3A = vector.broadcast %jit3A : f32 to vector<32x20xf32>
    %select_n3A = arith.select %gt3A_81, %div3A, %broadcast_in_dim3A : vector<32x20xi1>, vector<32x20xf32>
    %min3A_82 = arith.constant 4.875000e+00 : f32
    %min3A_83 = vector.broadcast %min3A_82 : f32 to vector<32x20xf32>
    %min3A_84 = arith.minimumf %mul3A_65, %min3A_83 : vector<32x20xf32>
    %min3A_85 = arith.constant 6.187500e+00 : f32
    %min3A_86 = vector.broadcast %min3A_85 : f32 to vector<32x20xf32>
    %min3A_87 = arith.minimumf %mul3A_68, %min3A_86 : vector<32x20xf32>
    %mul3A_88 = arith.mulf %min3A_84, %min3A_87 : vector<32x20xf32>
    %add3A_89 = arith.constant 30.1640625 : f32
    %add3A_90 = vector.broadcast %add3A_89 : f32 to vector<32x20xf32>
    %add3A_91 = arith.addf %add3A_90, %mul3A_65 : vector<32x20xf32>
    %add3A_92 = arith.addf %add3A_91, %mul3A_68 : vector<32x20xf32>
    %sub3A_93 = arith.subf %add3A_92, %mul3A_88 : vector<32x20xf32>
    %gt3A_94 = arith.constant 0.000000e+00 : f32
    %gt3A_95 = vector.broadcast %gt3A_94 : f32 to vector<32x20xf32>
    %gt3A_96 = arith.cmpf ogt, %sub3A_93, %gt3A_95 : vector<32x20xf32>
    %div3A_97 = arith.divf %mul3A_88, %sub3A_93 : vector<32x20xf32>
    %jit3A_98 = arith.constant 0.000000e+00 : f32
    %broadcast_in_dim3A_99 = vector.broadcast %jit3A_98 : f32 to vector<32x20xf32>
    %select_n3A_100 = arith.select %gt3A_96, %div3A_97, %broadcast_in_dim3A_99 : vector<32x20xi1>, vector<32x20xf32>
    %min3A_101 = arith.constant 11.65625 : f32
    %min3A_102 = vector.broadcast %min3A_101 : f32 to vector<32x20xf32>
    %min3A_103 = arith.minimumf %mul3A_65, %min3A_102 : vector<32x20xf32>
    %min3A_104 = arith.constant 1.018750e+01 : f32
    %min3A_105 = vector.broadcast %min3A_104 : f32 to vector<32x20xf32>
    %min3A_106 = arith.minimumf %mul3A_68, %min3A_105 : vector<32x20xf32>
    %mul3A_107 = arith.mulf %min3A_103, %min3A_106 : vector<32x20xf32>
    %add3A_108 = arith.constant 118.748047 : f32
    %add3A_109 = vector.broadcast %add3A_108 : f32 to vector<32x20xf32>
    %add3A_110 = arith.addf %add3A_109, %mul3A_65 : vector<32x20xf32>
    %add3A_111 = arith.addf %add3A_110, %mul3A_68 : vector<32x20xf32>
    %sub3A_112 = arith.subf %add3A_111, %mul3A_107 : vector<32x20xf32>
    %gt3A_113 = arith.constant 0.000000e+00 : f32
    %gt3A_114 = vector.broadcast %gt3A_113 : f32 to vector<32x20xf32>
    %gt3A_115 = arith.cmpf ogt, %sub3A_112, %gt3A_114 : vector<32x20xf32>
    %div3A_116 = arith.divf %mul3A_107, %sub3A_112 : vector<32x20xf32>
    %jit3A_117 = arith.constant 0.000000e+00 : f32
    %broadcast_in_dim3A_118 = vector.broadcast %jit3A_117 : f32 to vector<32x20xf32>
    %select_n3A_119 = arith.select %gt3A_115, %div3A_116, %broadcast_in_dim3A_118 : vector<32x20xi1>, vector<32x20xf32>
    %gt3A_120 = arith.cmpf ogt, %select_n3A_100, %select_n3A : vector<32x20xf32>
    %broadcast_in_dim3A_121 = arith.constant 1 : i32
    %broadcast_in_dim3A_122 = vector.broadcast %broadcast_in_dim3A_121 : i32 to vector<32x20xi32>
    %broadcast_in_dim3A_123 = arith.constant 0 : i32
    %broadcast_in_dim3A_124 = vector.broadcast %broadcast_in_dim3A_123 : i32 to vector<32x20xi32>
    %select_n3A_125 = arith.select %gt3A_120, %broadcast_in_dim3A_122, %broadcast_in_dim3A_124 : vector<32x20xi1>, vector<32x20xi32>
    %max3A = arith.maximumf %select_n3A, %select_n3A_100 : vector<32x20xf32>
    %gt3A_126 = arith.cmpf ogt, %select_n3A_119, %max3A : vector<32x20xf32>
    %broadcast_in_dim3A_127 = arith.constant 2 : i32
    %broadcast_in_dim3A_128 = vector.broadcast %broadcast_in_dim3A_127 : i32 to vector<32x20xi32>
    %select_n3A_129 = arith.select %gt3A_126, %broadcast_in_dim3A_128, %select_n3A_125 : vector<32x20xi1>, vector<32x20xi32>
    %eq3A = arith.constant 1 : i32
    %eq3A_130 = vector.broadcast %eq3A : i32 to vector<32x20xi32>
    %eq3A_131 = arith.cmpi eq, %select_n3A_129, %eq3A_130 : vector<32x20xi32>
    %jit3A_132 = arith.constant 4.875000e+00 : f32
    %jit3A_133 = arith.constant 3.625000e+00 : f32
    %broadcast_in_dim3A_134 = vector.broadcast %jit3A_132 : f32 to vector<32x20xf32>
    %broadcast_in_dim3A_135 = vector.broadcast %jit3A_133 : f32 to vector<32x20xf32>
    %select_n3A_136 = arith.select %eq3A_131, %broadcast_in_dim3A_134, %broadcast_in_dim3A_135 : vector<32x20xi1>, vector<32x20xf32>
    %eq3A_137 = arith.constant 2 : i32
    %eq3A_138 = vector.broadcast %eq3A_137 : i32 to vector<32x20xi32>
    %eq3A_139 = arith.cmpi eq, %select_n3A_129, %eq3A_138 : vector<32x20xi32>
    %jit3A_140 = arith.constant 11.65625 : f32
    %broadcast_in_dim3A_141 = vector.broadcast %jit3A_140 : f32 to vector<32x20xf32>
    %select_n3A_142 = arith.select %eq3A_139, %broadcast_in_dim3A_141, %select_n3A_136 : vector<32x20xi1>, vector<32x20xf32>
    %eq3A_143 = arith.constant 1 : i32
    %eq3A_144 = vector.broadcast %eq3A_143 : i32 to vector<32x20xi32>
    %eq3A_145 = arith.cmpi eq, %select_n3A_129, %eq3A_144 : vector<32x20xi32>
    %jit3A_146 = arith.constant 6.187500e+00 : f32
    %jit3A_147 = arith.constant 2.812500e+00 : f32
    %broadcast_in_dim3A_148 = vector.broadcast %jit3A_146 : f32 to vector<32x20xf32>
    %broadcast_in_dim3A_149 = vector.broadcast %jit3A_147 : f32 to vector<32x20xf32>
    %select_n3A_150 = arith.select %eq3A_145, %broadcast_in_dim3A_148, %broadcast_in_dim3A_149 : vector<32x20xi1>, vector<32x20xf32>
    %eq3A_151 = arith.constant 2 : i32
    %eq3A_152 = vector.broadcast %eq3A_151 : i32 to vector<32x20xi32>
    %eq3A_153 = arith.cmpi eq, %select_n3A_129, %eq3A_152 : vector<32x20xi32>
    %jit3A_154 = arith.constant 1.018750e+01 : f32
    %broadcast_in_dim3A_155 = vector.broadcast %jit3A_154 : f32 to vector<32x20xf32>
    %select_n3A_156 = arith.select %eq3A_153, %broadcast_in_dim3A_155, %select_n3A_150 : vector<32x20xi1>, vector<32x20xf32>
    %div3A_157 = arith.divf %mul3A_65, %select_n3A_142 : vector<32x20xf32>
    %div3A_158 = arith.divf %mul3A_68, %select_n3A_156 : vector<32x20xf32>
    %get3A_159 = arith.constant 0 : index
    %get3A_160 = arith.constant 0 : index
    %get3A_161 = arith.constant 0 : index
    %get3A_162 = arith.constant 0 : index
    %get3A_163 = vector.load %arg6[%get3A_159, %get3A_160, %get3A_161, %get3A_162] : memref<3x32x4x32xi32, #tpu.memory_space<vmem>>, vector<1x32x1x20xi32>
    %get3A_164 = vector.shape_cast %get3A_163 : vector<1x32x1x20xi32> to vector<32x20xi32>
    %broadcast_in_dim3A_165 = vector.shape_cast %get3A_164 : vector<32x20xi32> to vector<32x20x1xi32>
    %broadcast_in_dim3A_166 = vector.shape_cast %get3A_164 : vector<32x20xi32> to vector<32x1x20xi32>
    %eq3A_167 = vector.broadcast %broadcast_in_dim3A_165 : vector<32x20x1xi32> to vector<32x20x20xi32>
    %eq3A_168 = vector.broadcast %broadcast_in_dim3A_166 : vector<32x1x20xi32> to vector<32x20x20xi32>
    %eq3A_169 = arith.cmpi eq, %eq3A_167, %eq3A_168 : vector<32x20x20xi32>
    %and3A_170 = arith.andi %eq3A_169, %gt3A : vector<32x20x20xi1>
    %broadcast_in_dim3A_171 = vector.shape_cast %and3A : vector<32x20xi1> to vector<32x1x20xi1>
    %and3A_172 = vector.broadcast %broadcast_in_dim3A_171 : vector<32x1x20xi1> to vector<32x20x20xi1>
    %and3A_173 = arith.andi %and3A_170, %and3A_172 : vector<32x20x20xi1>
    %reduce_or3A = arith.constant 1.000000e+00 : f32
    %reduce_or3A_174 = arith.constant 0.000000e+00 : f32
    %reduce_or3A_175 = vector.broadcast %reduce_or3A : f32 to vector<32x20x20xf32>
    %reduce_or3A_176 = vector.broadcast %reduce_or3A_174 : f32 to vector<32x20x20xf32>
    %reduce_or3A_177 = arith.select %and3A_173, %reduce_or3A_175, %reduce_or3A_176 : vector<32x20x20xi1>, vector<32x20x20xf32>
    %reduce_or3A_178 = arith.constant dense<0xFF800000> : vector<32x20xf32>
    %reduce_or3A_179 = vector.multi_reduction <maximumf>, %reduce_or3A_177, %reduce_or3A_178 [2] : vector<32x20x20xf32> to vector<32x20xf32>
    %reduce_or3A_180 = arith.constant 0.000000e+00 : f32
    %reduce_or3A_181 = vector.broadcast %reduce_or3A_180 : f32 to vector<32x20xf32>
    %reduce_or3A_182 = arith.cmpf ogt, %reduce_or3A_179, %reduce_or3A_181 : vector<32x20xf32>
    %not3A = arith.constant dense<true> : vector<32x20xi1>
    %not3A_183 = arith.xori %reduce_or3A_182, %not3A : vector<32x20xi1>
    %and3A_184 = arith.andi %and3A, %not3A_183 : vector<32x20xi1>
    %convert_element_type3A_185 = arith.extui %and3A_184 : vector<32x20xi1> to vector<32x20xi32>
    %convert_element_type3A_186 = arith.sitofp %convert_element_type3A_185 : vector<32x20xi32> to vector<32x20xf32>
    %reduce_sum3A_187 = vector.shape_cast %convert_element_type3A_186 : vector<32x20xf32> to vector<1x32x20xf32>
    %reduce_sum3A_188 = arith.constant dense<0.000000e+00> : vector<1xf32>
    %reduce_sum3A_189 = vector.multi_reduction <add>, %reduce_sum3A_187, %reduce_sum3A_188 [1, 2] : vector<1x32x20xf32> to vector<1xf32>
    %reduce_sum3A_190 = vector.shape_cast %reduce_sum3A_189 : vector<1xf32> to vector<1x1x1xf32>
    %reduce_sum3A_191 = vector.extract %reduce_sum3A_190[0, 0, 0] : f32 from vector<1x1x1xf32>
    %get3A_192 = arith.constant 0 : index
    %get3A_193 = arith.constant 0 : index
    %get3A_194 = arith.constant 0 : index
    %get3A_195 = arith.constant 0 : index
    %get3A_196 = vector.load %arg5[%get3A_192, %get3A_193, %get3A_194, %get3A_195] : memref<3x32x32x85xf32, #tpu.memory_space<vmem>>, vector<1x32x32x85xf32>
    %get3A_197 = vector.shape_cast %get3A_196 : vector<1x32x32x85xf32> to vector<32x32x85xf32>
    %slice3A = vector.extract_strided_slice %get3A_197 {offsets = [0, 0, 0], sizes = [32, 20, 85], strides = [1, 1, 1]} : vector<32x32x85xf32> to vector<32x20x85xf32>
    %slice3A_198 = vector.extract_strided_slice %slice3A {offsets = [0, 0, 0], sizes = [32, 20, 1], strides = [1, 1, 1]} : vector<32x20x85xf32> to vector<32x20x1xf32>
    %squeeze3A = vector.shape_cast %slice3A_198 : vector<32x20x1xf32> to vector<32x20xf32>
    %slice3A_199 = vector.extract_strided_slice %slice3A {offsets = [0, 0, 1], sizes = [32, 20, 1], strides = [1, 1, 1]} : vector<32x20x85xf32> to vector<32x20x1xf32>
    %squeeze3A_200 = vector.shape_cast %slice3A_199 : vector<32x20x1xf32> to vector<32x20xf32>
    %slice3A_201 = vector.extract_strided_slice %slice3A {offsets = [0, 0, 2], sizes = [32, 20, 1], strides = [1, 1, 1]} : vector<32x20x85xf32> to vector<32x20x1xf32>
    %squeeze3A_202 = vector.shape_cast %slice3A_201 : vector<32x20x1xf32> to vector<32x20xf32>
    %slice3A_203 = vector.extract_strided_slice %slice3A {offsets = [0, 0, 3], sizes = [32, 20, 1], strides = [1, 1, 1]} : vector<32x20x85xf32> to vector<32x20x1xf32>
    %squeeze3A_204 = vector.shape_cast %slice3A_203 : vector<32x20x1xf32> to vector<32x20xf32>
    %slice3A_205 = vector.extract_strided_slice %slice3A {offsets = [0, 0, 4], sizes = [32, 20, 1], strides = [1, 1, 1]} : vector<32x20x85xf32> to vector<32x20x1xf32>
    %squeeze3A_206 = vector.shape_cast %slice3A_205 : vector<32x20x1xf32> to vector<32x20xf32>
    %slice3A_207 = vector.extract_strided_slice %slice3A {offsets = [0, 0, 5], sizes = [32, 20, 80], strides = [1, 1, 1]} : vector<32x20x85xf32> to vector<32x20x80xf32>
    %mul3A_208 = arith.constant 2.000000e+00 : f32
    %mul3A_209 = arith.mulf %reduce_sum3A_191, %mul3A_208 : f32
    %max3A_210 = arith.constant 1.000000e+00 : f32
    %max3A_211 = arith.maximumf %mul3A_209, %max3A_210 : f32
    %sub3A_212 = arith.subf %squeeze3A, %sub3A : vector<32x20xf32>
    %integer_pow3A = arith.mulf %sub3A_212, %sub3A_212 : vector<32x20xf32>
    %sub3A_213 = arith.subf %squeeze3A_200, %sub3A_62 : vector<32x20xf32>
    %integer_pow3A_214 = arith.mulf %sub3A_213, %sub3A_213 : vector<32x20xf32>
    %add3A_215 = arith.addf %integer_pow3A, %integer_pow3A_214 : vector<32x20xf32>
    %mul3A_216 = arith.mulf %convert_element_type3A_186, %add3A_215 : vector<32x20xf32>
    %reduce_sum3A_217 = vector.shape_cast %mul3A_216 : vector<32x20xf32> to vector<1x32x20xf32>
    %reduce_sum3A_218 = arith.constant dense<0.000000e+00> : vector<1xf32>
    %reduce_sum3A_219 = vector.multi_reduction <add>, %reduce_sum3A_217, %reduce_sum3A_218 [1, 2] : vector<1x32x20xf32> to vector<1xf32>
    %reduce_sum3A_220 = vector.shape_cast %reduce_sum3A_219 : vector<1xf32> to vector<1x1x1xf32>
    %reduce_sum3A_221 = vector.extract %reduce_sum3A_220[0, 0, 0] : f32 from vector<1x1x1xf32>
    %div3A_222 = arith.divf %reduce_sum3A_221, %max3A_211 : f32
    %sqrt3A = math.sqrt %squeeze3A_202 : vector<32x20xf32>
    %sqrt3A_223 = math.sqrt %div3A_157 : vector<32x20xf32>
    %sub3A_224 = arith.subf %sqrt3A, %sqrt3A_223 : vector<32x20xf32>
    %integer_pow3A_225 = arith.mulf %sub3A_224, %sub3A_224 : vector<32x20xf32>
    %sqrt3A_226 = math.sqrt %squeeze3A_204 : vector<32x20xf32>
    %sqrt3A_227 = math.sqrt %div3A_158 : vector<32x20xf32>
    %sub3A_228 = arith.subf %sqrt3A_226, %sqrt3A_227 : vector<32x20xf32>
    %integer_pow3A_229 = arith.mulf %sub3A_228, %sub3A_228 : vector<32x20xf32>
    %add3A_230 = arith.addf %integer_pow3A_225, %integer_pow3A_229 : vector<32x20xf32>
    %mul3A_231 = arith.mulf %convert_element_type3A_186, %add3A_230 : vector<32x20xf32>
    %reduce_sum3A_232 = vector.shape_cast %mul3A_231 : vector<32x20xf32> to vector<1x32x20xf32>
    %reduce_sum3A_233 = arith.constant dense<0.000000e+00> : vector<1xf32>
    %reduce_sum3A_234 = vector.multi_reduction <add>, %reduce_sum3A_232, %reduce_sum3A_233 [1, 2] : vector<1x32x20xf32> to vector<1xf32>
    %reduce_sum3A_235 = vector.shape_cast %reduce_sum3A_234 : vector<1xf32> to vector<1x1x1xf32>
    %reduce_sum3A_236 = vector.extract %reduce_sum3A_235[0, 0, 0] : f32 from vector<1x1x1xf32>
    %div3A_237 = arith.divf %reduce_sum3A_236, %max3A_211 : f32
    %gt3A_238 = arith.constant 0.000000e+00 : f32
    %gt3A_239 = arith.cmpf ogt, %reduce_sum3A_191, %gt3A_238 : f32
    %convert_element_type3A_240 = arith.extui %gt3A_239 : i1 to i32
    %convert_element_type3A_241 = arith.sitofp %convert_element_type3A_240 : i32 to f32
    %add3A_242 = arith.addf %div3A_222, %div3A_237 : f32
    %mul3A_243 = arith.mulf %convert_element_type3A_241, %add3A_242 : f32
    %add3A_244 = arith.constant 0.000000e+00 : f32
    %add3A_245 = arith.addf %add3A_244, %mul3A_243 : f32
    %jit3A_246 = arith.constant 1.000000e-07 : f32
    %jit3A_247 = arith.constant 0.99999988 : f32
    %max3A_248 = vector.broadcast %jit3A_246 : f32 to vector<32x20xf32>
    %max3A_249 = arith.maximumf %max3A_248, %squeeze3A_206 : vector<32x20xf32>
    %min3A_250 = vector.broadcast %jit3A_247 : f32 to vector<32x20xf32>
    %min3A_251 = arith.minimumf %min3A_250, %max3A_249 : vector<32x20xf32>
    %log3A = math.log %min3A_251 : vector<32x20xf32>
    %neg3A = arith.constant 0.000000e+00 : f32
    %neg3A_252 = vector.broadcast %neg3A : f32 to vector<32x20xf32>
    %neg3A_253 = arith.subf %neg3A_252, %log3A : vector<32x20xf32>
    %mul3A_254 = arith.mulf %convert_element_type3A_186, %neg3A_253 : vector<32x20xf32>
    %reduce_sum3A_255 = vector.shape_cast %mul3A_254 : vector<32x20xf32> to vector<1x32x20xf32>
    %reduce_sum3A_256 = arith.constant dense<0.000000e+00> : vector<1xf32>
    %reduce_sum3A_257 = vector.multi_reduction <add>, %reduce_sum3A_255, %reduce_sum3A_256 [1, 2] : vector<1x32x20xf32> to vector<1xf32>
    %reduce_sum3A_258 = vector.shape_cast %reduce_sum3A_257 : vector<1xf32> to vector<1x1x1xf32>
    %reduce_sum3A_259 = vector.extract %reduce_sum3A_258[0, 0, 0] : f32 from vector<1x1x1xf32>
    %max3A_260 = arith.constant 1.000000e+00 : f32
    %max3A_261 = arith.maximumf %reduce_sum3A_191, %max3A_260 : f32
    %div3A_262 = arith.divf %reduce_sum3A_259, %max3A_261 : f32
    %add3A_263 = arith.constant 0.000000e+00 : f32
    %add3A_264 = arith.addf %add3A_263, %div3A_262 : f32
    %sub3A_265 = arith.constant 1.000000e+00 : f32
    %sub3A_266 = vector.broadcast %sub3A_265 : f32 to vector<32x20xf32>
    %sub3A_267 = arith.subf %sub3A_266, %min3A_251 : vector<32x20xf32>
    %log3A_268 = math.log %sub3A_267 : vector<32x20xf32>
    %neg3A_269 = arith.constant 0.000000e+00 : f32
    %neg3A_270 = vector.broadcast %neg3A_269 : f32 to vector<32x20xf32>
    %neg3A_271 = arith.subf %neg3A_270, %log3A_268 : vector<32x20xf32>
    %mul3A_272 = arith.mulf %convert_element_type3A_186, %neg3A_271 : vector<32x20xf32>
    %reduce_sum3A_273 = vector.shape_cast %mul3A_272 : vector<32x20xf32> to vector<1x32x20xf32>
    %reduce_sum3A_274 = arith.constant dense<0.000000e+00> : vector<1xf32>
    %reduce_sum3A_275 = vector.multi_reduction <add>, %reduce_sum3A_273, %reduce_sum3A_274 [1, 2] : vector<1x32x20xf32> to vector<1xf32>
    %reduce_sum3A_276 = vector.shape_cast %reduce_sum3A_275 : vector<1xf32> to vector<1x1x1xf32>
    %reduce_sum3A_277 = vector.extract %reduce_sum3A_276[0, 0, 0] : f32 from vector<1x1x1xf32>
    %sub3A_278 = arith.constant 1.622400e+04 : f32
    %sub3A_279 = arith.subf %sub3A_278, %reduce_sum3A_191 : f32
    %sub3A_280 = arith.subf %reduce_sum3A_6, %reduce_sum3A_277 : f32
    %max3A_281 = arith.constant 1.000000e+00 : f32
    %max3A_282 = arith.maximumf %sub3A_279, %max3A_281 : f32
    %div3A_283 = arith.divf %sub3A_280, %max3A_282 : f32
    %add3A_284 = arith.constant 0.000000e+00 : f32
    %add3A_285 = arith.addf %add3A_284, %div3A_283 : f32
    %iota3A_286 = tpu.iota {dimensions = array<i32: 2>} : vector<32x20x80xi32>
    %broadcast_in_dim3A_287 = vector.shape_cast %get3A_27 : vector<32x20xi32> to vector<32x20x1xi32>
    %eq3A_288 = vector.broadcast %broadcast_in_dim3A_287 : vector<32x20x1xi32> to vector<32x20x80xi32>
    %eq3A_289 = arith.cmpi eq, %iota3A_286, %eq3A_288 : vector<32x20x80xi32>
    %convert_element_type3A_290 = arith.extui %eq3A_289 : vector<32x20x80xi1> to vector<32x20x80xi32>
    %convert_element_type3A_291 = arith.sitofp %convert_element_type3A_290 : vector<32x20x80xi32> to vector<32x20x80xf32>
    %jit3A_292 = arith.constant 1.000000e-07 : f32
    %jit3A_293 = arith.constant 0.99999988 : f32
    %max3A_294 = vector.broadcast %jit3A_292 : f32 to vector<32x20x80xf32>
    %max3A_295 = arith.maximumf %max3A_294, %slice3A_207 : vector<32x20x80xf32>
    %min3A_296 = vector.broadcast %jit3A_293 : f32 to vector<32x20x80xf32>
    %min3A_297 = arith.minimumf %min3A_296, %max3A_295 : vector<32x20x80xf32>
    %mul3A_298 = arith.mulf %convert_element_type3A_291, %min3A_297 : vector<32x20x80xf32>
    %reduce_sum3A_299 = arith.constant dense<0.000000e+00> : vector<32x20xf32>
    %reduce_sum3A_300 = vector.multi_reduction <add>, %mul3A_298, %reduce_sum3A_299 [2] : vector<32x20x80xf32> to vector<32x20xf32>
    %sub3A_301 = arith.constant 1.000000e+00 : f32
    %sub3A_302 = vector.broadcast %sub3A_301 : f32 to vector<32x20x80xf32>
    %sub3A_303 = arith.subf %sub3A_302, %min3A_297 : vector<32x20x80xf32>
    %log3A_304 = math.log %sub3A_303 : vector<32x20x80xf32>
    %neg3A_305 = arith.constant 0.000000e+00 : f32
    %neg3A_306 = vector.broadcast %neg3A_305 : f32 to vector<32x20x80xf32>
    %neg3A_307 = arith.subf %neg3A_306, %log3A_304 : vector<32x20x80xf32>
    %reduce_sum3A_308 = arith.constant dense<0.000000e+00> : vector<32x20xf32>
    %reduce_sum3A_309 = vector.multi_reduction <add>, %neg3A_307, %reduce_sum3A_308 [2] : vector<32x20x80xf32> to vector<32x20xf32>
    %sub3A_310 = arith.constant 1.000000e+00 : f32
    %sub3A_311 = vector.broadcast %sub3A_310 : f32 to vector<32x20xf32>
    %sub3A_312 = arith.subf %sub3A_311, %reduce_sum3A_300 : vector<32x20xf32>
    %log3A_313 = math.log %sub3A_312 : vector<32x20xf32>
    %add3A_314 = arith.addf %reduce_sum3A_309, %log3A_313 : vector<32x20xf32>
    %log3A_315 = math.log %reduce_sum3A_300 : vector<32x20xf32>
    %sub3A_316 = arith.subf %add3A_314, %log3A_315 : vector<32x20xf32>
    %mul3A_317 = arith.mulf %convert_element_type3A_186, %sub3A_316 : vector<32x20xf32>
    %reduce_sum3A_318 = vector.shape_cast %mul3A_317 : vector<32x20xf32> to vector<1x32x20xf32>
    %reduce_sum3A_319 = arith.constant dense<0.000000e+00> : vector<1xf32>
    %reduce_sum3A_320 = vector.multi_reduction <add>, %reduce_sum3A_318, %reduce_sum3A_319 [1, 2] : vector<1x32x20xf32> to vector<1xf32>
    %reduce_sum3A_321 = vector.shape_cast %reduce_sum3A_320 : vector<1xf32> to vector<1x1x1xf32>
    %reduce_sum3A_322 = vector.extract %reduce_sum3A_321[0, 0, 0] : f32 from vector<1x1x1xf32>
    %mul3A_323 = arith.constant 8.000000e+01 : f32
    %mul3A_324 = arith.mulf %reduce_sum3A_191, %mul3A_323 : f32
    %max3A_325 = arith.constant 1.000000e+00 : f32
    %max3A_326 = arith.maximumf %mul3A_324, %max3A_325 : f32
    %div3A_327 = arith.divf %reduce_sum3A_322, %max3A_326 : f32
    %mul3A_328 = arith.mulf %convert_element_type3A_241, %div3A_327 : f32
    %add3A_329 = arith.constant 0.000000e+00 : f32
    %add3A_330 = arith.addf %add3A_329, %mul3A_328 : f32
    %mul3A_331 = arith.constant 2.600000e+01 : f32
    %mul3A_332 = vector.broadcast %mul3A_331 : f32 to vector<32x20xf32>
    %mul3A_333 = arith.mulf %get3A_32, %mul3A_332 : vector<32x20xf32>
    %mul3A_334 = arith.constant 2.600000e+01 : f32
    %mul3A_335 = vector.broadcast %mul3A_334 : f32 to vector<32x20xf32>
    %mul3A_336 = arith.mulf %get3A_37, %mul3A_335 : vector<32x20xf32>
    %convert_element_type3A_337 = arith.fptosi %mul3A_333 : vector<32x20xf32> to vector<32x20xi32>
    %convert_element_type3A_338 = arith.fptosi %mul3A_336 : vector<32x20xf32> to vector<32x20xi32>
    %lt3A_339 = arith.constant 26 : i32
    %lt3A_340 = vector.broadcast %lt3A_339 : i32 to vector<32x20xi32>
    %lt3A_341 = arith.cmpi slt, %convert_element_type3A_337, %lt3A_340 : vector<32x20xi32>
    %lt3A_342 = arith.constant 26 : i32
    %lt3A_343 = vector.broadcast %lt3A_342 : i32 to vector<32x20xi32>
    %lt3A_344 = arith.cmpi slt, %convert_element_type3A_338, %lt3A_343 : vector<32x20xi32>
    %and3A_345 = arith.andi %lt3A_341, %lt3A_344 : vector<32x20xi1>
    %convert_element_type3A_346 = arith.sitofp %convert_element_type3A_337 : vector<32x20xi32> to vector<32x20xf32>
    %sub3A_347 = arith.subf %mul3A_333, %convert_element_type3A_346 : vector<32x20xf32>
    %convert_element_type3A_348 = arith.sitofp %convert_element_type3A_338 : vector<32x20xi32> to vector<32x20xf32>
    %sub3A_349 = arith.subf %mul3A_336, %convert_element_type3A_348 : vector<32x20xf32>
    %mul3A_350 = arith.constant 2.600000e+01 : f32
    %mul3A_351 = vector.broadcast %mul3A_350 : f32 to vector<32x20xf32>
    %mul3A_352 = arith.mulf %get3A_42, %mul3A_351 : vector<32x20xf32>
    %mul3A_353 = arith.constant 2.600000e+01 : f32
    %mul3A_354 = vector.broadcast %mul3A_353 : f32 to vector<32x20xf32>
    %mul3A_355 = arith.mulf %get3A_47, %mul3A_354 : vector<32x20xf32>
    %min3A_356 = arith.constant 1.875000e+00 : f32
    %min3A_357 = vector.broadcast %min3A_356 : f32 to vector<32x20xf32>
    %min3A_358 = arith.minimumf %mul3A_352, %min3A_357 : vector<32x20xf32>
    %min3A_359 = arith.constant 3.812500e+00 : f32
    %min3A_360 = vector.broadcast %min3A_359 : f32 to vector<32x20xf32>
    %min3A_361 = arith.minimumf %mul3A_355, %min3A_360 : vector<32x20xf32>
    %mul3A_362 = arith.mulf %min3A_358, %min3A_361 : vector<32x20xf32>
    %add3A_363 = arith.constant 7.1484375 : f32
    %add3A_364 = vector.broadcast %add3A_363 : f32 to vector<32x20xf32>
    %add3A_365 = arith.addf %add3A_364, %mul3A_352 : vector<32x20xf32>
    %add3A_366 = arith.addf %add3A_365, %mul3A_355 : vector<32x20xf32>
    %sub3A_367 = arith.subf %add3A_366, %mul3A_362 : vector<32x20xf32>
    %gt3A_368 = arith.constant 0.000000e+00 : f32
    %gt3A_369 = vector.broadcast %gt3A_368 : f32 to vector<32x20xf32>
    %gt3A_370 = arith.cmpf ogt, %sub3A_367, %gt3A_369 : vector<32x20xf32>
    %div3A_371 = arith.divf %mul3A_362, %sub3A_367 : vector<32x20xf32>
    %jit3A_372 = arith.constant 0.000000e+00 : f32
    %broadcast_in_dim3A_373 = vector.broadcast %jit3A_372 : f32 to vector<32x20xf32>
    %select_n3A_374 = arith.select %gt3A_370, %div3A_371, %broadcast_in_dim3A_373 : vector<32x20xi1>, vector<32x20xf32>
    %min3A_375 = arith.constant 3.875000e+00 : f32
    %min3A_376 = vector.broadcast %min3A_375 : f32 to vector<32x20xf32>
    %min3A_377 = arith.minimumf %mul3A_352, %min3A_376 : vector<32x20xf32>
    %min3A_378 = arith.constant 2.812500e+00 : f32
    %min3A_379 = vector.broadcast %min3A_378 : f32 to vector<32x20xf32>
    %min3A_380 = arith.minimumf %mul3A_355, %min3A_379 : vector<32x20xf32>
    %mul3A_381 = arith.mulf %min3A_377, %min3A_380 : vector<32x20xf32>
    %add3A_382 = arith.constant 10.8984375 : f32
    %add3A_383 = vector.broadcast %add3A_382 : f32 to vector<32x20xf32>
    %add3A_384 = arith.addf %add3A_383, %mul3A_352 : vector<32x20xf32>
    %add3A_385 = arith.addf %add3A_384, %mul3A_355 : vector<32x20xf32>
    %sub3A_386 = arith.subf %add3A_385, %mul3A_381 : vector<32x20xf32>
    %gt3A_387 = arith.constant 0.000000e+00 : f32
    %gt3A_388 = vector.broadcast %gt3A_387 : f32 to vector<32x20xf32>
    %gt3A_389 = arith.cmpf ogt, %sub3A_386, %gt3A_388 : vector<32x20xf32>
    %div3A_390 = arith.divf %mul3A_381, %sub3A_386 : vector<32x20xf32>
    %jit3A_391 = arith.constant 0.000000e+00 : f32
    %broadcast_in_dim3A_392 = vector.broadcast %jit3A_391 : f32 to vector<32x20xf32>
    %select_n3A_393 = arith.select %gt3A_389, %div3A_390, %broadcast_in_dim3A_392 : vector<32x20xi1>, vector<32x20xf32>
    %min3A_394 = arith.constant 3.687500e+00 : f32
    %min3A_395 = vector.broadcast %min3A_394 : f32 to vector<32x20xf32>
    %min3A_396 = arith.minimumf %mul3A_352, %min3A_395 : vector<32x20xf32>
    %min3A_397 = arith.constant 7.437500e+00 : f32
    %min3A_398 = vector.broadcast %min3A_397 : f32 to vector<32x20xf32>
    %min3A_399 = arith.minimumf %mul3A_355, %min3A_398 : vector<32x20xf32>
    %mul3A_400 = arith.mulf %min3A_396, %min3A_399 : vector<32x20xf32>
    %add3A_401 = arith.constant 27.4257813 : f32
    %add3A_402 = vector.broadcast %add3A_401 : f32 to vector<32x20xf32>
    %add3A_403 = arith.addf %add3A_402, %mul3A_352 : vector<32x20xf32>
    %add3A_404 = arith.addf %add3A_403, %mul3A_355 : vector<32x20xf32>
    %sub3A_405 = arith.subf %add3A_404, %mul3A_400 : vector<32x20xf32>
    %gt3A_406 = arith.constant 0.000000e+00 : f32
    %gt3A_407 = vector.broadcast %gt3A_406 : f32 to vector<32x20xf32>
    %gt3A_408 = arith.cmpf ogt, %sub3A_405, %gt3A_407 : vector<32x20xf32>
    %div3A_409 = arith.divf %mul3A_400, %sub3A_405 : vector<32x20xf32>
    %jit3A_410 = arith.constant 0.000000e+00 : f32
    %broadcast_in_dim3A_411 = vector.broadcast %jit3A_410 : f32 to vector<32x20xf32>
    %select_n3A_412 = arith.select %gt3A_408, %div3A_409, %broadcast_in_dim3A_411 : vector<32x20xi1>, vector<32x20xf32>
    %gt3A_413 = arith.cmpf ogt, %select_n3A_393, %select_n3A_374 : vector<32x20xf32>
    %broadcast_in_dim3A_414 = arith.constant 1 : i32
    %broadcast_in_dim3A_415 = vector.broadcast %broadcast_in_dim3A_414 : i32 to vector<32x20xi32>
    %broadcast_in_dim3A_416 = arith.constant 0 : i32
    %broadcast_in_dim3A_417 = vector.broadcast %broadcast_in_dim3A_416 : i32 to vector<32x20xi32>
    %select_n3A_418 = arith.select %gt3A_413, %broadcast_in_dim3A_415, %broadcast_in_dim3A_417 : vector<32x20xi1>, vector<32x20xi32>
    %max3A_419 = arith.maximumf %select_n3A_374, %select_n3A_393 : vector<32x20xf32>
    %gt3A_420 = arith.cmpf ogt, %select_n3A_412, %max3A_419 : vector<32x20xf32>
    %broadcast_in_dim3A_421 = arith.constant 2 : i32
    %broadcast_in_dim3A_422 = vector.broadcast %broadcast_in_dim3A_421 : i32 to vector<32x20xi32>
    %select_n3A_423 = arith.select %gt3A_420, %broadcast_in_dim3A_422, %select_n3A_418 : vector<32x20xi1>, vector<32x20xi32>
    %eq3A_424 = arith.constant 1 : i32
    %eq3A_425 = vector.broadcast %eq3A_424 : i32 to vector<32x20xi32>
    %eq3A_426 = arith.cmpi eq, %select_n3A_423, %eq3A_425 : vector<32x20xi32>
    %jit3A_427 = arith.constant 3.875000e+00 : f32
    %jit3A_428 = arith.constant 1.875000e+00 : f32
    %broadcast_in_dim3A_429 = vector.broadcast %jit3A_427 : f32 to vector<32x20xf32>
    %broadcast_in_dim3A_430 = vector.broadcast %jit3A_428 : f32 to vector<32x20xf32>
    %select_n3A_431 = arith.select %eq3A_426, %broadcast_in_dim3A_429, %broadcast_in_dim3A_430 : vector<32x20xi1>, vector<32x20xf32>
    %eq3A_432 = arith.constant 2 : i32
    %eq3A_433 = vector.broadcast %eq3A_432 : i32 to vector<32x20xi32>
    %eq3A_434 = arith.cmpi eq, %select_n3A_423, %eq3A_433 : vector<32x20xi32>
    %jit3A_435 = arith.constant 3.687500e+00 : f32
    %broadcast_in_dim3A_436 = vector.broadcast %jit3A_435 : f32 to vector<32x20xf32>
    %select_n3A_437 = arith.select %eq3A_434, %broadcast_in_dim3A_436, %select_n3A_431 : vector<32x20xi1>, vector<32x20xf32>
    %eq3A_438 = arith.constant 1 : i32
    %eq3A_439 = vector.broadcast %eq3A_438 : i32 to vector<32x20xi32>
    %eq3A_440 = arith.cmpi eq, %select_n3A_423, %eq3A_439 : vector<32x20xi32>
    %jit3A_441 = arith.constant 2.812500e+00 : f32
    %jit3A_442 = arith.constant 3.812500e+00 : f32
    %broadcast_in_dim3A_443 = vector.broadcast %jit3A_441 : f32 to vector<32x20xf32>
    %broadcast_in_dim3A_444 = vector.broadcast %jit3A_442 : f32 to vector<32x20xf32>
    %select_n3A_445 = arith.select %eq3A_440, %broadcast_in_dim3A_443, %broadcast_in_dim3A_444 : vector<32x20xi1>, vector<32x20xf32>
    %eq3A_446 = arith.constant 2 : i32
    %eq3A_447 = vector.broadcast %eq3A_446 : i32 to vector<32x20xi32>
    %eq3A_448 = arith.cmpi eq, %select_n3A_423, %eq3A_447 : vector<32x20xi32>
    %jit3A_449 = arith.constant 7.437500e+00 : f32
    %broadcast_in_dim3A_450 = vector.broadcast %jit3A_449 : f32 to vector<32x20xf32>
    %select_n3A_451 = arith.select %eq3A_448, %broadcast_in_dim3A_450, %select_n3A_445 : vector<32x20xi1>, vector<32x20xf32>
    %div3A_452 = arith.divf %mul3A_352, %select_n3A_437 : vector<32x20xf32>
    %div3A_453 = arith.divf %mul3A_355, %select_n3A_451 : vector<32x20xf32>
    %get3A_454 = arith.constant 1 : index
    %get3A_455 = arith.constant 0 : index
    %get3A_456 = arith.constant 0 : index
    %get3A_457 = arith.constant 0 : index
    %get3A_458 = vector.load %arg6[%get3A_454, %get3A_455, %get3A_456, %get3A_457] : memref<3x32x4x32xi32, #tpu.memory_space<vmem>>, vector<1x32x1x20xi32>
    %get3A_459 = vector.shape_cast %get3A_458 : vector<1x32x1x20xi32> to vector<32x20xi32>
    %broadcast_in_dim3A_460 = vector.shape_cast %get3A_459 : vector<32x20xi32> to vector<32x20x1xi32>
    %broadcast_in_dim3A_461 = vector.shape_cast %get3A_459 : vector<32x20xi32> to vector<32x1x20xi32>
    %eq3A_462 = vector.broadcast %broadcast_in_dim3A_460 : vector<32x20x1xi32> to vector<32x20x20xi32>
    %eq3A_463 = vector.broadcast %broadcast_in_dim3A_461 : vector<32x1x20xi32> to vector<32x20x20xi32>
    %eq3A_464 = arith.cmpi eq, %eq3A_462, %eq3A_463 : vector<32x20x20xi32>
    %and3A_465 = arith.andi %eq3A_464, %gt3A : vector<32x20x20xi1>
    %broadcast_in_dim3A_466 = vector.shape_cast %and3A_345 : vector<32x20xi1> to vector<32x1x20xi1>
    %and3A_467 = vector.broadcast %broadcast_in_dim3A_466 : vector<32x1x20xi1> to vector<32x20x20xi1>
    %and3A_468 = arith.andi %and3A_465, %and3A_467 : vector<32x20x20xi1>
    %reduce_or3A_469 = arith.constant 1.000000e+00 : f32
    %reduce_or3A_470 = arith.constant 0.000000e+00 : f32
    %reduce_or3A_471 = vector.broadcast %reduce_or3A_469 : f32 to vector<32x20x20xf32>
    %reduce_or3A_472 = vector.broadcast %reduce_or3A_470 : f32 to vector<32x20x20xf32>
    %reduce_or3A_473 = arith.select %and3A_468, %reduce_or3A_471, %reduce_or3A_472 : vector<32x20x20xi1>, vector<32x20x20xf32>
    %reduce_or3A_474 = arith.constant dense<0xFF800000> : vector<32x20xf32>
    %reduce_or3A_475 = vector.multi_reduction <maximumf>, %reduce_or3A_473, %reduce_or3A_474 [2] : vector<32x20x20xf32> to vector<32x20xf32>
    %reduce_or3A_476 = arith.constant 0.000000e+00 : f32
    %reduce_or3A_477 = vector.broadcast %reduce_or3A_476 : f32 to vector<32x20xf32>
    %reduce_or3A_478 = arith.cmpf ogt, %reduce_or3A_475, %reduce_or3A_477 : vector<32x20xf32>
    %not3A_479 = arith.constant dense<true> : vector<32x20xi1>
    %not3A_480 = arith.xori %reduce_or3A_478, %not3A_479 : vector<32x20xi1>
    %and3A_481 = arith.andi %and3A_345, %not3A_480 : vector<32x20xi1>
    %convert_element_type3A_482 = arith.extui %and3A_481 : vector<32x20xi1> to vector<32x20xi32>
    %convert_element_type3A_483 = arith.sitofp %convert_element_type3A_482 : vector<32x20xi32> to vector<32x20xf32>
    %reduce_sum3A_484 = vector.shape_cast %convert_element_type3A_483 : vector<32x20xf32> to vector<1x32x20xf32>
    %reduce_sum3A_485 = arith.constant dense<0.000000e+00> : vector<1xf32>
    %reduce_sum3A_486 = vector.multi_reduction <add>, %reduce_sum3A_484, %reduce_sum3A_485 [1, 2] : vector<1x32x20xf32> to vector<1xf32>
    %reduce_sum3A_487 = vector.shape_cast %reduce_sum3A_486 : vector<1xf32> to vector<1x1x1xf32>
    %reduce_sum3A_488 = vector.extract %reduce_sum3A_487[0, 0, 0] : f32 from vector<1x1x1xf32>
    %get3A_489 = arith.constant 1 : index
    %get3A_490 = arith.constant 0 : index
    %get3A_491 = arith.constant 0 : index
    %get3A_492 = arith.constant 0 : index
    %get3A_493 = vector.load %arg5[%get3A_489, %get3A_490, %get3A_491, %get3A_492] : memref<3x32x32x85xf32, #tpu.memory_space<vmem>>, vector<1x32x32x85xf32>
    %get3A_494 = vector.shape_cast %get3A_493 : vector<1x32x32x85xf32> to vector<32x32x85xf32>
    %slice3A_495 = vector.extract_strided_slice %get3A_494 {offsets = [0, 0, 0], sizes = [32, 20, 85], strides = [1, 1, 1]} : vector<32x32x85xf32> to vector<32x20x85xf32>
    %slice3A_496 = vector.extract_strided_slice %slice3A_495 {offsets = [0, 0, 0], sizes = [32, 20, 1], strides = [1, 1, 1]} : vector<32x20x85xf32> to vector<32x20x1xf32>
    %squeeze3A_497 = vector.shape_cast %slice3A_496 : vector<32x20x1xf32> to vector<32x20xf32>
    %slice3A_498 = vector.extract_strided_slice %slice3A_495 {offsets = [0, 0, 1], sizes = [32, 20, 1], strides = [1, 1, 1]} : vector<32x20x85xf32> to vector<32x20x1xf32>
    %squeeze3A_499 = vector.shape_cast %slice3A_498 : vector<32x20x1xf32> to vector<32x20xf32>
    %slice3A_500 = vector.extract_strided_slice %slice3A_495 {offsets = [0, 0, 2], sizes = [32, 20, 1], strides = [1, 1, 1]} : vector<32x20x85xf32> to vector<32x20x1xf32>
    %squeeze3A_501 = vector.shape_cast %slice3A_500 : vector<32x20x1xf32> to vector<32x20xf32>
    %slice3A_502 = vector.extract_strided_slice %slice3A_495 {offsets = [0, 0, 3], sizes = [32, 20, 1], strides = [1, 1, 1]} : vector<32x20x85xf32> to vector<32x20x1xf32>
    %squeeze3A_503 = vector.shape_cast %slice3A_502 : vector<32x20x1xf32> to vector<32x20xf32>
    %slice3A_504 = vector.extract_strided_slice %slice3A_495 {offsets = [0, 0, 4], sizes = [32, 20, 1], strides = [1, 1, 1]} : vector<32x20x85xf32> to vector<32x20x1xf32>
    %squeeze3A_505 = vector.shape_cast %slice3A_504 : vector<32x20x1xf32> to vector<32x20xf32>
    %slice3A_506 = vector.extract_strided_slice %slice3A_495 {offsets = [0, 0, 5], sizes = [32, 20, 80], strides = [1, 1, 1]} : vector<32x20x85xf32> to vector<32x20x80xf32>
    %mul3A_507 = arith.constant 2.000000e+00 : f32
    %mul3A_508 = arith.mulf %reduce_sum3A_488, %mul3A_507 : f32
    %max3A_509 = arith.constant 1.000000e+00 : f32
    %max3A_510 = arith.maximumf %mul3A_508, %max3A_509 : f32
    %sub3A_511 = arith.subf %squeeze3A_497, %sub3A_347 : vector<32x20xf32>
    %integer_pow3A_512 = arith.mulf %sub3A_511, %sub3A_511 : vector<32x20xf32>
    %sub3A_513 = arith.subf %squeeze3A_499, %sub3A_349 : vector<32x20xf32>
    %integer_pow3A_514 = arith.mulf %sub3A_513, %sub3A_513 : vector<32x20xf32>
    %add3A_515 = arith.addf %integer_pow3A_512, %integer_pow3A_514 : vector<32x20xf32>
    %mul3A_516 = arith.mulf %convert_element_type3A_483, %add3A_515 : vector<32x20xf32>
    %reduce_sum3A_517 = vector.shape_cast %mul3A_516 : vector<32x20xf32> to vector<1x32x20xf32>
    %reduce_sum3A_518 = arith.constant dense<0.000000e+00> : vector<1xf32>
    %reduce_sum3A_519 = vector.multi_reduction <add>, %reduce_sum3A_517, %reduce_sum3A_518 [1, 2] : vector<1x32x20xf32> to vector<1xf32>
    %reduce_sum3A_520 = vector.shape_cast %reduce_sum3A_519 : vector<1xf32> to vector<1x1x1xf32>
    %reduce_sum3A_521 = vector.extract %reduce_sum3A_520[0, 0, 0] : f32 from vector<1x1x1xf32>
    %div3A_522 = arith.divf %reduce_sum3A_521, %max3A_510 : f32
    %sqrt3A_523 = math.sqrt %squeeze3A_501 : vector<32x20xf32>
    %sqrt3A_524 = math.sqrt %div3A_452 : vector<32x20xf32>
    %sub3A_525 = arith.subf %sqrt3A_523, %sqrt3A_524 : vector<32x20xf32>
    %integer_pow3A_526 = arith.mulf %sub3A_525, %sub3A_525 : vector<32x20xf32>
    %sqrt3A_527 = math.sqrt %squeeze3A_503 : vector<32x20xf32>
    %sqrt3A_528 = math.sqrt %div3A_453 : vector<32x20xf32>
    %sub3A_529 = arith.subf %sqrt3A_527, %sqrt3A_528 : vector<32x20xf32>
    %integer_pow3A_530 = arith.mulf %sub3A_529, %sub3A_529 : vector<32x20xf32>
    %add3A_531 = arith.addf %integer_pow3A_526, %integer_pow3A_530 : vector<32x20xf32>
    %mul3A_532 = arith.mulf %convert_element_type3A_483, %add3A_531 : vector<32x20xf32>
    %reduce_sum3A_533 = vector.shape_cast %mul3A_532 : vector<32x20xf32> to vector<1x32x20xf32>
    %reduce_sum3A_534 = arith.constant dense<0.000000e+00> : vector<1xf32>
    %reduce_sum3A_535 = vector.multi_reduction <add>, %reduce_sum3A_533, %reduce_sum3A_534 [1, 2] : vector<1x32x20xf32> to vector<1xf32>
    %reduce_sum3A_536 = vector.shape_cast %reduce_sum3A_535 : vector<1xf32> to vector<1x1x1xf32>
    %reduce_sum3A_537 = vector.extract %reduce_sum3A_536[0, 0, 0] : f32 from vector<1x1x1xf32>
    %div3A_538 = arith.divf %reduce_sum3A_537, %max3A_510 : f32
    %gt3A_539 = arith.constant 0.000000e+00 : f32
    %gt3A_540 = arith.cmpf ogt, %reduce_sum3A_488, %gt3A_539 : f32
    %convert_element_type3A_541 = arith.extui %gt3A_540 : i1 to i32
    %convert_element_type3A_542 = arith.sitofp %convert_element_type3A_541 : i32 to f32
    %add3A_543 = arith.addf %div3A_522, %div3A_538 : f32
    %mul3A_544 = arith.mulf %convert_element_type3A_542, %add3A_543 : f32
    %add3A_545 = arith.addf %add3A_245, %mul3A_544 : f32
    %jit3A_546 = arith.constant 1.000000e-07 : f32
    %jit3A_547 = arith.constant 0.99999988 : f32
    %max3A_548 = vector.broadcast %jit3A_546 : f32 to vector<32x20xf32>
    %max3A_549 = arith.maximumf %max3A_548, %squeeze3A_505 : vector<32x20xf32>
    %min3A_550 = vector.broadcast %jit3A_547 : f32 to vector<32x20xf32>
    %min3A_551 = arith.minimumf %min3A_550, %max3A_549 : vector<32x20xf32>
    %log3A_552 = math.log %min3A_551 : vector<32x20xf32>
    %neg3A_553 = arith.constant 0.000000e+00 : f32
    %neg3A_554 = vector.broadcast %neg3A_553 : f32 to vector<32x20xf32>
    %neg3A_555 = arith.subf %neg3A_554, %log3A_552 : vector<32x20xf32>
    %mul3A_556 = arith.mulf %convert_element_type3A_483, %neg3A_555 : vector<32x20xf32>
    %reduce_sum3A_557 = vector.shape_cast %mul3A_556 : vector<32x20xf32> to vector<1x32x20xf32>
    %reduce_sum3A_558 = arith.constant dense<0.000000e+00> : vector<1xf32>
    %reduce_sum3A_559 = vector.multi_reduction <add>, %reduce_sum3A_557, %reduce_sum3A_558 [1, 2] : vector<1x32x20xf32> to vector<1xf32>
    %reduce_sum3A_560 = vector.shape_cast %reduce_sum3A_559 : vector<1xf32> to vector<1x1x1xf32>
    %reduce_sum3A_561 = vector.extract %reduce_sum3A_560[0, 0, 0] : f32 from vector<1x1x1xf32>
    %max3A_562 = arith.constant 1.000000e+00 : f32
    %max3A_563 = arith.maximumf %reduce_sum3A_488, %max3A_562 : f32
    %div3A_564 = arith.divf %reduce_sum3A_561, %max3A_563 : f32
    %add3A_565 = arith.addf %add3A_264, %div3A_564 : f32
    %sub3A_566 = arith.constant 1.000000e+00 : f32
    %sub3A_567 = vector.broadcast %sub3A_566 : f32 to vector<32x20xf32>
    %sub3A_568 = arith.subf %sub3A_567, %min3A_551 : vector<32x20xf32>
    %log3A_569 = math.log %sub3A_568 : vector<32x20xf32>
    %neg3A_570 = arith.constant 0.000000e+00 : f32
    %neg3A_571 = vector.broadcast %neg3A_570 : f32 to vector<32x20xf32>
    %neg3A_572 = arith.subf %neg3A_571, %log3A_569 : vector<32x20xf32>
    %mul3A_573 = arith.mulf %convert_element_type3A_483, %neg3A_572 : vector<32x20xf32>
    %reduce_sum3A_574 = vector.shape_cast %mul3A_573 : vector<32x20xf32> to vector<1x32x20xf32>
    %reduce_sum3A_575 = arith.constant dense<0.000000e+00> : vector<1xf32>
    %reduce_sum3A_576 = vector.multi_reduction <add>, %reduce_sum3A_574, %reduce_sum3A_575 [1, 2] : vector<1x32x20xf32> to vector<1xf32>
    %reduce_sum3A_577 = vector.shape_cast %reduce_sum3A_576 : vector<1xf32> to vector<1x1x1xf32>
    %reduce_sum3A_578 = vector.extract %reduce_sum3A_577[0, 0, 0] : f32 from vector<1x1x1xf32>
    %sub3A_579 = arith.constant 6.489600e+04 : f32
    %sub3A_580 = arith.subf %sub3A_579, %reduce_sum3A_488 : f32
    %sub3A_581 = arith.subf %reduce_sum3A_15, %reduce_sum3A_578 : f32
    %max3A_582 = arith.constant 1.000000e+00 : f32
    %max3A_583 = arith.maximumf %sub3A_580, %max3A_582 : f32
    %div3A_584 = arith.divf %sub3A_581, %max3A_583 : f32
    %add3A_585 = arith.addf %add3A_285, %div3A_584 : f32
    %iota3A_586 = tpu.iota {dimensions = array<i32: 2>} : vector<32x20x80xi32>
    %broadcast_in_dim3A_587 = vector.shape_cast %get3A_27 : vector<32x20xi32> to vector<32x20x1xi32>
    %eq3A_588 = vector.broadcast %broadcast_in_dim3A_587 : vector<32x20x1xi32> to vector<32x20x80xi32>
    %eq3A_589 = arith.cmpi eq, %iota3A_586, %eq3A_588 : vector<32x20x80xi32>
    %convert_element_type3A_590 = arith.extui %eq3A_589 : vector<32x20x80xi1> to vector<32x20x80xi32>
    %convert_element_type3A_591 = arith.sitofp %convert_element_type3A_590 : vector<32x20x80xi32> to vector<32x20x80xf32>
    %jit3A_592 = arith.constant 1.000000e-07 : f32
    %jit3A_593 = arith.constant 0.99999988 : f32
    %max3A_594 = vector.broadcast %jit3A_592 : f32 to vector<32x20x80xf32>
    %max3A_595 = arith.maximumf %max3A_594, %slice3A_506 : vector<32x20x80xf32>
    %min3A_596 = vector.broadcast %jit3A_593 : f32 to vector<32x20x80xf32>
    %min3A_597 = arith.minimumf %min3A_596, %max3A_595 : vector<32x20x80xf32>
    %mul3A_598 = arith.mulf %convert_element_type3A_591, %min3A_597 : vector<32x20x80xf32>
    %reduce_sum3A_599 = arith.constant dense<0.000000e+00> : vector<32x20xf32>
    %reduce_sum3A_600 = vector.multi_reduction <add>, %mul3A_598, %reduce_sum3A_599 [2] : vector<32x20x80xf32> to vector<32x20xf32>
    %sub3A_601 = arith.constant 1.000000e+00 : f32
    %sub3A_602 = vector.broadcast %sub3A_601 : f32 to vector<32x20x80xf32>
    %sub3A_603 = arith.subf %sub3A_602, %min3A_597 : vector<32x20x80xf32>
    %log3A_604 = math.log %sub3A_603 : vector<32x20x80xf32>
    %neg3A_605 = arith.constant 0.000000e+00 : f32
    %neg3A_606 = vector.broadcast %neg3A_605 : f32 to vector<32x20x80xf32>
    %neg3A_607 = arith.subf %neg3A_606, %log3A_604 : vector<32x20x80xf32>
    %reduce_sum3A_608 = arith.constant dense<0.000000e+00> : vector<32x20xf32>
    %reduce_sum3A_609 = vector.multi_reduction <add>, %neg3A_607, %reduce_sum3A_608 [2] : vector<32x20x80xf32> to vector<32x20xf32>
    %sub3A_610 = arith.constant 1.000000e+00 : f32
    %sub3A_611 = vector.broadcast %sub3A_610 : f32 to vector<32x20xf32>
    %sub3A_612 = arith.subf %sub3A_611, %reduce_sum3A_600 : vector<32x20xf32>
    %log3A_613 = math.log %sub3A_612 : vector<32x20xf32>
    %add3A_614 = arith.addf %reduce_sum3A_609, %log3A_613 : vector<32x20xf32>
    %log3A_615 = math.log %reduce_sum3A_600 : vector<32x20xf32>
    %sub3A_616 = arith.subf %add3A_614, %log3A_615 : vector<32x20xf32>
    %mul3A_617 = arith.mulf %convert_element_type3A_483, %sub3A_616 : vector<32x20xf32>
    %reduce_sum3A_618 = vector.shape_cast %mul3A_617 : vector<32x20xf32> to vector<1x32x20xf32>
    %reduce_sum3A_619 = arith.constant dense<0.000000e+00> : vector<1xf32>
    %reduce_sum3A_620 = vector.multi_reduction <add>, %reduce_sum3A_618, %reduce_sum3A_619 [1, 2] : vector<1x32x20xf32> to vector<1xf32>
    %reduce_sum3A_621 = vector.shape_cast %reduce_sum3A_620 : vector<1xf32> to vector<1x1x1xf32>
    %reduce_sum3A_622 = vector.extract %reduce_sum3A_621[0, 0, 0] : f32 from vector<1x1x1xf32>
    %mul3A_623 = arith.constant 8.000000e+01 : f32
    %mul3A_624 = arith.mulf %reduce_sum3A_488, %mul3A_623 : f32
    %max3A_625 = arith.constant 1.000000e+00 : f32
    %max3A_626 = arith.maximumf %mul3A_624, %max3A_625 : f32
    %div3A_627 = arith.divf %reduce_sum3A_622, %max3A_626 : f32
    %mul3A_628 = arith.mulf %convert_element_type3A_542, %div3A_627 : f32
    %add3A_629 = arith.addf %add3A_330, %mul3A_628 : f32
    %mul3A_630 = arith.constant 5.200000e+01 : f32
    %mul3A_631 = vector.broadcast %mul3A_630 : f32 to vector<32x20xf32>
    %mul3A_632 = arith.mulf %get3A_32, %mul3A_631 : vector<32x20xf32>
    %mul3A_633 = arith.constant 5.200000e+01 : f32
    %mul3A_634 = vector.broadcast %mul3A_633 : f32 to vector<32x20xf32>
    %mul3A_635 = arith.mulf %get3A_37, %mul3A_634 : vector<32x20xf32>
    %convert_element_type3A_636 = arith.fptosi %mul3A_632 : vector<32x20xf32> to vector<32x20xi32>
    %convert_element_type3A_637 = arith.fptosi %mul3A_635 : vector<32x20xf32> to vector<32x20xi32>
    %lt3A_638 = arith.constant 52 : i32
    %lt3A_639 = vector.broadcast %lt3A_638 : i32 to vector<32x20xi32>
    %lt3A_640 = arith.cmpi slt, %convert_element_type3A_636, %lt3A_639 : vector<32x20xi32>
    %lt3A_641 = arith.constant 52 : i32
    %lt3A_642 = vector.broadcast %lt3A_641 : i32 to vector<32x20xi32>
    %lt3A_643 = arith.cmpi slt, %convert_element_type3A_637, %lt3A_642 : vector<32x20xi32>
    %and3A_644 = arith.andi %lt3A_640, %lt3A_643 : vector<32x20xi1>
    %convert_element_type3A_645 = arith.sitofp %convert_element_type3A_636 : vector<32x20xi32> to vector<32x20xf32>
    %sub3A_646 = arith.subf %mul3A_632, %convert_element_type3A_645 : vector<32x20xf32>
    %convert_element_type3A_647 = arith.sitofp %convert_element_type3A_637 : vector<32x20xi32> to vector<32x20xf32>
    %sub3A_648 = arith.subf %mul3A_635, %convert_element_type3A_647 : vector<32x20xf32>
    %mul3A_649 = arith.constant 5.200000e+01 : f32
    %mul3A_650 = vector.broadcast %mul3A_649 : f32 to vector<32x20xf32>
    %mul3A_651 = arith.mulf %get3A_42, %mul3A_650 : vector<32x20xf32>
    %mul3A_652 = arith.constant 5.200000e+01 : f32
    %mul3A_653 = vector.broadcast %mul3A_652 : f32 to vector<32x20xf32>
    %mul3A_654 = arith.mulf %get3A_47, %mul3A_653 : vector<32x20xf32>
    %min3A_655 = arith.constant 1.250000e+00 : f32
    %min3A_656 = vector.broadcast %min3A_655 : f32 to vector<32x20xf32>
    %min3A_657 = arith.minimumf %mul3A_651, %min3A_656 : vector<32x20xf32>
    %min3A_658 = arith.constant 1.625000e+00 : f32
    %min3A_659 = vector.broadcast %min3A_658 : f32 to vector<32x20xf32>
    %min3A_660 = arith.minimumf %mul3A_654, %min3A_659 : vector<32x20xf32>
    %mul3A_661 = arith.mulf %min3A_657, %min3A_660 : vector<32x20xf32>
    %add3A_662 = arith.constant 2.031250e+00 : f32
    %add3A_663 = vector.broadcast %add3A_662 : f32 to vector<32x20xf32>
    %add3A_664 = arith.addf %add3A_663, %mul3A_651 : vector<32x20xf32>
    %add3A_665 = arith.addf %add3A_664, %mul3A_654 : vector<32x20xf32>
    %sub3A_666 = arith.subf %add3A_665, %mul3A_661 : vector<32x20xf32>
    %gt3A_667 = arith.constant 0.000000e+00 : f32
    %gt3A_668 = vector.broadcast %gt3A_667 : f32 to vector<32x20xf32>
    %gt3A_669 = arith.cmpf ogt, %sub3A_666, %gt3A_668 : vector<32x20xf32>
    %div3A_670 = arith.divf %mul3A_661, %sub3A_666 : vector<32x20xf32>
    %jit3A_671 = arith.constant 0.000000e+00 : f32
    %broadcast_in_dim3A_672 = vector.broadcast %jit3A_671 : f32 to vector<32x20xf32>
    %select_n3A_673 = arith.select %gt3A_669, %div3A_670, %broadcast_in_dim3A_672 : vector<32x20xi1>, vector<32x20xf32>
    %min3A_674 = arith.constant 2.000000e+00 : f32
    %min3A_675 = vector.broadcast %min3A_674 : f32 to vector<32x20xf32>
    %min3A_676 = arith.minimumf %mul3A_651, %min3A_675 : vector<32x20xf32>
    %min3A_677 = arith.constant 3.750000e+00 : f32
    %min3A_678 = vector.broadcast %min3A_677 : f32 to vector<32x20xf32>
    %min3A_679 = arith.minimumf %mul3A_654, %min3A_678 : vector<32x20xf32>
    %mul3A_680 = arith.mulf %min3A_676, %min3A_679 : vector<32x20xf32>
    %add3A_681 = arith.constant 7.500000e+00 : f32
    %add3A_682 = vector.broadcast %add3A_681 : f32 to vector<32x20xf32>
    %add3A_683 = arith.addf %add3A_682, %mul3A_651 : vector<32x20xf32>
    %add3A_684 = arith.addf %add3A_683, %mul3A_654 : vector<32x20xf32>
    %sub3A_685 = arith.subf %add3A_684, %mul3A_680 : vector<32x20xf32>
    %gt3A_686 = arith.constant 0.000000e+00 : f32
    %gt3A_687 = vector.broadcast %gt3A_686 : f32 to vector<32x20xf32>
    %gt3A_688 = arith.cmpf ogt, %sub3A_685, %gt3A_687 : vector<32x20xf32>
    %div3A_689 = arith.divf %mul3A_680, %sub3A_685 : vector<32x20xf32>
    %jit3A_690 = arith.constant 0.000000e+00 : f32
    %broadcast_in_dim3A_691 = vector.broadcast %jit3A_690 : f32 to vector<32x20xf32>
    %select_n3A_692 = arith.select %gt3A_688, %div3A_689, %broadcast_in_dim3A_691 : vector<32x20xi1>, vector<32x20xf32>
    %min3A_693 = arith.constant 4.125000e+00 : f32
    %min3A_694 = vector.broadcast %min3A_693 : f32 to vector<32x20xf32>
    %min3A_695 = arith.minimumf %mul3A_651, %min3A_694 : vector<32x20xf32>
    %min3A_696 = arith.constant 2.875000e+00 : f32
    %min3A_697 = vector.broadcast %min3A_696 : f32 to vector<32x20xf32>
    %min3A_698 = arith.minimumf %mul3A_654, %min3A_697 : vector<32x20xf32>
    %mul3A_699 = arith.mulf %min3A_695, %min3A_698 : vector<32x20xf32>
    %add3A_700 = arith.constant 11.859375 : f32
    %add3A_701 = vector.broadcast %add3A_700 : f32 to vector<32x20xf32>
    %add3A_702 = arith.addf %add3A_701, %mul3A_651 : vector<32x20xf32>
    %add3A_703 = arith.addf %add3A_702, %mul3A_654 : vector<32x20xf32>
    %sub3A_704 = arith.subf %add3A_703, %mul3A_699 : vector<32x20xf32>
    %gt3A_705 = arith.constant 0.000000e+00 : f32
    %gt3A_706 = vector.broadcast %gt3A_705 : f32 to vector<32x20xf32>
    %gt3A_707 = arith.cmpf ogt, %sub3A_704, %gt3A_706 : vector<32x20xf32>
    %div3A_708 = arith.divf %mul3A_699, %sub3A_704 : vector<32x20xf32>
    %jit3A_709 = arith.constant 0.000000e+00 : f32
    %broadcast_in_dim3A_710 = vector.broadcast %jit3A_709 : f32 to vector<32x20xf32>
    %select_n3A_711 = arith.select %gt3A_707, %div3A_708, %broadcast_in_dim3A_710 : vector<32x20xi1>, vector<32x20xf32>
    %gt3A_712 = arith.cmpf ogt, %select_n3A_692, %select_n3A_673 : vector<32x20xf32>
    %broadcast_in_dim3A_713 = arith.constant 1 : i32
    %broadcast_in_dim3A_714 = vector.broadcast %broadcast_in_dim3A_713 : i32 to vector<32x20xi32>
    %broadcast_in_dim3A_715 = arith.constant 0 : i32
    %broadcast_in_dim3A_716 = vector.broadcast %broadcast_in_dim3A_715 : i32 to vector<32x20xi32>
    %select_n3A_717 = arith.select %gt3A_712, %broadcast_in_dim3A_714, %broadcast_in_dim3A_716 : vector<32x20xi1>, vector<32x20xi32>
    %max3A_718 = arith.maximumf %select_n3A_673, %select_n3A_692 : vector<32x20xf32>
    %gt3A_719 = arith.cmpf ogt, %select_n3A_711, %max3A_718 : vector<32x20xf32>
    %broadcast_in_dim3A_720 = arith.constant 2 : i32
    %broadcast_in_dim3A_721 = vector.broadcast %broadcast_in_dim3A_720 : i32 to vector<32x20xi32>
    %select_n3A_722 = arith.select %gt3A_719, %broadcast_in_dim3A_721, %select_n3A_717 : vector<32x20xi1>, vector<32x20xi32>
    %eq3A_723 = arith.constant 1 : i32
    %eq3A_724 = vector.broadcast %eq3A_723 : i32 to vector<32x20xi32>
    %eq3A_725 = arith.cmpi eq, %select_n3A_722, %eq3A_724 : vector<32x20xi32>
    %jit3A_726 = arith.constant 2.000000e+00 : f32
    %jit3A_727 = arith.constant 1.250000e+00 : f32
    %broadcast_in_dim3A_728 = vector.broadcast %jit3A_726 : f32 to vector<32x20xf32>
    %broadcast_in_dim3A_729 = vector.broadcast %jit3A_727 : f32 to vector<32x20xf32>
    %select_n3A_730 = arith.select %eq3A_725, %broadcast_in_dim3A_728, %broadcast_in_dim3A_729 : vector<32x20xi1>, vector<32x20xf32>
    %eq3A_731 = arith.constant 2 : i32
    %eq3A_732 = vector.broadcast %eq3A_731 : i32 to vector<32x20xi32>
    %eq3A_733 = arith.cmpi eq, %select_n3A_722, %eq3A_732 : vector<32x20xi32>
    %jit3A_734 = arith.constant 4.125000e+00 : f32
    %broadcast_in_dim3A_735 = vector.broadcast %jit3A_734 : f32 to vector<32x20xf32>
    %select_n3A_736 = arith.select %eq3A_733, %broadcast_in_dim3A_735, %select_n3A_730 : vector<32x20xi1>, vector<32x20xf32>
    %eq3A_737 = arith.constant 1 : i32
    %eq3A_738 = vector.broadcast %eq3A_737 : i32 to vector<32x20xi32>
    %eq3A_739 = arith.cmpi eq, %select_n3A_722, %eq3A_738 : vector<32x20xi32>
    %jit3A_740 = arith.constant 3.750000e+00 : f32
    %jit3A_741 = arith.constant 1.625000e+00 : f32
    %broadcast_in_dim3A_742 = vector.broadcast %jit3A_740 : f32 to vector<32x20xf32>
    %broadcast_in_dim3A_743 = vector.broadcast %jit3A_741 : f32 to vector<32x20xf32>
    %select_n3A_744 = arith.select %eq3A_739, %broadcast_in_dim3A_742, %broadcast_in_dim3A_743 : vector<32x20xi1>, vector<32x20xf32>
    %eq3A_745 = arith.constant 2 : i32
    %eq3A_746 = vector.broadcast %eq3A_745 : i32 to vector<32x20xi32>
    %eq3A_747 = arith.cmpi eq, %select_n3A_722, %eq3A_746 : vector<32x20xi32>
    %jit3A_748 = arith.constant 2.875000e+00 : f32
    %broadcast_in_dim3A_749 = vector.broadcast %jit3A_748 : f32 to vector<32x20xf32>
    %select_n3A_750 = arith.select %eq3A_747, %broadcast_in_dim3A_749, %select_n3A_744 : vector<32x20xi1>, vector<32x20xf32>
    %div3A_751 = arith.divf %mul3A_651, %select_n3A_736 : vector<32x20xf32>
    %div3A_752 = arith.divf %mul3A_654, %select_n3A_750 : vector<32x20xf32>
    %get3A_753 = arith.constant 2 : index
    %get3A_754 = arith.constant 0 : index
    %get3A_755 = arith.constant 0 : index
    %get3A_756 = arith.constant 0 : index
    %get3A_757 = vector.load %arg6[%get3A_753, %get3A_754, %get3A_755, %get3A_756] : memref<3x32x4x32xi32, #tpu.memory_space<vmem>>, vector<1x32x1x20xi32>
    %get3A_758 = vector.shape_cast %get3A_757 : vector<1x32x1x20xi32> to vector<32x20xi32>
    %broadcast_in_dim3A_759 = vector.shape_cast %get3A_758 : vector<32x20xi32> to vector<32x20x1xi32>
    %broadcast_in_dim3A_760 = vector.shape_cast %get3A_758 : vector<32x20xi32> to vector<32x1x20xi32>
    %eq3A_761 = vector.broadcast %broadcast_in_dim3A_759 : vector<32x20x1xi32> to vector<32x20x20xi32>
    %eq3A_762 = vector.broadcast %broadcast_in_dim3A_760 : vector<32x1x20xi32> to vector<32x20x20xi32>
    %eq3A_763 = arith.cmpi eq, %eq3A_761, %eq3A_762 : vector<32x20x20xi32>
    %and3A_764 = arith.andi %eq3A_763, %gt3A : vector<32x20x20xi1>
    %broadcast_in_dim3A_765 = vector.shape_cast %and3A_644 : vector<32x20xi1> to vector<32x1x20xi1>
    %and3A_766 = vector.broadcast %broadcast_in_dim3A_765 : vector<32x1x20xi1> to vector<32x20x20xi1>
    %and3A_767 = arith.andi %and3A_764, %and3A_766 : vector<32x20x20xi1>
    %reduce_or3A_768 = arith.constant 1.000000e+00 : f32
    %reduce_or3A_769 = arith.constant 0.000000e+00 : f32
    %reduce_or3A_770 = vector.broadcast %reduce_or3A_768 : f32 to vector<32x20x20xf32>
    %reduce_or3A_771 = vector.broadcast %reduce_or3A_769 : f32 to vector<32x20x20xf32>
    %reduce_or3A_772 = arith.select %and3A_767, %reduce_or3A_770, %reduce_or3A_771 : vector<32x20x20xi1>, vector<32x20x20xf32>
    %reduce_or3A_773 = arith.constant dense<0xFF800000> : vector<32x20xf32>
    %reduce_or3A_774 = vector.multi_reduction <maximumf>, %reduce_or3A_772, %reduce_or3A_773 [2] : vector<32x20x20xf32> to vector<32x20xf32>
    %reduce_or3A_775 = arith.constant 0.000000e+00 : f32
    %reduce_or3A_776 = vector.broadcast %reduce_or3A_775 : f32 to vector<32x20xf32>
    %reduce_or3A_777 = arith.cmpf ogt, %reduce_or3A_774, %reduce_or3A_776 : vector<32x20xf32>
    %not3A_778 = arith.constant dense<true> : vector<32x20xi1>
    %not3A_779 = arith.xori %reduce_or3A_777, %not3A_778 : vector<32x20xi1>
    %and3A_780 = arith.andi %and3A_644, %not3A_779 : vector<32x20xi1>
    %convert_element_type3A_781 = arith.extui %and3A_780 : vector<32x20xi1> to vector<32x20xi32>
    %convert_element_type3A_782 = arith.sitofp %convert_element_type3A_781 : vector<32x20xi32> to vector<32x20xf32>
    %reduce_sum3A_783 = vector.shape_cast %convert_element_type3A_782 : vector<32x20xf32> to vector<1x32x20xf32>
    %reduce_sum3A_784 = arith.constant dense<0.000000e+00> : vector<1xf32>
    %reduce_sum3A_785 = vector.multi_reduction <add>, %reduce_sum3A_783, %reduce_sum3A_784 [1, 2] : vector<1x32x20xf32> to vector<1xf32>
    %reduce_sum3A_786 = vector.shape_cast %reduce_sum3A_785 : vector<1xf32> to vector<1x1x1xf32>
    %reduce_sum3A_787 = vector.extract %reduce_sum3A_786[0, 0, 0] : f32 from vector<1x1x1xf32>
    %get3A_788 = arith.constant 2 : index
    %get3A_789 = arith.constant 0 : index
    %get3A_790 = arith.constant 0 : index
    %get3A_791 = arith.constant 0 : index
    %get3A_792 = vector.load %arg5[%get3A_788, %get3A_789, %get3A_790, %get3A_791] : memref<3x32x32x85xf32, #tpu.memory_space<vmem>>, vector<1x32x32x85xf32>
    %get3A_793 = vector.shape_cast %get3A_792 : vector<1x32x32x85xf32> to vector<32x32x85xf32>
    %slice3A_794 = vector.extract_strided_slice %get3A_793 {offsets = [0, 0, 0], sizes = [32, 20, 85], strides = [1, 1, 1]} : vector<32x32x85xf32> to vector<32x20x85xf32>
    %slice3A_795 = vector.extract_strided_slice %slice3A_794 {offsets = [0, 0, 0], sizes = [32, 20, 1], strides = [1, 1, 1]} : vector<32x20x85xf32> to vector<32x20x1xf32>
    %squeeze3A_796 = vector.shape_cast %slice3A_795 : vector<32x20x1xf32> to vector<32x20xf32>
    %slice3A_797 = vector.extract_strided_slice %slice3A_794 {offsets = [0, 0, 1], sizes = [32, 20, 1], strides = [1, 1, 1]} : vector<32x20x85xf32> to vector<32x20x1xf32>
    %squeeze3A_798 = vector.shape_cast %slice3A_797 : vector<32x20x1xf32> to vector<32x20xf32>
    %slice3A_799 = vector.extract_strided_slice %slice3A_794 {offsets = [0, 0, 2], sizes = [32, 20, 1], strides = [1, 1, 1]} : vector<32x20x85xf32> to vector<32x20x1xf32>
    %squeeze3A_800 = vector.shape_cast %slice3A_799 : vector<32x20x1xf32> to vector<32x20xf32>
    %slice3A_801 = vector.extract_strided_slice %slice3A_794 {offsets = [0, 0, 3], sizes = [32, 20, 1], strides = [1, 1, 1]} : vector<32x20x85xf32> to vector<32x20x1xf32>
    %squeeze3A_802 = vector.shape_cast %slice3A_801 : vector<32x20x1xf32> to vector<32x20xf32>
    %slice3A_803 = vector.extract_strided_slice %slice3A_794 {offsets = [0, 0, 4], sizes = [32, 20, 1], strides = [1, 1, 1]} : vector<32x20x85xf32> to vector<32x20x1xf32>
    %squeeze3A_804 = vector.shape_cast %slice3A_803 : vector<32x20x1xf32> to vector<32x20xf32>
    %slice3A_805 = vector.extract_strided_slice %slice3A_794 {offsets = [0, 0, 5], sizes = [32, 20, 80], strides = [1, 1, 1]} : vector<32x20x85xf32> to vector<32x20x80xf32>
    %mul3A_806 = arith.constant 2.000000e+00 : f32
    %mul3A_807 = arith.mulf %reduce_sum3A_787, %mul3A_806 : f32
    %max3A_808 = arith.constant 1.000000e+00 : f32
    %max3A_809 = arith.maximumf %mul3A_807, %max3A_808 : f32
    %sub3A_810 = arith.subf %squeeze3A_796, %sub3A_646 : vector<32x20xf32>
    %integer_pow3A_811 = arith.mulf %sub3A_810, %sub3A_810 : vector<32x20xf32>
    %sub3A_812 = arith.subf %squeeze3A_798, %sub3A_648 : vector<32x20xf32>
    %integer_pow3A_813 = arith.mulf %sub3A_812, %sub3A_812 : vector<32x20xf32>
    %add3A_814 = arith.addf %integer_pow3A_811, %integer_pow3A_813 : vector<32x20xf32>
    %mul3A_815 = arith.mulf %convert_element_type3A_782, %add3A_814 : vector<32x20xf32>
    %reduce_sum3A_816 = vector.shape_cast %mul3A_815 : vector<32x20xf32> to vector<1x32x20xf32>
    %reduce_sum3A_817 = arith.constant dense<0.000000e+00> : vector<1xf32>
    %reduce_sum3A_818 = vector.multi_reduction <add>, %reduce_sum3A_816, %reduce_sum3A_817 [1, 2] : vector<1x32x20xf32> to vector<1xf32>
    %reduce_sum3A_819 = vector.shape_cast %reduce_sum3A_818 : vector<1xf32> to vector<1x1x1xf32>
    %reduce_sum3A_820 = vector.extract %reduce_sum3A_819[0, 0, 0] : f32 from vector<1x1x1xf32>
    %div3A_821 = arith.divf %reduce_sum3A_820, %max3A_809 : f32
    %sqrt3A_822 = math.sqrt %squeeze3A_800 : vector<32x20xf32>
    %sqrt3A_823 = math.sqrt %div3A_751 : vector<32x20xf32>
    %sub3A_824 = arith.subf %sqrt3A_822, %sqrt3A_823 : vector<32x20xf32>
    %integer_pow3A_825 = arith.mulf %sub3A_824, %sub3A_824 : vector<32x20xf32>
    %sqrt3A_826 = math.sqrt %squeeze3A_802 : vector<32x20xf32>
    %sqrt3A_827 = math.sqrt %div3A_752 : vector<32x20xf32>
    %sub3A_828 = arith.subf %sqrt3A_826, %sqrt3A_827 : vector<32x20xf32>
    %integer_pow3A_829 = arith.mulf %sub3A_828, %sub3A_828 : vector<32x20xf32>
    %add3A_830 = arith.addf %integer_pow3A_825, %integer_pow3A_829 : vector<32x20xf32>
    %mul3A_831 = arith.mulf %convert_element_type3A_782, %add3A_830 : vector<32x20xf32>
    %reduce_sum3A_832 = vector.shape_cast %mul3A_831 : vector<32x20xf32> to vector<1x32x20xf32>
    %reduce_sum3A_833 = arith.constant dense<0.000000e+00> : vector<1xf32>
    %reduce_sum3A_834 = vector.multi_reduction <add>, %reduce_sum3A_832, %reduce_sum3A_833 [1, 2] : vector<1x32x20xf32> to vector<1xf32>
    %reduce_sum3A_835 = vector.shape_cast %reduce_sum3A_834 : vector<1xf32> to vector<1x1x1xf32>
    %reduce_sum3A_836 = vector.extract %reduce_sum3A_835[0, 0, 0] : f32 from vector<1x1x1xf32>
    %div3A_837 = arith.divf %reduce_sum3A_836, %max3A_809 : f32
    %gt3A_838 = arith.constant 0.000000e+00 : f32
    %gt3A_839 = arith.cmpf ogt, %reduce_sum3A_787, %gt3A_838 : f32
    %convert_element_type3A_840 = arith.extui %gt3A_839 : i1 to i32
    %convert_element_type3A_841 = arith.sitofp %convert_element_type3A_840 : i32 to f32
    %add3A_842 = arith.addf %div3A_821, %div3A_837 : f32
    %mul3A_843 = arith.mulf %convert_element_type3A_841, %add3A_842 : f32
    %add3A_844 = arith.addf %add3A_545, %mul3A_843 : f32
    %jit3A_845 = arith.constant 1.000000e-07 : f32
    %jit3A_846 = arith.constant 0.99999988 : f32
    %max3A_847 = vector.broadcast %jit3A_845 : f32 to vector<32x20xf32>
    %max3A_848 = arith.maximumf %max3A_847, %squeeze3A_804 : vector<32x20xf32>
    %min3A_849 = vector.broadcast %jit3A_846 : f32 to vector<32x20xf32>
    %min3A_850 = arith.minimumf %min3A_849, %max3A_848 : vector<32x20xf32>
    %log3A_851 = math.log %min3A_850 : vector<32x20xf32>
    %neg3A_852 = arith.constant 0.000000e+00 : f32
    %neg3A_853 = vector.broadcast %neg3A_852 : f32 to vector<32x20xf32>
    %neg3A_854 = arith.subf %neg3A_853, %log3A_851 : vector<32x20xf32>
    %mul3A_855 = arith.mulf %convert_element_type3A_782, %neg3A_854 : vector<32x20xf32>
    %reduce_sum3A_856 = vector.shape_cast %mul3A_855 : vector<32x20xf32> to vector<1x32x20xf32>
    %reduce_sum3A_857 = arith.constant dense<0.000000e+00> : vector<1xf32>
    %reduce_sum3A_858 = vector.multi_reduction <add>, %reduce_sum3A_856, %reduce_sum3A_857 [1, 2] : vector<1x32x20xf32> to vector<1xf32>
    %reduce_sum3A_859 = vector.shape_cast %reduce_sum3A_858 : vector<1xf32> to vector<1x1x1xf32>
    %reduce_sum3A_860 = vector.extract %reduce_sum3A_859[0, 0, 0] : f32 from vector<1x1x1xf32>
    %max3A_861 = arith.constant 1.000000e+00 : f32
    %max3A_862 = arith.maximumf %reduce_sum3A_787, %max3A_861 : f32
    %div3A_863 = arith.divf %reduce_sum3A_860, %max3A_862 : f32
    %add3A_864 = arith.addf %add3A_565, %div3A_863 : f32
    %sub3A_865 = arith.constant 1.000000e+00 : f32
    %sub3A_866 = vector.broadcast %sub3A_865 : f32 to vector<32x20xf32>
    %sub3A_867 = arith.subf %sub3A_866, %min3A_850 : vector<32x20xf32>
    %log3A_868 = math.log %sub3A_867 : vector<32x20xf32>
    %neg3A_869 = arith.constant 0.000000e+00 : f32
    %neg3A_870 = vector.broadcast %neg3A_869 : f32 to vector<32x20xf32>
    %neg3A_871 = arith.subf %neg3A_870, %log3A_868 : vector<32x20xf32>
    %mul3A_872 = arith.mulf %convert_element_type3A_782, %neg3A_871 : vector<32x20xf32>
    %reduce_sum3A_873 = vector.shape_cast %mul3A_872 : vector<32x20xf32> to vector<1x32x20xf32>
    %reduce_sum3A_874 = arith.constant dense<0.000000e+00> : vector<1xf32>
    %reduce_sum3A_875 = vector.multi_reduction <add>, %reduce_sum3A_873, %reduce_sum3A_874 [1, 2] : vector<1x32x20xf32> to vector<1xf32>
    %reduce_sum3A_876 = vector.shape_cast %reduce_sum3A_875 : vector<1xf32> to vector<1x1x1xf32>
    %reduce_sum3A_877 = vector.extract %reduce_sum3A_876[0, 0, 0] : f32 from vector<1x1x1xf32>
    %sub3A_878 = arith.constant 2.595840e+05 : f32
    %sub3A_879 = arith.subf %sub3A_878, %reduce_sum3A_787 : f32
    %sub3A_880 = arith.subf %reduce_sum3A_24, %reduce_sum3A_877 : f32
    %max3A_881 = arith.constant 1.000000e+00 : f32
    %max3A_882 = arith.maximumf %sub3A_879, %max3A_881 : f32
    %div3A_883 = arith.divf %sub3A_880, %max3A_882 : f32
    %add3A_884 = arith.addf %add3A_585, %div3A_883 : f32
    %iota3A_885 = tpu.iota {dimensions = array<i32: 2>} : vector<32x20x80xi32>
    %broadcast_in_dim3A_886 = vector.shape_cast %get3A_27 : vector<32x20xi32> to vector<32x20x1xi32>
    %eq3A_887 = vector.broadcast %broadcast_in_dim3A_886 : vector<32x20x1xi32> to vector<32x20x80xi32>
    %eq3A_888 = arith.cmpi eq, %iota3A_885, %eq3A_887 : vector<32x20x80xi32>
    %convert_element_type3A_889 = arith.extui %eq3A_888 : vector<32x20x80xi1> to vector<32x20x80xi32>
    %convert_element_type3A_890 = arith.sitofp %convert_element_type3A_889 : vector<32x20x80xi32> to vector<32x20x80xf32>
    %jit3A_891 = arith.constant 1.000000e-07 : f32
    %jit3A_892 = arith.constant 0.99999988 : f32
    %max3A_893 = vector.broadcast %jit3A_891 : f32 to vector<32x20x80xf32>
    %max3A_894 = arith.maximumf %max3A_893, %slice3A_805 : vector<32x20x80xf32>
    %min3A_895 = vector.broadcast %jit3A_892 : f32 to vector<32x20x80xf32>
    %min3A_896 = arith.minimumf %min3A_895, %max3A_894 : vector<32x20x80xf32>
    %mul3A_897 = arith.mulf %convert_element_type3A_890, %min3A_896 : vector<32x20x80xf32>
    %reduce_sum3A_898 = arith.constant dense<0.000000e+00> : vector<32x20xf32>
    %reduce_sum3A_899 = vector.multi_reduction <add>, %mul3A_897, %reduce_sum3A_898 [2] : vector<32x20x80xf32> to vector<32x20xf32>
    %sub3A_900 = arith.constant 1.000000e+00 : f32
    %sub3A_901 = vector.broadcast %sub3A_900 : f32 to vector<32x20x80xf32>
    %sub3A_902 = arith.subf %sub3A_901, %min3A_896 : vector<32x20x80xf32>
    %log3A_903 = math.log %sub3A_902 : vector<32x20x80xf32>
    %neg3A_904 = arith.constant 0.000000e+00 : f32
    %neg3A_905 = vector.broadcast %neg3A_904 : f32 to vector<32x20x80xf32>
    %neg3A_906 = arith.subf %neg3A_905, %log3A_903 : vector<32x20x80xf32>
    %reduce_sum3A_907 = arith.constant dense<0.000000e+00> : vector<32x20xf32>
    %reduce_sum3A_908 = vector.multi_reduction <add>, %neg3A_906, %reduce_sum3A_907 [2] : vector<32x20x80xf32> to vector<32x20xf32>
    %sub3A_909 = arith.constant 1.000000e+00 : f32
    %sub3A_910 = vector.broadcast %sub3A_909 : f32 to vector<32x20xf32>
    %sub3A_911 = arith.subf %sub3A_910, %reduce_sum3A_899 : vector<32x20xf32>
    %log3A_912 = math.log %sub3A_911 : vector<32x20xf32>
    %add3A_913 = arith.addf %reduce_sum3A_908, %log3A_912 : vector<32x20xf32>
    %log3A_914 = math.log %reduce_sum3A_899 : vector<32x20xf32>
    %sub3A_915 = arith.subf %add3A_913, %log3A_914 : vector<32x20xf32>
    %mul3A_916 = arith.mulf %convert_element_type3A_782, %sub3A_915 : vector<32x20xf32>
    %reduce_sum3A_917 = vector.shape_cast %mul3A_916 : vector<32x20xf32> to vector<1x32x20xf32>
    %reduce_sum3A_918 = arith.constant dense<0.000000e+00> : vector<1xf32>
    %reduce_sum3A_919 = vector.multi_reduction <add>, %reduce_sum3A_917, %reduce_sum3A_918 [1, 2] : vector<1x32x20xf32> to vector<1xf32>
    %reduce_sum3A_920 = vector.shape_cast %reduce_sum3A_919 : vector<1xf32> to vector<1x1x1xf32>
    %reduce_sum3A_921 = vector.extract %reduce_sum3A_920[0, 0, 0] : f32 from vector<1x1x1xf32>
    %mul3A_922 = arith.constant 8.000000e+01 : f32
    %mul3A_923 = arith.mulf %reduce_sum3A_787, %mul3A_922 : f32
    %max3A_924 = arith.constant 1.000000e+00 : f32
    %max3A_925 = arith.maximumf %mul3A_923, %max3A_924 : f32
    %div3A_926 = arith.divf %reduce_sum3A_921, %max3A_925 : f32
    %mul3A_927 = arith.mulf %convert_element_type3A_841, %div3A_926 : f32
    %add3A_928 = arith.addf %add3A_629, %mul3A_927 : f32
    %mul3A_929 = arith.constant 5.000000e+00 : f32
    %mul3A_930 = arith.mulf %mul3A_929, %add3A_844 : f32
    %add3A_931 = arith.addf %mul3A_930, %add3A_864 : f32
    %mul3A_932 = arith.constant 5.000000e-01 : f32
    %mul3A_933 = arith.mulf %mul3A_932, %add3A_884 : f32
    %add3A_934 = arith.addf %add3A_931, %mul3A_933 : f32
    %add3A_935 = arith.addf %add3A_934, %add3A_928 : f32
    %div3A_936 = arith.constant 3.200000e+01 : f32
    %div3A_937 = arith.divf %add3A_935, %div3A_936 : f32
    %broadcast_in_dim3A_938 = vector.broadcast %div3A_937 : f32 to vector<1x1xf32>
    %swap3A = arith.constant 0 : index
    %swap3A_939 = arith.constant 0 : index
    %swap3A_940 = vector.load %arg7[%swap3A, %swap3A_939] : memref<1x1xf32, #tpu.memory_space<vmem>>, vector<1x1xf32>
    tpu.vector_store %arg7[%swap3A, %swap3A_939], %broadcast_in_dim3A_938 {strides = array<i32>} : memref<1x1xf32, #tpu.memory_space<vmem>>, vector<1x1xf32>,
    %div3A_941 = arith.constant 3.200000e+01 : f32
    %div3A_942 = arith.divf %add3A_844, %div3A_941 : f32
    %broadcast_in_dim3A_943 = vector.broadcast %div3A_942 : f32 to vector<1x1xf32>
    %swap3A_944 = arith.constant 0 : index
    %swap3A_945 = arith.constant 0 : index
    %swap3A_946 = vector.load %arg8[%swap3A_944, %swap3A_945] : memref<1x1xf32, #tpu.memory_space<vmem>>, vector<1x1xf32>
    tpu.vector_store %arg8[%swap3A_944, %swap3A_945], %broadcast_in_dim3A_943 {strides = array<i32>} : memref<1x1xf32, #tpu.memory_space<vmem>>, vector<1x1xf32>,
    %div3A_947 = arith.constant 3.200000e+01 : f32
    %div3A_948 = arith.divf %add3A_864, %div3A_947 : f32
    %broadcast_in_dim3A_949 = vector.broadcast %div3A_948 : f32 to vector<1x1xf32>
    %swap3A_950 = arith.constant 0 : index
    %swap3A_951 = arith.constant 0 : index
    %swap3A_952 = vector.load %arg9[%swap3A_950, %swap3A_951] : memref<1x1xf32, #tpu.memory_space<vmem>>, vector<1x1xf32>
    tpu.vector_store %arg9[%swap3A_950, %swap3A_951], %broadcast_in_dim3A_949 {strides = array<i32>} : memref<1x1xf32, #tpu.memory_space<vmem>>, vector<1x1xf32>,
    %div3A_953 = arith.constant 3.200000e+01 : f32
    %div3A_954 = arith.divf %add3A_884, %div3A_953 : f32
    %broadcast_in_dim3A_955 = vector.broadcast %div3A_954 : f32 to vector<1x1xf32>
    %swap3A_956 = arith.constant 0 : index
    %swap3A_957 = arith.constant 0 : index
    %swap3A_958 = vector.load %arg10[%swap3A_956, %swap3A_957] : memref<1x1xf32, #tpu.memory_space<vmem>>, vector<1x1xf32>
    tpu.vector_store %arg10[%swap3A_956, %swap3A_957], %broadcast_in_dim3A_955 {strides = array<i32>} : memref<1x1xf32, #tpu.memory_space<vmem>>, vector<1x1xf32>,
    %div3A_959 = arith.constant 3.200000e+01 : f32
    %div3A_960 = arith.divf %add3A_928, %div3A_959 : f32
    %broadcast_in_dim3A_961 = vector.broadcast %div3A_960 : f32 to vector<1x1xf32>
    %swap3A_962 = arith.constant 0 : index
    %swap3A_963 = arith.constant 0 : index
    %swap3A_964 = vector.load %arg11[%swap3A_962, %swap3A_963] : memref<1x1xf32, #tpu.memory_space<vmem>>, vector<1x1xf32>
    tpu.vector_store %arg11[%swap3A_962, %swap3A_963], %broadcast_in_dim3A_961 {strides = array<i32>} : memref<1x1xf32, #tpu.memory_space<vmem>>, vector<1x1xf32>,
    return
  }
}

</mosaic_0001>

<sc_bundles>
// kernel: kernel.5.cloned.1.call-start
scs
__scs_entry_jumppad:
0x0: {  	(pc) =	sbr.rel $0x88, $3  }
0x1: {  	(tag) =	ssettag $0x0;
	lr =	simm.s32 $0x1  }
0x2: {  	[smem:$0x3F9C] =	sst lr;
	_ =	strace $0xD0000000  }
0x3: {  	_ = 	snop  }
0x4: {  	_ = 	snop  }
0x5: {  	_ = 	snop  }
0x6: {  	_ = 	snop  }
0x7: {  	_ = 	snop  }
__scs_overlays_trampoline_lowered:
0x8: {  	[smem:$0x3FAB] =	sst s0  }
0x9: {  	[smem:$0x3FAC] =	sst s1  }
0xa: {  	[smem:$0x3FAD] =	sst s2  }
0xb: {  	[smem:$0x3FAE] =	sst s3  }
0xc: {  	[smem:$0x3FAF] =	sst s4  }
0xd: {  	[smem:$0x3FB0] =	sst s5  }
0xe: {  	[smem:$0x3FB1] =	sst s6  }
0xf: {  	[smem:$0x3FB2] =	sst s7  }
0x10: {  	[smem:$0x3FB3] =	sst s8  }
0x11: {  	[smem:$0x3FB4] =	sst s9;
	s0 =	simm.s32 @!p0 $0x0  }
0x12: {  	s1 =	sld [smem:$0x3F9A];
	s0 =	simm.s32 @p0 $0x1  }
0x13: {  	[smem:$0x3FB5] =	sst s0;
	s0 =	simm.s32 @!p1 $0x0  }
0x14: {  	s2 =	sld [smem:$0x3F99];
	s0 =	simm.s32 @p1 $0x1  }
0x15: {  	[smem:$0x3FB6] =	sst s0;
	s0 =	simm.s32 @!p2 $0x0  }
0x16: {  	s3 =	sld [smem:$0x3FDB];
	s0 =	simm.s32 @p2 $0x1  }
0x17: {  	s4 =	simm.s32 $0x1BF5;
	[smem:$0x3FB8] =	sst s0  }
0x18: {  	s0 =	sld [smem:$0x3F9B];
	_ =	swait.ge [sflag:s4], $0x0  }
0x19: {  	s7 =	sld [smem:$0x3F9C]  }
0x1a: {  	s8 =	sadd.s32 $0xFFFFE003, lr  }
0x1b: {  	s9 =	sadd.s32 $0xFFFFFEF7, lr;
	s5 =	simm.s32 $0xFFFFFFFF;
	p2 =	slt.u32 s8, $0xFFFFF086  }
0x1c: {  	p1 =	slt.u32 s9, $0xF7A;
	s5 =	simm.s32 @!p2 $0x0  }
0x1d: {  	s5 =	simm.s32 @p1 $0x1;
	p0 =	seq.s32 s7, s2  }
0x1e: {  	s7 =	smul.u32 @!p0 $0xF7A, s2;
	p2 =	seq.s32 @!p0 s5, $0x0  }
0x1f: {  	s9 =	smul.u32 $0xF7A, s1;
	s8 =	simm.s32 @!p0 $0x1BF5;
	p2 =	por !p2, p0  }
0x20: {  	[sflag:s8] =	ssyncset.s32 @!p0 $0xFFFFF086;
	s6 =	sadd.s32 @!p0 s3, s7;
	s7 =	simm.s32 @!p0 $0x108  }
0x21: {  	s3 =	sadd.s32 s3, s9;
	s6 =	sadd.s32 @!p0 $0x88, s6;
	s7 =	simm.s32 @p2 $0x1082  }
0x22: {  	[simem:s7], [sflag:s8] =	dma.local @!p0 [hbm:s6], $0xF7A  }
0x23: {  	s9 =	sor.u32 $0xD0000000, s2;
	s6 =	simm.s32 $0x108;
	_ =	swait.ge @!p0 [sflag:s8], $0x0  }
0x24: {  	s3 =	sadd.s32 $0x88, s3;
	s6 =	simm.s32 @!p1 $0x1082;
	[sflag:s4] =	ssyncset.s32 $0xFFFFF086  }
0x25: {  	[simem:s6], [sflag:s4] =	dma.local [hbm:s3], $0xF7A  }
0x26: {  	[smem:$0x3F9C] =	sst s1;
	(tag) =	ssettag s2;
	_ =	strace s9  }
0x27: {  	s1 =	sld [smem:$0x3FAC]  }
0x28: {  	s2 =	sld [smem:$0x3FAD]  }
0x29: {  	s4 =	sld [smem:$0x3FAF]  }
0x2a: {  	p0 =	seq.s32 s5, $0x0;
	s5 =	sld [smem:$0x3FB0]  }
0x2b: {  	s6 =	sld [smem:$0x3FB1]  }
0x2c: {  	s7 =	sld [smem:$0x3FB2]  }
0x2d: {  	s3 =	simm.s32 $0x108;
	s8 =	sld [smem:$0x3FB3]  }
0x2e: {  	s3 =	simm.s32 @!p0 $0x1082;
	s9 =	sld [smem:$0x3FB4]  }
0x2f: {  	lr =	sadd.s32 s0, s3;
	s0 =	sld [smem:$0x3FAB]  }
0x30: {  	s3 =	sld [smem:$0x3FAE]  }
0x31: {  	[smem:$0x3FB7] =	sst s10  }
0x32: {  	s10 =	sld [smem:$0x3FB5];
	_ =	sdelay $0x3  }
0x33: {  	p0 =	seq.s32 s10, $0x1;
	s10 =	sld [smem:$0x3FB7];
	_ =	sdelay $0x3  }
0x34: {  	[smem:$0x3FB7] =	sst s10  }
0x35: {  	s10 =	sld [smem:$0x3FB6];
	_ =	sdelay $0x3  }
0x36: {  	p1 =	seq.s32 s10, $0x1;
	s10 =	sld [smem:$0x3FB7];
	_ =	sdelay $0x3  }
0x37: {  	[smem:$0x3FB7] =	sst s10  }
0x38: {  	s10 =	sld [smem:$0x3FB8]  }
0x39: {  	_ = 	snop;
	(pc) =	sbr.ind lr, $3  }
0x3a: {  	_ = 	snop  }
0x3b: {  	_ = 	snop  }
0x3c: {  	p2 =	seq.s32 s10, $0x1;
	s10 =	sld [smem:$0x3FB7]  }
0x3d: {  	_ =	shalt  }
0x3e: {  	_ =	shalt  }
0x3f: {  	_ =	shalt  }
0x40: {  	_ =	shalt  }
0x41: {  	_ =	shalt  }
0x42: {  	_ =	shalt  }
0x43: {  	_ =	shalt  }
0x44: {  	_ =	shalt  }
0x45: {  	_ =	shalt  }
0x46: {  	_ =	shalt  }
0x47: {  	_ =	shalt  }
0x48: {  	_ =	shalt  }
0x49: {  	_ =	shalt  }
0x4a: {  	_ =	shalt  }
0x4b: {  	_ =	shalt  }
0x4c: {  	_ =	shalt  }
0x4d: {  	_ =	shalt  }
0x4e: {  	_ =	shalt  }
0x4f: {  	_ =	shalt  }
0x50: {  	_ =	shalt  }
0x51: {  	_ =	shalt  }
0x52: {  	_ =	shalt  }
0x53: {  	_ =	shalt  }
0x54: {  	_ =	shalt  }
0x55: {  	_ =	shalt  }
0x56: {  	_ =	shalt  }
0x57: {  	_ =	shalt  }
0x58: {  	_ =	shalt  }
0x59: {  	_ =	shalt  }
0x5a: {  	_ =	shalt  }
0x5b: {  	_ =	shalt  }
0x5c: {  	_ =	shalt  }
0x5d: {  	_ =	shalt  }
0x5e: {  	_ =	shalt  }
0x5f: {  	_ =	shalt  }
0x60: {  	_ =	shalt  }
0x61: {  	_ =	shalt  }
0x62: {  	_ =	shalt  }
0x63: {  	_ =	shalt  }
0x64: {  	_ =	shalt  }
0x65: {  	_ =	shalt  }
0x66: {  	_ =	shalt  }
0x67: {  	_ =	shalt  }
0x68: {  	_ =	shalt  }
0x69: {  	_ =	shalt  }
0x6a: {  	_ =	shalt  }
0x6b: {  	_ =	shalt  }
0x6c: {  	_ =	shalt  }
0x6d: {  	_ =	shalt  }
0x6e: {  	_ =	shalt  }
0x6f: {  	_ =	shalt  }
0x70: {  	_ =	shalt  }
0x71: {  	_ =	shalt  }
0x72: {  	_ =	shalt  }
0x73: {  	_ =	shalt  }
0x74: {  	_ =	shalt  }
0x75: {  	_ =	shalt  }
0x76: {  	_ =	shalt  }
0x77: {  	_ =	shalt  }
0x78: {  	_ =	shalt  }
0x79: {  	_ =	shalt  }
0x7a: {  	_ =	shalt  }
0x7b: {  	_ =	shalt  }
0x7c: {  	_ =	shalt  }
0x7d: {  	_ =	shalt  }
0x7e: {  	_ =	shalt  }
0x7f: {  	_ =	shalt  }
0x80: {  	_ =	shalt  }
0x81: {  	_ =	shalt  }
0x82: {  	_ =	shalt  }
0x83: {  	_ =	shalt  }
0x84: {  	_ =	shalt  }
0x85: {  	_ =	shalt  }
0x86: {  	_ =	shalt  }
0x87: {  	_ =	shalt  }
.Lfunc_end0:
.L_simem_size_0:
called_computation_lowered:
.L_overlay_start_0:
0x88: {  	s2 =	sld [smem:$0x3FD9]  }
0x89: {  	s3 =	sld [smem:$0x3FFE];
	_ =	sdelay $0x1  }
0x8a: {  	s1 =	srdreg.scid  }
0x8b: {  	s0 =	sand.u32 $0x1, s1  }
0x8c: {  	s17 =	sshll.u32 s0, $0xA;
	s2 =	sadd.s32 s3, s2  }
0x8d: {  	s2 =	sadd.s32 s2, s17  }
0x8e: {  	[smem:$0x3FC3] =	sst s2  }
0x8f: {  	_ = 	snop  }
0x90: {  	s2 =	sld [smem:$0x3FC9]  }
0x91: {  	s18 =	sld [smem:$0x3FC8]  }
0x92: {  	s4 =	sld [smem:$0x3FC7];
	(tm) =	ssettm $0x1  }
0x93: {  	s5 =	sld [smem:$0x3FFB];
	_ =	sdelay $0x3  }
0x94: {  	_ =	strace s5  }
0x95: {  	s5 =	sld [smem:$0x3FFC];
	_ =	sdelay $0x3  }
0x96: {  	_ =	strace s5  }
0x97: {  	s5 =	sld [smem:$0x3FFD];
	_ =	sdelay $0x3  }
0x98: {  	_ =	strace s5  }
0x99: {  	_ =	strace $0x8FFFFFFF  }
0x9a: {  	s19 =	sld [smem:$0x3FDB];
	_ =	sdelay $0x1  }
0x9b: {  	s6 =	simm.s32 $_scs_section_size  }
0x9c: {  	s7 =	simm.s32 $_size__tile_overlayer_lowered;
	s8 =	simm.s32 $_tile_overlayer_lowered  }
0x9d: {  	s22 =	simm.s32 $0x1BFF;
	s21 =	sshll.u32 s8, $0x1;
	s5 =	sadd.s32 s6, s19  }
0x9e: {  	s9 =	simm.s32 $0x0;
	s20 =	sshll.u32 s7, $0x1;
	s7 =	sadd.s32 s21, s5  }
0x9f: {  	[timem:s9], [sflag:s22] =	dma.local [hbm:s7], s20  }
0xa0: {  	_ =	swait.ge [sflag:s22], s20  }
0xa1: {  	s6 =	ssub.s32 $0x0, s20;
	[sflag:s22] =	ssyncset.done $0x0  }
0xa2: {  	[sflag:s22] =	ssyncadd.s32 s6;
	_ =	sdelay $0x1  }
0xa3: {  	s23 =	simm.s32 $0x1B8B  }
0xa4: {  	_ =	swait.ge [sflag:s23], $0x1  }
0xa5: {  	[sflag:s23] =	ssyncset.done $0x0  }
0xa6: {  	s25 =	simm.s32 $0x1B8E;
	s24 =	sld [smem:$0x3FFE];
	[sflag:s23] =	ssyncadd.s32 $0xFFFFFFFF  }
0xa7: {  	s26 =	simm.s32 $execute0_lowered;
	[smem:$0x3FD2] =	sst s25  }
0xa8: {  	s7 =	sshll.u32 s26, $0x1;
	_ =	strace $0x80000046;
	[dreg:$0x1] =	wrdreg $0xFFFFFFFF  }
0xa9: {  	s28 =	simm.s32 $_size_execute0_lowered;
	s5 =	sadd.s32 s5, s7;
	[dreg:$0x0] =	wrdreg $0x0  }
0xaa: {  	s7 =	sshll.u32 s28, $0x1;
	[dreg:$0x2] =	wrdreg s5  }
0xab: {  	[dreg:$0x3] =	wrdreg s7  }
0xac: {  	[dreg:$0x4] =	wrdreg $0xC0  }
0xad: {  	_ =	task [dreg:s9], $0x5FFFF  }
0xae: {  	[dreg:$0x1] =	wrdreg $0xFFFFFFFF  }
0xaf: {  	[dreg:$0x0] =	wrdreg $0x60  }
0xb0: {  	[dreg:$0x2] =	wrdreg s24  }
0xb1: {  	[dreg:$0x3] =	wrdreg s2  }
0xb2: {  	[dreg:$0x4] =	wrdreg s18  }
0xb3: {  	[dreg:$0x5] =	wrdreg s4  }
0xb4: {  	[dreg:$0x6] =	wrdreg $0x9  }
0xb5: {  	_ =	task.clear_ibuf [dreg:s9], $0x7FFFF;
	_ =	strace $0x90000046  }
0xb6: {  	s29 =	simm.s32 $0x9;
	_ =	strace $0x80000048  }
0xb7: {  	_ =	swait.ge [sflag:s29], $0x1  }
0xb8: {  	[sflag:s29] =	ssyncadd.s32 $0xFFFFFFFF  }
0xb9: {  	_ =	strace $0x90000048  }
0xba: {  	_ =	sfence  }
0xbb: {  	s30 =	sld [smem:$0x0];
	_ =	sdelay $0x2  }
0xbc: {  	s31 =	sshll.u32 s1, $0xD;
	s1 =	sshrl.u32 s1, $0x2  }
0xbd: {  	s3 =	sand.u32 $0x4000, s31;
	s1 =	sadd.s32 s1, s30  }
0xbe: {  	s0 =	sor.u32 s3, s0;
	s1 =	sshll.u32 s1, $0x11  }
0xbf: {  	s0 =	sor.u32 s1, s0  }
0xc0: {  	s0 =	sadd.s32 $0x8F2B, s0  }
0xc1: {  	[sflag:s0] =	ssyncadd.remote.s32 $0x1  }
0xc2: {  	_ =	sfence.sel $0xFFFF  }
0xc3: {  	[dreg:$0x0] =	wrdreg $0xFFFFFFFF;
	(pc) =	sbr.abs _section_cstart, $3  }
0xc4: {  	[dreg:$0x1] =	wrdreg $0xFFFFFFFF  }
0xc5: {  	_ =	task.clear_ibuf [dreg:s9], $0x2FFFF;
	_ =	strace $0x9FFFFFFF  }
0xc6: {  	(tm) =	ssettm $0x7FFFFFFF  }
0xc7: {  	_ =	shalt  }
tec
execute0_lowered:
.L_overlay_start_1:
0x0: {  	(tag) =	ssettag $0x1  }
0x1: {  	s8 =	rddreg [dreg:$0x0]  }
0x2: {  	s1 =	rddreg [dreg:$0x1]  }
0x3: {  	s3 =	rddreg [dreg:$0x2]  }
0x4: {  	s2 =	srdreg.scid;
	s4 =	rddreg [dreg:$0x3]  }
0x5: {  	s5 =	simm.s32 $0x0;
	s7 =	sand.u32 $0x1, s2;
	s2 =	rddreg [dreg:$0x4]  }
0x6: {  	s19 =	simm.s32 $0x480;
	[smem:$0x7FF] =	sst s5  }
0x7: {  	s20 =	simm.s32 $0x500;
	_ =	strace $0x80000047;
	[dreg:$0xc] =	wrdreg s19  }
0x8: {  	s21 =	simm.s32 $0x580;
	[dreg:$0xd] =	wrdreg s20  }
0x9: {  	s22 =	simm.s32 $0x600;
	[dreg:$0xe] =	wrdreg s21  }
0xa: {  	s23 =	simm.s32 $0x680;
	[dreg:$0xf] =	wrdreg s22  }
0xb: {  	s24 =	simm.s32 $0x700;
	[dreg:$0x10] =	wrdreg s23  }
0xc: {  	s25 =	simm.s32 $0x780;
	[dreg:$0x11] =	wrdreg s24  }
0xd: {  	s26 =	simm.s32 $0x800;
	[dreg:$0x12] =	wrdreg s25  }
0xe: {  	s28 =	simm.s32 $0x880;
	[dreg:$0x13] =	wrdreg s26  }
0xf: {  	s29 =	simm.s32 $0x900;
	[dreg:$0x14] =	wrdreg s28  }
0x10: {  	s30 =	simm.s32 $0x980;
	[dreg:$0x15] =	wrdreg s29  }
0x11: {  	s31 =	simm.s32 $0xA00;
	[dreg:$0x16] =	wrdreg s30  }
0x12: {  	s0 =	stileid.u32;
	s12 =	simm.s32 $0xC00;
	[dreg:$0x17] =	wrdreg s31  }
0x13: {  	s13 =	simm.s32 $0xC80;
	s14 =	sshll.u32 s0, $0x1;
	[dreg:$0x1b] =	wrdreg s12  }
0x14: {  	s6 =	sor.u32 s7, s14;
	[dreg:$0x1c] =	wrdreg s13;
	s14 =	simm.s32 $0xD00  }
0x15: {  	s19 =	simm.s32 $0x1600;
	[dreg:$0x1d] =	wrdreg s14  }
0x16: {  	s20 =	simm.s32 $0x1680;
	[smem:$0x7DB] =	sst s19  }
0x17: {  	s21 =	simm.s32 $0x1700;
	[smem:$0x7DC] =	sst s20  }
0x18: {  	s22 =	simm.s32 $0x1780;
	[smem:$0x7DD] =	sst s21  }
0x19: {  	s23 =	simm.s32 $0x1800;
	[smem:$0x7DE] =	sst s22  }
0x1a: {  	s24 =	simm.s32 $0x1880;
	[smem:$0x7DF] =	sst s23  }
0x1b: {  	s25 =	simm.s32 $0x1900;
	[smem:$0x7E0] =	sst s24  }
0x1c: {  	s26 =	simm.s32 $0x1980;
	[smem:$0x7E1] =	sst s25  }
0x1d: {  	s28 =	simm.s32 $0x1A00;
	[smem:$0x7E2] =	sst s26  }
0x1e: {  	s29 =	simm.s32 $0x1A80;
	[smem:$0x7E3] =	sst s28  }
0x1f: {  	s30 =	simm.s32 $0x1B00;
	[smem:$0x7E4] =	sst s29  }
0x20: {  	s31 =	simm.s32 $0x1B80;
	[smem:$0x7E5] =	sst s30  }
0x21: {  	s12 =	simm.s32 $0x1D80;
	[smem:$0x7E6] =	sst s31  }
0x22: {  	s13 =	simm.s32 $0x2480;
	[smem:$0x7EA] =	sst s12  }
0x23: {  	[smem:$0x7EB] =	sst s13;
	s14 =	simm.s32 $0x2500  }
0x24: {  	s19 =	simm.s32 $0x2780;
	[smem:$0x7EC] =	sst s14  }
0x25: {  	s20 =	simm.s32 $0x2800;
	[smem:$0x7F1] =	sst s19  }
0x26: {  	s21 =	simm.s32 $0x2880;
	[smem:$0x7F2] =	sst s20  }
0x27: {  	s22 =	simm.s32 $0x2900;
	[smem:$0x7F3] =	sst s21  }
0x28: {  	s23 =	simm.s32 $0x2980;
	[smem:$0x7F4] =	sst s22  }
0x29: {  	s25 =	simm.s32 $0x2A00;
	[smem:$0x7F5] =	sst s23  }
0x2a: {  	s26 =	simm.s32 $0x2A80;
	[smem:$0x7F6] =	sst s25  }
0x2b: {  	s28 =	simm.s32 $0x2B00;
	[smem:$0x7F7] =	sst s26  }
0x2c: {  	s29 =	simm.s32 $0x2B80;
	[smem:$0x7F8] =	sst s28  }
0x2d: {  	s30 =	simm.s32 $0x2C00;
	[smem:$0x7F9] =	sst s29  }
0x2e: {  	s9 =	sshll.u32 s6, $0x6;
	s31 =	simm.s32 $0x2C80;
	[smem:$0x7FA] =	sst s30  }
0x2f: {  	s11 =	sshll.u32 s6, $0x9;
	s12 =	simm.s32 $0x2D00;
	[smem:$0x7FB] =	sst s31  }
0x30: {  	s13 =	simm.s32 $0x2D80;
	s9 =	sadd.s32 s9, s8;
	[smem:$0x7FC] =	sst s12  }
0x31: {  	s8 =	sadd.s32 s11, s8;
	s11 =	simm.s32 $0xB80;
	[smem:$0x7FD] =	sst s13  }
0x32: {  	s10 =	sadd.s32 $0x1600, s9;
	[dreg:$0x1a] =	wrdreg s11  }
0x33: {  	s15 =	sadd.s32 $0xDE00, s9;
	[dreg:$0x5] =	wrdreg s10  }
0x34: {  	s16 =	sadd.s32 $0xE600, s9;
	[dreg:$0x6] =	wrdreg s15  }
0x35: {  	s9 =	sadd.s32 $0xEE00, s9;
	[dreg:$0x7] =	wrdreg s16  }
0x36: {  	s17 =	sadd.s32 $0x1E00, s8;
	[dreg:$0x8] =	wrdreg s9  }
0x37: {  	s18 =	sadd.s32 $0x5E00, s8;
	[dreg:$0x9] =	wrdreg s17  }
0x38: {  	s8 =	sadd.s32 $0x9E00, s8;
	[dreg:$0xa] =	wrdreg s18  }
0x39: {  	s11 =	simm.s32 $0x1D00;
	[dreg:$0xb] =	wrdreg s8  }
0x3a: {  	s9 =	simm.s32 $0xA80;
	[smem:$0x7E9] =	sst s11  }
0x3b: {  	s10 =	simm.s32 $0xB00;
	[dreg:$0x18] =	wrdreg s9  }
0x3c: {  	s15 =	simm.s32 $0xD80;
	[dreg:$0x19] =	wrdreg s10  }
0x3d: {  	s7 =	ssub.s32 $0x2, s7;
	s16 =	simm.s32 $0x1480;
	[dreg:$0x1e] =	wrdreg s15  }
0x3e: {  	s24 =	sshrl.u32 s7, $0x1;
	s17 =	simm.s32 $0x1500;
	[dreg:$0x1f] =	wrdreg s16  }
0x3f: {  	s6 =	sshll.u32 s6, $0x7;
	s18 =	simm.s32 $0x1580;
	[smem:$0x7D9] =	sst s17  }
0x40: {  	s7 =	ssub.s32 s7, s24;
	[smem:$0x7DA] =	sst s18;
	s9 =	simm.s32 $0x1C00  }
0x41: {  	s12 =	simm.s32 $0x2400;
	s10 =	simm.s32 $0x1C80;
	[smem:$0x7E7] =	sst s9  }
0x42: {  	s13 =	simm.s32 $0x1;
	s15 =	simm.s32 $0x2580;
	[smem:$0x7E8] =	sst s10  }
0x43: {  	s7 =	smax.u32 s7, $0x1;
	s16 =	simm.s32 $0x2600;
	[smem:$0x7ED] =	sst s15  }
0x44: {  	s8 =	simm.s32 $0x2;
	s17 =	simm.s32 $0x2680;
	[smem:$0x7EE] =	sst s16  }
0x45: {  	s11 =	simm.s32 $0x1400;
	s18 =	simm.s32 $0x2700;
	[smem:$0x7EF] =	sst s17  }
0x46: {  	v0 =	vimm.s32 $0x0;
	[smem:$0x7F0] =	sst s18;
	s9 =	simm.s32 $0x400;
	s10 =	simm.s32 $0x200  }
.LBB2_1:
0x47: {  	s14 =	rddreg [dreg:$0x5]  }
0x48: {  	[tilespmem:s5], [sflag:$0x2] =	stream.linear.gather [hbm4b:s14+s5], $0x200, $0x38;
	[tilespmem:$0x3400] =	vst v63  }
0x49: {  	_ =	swait.ge [sflag:s8], $0x200  }
0x4a: {  	[sflag:s8] =	ssyncset.done $0x0  }
0x4b: {  	[sflag:s8] =	ssyncadd.s32 $0xFFFFFE00  }
0x4c: {  	v1 =	vld [tilespmem:$0x100]  }
0x4d: {  	v2 =	vld [tilespmem:$0x180];
	_ =	sdelay $0x3  }
0x4e: {  	v1 =	vmul.f32 $1.300000000e+01, v1  }
0x4f: {  	v2 =	vmul.f32 $1.300000000e+01, v2  }
0x50: {  	v3 =	vmin.f32 v1, $3.625000000e+00  }
0x51: {  	v4 =	vmin.f32 v2, $2.812500000e+00;
	v24 =	vadd.f32 $1.019531250e+01, v1;
	v5 =	vmin.f32 v1, $4.875000000e+00  }
0x52: {  	v6 =	vmin.f32 v2, $6.187500000e+00;
	v7 =	vadd.f32 $3.016406250e+01, v1;
	v25 =	vadd.f32 $1.187480470e+02, v1  }
0x53: {  	v1 =	vmin.f32 v1, $1.165625000e+01;
	v3 =	vmul.f32 v4, v3;
	v4 =	vadd.f32 v2, v24  }
0x54: {  	v8 =	vmin.f32 v2, $1.018750000e+01;
	v5 =	vmul.f32 v6, v5;
	v7 =	vadd.f32 v2, v7  }
0x55: {  	v1 =	vmul.f32 v8, v1;
	v2 =	vadd.f32 v2, v25;
	v4 =	vsub.f32 v4, v3  }
0x56: {  	v26 =	vsub.f32 v7, v5  }
0x57: {  	v2 =	vsub.f32 v2, v1;
	(erf) = vrcp.f32 v4  }
0x58: {  	(erf) = vrcp.f32 v26  }
0x59: {  	(erf) = vrcp.f32 v2  }
0x5a: {  	v28 =	vld [tilespmem:$0x80];
	_ =	sdelay $0x1  }
0x5b: {  	v27 =	vld [tilespmem:$0x0];
	_ =	sdelay $0x2  }
0x5c: {  	v8 =	vmul.f32 $1.300000000e+01, v28  }
0x5d: {  	v9 =	vpop (erf)  }
0x5e: {  	v32 =	vtrunc.f32 v8;
	v7 =	vmul.f32 $1.300000000e+01, v27;
	v29 =	vpop (erf)  }
0x5f: {  	v3 =	vmul.f32 v9, v3;
	v30 =	vmul.f32 v29, v5;
	v31 =	vpop (erf)  }
0x60: {  	vm0 =	vgt.f32 v4, $0.0e+00;
	vm11 =	vgt.f32 v26, $0.0e+00;
	v1 =	vmul.f32 v31, v1  }
0x61: {  	vm12 =	vgt.f32 v2, $0.0e+00;
	v3 =	vnsel vm0, $0x0, v3;
	v4 =	vnsel vm11, $0x0, v30  }
0x62: {  	v1 =	vnsel vm12, $0x0, v1;
	vm13 =	vgt.f32 v4, v3;
	v2 =	vmax.f32 v3, v4  }
0x63: {  	v3 =	vcvt.f32.s32 v32;
	v33 =	vsel vm13, $0x1, v0;
	vm14 =	vgt.f32 v1, v2  }
0x64: {  	v1 =	vsel vm14, $0x2, v33  }
0x65: {  	v2 =	vtrunc.f32 v7;
	vm15 =	vlt.s32 v3, $0xC;
	v4 =	vmul.u32 $0xD, v1  }
0x66: {  	v2 =	vcvt.f32.s32 v2;
	v3 =	vnsel vm15, $0xC, v3  }
0x67: {  	v4 =	vadd.s32 v3, v4  }
0x68: {  	vm4 =	vlt.s32 v2, $0xC;
	v4 =	vmul.u32 $0xD, v4  }
0x69: {  	v2 =	vnsel vm4, $0xC, v2  }
0x6a: {  	v4 =	vadd.s32 v2, v4  }
0x6b: {  	v34 =	vshll.u32 v4, $0xC  }
0x6c: {  	(v2sf) =	vpush v34, $0x0  }
0x6d: {  	(v2sf) =	vpush v34, $0x1;
	_ =	sdelay $0x2  }
0x6e: {  	(v2sf) =	vpush v34, $0x2;
	_ =	sdelay $0x3  }
0x6f: {  	(v2sf) =	vpush v34, $0x3;
	_ =	sdelay $0x6  }
0x70: {  	s19 =	spop (v2sf)  }
0x71: {  	s20 =	spop (v2sf);
	(v2sf) =	vpush v34, $0x4;
	_ =	sdelay $0x2  }
0x72: {  	s21 =	spop (v2sf);
	(v2sf) =	vpush v34, $0x5;
	_ =	sdelay $0x2  }
0x73: {  	[tilespmem:$0x280] =	vst v1  }
0x74: {  	[tilespmem:$0x300] =	vst v3;
	s14 =	sor.u32 s6, s19;
	s23 =	spop (v2sf);
	(v2sf) =	vpush v34, $0x6  }
0x75: {  	[tilespmem:$0x380] =	vst v2;
	s14 =	sshrl.u32 s14, $0x3  }
0x76: {  	[tilespmem:$0x200] =	vst v4;
	s14 =	sadd.s32 s1, s14  }
0x77: {  	[tilespmem:s9], [sflag:$0x1] =	stream.linear.gather [hbm4b:s14+s5], $0x80, $0x38;
	[tilespmem:$0x3400] =	vst v63  }
0x78: {  	s14 =	sor.u32 s6, s20  }
0x79: {  	s14 =	sshrl.u32 s14, $0x3  }
0x7a: {  	s15 =	rddreg [dreg:$0xc];
	s14 =	sadd.s32 s1, s14  }
0x7b: {  	[tilespmem:s15], [sflag:$0x1] =	stream.linear.gather [hbm4b:s14+s5], $0x80, $0x38;
	[tilespmem:$0x3400] =	vst v63  }
0x7c: {  	s25 =	spop (v2sf);
	(v2sf) =	vpush v34, $0x7  }
0x7d: {  	s14 =	sor.u32 s6, s21  }
0x7e: {  	s14 =	sshrl.u32 s14, $0x3  }
0x7f: {  	s22 =	rddreg [dreg:$0xd];
	s14 =	sadd.s32 s1, s14;
	s28 =	spop (v2sf);
	(v2sf) =	vpush v34, $0x8  }
0x80: {  	[tilespmem:s22], [sflag:$0x1] =	stream.linear.gather [hbm4b:s14+s5], $0x80, $0x38;
	[tilespmem:$0x3400] =	vst v63  }
0x81: {  	s14 =	sor.u32 s6, s23  }
0x82: {  	s14 =	sshrl.u32 s14, $0x3  }
0x83: {  	s24 =	rddreg [dreg:$0xe];
	s14 =	sadd.s32 s1, s14;
	s30 =	spop (v2sf);
	(v2sf) =	vpush v34, $0x9  }
0x84: {  	[tilespmem:s24], [sflag:$0x1] =	stream.linear.gather [hbm4b:s14+s5], $0x80, $0x38;
	[tilespmem:$0x3400] =	vst v63  }
0x85: {  	s14 =	sor.u32 s6, s25  }
0x86: {  	s14 =	sshrl.u32 s14, $0x3  }
0x87: {  	s26 =	rddreg [dreg:$0xf];
	s14 =	sadd.s32 s1, s14  }
0x88: {  	[tilespmem:s26], [sflag:$0x1] =	stream.linear.gather [hbm4b:s14+s5], $0x80, $0x38;
	[tilespmem:$0x3400] =	vst v63  }
0x89: {  	s14 =	sor.u32 s6, s28  }
0x8a: {  	s14 =	sshrl.u32 s14, $0x3  }
0x8b: {  	s29 =	rddreg [dreg:$0x10];
	s14 =	sadd.s32 s1, s14;
	s15 =	spop (v2sf);
	(v2sf) =	vpush v34, $0xA  }
0x8c: {  	[tilespmem:s29], [sflag:$0x1] =	stream.linear.gather [hbm4b:s14+s5], $0x80, $0x38;
	[tilespmem:$0x3400] =	vst v63  }
0x8d: {  	s14 =	sor.u32 s6, s30  }
0x8e: {  	s14 =	sshrl.u32 s14, $0x3;
	s17 =	spop (v2sf);
	(v2sf) =	vpush v34, $0xB  }
0x8f: {  	s31 =	rddreg [dreg:$0x11];
	s14 =	sadd.s32 s1, s14  }
0x90: {  	[tilespmem:s31], [sflag:$0x1] =	stream.linear.gather [hbm4b:s14+s5], $0x80, $0x38;
	[tilespmem:$0x3400] =	vst v63  }
0x91: {  	s14 =	sor.u32 s6, s15  }
0x92: {  	s14 =	sshrl.u32 s14, $0x3;
	s19 =	spop (v2sf);
	(v2sf) =	vpush v34, $0xC  }
0x93: {  	s16 =	rddreg [dreg:$0x12];
	s14 =	sadd.s32 s1, s14  }
0x94: {  	[tilespmem:s16], [sflag:$0x1] =	stream.linear.gather [hbm4b:s14+s5], $0x80, $0x38;
	[tilespmem:$0x3400] =	vst v63  }
0x95: {  	s14 =	sor.u32 s6, s17  }
0x96: {  	s14 =	sshrl.u32 s14, $0x3  }
0x97: {  	s18 =	rddreg [dreg:$0x13];
	s14 =	sadd.s32 s1, s14  }
0x98: {  	[tilespmem:s18], [sflag:$0x1] =	stream.linear.gather [hbm4b:s14+s5], $0x80, $0x38;
	[tilespmem:$0x3400] =	vst v63  }
0x99: {  	s14 =	sor.u32 s6, s19  }
0x9a: {  	s14 =	sshrl.u32 s14, $0x3;
	s21 =	spop (v2sf);
	(v2sf) =	vpush v34, $0xD  }
0x9b: {  	s20 =	rddreg [dreg:$0x14];
	s14 =	sadd.s32 s1, s14  }
0x9c: {  	[tilespmem:s20], [sflag:$0x1] =	stream.linear.gather [hbm4b:s14+s5], $0x80, $0x38;
	[tilespmem:$0x3400] =	vst v63  }
0x9d: {  	s14 =	sor.u32 s6, s21;
	s23 =	spop (v2sf);
	(v2sf) =	vpush v34, $0xE  }
0x9e: {  	s14 =	sshrl.u32 s14, $0x3  }
0x9f: {  	s22 =	rddreg [dreg:$0x15];
	s14 =	sadd.s32 s1, s14  }
0xa0: {  	[tilespmem:s22], [sflag:$0x1] =	stream.linear.gather [hbm4b:s14+s5], $0x80, $0x38;
	[tilespmem:$0x3400] =	vst v63  }
0xa1: {  	s25 =	spop (v2sf);
	(v2sf) =	vpush v34, $0xF;
	s14 =	sor.u32 s6, s23  }
0xa2: {  	s14 =	sshrl.u32 s14, $0x3  }
0xa3: {  	s24 =	rddreg [dreg:$0x16];
	s14 =	sadd.s32 s1, s14  }
0xa4: {  	[tilespmem:s24], [sflag:$0x1] =	stream.linear.gather [hbm4b:s14+s5], $0x80, $0x38;
	[tilespmem:$0x3400] =	vst v63  }
0xa5: {  	s14 =	sor.u32 s6, s25  }
0xa6: {  	s14 =	sshrl.u32 s14, $0x3  }
0xa7: {  	s26 =	rddreg [dreg:$0x17];
	s14 =	sadd.s32 s1, s14  }
0xa8: {  	[tilespmem:s26], [sflag:$0x1] =	stream.linear.gather [hbm4b:s14+s5], $0x80, $0x38;
	[tilespmem:$0x3400] =	vst v63  }
0xa9: {  	s28 =	spop (v2sf)  }
0xaa: {  	s14 =	sor.u32 s6, s28  }
0xab: {  	s14 =	sshrl.u32 s14, $0x3  }
0xac: {  	s29 =	rddreg [dreg:$0x18];
	s30 =	spop (v2sf);
	s14 =	sadd.s32 s1, s14  }
0xad: {  	[tilespmem:s29], [sflag:$0x1] =	stream.linear.gather [hbm4b:s14+s5], $0x80, $0x38;
	[tilespmem:$0x3400] =	vst v63  }
0xae: {  	s14 =	sor.u32 s6, s30  }
0xaf: {  	s14 =	sshrl.u32 s14, $0x3  }
0xb0: {  	s31 =	rddreg [dreg:$0x19];
	s16 =	spop (v2sf);
	s14 =	sadd.s32 s1, s14  }
0xb1: {  	[tilespmem:s31], [sflag:$0x1] =	stream.linear.gather [hbm4b:s14+s5], $0x80, $0x38;
	[tilespmem:$0x3400] =	vst v63  }
0xb2: {  	s14 =	sor.u32 s6, s16  }
0xb3: {  	s14 =	sshrl.u32 s14, $0x3  }
0xb4: {  	s17 =	rddreg [dreg:$0x1a];
	s14 =	sadd.s32 s1, s14  }
0xb5: {  	[tilespmem:s17], [sflag:$0x1] =	stream.linear.gather [hbm4b:s14+s5], $0x80, $0x38;
	[tilespmem:$0x3400] =	vst v63  }
0xb6: {  	v1 =	vld [tilespmem:$0x110]  }
0xb7: {  	v2 =	vld [tilespmem:$0x190];
	_ =	sdelay $0x3  }
0xb8: {  	v1 =	vmul.f32 $1.300000000e+01, v1  }
0xb9: {  	v2 =	vmul.f32 $1.300000000e+01, v2  }
0xba: {  	v3 =	vmin.f32 v1, $3.625000000e+00  }
0xbb: {  	v35 =	vmin.f32 v2, $2.812500000e+00;
	v36 =	vadd.f32 $1.019531250e+01, v1;
	v37 =	vmin.f32 v1, $4.875000000e+00  }
0xbc: {  	v38 =	vmin.f32 v2, $6.187500000e+00;
	v39 =	vadd.f32 $3.016406250e+01, v1;
	v40 =	vadd.f32 $1.187480470e+02, v1  }
0xbd: {  	v1 =	vmin.f32 v1, $1.165625000e+01;
	v3 =	vmul.f32 v35, v3;
	v4 =	vadd.f32 v2, v36  }
0xbe: {  	v41 =	vmin.f32 v2, $1.018750000e+01;
	v5 =	vmul.f32 v38, v37;
	v7 =	vadd.f32 v2, v39  }
0xbf: {  	v1 =	vmul.f32 v41, v1;
	v2 =	vadd.f32 v2, v40;
	v4 =	vsub.f32 v4, v3  }
0xc0: {  	v42 =	vsub.f32 v7, v5  }
0xc1: {  	v2 =	vsub.f32 v2, v1;
	(erf) = vrcp.f32 v4  }
0xc2: {  	(erf) = vrcp.f32 v42  }
0xc3: {  	(erf) = vrcp.f32 v2  }
0xc4: {  	v44 =	vld [tilespmem:$0x90];
	_ =	sdelay $0x1  }
0xc5: {  	v43 =	vld [tilespmem:$0x10];
	_ =	sdelay $0x2  }
0xc6: {  	v8 =	vmul.f32 $1.300000000e+01, v44  }
0xc7: {  	v45 =	vpop (erf)  }
0xc8: {  	v49 =	vtrunc.f32 v8;
	v7 =	vmul.f32 $1.300000000e+01, v43;
	v46 =	vpop (erf)  }
0xc9: {  	v3 =	vmul.f32 v45, v3;
	v47 =	vmul.f32 v46, v5;
	v48 =	vpop (erf)  }
0xca: {  	vm5 =	vgt.f32 v4, $0.0e+00;
	vm6 =	vgt.f32 v42, $0.0e+00;
	v1 =	vmul.f32 v48, v1  }
0xcb: {  	vm7 =	vgt.f32 v2, $0.0e+00;
	v3 =	vnsel vm5, $0x0, v3;
	v4 =	vnsel vm6, $0x0, v47  }
0xcc: {  	v1 =	vnsel vm7, $0x0, v1;
	vm8 =	vgt.f32 v4, v3;
	v2 =	vmax.f32 v3, v4  }
0xcd: {  	v3 =	vcvt.f32.s32 v49;
	v50 =	vsel vm8, $0x1, v0;
	vm9 =	vgt.f32 v1, v2  }
0xce: {  	v1 =	vsel vm9, $0x2, v50  }
0xcf: {  	v2 =	vtrunc.f32 v7;
	vm10 =	vlt.s32 v3, $0xC;
	v4 =	vmul.u32 $0xD, v1  }
0xd0: {  	v2 =	vcvt.f32.s32 v2;
	v3 =	vnsel vm10, $0xC, v3  }
0xd1: {  	v4 =	vadd.s32 v3, v4  }
0xd2: {  	vm11 =	vlt.s32 v2, $0xC;
	v4 =	vmul.u32 $0xD, v4  }
0xd3: {  	v2 =	vnsel vm11, $0xC, v2  }
0xd4: {  	v4 =	vadd.s32 v2, v4  }
0xd5: {  	v51 =	vshll.u32 v4, $0xC  }
0xd6: {  	(v2sf) =	vpush v51, $0x0;
	_ =	sdelay $0x4  }
0xd7: {  	(v2sf) =	vpush v51, $0x1;
	_ =	sdelay $0x3  }
0xd8: {  	(v2sf) =	vpush v51, $0x2;
	_ =	sdelay $0x5  }
0xd9: {  	s18 =	spop (v2sf);
	(v2sf) =	vpush v51, $0x3;
	_ =	sdelay $0x1  }
0xda: {  	[tilespmem:$0x290] =	vst v1  }
0xdb: {  	[tilespmem:$0x310] =	vst v3;
	s14 =	sor.u32 s6, s18  }
0xdc: {  	[tilespmem:$0x390] =	vst v2;
	s14 =	sshrl.u32 s14, $0x3  }
0xdd: {  	s19 =	rddreg [dreg:$0x1b];
	[tilespmem:$0x210] =	vst v4;
	s20 =	spop (v2sf);
	s14 =	sadd.s32 s1, s14  }
0xde: {  	[tilespmem:s19], [sflag:$0x1] =	stream.linear.gather [hbm4b:s14+s5], $0x80, $0x38;
	[tilespmem:$0x3400] =	vst v63  }
0xdf: {  	s14 =	sor.u32 s6, s20  }
0xe0: {  	s14 =	sshrl.u32 s14, $0x3  }
0xe1: {  	s21 =	rddreg [dreg:$0x1c];
	s22 =	spop (v2sf);
	s14 =	sadd.s32 s1, s14  }
0xe2: {  	[tilespmem:s21], [sflag:$0x1] =	stream.linear.gather [hbm4b:s14+s5], $0x80, $0x38;
	[tilespmem:$0x3400] =	vst v63  }
0xe3: {  	s14 =	sor.u32 s6, s22  }
0xe4: {  	s14 =	sshrl.u32 s14, $0x3  }
0xe5: {  	s23 =	rddreg [dreg:$0x1d];
	s14 =	sadd.s32 s1, s14  }
0xe6: {  	[tilespmem:s23], [sflag:$0x1] =	stream.linear.gather [hbm4b:s14+s5], $0x80, $0x38;
	[tilespmem:$0x3400] =	vst v63  }
0xe7: {  	s24 =	spop (v2sf)  }
0xe8: {  	s14 =	sor.u32 s6, s24  }
0xe9: {  	s14 =	sshrl.u32 s14, $0x3  }
0xea: {  	s25 =	rddreg [dreg:$0x1e];
	s14 =	sadd.s32 s1, s14  }
0xeb: {  	[tilespmem:s25], [sflag:$0x1] =	stream.linear.gather [hbm4b:s14+s5], $0x80, $0x38;
	[tilespmem:$0x3400] =	vst v63  }
0xec: {  	s16 =	rddreg [dreg:$0x6]  }
0xed: {  	[hbm4b:s16+s5] =	stream.linear.scatter [tilespmem:s10], [sflag:$0x2], $0x200, $0x38;
	[tilespmem:$0x3400] =	vst v63  }
0xee: {  	_ =	swait.ge [sflag:s8], $0x200  }
0xef: {  	[sflag:s8] =	ssyncset.done $0x0  }
0xf0: {  	[sflag:s8] =	ssyncadd.s32 $0xFFFFFE00  }
0xf1: {  	v1 =	vld [tilespmem:$0x100]  }
0xf2: {  	v2 =	vld [tilespmem:$0x180];
	_ =	sdelay $0x3  }
0xf3: {  	v1 =	vmul.f32 $2.600000000e+01, v1  }
0xf4: {  	v2 =	vmul.f32 $2.600000000e+01, v2  }
0xf5: {  	v3 =	vmin.f32 v1, $1.875000000e+00  }
0xf6: {  	v52 =	vmin.f32 v2, $3.812500000e+00;
	v53 =	vadd.f32 $7.148437500e+00, v1;
	v54 =	vmin.f32 v1, $3.875000000e+00  }
0xf7: {  	v55 =	vmin.f32 v2, $2.812500000e+00;
	v56 =	vadd.f32 $1.089843750e+01, v1;
	v57 =	vadd.f32 $2.742578130e+01, v1  }
0xf8: {  	v1 =	vmin.f32 v1, $3.687500000e+00;
	v3 =	vmul.f32 v52, v3;
	v4 =	vadd.f32 v2, v53  }
0xf9: {  	v58 =	vmin.f32 v2, $7.437500000e+00;
	v5 =	vmul.f32 v55, v54;
	v7 =	vadd.f32 v2, v56  }
0xfa: {  	v1 =	vmul.f32 v58, v1;
	v2 =	vadd.f32 v2, v57;
	v4 =	vsub.f32 v4, v3  }
0xfb: {  	v59 =	vsub.f32 v7, v5  }
0xfc: {  	v2 =	vsub.f32 v2, v1;
	(erf) = vrcp.f32 v4  }
0xfd: {  	(erf) = vrcp.f32 v59  }
0xfe: {  	(erf) = vrcp.f32 v2  }
0xff: {  	v61 =	vld [tilespmem:$0x80];
	_ =	sdelay $0x1  }
0x100: {  	v60 =	vld [tilespmem:$0x0];
	_ =	sdelay $0x2  }
0x101: {  	v8 =	vmul.f32 $2.600000000e+01, v61  }
0x102: {  	v62 =	vpop (erf)  }
0x103: {  	v11 =	vtrunc.f32 v8;
	v7 =	vmul.f32 $2.600000000e+01, v60;
	v63 =	vpop (erf)  }
0x104: {  	v3 =	vmul.f32 v62, v3;
	v9 =	vmul.f32 v63, v5;
	v10 =	vpop (erf)  }
0x105: {  	vm12 =	vgt.f32 v4, $0.0e+00;
	vm13 =	vgt.f32 v59, $0.0e+00;
	v1 =	vmul.f32 v10, v1  }
0x106: {  	vm14 =	vgt.f32 v2, $0.0e+00;
	v3 =	vnsel vm12, $0x0, v3;
	v4 =	vnsel vm13, $0x0, v9  }
0x107: {  	v1 =	vnsel vm14, $0x0, v1;
	vm15 =	vgt.f32 v4, v3;
	v2 =	vmax.f32 v3, v4  }
0x108: {  	v3 =	vcvt.f32.s32 v11;
	v12 =	vsel vm15, $0x1, v0;
	vm4 =	vgt.f32 v1, v2  }
0x109: {  	v1 =	vsel vm4, $0x2, v12  }
0x10a: {  	v2 =	vtrunc.f32 v7;
	vm5 =	vlt.s32 v3, $0x19;
	v4 =	vmul.u32 $0x1A, v1  }
0x10b: {  	v2 =	vcvt.f32.s32 v2;
	v3 =	vnsel vm5, $0x19, v3  }
0x10c: {  	v4 =	vadd.s32 v3, v4  }
0x10d: {  	vm6 =	vlt.s32 v2, $0x19;
	v4 =	vmul.u32 $0x1A, v4  }
0x10e: {  	v2 =	vnsel vm6, $0x19, v2  }
0x10f: {  	v4 =	vadd.s32 v2, v4  }
0x110: {  	v13 =	vshll.u32 v4, $0xC  }
0x111: {  	(v2sf) =	vpush v13, $0x0;
	_ =	sdelay $0x4  }
0x112: {  	(v2sf) =	vpush v13, $0x1;
	_ =	sdelay $0x2  }
0x113: {  	(v2sf) =	vpush v13, $0x2;
	_ =	sdelay $0x6  }
0x114: {  	s26 =	spop (v2sf);
	(v2sf) =	vpush v13, $0x3;
	_ =	sdelay $0x4  }
0x115: {  	s28 =	spop (v2sf);
	(v2sf) =	vpush v13, $0x4;
	_ =	sdelay $0x2  }
0x116: {  	s30 =	spop (v2sf);
	(v2sf) =	vpush v13, $0x5;
	_ =	sdelay $0x1  }
0x117: {  	[tilespmem:$0x280] =	vst v1  }
0x118: {  	[tilespmem:$0x300] =	vst v3;
	s14 =	sor.u32 s6, s26  }
0x119: {  	[tilespmem:$0x380] =	vst v2;
	s14 =	sshrl.u32 s14, $0x3  }
0x11a: {  	[tilespmem:$0x200] =	vst v4;
	s14 =	sadd.s32 s3, s14  }
0x11b: {  	[tilespmem:s11], [sflag:$0x1] =	stream.linear.gather [hbm4b:s14+s5], $0x80, $0x38;
	[tilespmem:$0x3400] =	vst v63  }
0x11c: {  	s15 =	spop (v2sf);
	(v2sf) =	vpush v13, $0x6  }
0x11d: {  	s14 =	sor.u32 s6, s28  }
0x11e: {  	s14 =	sshrl.u32 s14, $0x3  }
0x11f: {  	s29 =	rddreg [dreg:$0x1f];
	s14 =	sadd.s32 s3, s14  }
0x120: {  	[tilespmem:s29], [sflag:$0x1] =	stream.linear.gather [hbm4b:s14+s5], $0x80, $0x38;
	[tilespmem:$0x3400] =	vst v63  }
0x121: {  	s17 =	spop (v2sf);
	(v2sf) =	vpush v13, $0x7  }
0x122: {  	s31 =	sld [smem:$0x7D9];
	s14 =	sor.u32 s6, s30  }
0x123: {  	s14 =	sshrl.u32 s14, $0x3  }
0x124: {  	s14 =	sadd.s32 s3, s14;
	s19 =	spop (v2sf);
	(v2sf) =	vpush v13, $0x8  }
0x125: {  	[tilespmem:s31], [sflag:$0x1] =	stream.linear.gather [hbm4b:s14+s5], $0x80, $0x38;
	[tilespmem:$0x3400] =	vst v63  }
0x126: {  	s16 =	sld [smem:$0x7DA];
	s14 =	sor.u32 s6, s15  }
0x127: {  	s14 =	sshrl.u32 s14, $0x3  }
0x128: {  	s14 =	sadd.s32 s3, s14  }
0x129: {  	[tilespmem:s16], [sflag:$0x1] =	stream.linear.gather [hbm4b:s14+s5], $0x80, $0x38;
	[tilespmem:$0x3400] =	vst v63  }
0x12a: {  	s18 =	sld [smem:$0x7DB];
	s14 =	sor.u32 s6, s17  }
0x12b: {  	s14 =	sshrl.u32 s14, $0x3;
	s21 =	spop (v2sf);
	(v2sf) =	vpush v13, $0x9  }
0x12c: {  	s14 =	sadd.s32 s3, s14  }
0x12d: {  	[tilespmem:s18], [sflag:$0x1] =	stream.linear.gather [hbm4b:s14+s5], $0x80, $0x38;
	[tilespmem:$0x3400] =	vst v63  }
0x12e: {  	s20 =	sld [smem:$0x7DC];
	s14 =	sor.u32 s6, s19  }
0x12f: {  	s14 =	sshrl.u32 s14, $0x3  }
0x130: {  	s14 =	sadd.s32 s3, s14;
	s23 =	spop (v2sf);
	(v2sf) =	vpush v13, $0xA  }
0x131: {  	[tilespmem:s20], [sflag:$0x1] =	stream.linear.gather [hbm4b:s14+s5], $0x80, $0x38;
	[tilespmem:$0x3400] =	vst v63  }
0x132: {  	s22 =	sld [smem:$0x7DD];
	s14 =	sor.u32 s6, s21  }
0x133: {  	s14 =	sshrl.u32 s14, $0x3;
	s25 =	spop (v2sf);
	(v2sf) =	vpush v13, $0xB  }
0x134: {  	s14 =	sadd.s32 s3, s14  }
0x135: {  	[tilespmem:s22], [sflag:$0x1] =	stream.linear.gather [hbm4b:s14+s5], $0x80, $0x38;
	[tilespmem:$0x3400] =	vst v63  }
0x136: {  	s24 =	sld [smem:$0x7DE];
	s14 =	sor.u32 s6, s23  }
0x137: {  	s14 =	sshrl.u32 s14, $0x3  }
0x138: {  	s14 =	sadd.s32 s3, s14  }
0x139: {  	[tilespmem:s24], [sflag:$0x1] =	stream.linear.gather [hbm4b:s14+s5], $0x80, $0x38;
	[tilespmem:$0x3400] =	vst v63  }
0x13a: {  	s28 =	spop (v2sf);
	(v2sf) =	vpush v13, $0xC  }
0x13b: {  	s26 =	sld [smem:$0x7DF];
	s14 =	sor.u32 s6, s25  }
0x13c: {  	s14 =	sshrl.u32 s14, $0x3  }
0x13d: {  	s14 =	sadd.s32 s3, s14  }
0x13e: {  	[tilespmem:s26], [sflag:$0x1] =	stream.linear.gather [hbm4b:s14+s5], $0x80, $0x38;
	[tilespmem:$0x3400] =	vst v63  }
0x13f: {  	s30 =	spop (v2sf);
	(v2sf) =	vpush v13, $0xD  }
0x140: {  	s29 =	sld [smem:$0x7E0];
	s14 =	sor.u32 s6, s28  }
0x141: {  	s14 =	sshrl.u32 s14, $0x3  }
0x142: {  	s15 =	spop (v2sf);
	s14 =	sadd.s32 s3, s14  }
0x143: {  	(v2sf) =	vpush v13, $0xE;
	[tilespmem:s29], [sflag:$0x1] =	stream.linear.gather [hbm4b:s14+s5], $0x80, $0x38;
	[tilespmem:$0x3400] =	vst v63  }
0x144: {  	s31 =	sld [smem:$0x7E1];
	s14 =	sor.u32 s6, s30  }
0x145: {  	s14 =	sshrl.u32 s14, $0x3  }
0x146: {  	s14 =	sadd.s32 s3, s14  }
0x147: {  	[tilespmem:s31], [sflag:$0x1] =	stream.linear.gather [hbm4b:s14+s5], $0x80, $0x38;
	[tilespmem:$0x3400] =	vst v63  }
0x148: {  	s16 =	sld [smem:$0x7E2];
	s14 =	sor.u32 s6, s15  }
0x149: {  	s14 =	sshrl.u32 s14, $0x3;
	s17 =	spop (v2sf);
	(v2sf) =	vpush v13, $0xF  }
0x14a: {  	s14 =	sadd.s32 s3, s14  }
0x14b: {  	[tilespmem:s16], [sflag:$0x1] =	stream.linear.gather [hbm4b:s14+s5], $0x80, $0x38;
	[tilespmem:$0x3400] =	vst v63  }
0x14c: {  	s18 =	sld [smem:$0x7E3];
	s14 =	sor.u32 s6, s17  }
0x14d: {  	s14 =	sshrl.u32 s14, $0x3  }
0x14e: {  	s19 =	spop (v2sf);
	s14 =	sadd.s32 s3, s14  }
0x14f: {  	[tilespmem:s18], [sflag:$0x1] =	stream.linear.gather [hbm4b:s14+s5], $0x80, $0x38;
	[tilespmem:$0x3400] =	vst v63  }
0x150: {  	s20 =	sld [smem:$0x7E4];
	s14 =	sor.u32 s6, s19  }
0x151: {  	s14 =	sshrl.u32 s14, $0x3  }
0x152: {  	s21 =	spop (v2sf);
	s14 =	sadd.s32 s3, s14  }
0x153: {  	[tilespmem:s20], [sflag:$0x1] =	stream.linear.gather [hbm4b:s14+s5], $0x80, $0x38;
	[tilespmem:$0x3400] =	vst v63  }
0x154: {  	s22 =	sld [smem:$0x7E5];
	s14 =	sor.u32 s6, s21  }
0x155: {  	s14 =	sshrl.u32 s14, $0x3  }
0x156: {  	s14 =	sadd.s32 s3, s14  }
0x157: {  	[tilespmem:s22], [sflag:$0x1] =	stream.linear.gather [hbm4b:s14+s5], $0x80, $0x38;
	[tilespmem:$0x3400] =	vst v63  }
0x158: {  	s23 =	spop (v2sf)  }
0x159: {  	s24 =	sld [smem:$0x7E6];
	s14 =	sor.u32 s6, s23  }
0x15a: {  	s14 =	sshrl.u32 s14, $0x3  }
0x15b: {  	s14 =	sadd.s32 s3, s14  }
0x15c: {  	[tilespmem:s24], [sflag:$0x1] =	stream.linear.gather [hbm4b:s14+s5], $0x80, $0x38;
	[tilespmem:$0x3400] =	vst v63  }
0x15d: {  	v1 =	vld [tilespmem:$0x110]  }
0x15e: {  	v2 =	vld [tilespmem:$0x190];
	_ =	sdelay $0x3  }
0x15f: {  	v1 =	vmul.f32 $2.600000000e+01, v1  }
0x160: {  	v2 =	vmul.f32 $2.600000000e+01, v2  }
0x161: {  	v3 =	vmin.f32 v1, $1.875000000e+00  }
0x162: {  	v14 =	vmin.f32 v2, $3.812500000e+00;
	v15 =	vadd.f32 $7.148437500e+00, v1;
	v16 =	vmin.f32 v1, $3.875000000e+00  }
0x163: {  	v17 =	vmin.f32 v2, $2.812500000e+00;
	v18 =	vadd.f32 $1.089843750e+01, v1;
	v19 =	vadd.f32 $2.742578130e+01, v1  }
0x164: {  	v1 =	vmin.f32 v1, $3.687500000e+00;
	v3 =	vmul.f32 v14, v3;
	v4 =	vadd.f32 v2, v15  }
0x165: {  	v20 =	vmin.f32 v2, $7.437500000e+00;
	v5 =	vmul.f32 v17, v16;
	v7 =	vadd.f32 v2, v18  }
0x166: {  	v1 =	vmul.f32 v20, v1;
	v2 =	vadd.f32 v2, v19;
	v4 =	vsub.f32 v4, v3  }
0x167: {  	v21 =	vsub.f32 v7, v5  }
0x168: {  	v2 =	vsub.f32 v2, v1;
	(erf) = vrcp.f32 v4  }
0x169: {  	(erf) = vrcp.f32 v21  }
0x16a: {  	(erf) = vrcp.f32 v2  }
0x16b: {  	v23 =	vld [tilespmem:$0x90];
	_ =	sdelay $0x1  }
0x16c: {  	v22 =	vld [tilespmem:$0x10];
	_ =	sdelay $0x2  }
0x16d: {  	v8 =	vmul.f32 $2.600000000e+01, v23  }
0x16e: {  	v24 =	vpop (erf)  }
0x16f: {  	v28 =	vtrunc.f32 v8;
	v7 =	vmul.f32 $2.600000000e+01, v22;
	v25 =	vpop (erf)  }
0x170: {  	v3 =	vmul.f32 v24, v3;
	v26 =	vmul.f32 v25, v5;
	v27 =	vpop (erf)  }
0x171: {  	vm7 =	vgt.f32 v4, $0.0e+00;
	vm8 =	vgt.f32 v21, $0.0e+00;
	v1 =	vmul.f32 v27, v1  }
0x172: {  	vm9 =	vgt.f32 v2, $0.0e+00;
	v3 =	vnsel vm7, $0x0, v3;
	v4 =	vnsel vm8, $0x0, v26  }
0x173: {  	v1 =	vnsel vm9, $0x0, v1;
	vm10 =	vgt.f32 v4, v3;
	v2 =	vmax.f32 v3, v4  }
0x174: {  	v3 =	vcvt.f32.s32 v28;
	v29 =	vsel vm10, $0x1, v0;
	vm11 =	vgt.f32 v1, v2  }
0x175: {  	v1 =	vsel vm11, $0x2, v29  }
0x176: {  	v2 =	vtrunc.f32 v7;
	vm12 =	vlt.s32 v3, $0x19;
	v4 =	vmul.u32 $0x1A, v1  }
0x177: {  	v2 =	vcvt.f32.s32 v2;
	v3 =	vnsel vm12, $0x19, v3  }
0x178: {  	v4 =	vadd.s32 v3, v4  }
0x179: {  	vm13 =	vlt.s32 v2, $0x19;
	v4 =	vmul.u32 $0x1A, v4  }
0x17a: {  	v2 =	vnsel vm13, $0x19, v2  }
0x17b: {  	v4 =	vadd.s32 v2, v4  }
0x17c: {  	v30 =	vshll.u32 v4, $0xC  }
0x17d: {  	(v2sf) =	vpush v30, $0x0;
	_ =	sdelay $0x4  }
0x17e: {  	(v2sf) =	vpush v30, $0x1;
	_ =	sdelay $0x3  }
0x17f: {  	(v2sf) =	vpush v30, $0x2;
	_ =	sdelay $0x5  }
0x180: {  	s25 =	spop (v2sf);
	(v2sf) =	vpush v30, $0x3;
	_ =	sdelay $0x1  }
0x181: {  	[tilespmem:$0x290] =	vst v1  }
0x182: {  	s26 =	sld [smem:$0x7E7];
	[tilespmem:$0x310] =	vst v3;
	s14 =	sor.u32 s6, s25  }
0x183: {  	[tilespmem:$0x390] =	vst v2;
	s14 =	sshrl.u32 s14, $0x3  }
0x184: {  	[tilespmem:$0x210] =	vst v4;
	s28 =	spop (v2sf);
	s14 =	sadd.s32 s3, s14  }
0x185: {  	[tilespmem:s26], [sflag:$0x1] =	stream.linear.gather [hbm4b:s14+s5], $0x80, $0x38;
	[tilespmem:$0x3400] =	vst v63  }
0x186: {  	s29 =	sld [smem:$0x7E8];
	s14 =	sor.u32 s6, s28  }
0x187: {  	s14 =	sshrl.u32 s14, $0x3  }
0x188: {  	s30 =	spop (v2sf);
	s14 =	sadd.s32 s3, s14  }
0x189: {  	[tilespmem:s29], [sflag:$0x1] =	stream.linear.gather [hbm4b:s14+s5], $0x80, $0x38;
	[tilespmem:$0x3400] =	vst v63  }
0x18a: {  	s31 =	sld [smem:$0x7E9];
	s14 =	sor.u32 s6, s30  }
0x18b: {  	s14 =	sshrl.u32 s14, $0x3  }
0x18c: {  	s14 =	sadd.s32 s3, s14  }
0x18d: {  	[tilespmem:s31], [sflag:$0x1] =	stream.linear.gather [hbm4b:s14+s5], $0x80, $0x38;
	[tilespmem:$0x3400] =	vst v63  }
0x18e: {  	s15 =	spop (v2sf)  }
0x18f: {  	s16 =	sld [smem:$0x7EA];
	s14 =	sor.u32 s6, s15  }
0x190: {  	s14 =	sshrl.u32 s14, $0x3  }
0x191: {  	s14 =	sadd.s32 s3, s14  }
0x192: {  	[tilespmem:s16], [sflag:$0x1] =	stream.linear.gather [hbm4b:s14+s5], $0x80, $0x38;
	[tilespmem:$0x3400] =	vst v63  }
0x193: {  	s17 =	rddreg [dreg:$0x7]  }
0x194: {  	[hbm4b:s17+s5] =	stream.linear.scatter [tilespmem:s10], [sflag:$0x2], $0x200, $0x38;
	[tilespmem:$0x3400] =	vst v63  }
0x195: {  	_ =	swait.ge [sflag:s8], $0x200  }
0x196: {  	[sflag:s8] =	ssyncset.done $0x0  }
0x197: {  	[sflag:s8] =	ssyncadd.s32 $0xFFFFFE00  }
0x198: {  	v1 =	vld [tilespmem:$0x100]  }
0x199: {  	v2 =	vld [tilespmem:$0x180];
	_ =	sdelay $0x3  }
0x19a: {  	v1 =	vmul.f32 $5.200000000e+01, v1  }
0x19b: {  	v2 =	vmul.f32 $5.200000000e+01, v2  }
0x19c: {  	v3 =	vmin.f32 v1, $1.250000000e+00  }
0x19d: {  	v31 =	vmin.f32 v2, $1.625000000e+00;
	v32 =	vadd.f32 $2.031250000e+00, v1;
	v33 =	vmin.f32 v1, $2.000000000e+00  }
0x19e: {  	v34 =	vmin.f32 v2, $3.750000000e+00;
	v35 =	vadd.f32 $7.500000000e+00, v1;
	v36 =	vadd.f32 $1.185937500e+01, v1  }
0x19f: {  	v1 =	vmin.f32 v1, $4.125000000e+00;
	v3 =	vmul.f32 v31, v3;
	v4 =	vadd.f32 v2, v32  }
0x1a0: {  	v37 =	vmin.f32 v2, $2.875000000e+00;
	v5 =	vmul.f32 v34, v33;
	v7 =	vadd.f32 v2, v35  }
0x1a1: {  	v1 =	vmul.f32 v37, v1;
	v2 =	vadd.f32 v2, v36;
	v4 =	vsub.f32 v4, v3  }
0x1a2: {  	v38 =	vsub.f32 v7, v5  }
0x1a3: {  	v2 =	vsub.f32 v2, v1;
	(erf) = vrcp.f32 v4  }
0x1a4: {  	(erf) = vrcp.f32 v38  }
0x1a5: {  	(erf) = vrcp.f32 v2  }
0x1a6: {  	v40 =	vld [tilespmem:$0x80];
	_ =	sdelay $0x1  }
0x1a7: {  	v39 =	vld [tilespmem:$0x0];
	_ =	sdelay $0x2  }
0x1a8: {  	v8 =	vmul.f32 $5.200000000e+01, v40  }
0x1a9: {  	v41 =	vpop (erf)  }
0x1aa: {  	v45 =	vtrunc.f32 v8;
	v7 =	vmul.f32 $5.200000000e+01, v39;
	v42 =	vpop (erf)  }
0x1ab: {  	v3 =	vmul.f32 v41, v3;
	v43 =	vmul.f32 v42, v5;
	v44 =	vpop (erf)  }
0x1ac: {  	vm14 =	vgt.f32 v4, $0.0e+00;
	vm15 =	vgt.f32 v38, $0.0e+00;
	v1 =	vmul.f32 v44, v1  }
0x1ad: {  	vm4 =	vgt.f32 v2, $0.0e+00;
	v3 =	vnsel vm14, $0x0, v3;
	v4 =	vnsel vm15, $0x0, v43  }
0x1ae: {  	v1 =	vnsel vm4, $0x0, v1;
	vm5 =	vgt.f32 v4, v3;
	v2 =	vmax.f32 v3, v4  }
0x1af: {  	v3 =	vcvt.f32.s32 v45;
	v46 =	vsel vm5, $0x1, v0;
	vm6 =	vgt.f32 v1, v2  }
0x1b0: {  	v1 =	vsel vm6, $0x2, v46  }
0x1b1: {  	v2 =	vtrunc.f32 v7;
	vm7 =	vlt.s32 v3, $0x33;
	v4 =	vmul.u32 $0x34, v1  }
0x1b2: {  	v2 =	vcvt.f32.s32 v2;
	v3 =	vnsel vm7, $0x33, v3  }
0x1b3: {  	v4 =	vadd.s32 v3, v4  }
0x1b4: {  	vm8 =	vlt.s32 v2, $0x33;
	v4 =	vmul.u32 $0x34, v4  }
0x1b5: {  	v2 =	vnsel vm8, $0x33, v2  }
0x1b6: {  	v4 =	vadd.s32 v2, v4  }
0x1b7: {  	v47 =	vshll.u32 v4, $0xC  }
0x1b8: {  	(v2sf) =	vpush v47, $0x0;
	_ =	sdelay $0x4  }
0x1b9: {  	(v2sf) =	vpush v47, $0x1;
	_ =	sdelay $0x2  }
0x1ba: {  	(v2sf) =	vpush v47, $0x2;
	_ =	sdelay $0x6  }
0x1bb: {  	s18 =	spop (v2sf);
	(v2sf) =	vpush v47, $0x3;
	_ =	sdelay $0x4  }
0x1bc: {  	s19 =	spop (v2sf);
	(v2sf) =	vpush v47, $0x4;
	_ =	sdelay $0x2  }
0x1bd: {  	s21 =	spop (v2sf);
	(v2sf) =	vpush v47, $0x5;
	_ =	sdelay $0x1  }
0x1be: {  	[tilespmem:$0x280] =	vst v1  }
0x1bf: {  	[tilespmem:$0x300] =	vst v3;
	s14 =	sor.u32 s6, s18  }
0x1c0: {  	[tilespmem:$0x380] =	vst v2;
	s14 =	sshrl.u32 s14, $0x3  }
0x1c1: {  	[tilespmem:$0x200] =	vst v4;
	s14 =	sadd.s32 s4, s14  }
0x1c2: {  	[tilespmem:s12], [sflag:$0x1] =	stream.linear.gather [hbm4b:s14+s5], $0x80, $0x38;
	[tilespmem:$0x3400] =	vst v63  }
0x1c3: {  	s23 =	spop (v2sf);
	(v2sf) =	vpush v47, $0x6  }
0x1c4: {  	s20 =	sld [smem:$0x7EB];
	s14 =	sor.u32 s6, s19  }
0x1c5: {  	s14 =	sshrl.u32 s14, $0x3  }
0x1c6: {  	s14 =	sadd.s32 s4, s14  }
0x1c7: {  	[tilespmem:s20], [sflag:$0x1] =	stream.linear.gather [hbm4b:s14+s5], $0x80, $0x38;
	[tilespmem:$0x3400] =	vst v63  }
0x1c8: {  	s25 =	spop (v2sf);
	(v2sf) =	vpush v47, $0x7  }
0x1c9: {  	s22 =	sld [smem:$0x7EC];
	s14 =	sor.u32 s6, s21  }
0x1ca: {  	s14 =	sshrl.u32 s14, $0x3  }
0x1cb: {  	s14 =	sadd.s32 s4, s14;
	s28 =	spop (v2sf);
	(v2sf) =	vpush v47, $0x8  }
0x1cc: {  	[tilespmem:s22], [sflag:$0x1] =	stream.linear.gather [hbm4b:s14+s5], $0x80, $0x38;
	[tilespmem:$0x3400] =	vst v63  }
0x1cd: {  	s24 =	sld [smem:$0x7ED];
	s14 =	sor.u32 s6, s23  }
0x1ce: {  	s14 =	sshrl.u32 s14, $0x3  }
0x1cf: {  	s14 =	sadd.s32 s4, s14  }
0x1d0: {  	[tilespmem:s24], [sflag:$0x1] =	stream.linear.gather [hbm4b:s14+s5], $0x80, $0x38;
	[tilespmem:$0x3400] =	vst v63  }
0x1d1: {  	s26 =	sld [smem:$0x7EE];
	s14 =	sor.u32 s6, s25  }
0x1d2: {  	s14 =	sshrl.u32 s14, $0x3;
	s30 =	spop (v2sf);
	(v2sf) =	vpush v47, $0x9  }
0x1d3: {  	s14 =	sadd.s32 s4, s14  }
0x1d4: {  	[tilespmem:s26], [sflag:$0x1] =	stream.linear.gather [hbm4b:s14+s5], $0x80, $0x38;
	[tilespmem:$0x3400] =	vst v63  }
0x1d5: {  	s29 =	sld [smem:$0x7EF];
	s14 =	sor.u32 s6, s28  }
0x1d6: {  	s14 =	sshrl.u32 s14, $0x3  }
0x1d7: {  	s14 =	sadd.s32 s4, s14;
	s15 =	spop (v2sf);
	(v2sf) =	vpush v47, $0xA  }
0x1d8: {  	[tilespmem:s29], [sflag:$0x1] =	stream.linear.gather [hbm4b:s14+s5], $0x80, $0x38;
	[tilespmem:$0x3400] =	vst v63  }
0x1d9: {  	s31 =	sld [smem:$0x7F0];
	s14 =	sor.u32 s6, s30  }
0x1da: {  	s14 =	sshrl.u32 s14, $0x3;
	s17 =	spop (v2sf);
	(v2sf) =	vpush v47, $0xB  }
0x1db: {  	s14 =	sadd.s32 s4, s14  }
0x1dc: {  	[tilespmem:s31], [sflag:$0x1] =	stream.linear.gather [hbm4b:s14+s5], $0x80, $0x38;
	[tilespmem:$0x3400] =	vst v63  }
0x1dd: {  	s16 =	sld [smem:$0x7F1];
	s14 =	sor.u32 s6, s15  }
0x1de: {  	s14 =	sshrl.u32 s14, $0x3  }
0x1df: {  	s14 =	sadd.s32 s4, s14  }
0x1e0: {  	[tilespmem:s16], [sflag:$0x1] =	stream.linear.gather [hbm4b:s14+s5], $0x80, $0x38;
	[tilespmem:$0x3400] =	vst v63  }
0x1e1: {  	s19 =	spop (v2sf);
	(v2sf) =	vpush v47, $0xC  }
0x1e2: {  	s18 =	sld [smem:$0x7F2];
	s14 =	sor.u32 s6, s17  }
0x1e3: {  	s14 =	sshrl.u32 s14, $0x3  }
0x1e4: {  	s14 =	sadd.s32 s4, s14  }
0x1e5: {  	[tilespmem:s18], [sflag:$0x1] =	stream.linear.gather [hbm4b:s14+s5], $0x80, $0x38;
	[tilespmem:$0x3400] =	vst v63  }
0x1e6: {  	s21 =	spop (v2sf);
	(v2sf) =	vpush v47, $0xD  }
0x1e7: {  	s20 =	sld [smem:$0x7F3];
	s14 =	sor.u32 s6, s19  }
0x1e8: {  	s14 =	sshrl.u32 s14, $0x3  }
0x1e9: {  	s23 =	spop (v2sf);
	s14 =	sadd.s32 s4, s14  }
0x1ea: {  	(v2sf) =	vpush v47, $0xE;
	[tilespmem:s20], [sflag:$0x1] =	stream.linear.gather [hbm4b:s14+s5], $0x80, $0x38;
	[tilespmem:$0x3400] =	vst v63  }
0x1eb: {  	s22 =	sld [smem:$0x7F4];
	s14 =	sor.u32 s6, s21  }
0x1ec: {  	s14 =	sshrl.u32 s14, $0x3  }
0x1ed: {  	s14 =	sadd.s32 s4, s14  }
0x1ee: {  	[tilespmem:s22], [sflag:$0x1] =	stream.linear.gather [hbm4b:s14+s5], $0x80, $0x38;
	[tilespmem:$0x3400] =	vst v63  }
0x1ef: {  	s24 =	sld [smem:$0x7F5];
	s14 =	sor.u32 s6, s23  }
0x1f0: {  	s14 =	sshrl.u32 s14, $0x3;
	s25 =	spop (v2sf);
	(v2sf) =	vpush v47, $0xF  }
0x1f1: {  	s14 =	sadd.s32 s4, s14  }
0x1f2: {  	[tilespmem:s24], [sflag:$0x1] =	stream.linear.gather [hbm4b:s14+s5], $0x80, $0x38;
	[tilespmem:$0x3400] =	vst v63  }
0x1f3: {  	s26 =	sld [smem:$0x7F6];
	s14 =	sor.u32 s6, s25  }
0x1f4: {  	s14 =	sshrl.u32 s14, $0x3  }
0x1f5: {  	s28 =	spop (v2sf);
	s14 =	sadd.s32 s4, s14  }
0x1f6: {  	[tilespmem:s26], [sflag:$0x1] =	stream.linear.gather [hbm4b:s14+s5], $0x80, $0x38;
	[tilespmem:$0x3400] =	vst v63  }
0x1f7: {  	s29 =	sld [smem:$0x7F7];
	s14 =	sor.u32 s6, s28  }
0x1f8: {  	s14 =	sshrl.u32 s14, $0x3  }
0x1f9: {  	s30 =	spop (v2sf);
	s14 =	sadd.s32 s4, s14  }
0x1fa: {  	[tilespmem:s29], [sflag:$0x1] =	stream.linear.gather [hbm4b:s14+s5], $0x80, $0x38;
	[tilespmem:$0x3400] =	vst v63  }
0x1fb: {  	s31 =	sld [smem:$0x7F8];
	s14 =	sor.u32 s6, s30  }
0x1fc: {  	s14 =	sshrl.u32 s14, $0x3  }
0x1fd: {  	s14 =	sadd.s32 s4, s14  }
0x1fe: {  	[tilespmem:s31], [sflag:$0x1] =	stream.linear.gather [hbm4b:s14+s5], $0x80, $0x38;
	[tilespmem:$0x3400] =	vst v63  }
0x1ff: {  	s15 =	spop (v2sf)  }
0x200: {  	s16 =	sld [smem:$0x7F9];
	s14 =	sor.u32 s6, s15  }
0x201: {  	s14 =	sshrl.u32 s14, $0x3  }
0x202: {  	s14 =	sadd.s32 s4, s14  }
0x203: {  	[tilespmem:s16], [sflag:$0x1] =	stream.linear.gather [hbm4b:s14+s5], $0x80, $0x38;
	[tilespmem:$0x3400] =	vst v63  }
0x204: {  	v1 =	vld [tilespmem:$0x110]  }
0x205: {  	v2 =	vld [tilespmem:$0x190];
	_ =	sdelay $0x3  }
0x206: {  	v1 =	vmul.f32 $5.200000000e+01, v1  }
0x207: {  	v2 =	vmul.f32 $5.200000000e+01, v2  }
0x208: {  	v3 =	vadd.f32 $2.031250000e+00, v1  }
0x209: {  	v48 =	vmin.f32 v1, $1.250000000e+00;
	v49 =	vmin.f32 v2, $1.625000000e+00;
	v50 =	vmin.f32 v1, $2.000000000e+00  }
0x20a: {  	v51 =	vmin.f32 v2, $3.750000000e+00;
	v52 =	vadd.f32 $7.500000000e+00, v1;
	v53 =	vadd.f32 $1.185937500e+01, v1  }
0x20b: {  	v1 =	vmin.f32 v1, $4.125000000e+00;
	v4 =	vmul.f32 v49, v48;
	v3 =	vadd.f32 v2, v3  }
0x20c: {  	v54 =	vmin.f32 v2, $2.875000000e+00;
	v5 =	vmul.f32 v51, v50;
	v7 =	vadd.f32 v2, v52  }
0x20d: {  	v1 =	vmul.f32 v54, v1;
	v2 =	vadd.f32 v2, v53;
	v3 =	vsub.f32 v3, v4  }
0x20e: {  	v55 =	vsub.f32 v7, v5  }
0x20f: {  	v2 =	vsub.f32 v2, v1;
	(erf) = vrcp.f32 v3  }
0x210: {  	(erf) = vrcp.f32 v55  }
0x211: {  	(erf) = vrcp.f32 v2;
	_ =	sdelay $0x1  }
0x212: {  	v56 =	vld [tilespmem:$0x90]  }
0x213: {  	v57 =	vld [tilespmem:$0x10];
	_ =	sdelay $0x3  }
0x214: {  	v58 =	vpop (erf)  }
0x215: {  	v60 =	vmul.f32 $5.200000000e+01, v56;
	v8 =	vmul.f32 $5.200000000e+01, v57;
	v59 =	vpop (erf)  }
0x216: {  	vm9 =	vgt.f32 v3, $0.0e+00;
	v4 =	vmul.f32 v58, v4;
	v5 =	vmul.f32 v59, v5;
	v61 =	vpop (erf)  }
0x217: {  	vm10 =	vgt.f32 v55, $0.0e+00;
	vm11 =	vgt.f32 v2, $0.0e+00;
	v1 =	vmul.f32 v61, v1  }
0x218: {  	v3 =	vnsel vm9, $0x0, v4;
	v4 =	vtrunc.f32 v60;
	v5 =	vnsel vm10, $0x0, v5  }
0x219: {  	v1 =	vnsel vm11, $0x0, v1;
	vm12 =	vgt.f32 v5, v3;
	v2 =	vmax.f32 v3, v5  }
0x21a: {  	v3 =	vcvt.f32.s32 v4;
	v62 =	vsel vm12, $0x1, v0;
	vm13 =	vgt.f32 v1, v2  }
0x21b: {  	v1 =	vsel vm13, $0x2, v62  }
0x21c: {  	v2 =	vtrunc.f32 v8;
	vm14 =	vlt.s32 v3, $0x33;
	v4 =	vmul.u32 $0x34, v1  }
0x21d: {  	v2 =	vcvt.f32.s32 v2;
	v3 =	vnsel vm14, $0x33, v3  }
0x21e: {  	v4 =	vadd.s32 v3, v4  }
0x21f: {  	vm15 =	vlt.s32 v2, $0x33;
	v4 =	vmul.u32 $0x34, v4  }
0x220: {  	v2 =	vnsel vm15, $0x33, v2  }
0x221: {  	v4 =	vadd.s32 v2, v4  }
0x222: {  	v63 =	vshll.u32 v4, $0xC  }
0x223: {  	(v2sf) =	vpush v63, $0x0;
	_ =	sdelay $0x1  }
0x224: {  	(v2sf) =	vpush v63, $0x1;
	_ =	sdelay $0x2  }
0x225: {  	(v2sf) =	vpush v63, $0x2;
	_ =	sdelay $0x3  }
0x226: {  	(v2sf) =	vpush v63, $0x3;
	_ =	sdelay $0x5  }
0x227: {  	[tilespmem:$0x290] =	vst v1;
	s17 =	spop (v2sf)  }
0x228: {  	s18 =	sld [smem:$0x7FA];
	[tilespmem:$0x310] =	vst v3;
	s14 =	sor.u32 s6, s17  }
0x229: {  	[tilespmem:$0x390] =	vst v2;
	s19 =	spop (v2sf);
	s14 =	sshrl.u32 s14, $0x3  }
0x22a: {  	s21 =	sld [smem:$0x7FB];
	[tilespmem:$0x210] =	vst v4;
	s20 =	sor.u32 s6, s19;
	s14 =	sadd.s32 s4, s14  }
0x22b: {  	[tilespmem:s18], [sflag:$0x1] =	stream.linear.gather [hbm4b:s14+s5], $0x80, $0x38;
	[tilespmem:$0x3400] =	vst v63  }
0x22c: {  	s22 =	spop (v2sf);
	s14 =	sshrl.u32 s20, $0x3  }
0x22d: {  	s24 =	sld [smem:$0x7FC];
	s23 =	sor.u32 s6, s22;
	s14 =	sadd.s32 s4, s14  }
0x22e: {  	[tilespmem:s21], [sflag:$0x1] =	stream.linear.gather [hbm4b:s14+s5], $0x80, $0x38;
	[tilespmem:$0x3400] =	vst v63  }
0x22f: {  	s14 =	sshrl.u32 s23, $0x3  }
0x230: {  	s25 =	spop (v2sf);
	s14 =	sadd.s32 s4, s14  }
0x231: {  	[tilespmem:s24], [sflag:$0x1] =	stream.linear.gather [hbm4b:s14+s5], $0x80, $0x38;
	[tilespmem:$0x3400] =	vst v63  }
0x232: {  	s26 =	sld [smem:$0x7FD];
	s14 =	sor.u32 s6, s25  }
0x233: {  	s14 =	sshrl.u32 s14, $0x3  }
0x234: {  	s14 =	sadd.s32 s4, s14  }
0x235: {  	[tilespmem:s26], [sflag:$0x1] =	stream.linear.gather [hbm4b:s14+s5], $0x80, $0x38;
	[tilespmem:$0x3400] =	vst v63  }
0x236: {  	s28 =	rddreg [dreg:$0x8]  }
0x237: {  	[hbm4b:s28+s5] =	stream.linear.scatter [tilespmem:s10], [sflag:$0x2], $0x200, $0x38;
	[tilespmem:$0x3400] =	vst v63  }
0x238: {  	_ =	swait.ge [sflag:s8], $0x200  }
0x239: {  	[sflag:s8] =	ssyncset.done $0x0  }
0x23a: {  	[sflag:s8] =	ssyncadd.s32 $0xFFFFFE00  }
0x23b: {  	_ =	swait.ge [sflag:s13], $0x80  }
0x23c: {  	[sflag:s13] =	ssyncset.done $0x0  }
0x23d: {  	[sflag:s13] =	ssyncadd.s32 $0xFFFFFF80  }
0x23e: {  	_ =	swait.ge [sflag:s13], $0x80  }
0x23f: {  	[sflag:s13] =	ssyncset.done $0x0  }
0x240: {  	[sflag:s13] =	ssyncadd.s32 $0xFFFFFF80  }
0x241: {  	_ =	swait.ge [sflag:s13], $0x80  }
0x242: {  	[sflag:s13] =	ssyncset.done $0x0  }
0x243: {  	[sflag:s13] =	ssyncadd.s32 $0xFFFFFF80  }
0x244: {  	_ =	swait.ge [sflag:s13], $0x80  }
0x245: {  	[sflag:s13] =	ssyncset.done $0x0  }
0x246: {  	[sflag:s13] =	ssyncadd.s32 $0xFFFFFF80  }
0x247: {  	_ =	swait.ge [sflag:s13], $0x80  }
0x248: {  	[sflag:s13] =	ssyncset.done $0x0  }
0x249: {  	[sflag:s13] =	ssyncadd.s32 $0xFFFFFF80  }
0x24a: {  	_ =	swait.ge [sflag:s13], $0x80  }
0x24b: {  	[sflag:s13] =	ssyncset.done $0x0  }
0x24c: {  	[sflag:s13] =	ssyncadd.s32 $0xFFFFFF80  }
0x24d: {  	_ =	swait.ge [sflag:s13], $0x80  }
0x24e: {  	[sflag:s13] =	ssyncset.done $0x0  }
0x24f: {  	[sflag:s13] =	ssyncadd.s32 $0xFFFFFF80  }
0x250: {  	_ =	swait.ge [sflag:s13], $0x80  }
0x251: {  	[sflag:s13] =	ssyncset.done $0x0  }
0x252: {  	[sflag:s13] =	ssyncadd.s32 $0xFFFFFF80  }
0x253: {  	_ =	swait.ge [sflag:s13], $0x80  }
0x254: {  	[sflag:s13] =	ssyncset.done $0x0  }
0x255: {  	[sflag:s13] =	ssyncadd.s32 $0xFFFFFF80  }
0x256: {  	_ =	swait.ge [sflag:s13], $0x80  }
0x257: {  	[sflag:s13] =	ssyncset.done $0x0  }
0x258: {  	[sflag:s13] =	ssyncadd.s32 $0xFFFFFF80  }
0x259: {  	_ =	swait.ge [sflag:s13], $0x80  }
0x25a: {  	[sflag:s13] =	ssyncset.done $0x0  }
0x25b: {  	[sflag:s13] =	ssyncadd.s32 $0xFFFFFF80  }
0x25c: {  	_ =	swait.ge [sflag:s13], $0x80  }
0x25d: {  	[sflag:s13] =	ssyncset.done $0x0  }
0x25e: {  	[sflag:s13] =	ssyncadd.s32 $0xFFFFFF80  }
0x25f: {  	_ =	swait.ge [sflag:s13], $0x80  }
0x260: {  	[sflag:s13] =	ssyncset.done $0x0  }
0x261: {  	[sflag:s13] =	ssyncadd.s32 $0xFFFFFF80  }
0x262: {  	_ =	swait.ge [sflag:s13], $0x80  }
0x263: {  	[sflag:s13] =	ssyncset.done $0x0  }
0x264: {  	[sflag:s13] =	ssyncadd.s32 $0xFFFFFF80  }
0x265: {  	_ =	swait.ge [sflag:s13], $0x80  }
0x266: {  	[sflag:s13] =	ssyncset.done $0x0  }
0x267: {  	[sflag:s13] =	ssyncadd.s32 $0xFFFFFF80  }
0x268: {  	_ =	swait.ge [sflag:s13], $0x80  }
0x269: {  	[sflag:s13] =	ssyncset.done $0x0  }
0x26a: {  	[sflag:s13] =	ssyncadd.s32 $0xFFFFFF80  }
0x26b: {  	_ =	swait.ge [sflag:s13], $0x80  }
0x26c: {  	[sflag:s13] =	ssyncset.done $0x0  }
0x26d: {  	[sflag:s13] =	ssyncadd.s32 $0xFFFFFF80  }
0x26e: {  	_ =	swait.ge [sflag:s13], $0x80  }
0x26f: {  	[sflag:s13] =	ssyncset.done $0x0  }
0x270: {  	[sflag:s13] =	ssyncadd.s32 $0xFFFFFF80  }
0x271: {  	_ =	swait.ge [sflag:s13], $0x80  }
0x272: {  	[sflag:s13] =	ssyncset.done $0x0  }
0x273: {  	[sflag:s13] =	ssyncadd.s32 $0xFFFFFF80  }
0x274: {  	_ =	swait.ge [sflag:s13], $0x80  }
0x275: {  	[sflag:s13] =	ssyncset.done $0x0  }
0x276: {  	[sflag:s13] =	ssyncadd.s32 $0xFFFFFF80  }
0x277: {  	_ =	swait.ge [sflag:s13], $0x80  }
0x278: {  	[sflag:s13] =	ssyncset.done $0x0  }
0x279: {  	[sflag:s13] =	ssyncadd.s32 $0xFFFFFF80  }
0x27a: {  	_ =	swait.ge [sflag:s13], $0x80  }
0x27b: {  	[sflag:s13] =	ssyncset.done $0x0  }
0x27c: {  	[sflag:s13] =	ssyncadd.s32 $0xFFFFFF80  }
0x27d: {  	_ =	swait.ge [sflag:s13], $0x80  }
0x27e: {  	[sflag:s13] =	ssyncset.done $0x0  }
0x27f: {  	[sflag:s13] =	ssyncadd.s32 $0xFFFFFF80  }
0x280: {  	_ =	swait.ge [sflag:s13], $0x80  }
0x281: {  	[sflag:s13] =	ssyncset.done $0x0  }
0x282: {  	[sflag:s13] =	ssyncadd.s32 $0xFFFFFF80  }
0x283: {  	_ =	swait.ge [sflag:s13], $0x80  }
0x284: {  	[sflag:s13] =	ssyncset.done $0x0  }
0x285: {  	[sflag:s13] =	ssyncadd.s32 $0xFFFFFF80  }
0x286: {  	_ =	swait.ge [sflag:s13], $0x80  }
0x287: {  	[sflag:s13] =	ssyncset.done $0x0  }
0x288: {  	[sflag:s13] =	ssyncadd.s32 $0xFFFFFF80  }
0x289: {  	_ =	swait.ge [sflag:s13], $0x80  }
0x28a: {  	[sflag:s13] =	ssyncset.done $0x0  }
0x28b: {  	[sflag:s13] =	ssyncadd.s32 $0xFFFFFF80  }
0x28c: {  	_ =	swait.ge [sflag:s13], $0x80  }
0x28d: {  	[sflag:s13] =	ssyncset.done $0x0  }
0x28e: {  	[sflag:s13] =	ssyncadd.s32 $0xFFFFFF80  }
0x28f: {  	_ =	swait.ge [sflag:s13], $0x80  }
0x290: {  	[sflag:s13] =	ssyncset.done $0x0  }
0x291: {  	[sflag:s13] =	ssyncadd.s32 $0xFFFFFF80  }
0x292: {  	_ =	swait.ge [sflag:s13], $0x80  }
0x293: {  	[sflag:s13] =	ssyncset.done $0x0  }
0x294: {  	[sflag:s13] =	ssyncadd.s32 $0xFFFFFF80  }
0x295: {  	_ =	swait.ge [sflag:s13], $0x80  }
0x296: {  	[sflag:s13] =	ssyncset.done $0x0  }
0x297: {  	[sflag:s13] =	ssyncadd.s32 $0xFFFFFF80  }
0x298: {  	_ =	swait.ge [sflag:s13], $0x80  }
0x299: {  	[sflag:s13] =	ssyncset.done $0x0  }
0x29a: {  	[sflag:s13] =	ssyncadd.s32 $0xFFFFFF80  }
0x29b: {  	_ =	swait.ge [sflag:s13], $0x80  }
0x29c: {  	[sflag:s13] =	ssyncset.done $0x0  }
0x29d: {  	[sflag:s13] =	ssyncadd.s32 $0xFFFFFF80  }
0x29e: {  	_ =	swait.ge [sflag:s13], $0x80  }
0x29f: {  	[sflag:s13] =	ssyncset.done $0x0  }
0x2a0: {  	[sflag:s13] =	ssyncadd.s32 $0xFFFFFF80  }
0x2a1: {  	_ =	swait.ge [sflag:s13], $0x80  }
0x2a2: {  	[sflag:s13] =	ssyncset.done $0x0  }
0x2a3: {  	[sflag:s13] =	ssyncadd.s32 $0xFFFFFF80  }
0x2a4: {  	_ =	swait.ge [sflag:s13], $0x80  }
0x2a5: {  	[sflag:s13] =	ssyncset.done $0x0  }
0x2a6: {  	[sflag:s13] =	ssyncadd.s32 $0xFFFFFF80  }
0x2a7: {  	_ =	swait.ge [sflag:s13], $0x80  }
0x2a8: {  	[sflag:s13] =	ssyncset.done $0x0  }
0x2a9: {  	[sflag:s13] =	ssyncadd.s32 $0xFFFFFF80  }
0x2aa: {  	_ =	swait.ge [sflag:s13], $0x80  }
0x2ab: {  	[sflag:s13] =	ssyncset.done $0x0  }
0x2ac: {  	[sflag:s13] =	ssyncadd.s32 $0xFFFFFF80  }
0x2ad: {  	_ =	swait.ge [sflag:s13], $0x80  }
0x2ae: {  	[sflag:s13] =	ssyncset.done $0x0  }
0x2af: {  	[sflag:s13] =	ssyncadd.s32 $0xFFFFFF80  }
0x2b0: {  	_ =	swait.ge [sflag:s13], $0x80  }
0x2b1: {  	[sflag:s13] =	ssyncset.done $0x0  }
0x2b2: {  	[sflag:s13] =	ssyncadd.s32 $0xFFFFFF80  }
0x2b3: {  	_ =	swait.ge [sflag:s13], $0x80  }
0x2b4: {  	[sflag:s13] =	ssyncset.done $0x0  }
0x2b5: {  	[sflag:s13] =	ssyncadd.s32 $0xFFFFFF80  }
0x2b6: {  	_ =	swait.ge [sflag:s13], $0x80  }
0x2b7: {  	[sflag:s13] =	ssyncset.done $0x0  }
0x2b8: {  	[sflag:s13] =	ssyncadd.s32 $0xFFFFFF80  }
0x2b9: {  	_ =	swait.ge [sflag:s13], $0x80  }
0x2ba: {  	[sflag:s13] =	ssyncset.done $0x0  }
0x2bb: {  	[sflag:s13] =	ssyncadd.s32 $0xFFFFFF80  }
0x2bc: {  	_ =	swait.ge [sflag:s13], $0x80  }
0x2bd: {  	[sflag:s13] =	ssyncset.done $0x0  }
0x2be: {  	[sflag:s13] =	ssyncadd.s32 $0xFFFFFF80  }
0x2bf: {  	_ =	swait.ge [sflag:s13], $0x80  }
0x2c0: {  	[sflag:s13] =	ssyncset.done $0x0  }
0x2c1: {  	[sflag:s13] =	ssyncadd.s32 $0xFFFFFF80  }
0x2c2: {  	_ =	swait.ge [sflag:s13], $0x80  }
0x2c3: {  	[sflag:s13] =	ssyncset.done $0x0  }
0x2c4: {  	[sflag:s13] =	ssyncadd.s32 $0xFFFFFF80  }
0x2c5: {  	_ =	swait.ge [sflag:s13], $0x80  }
0x2c6: {  	[sflag:s13] =	ssyncset.done $0x0  }
0x2c7: {  	[sflag:s13] =	ssyncadd.s32 $0xFFFFFF80  }
0x2c8: {  	_ =	swait.ge [sflag:s13], $0x80  }
0x2c9: {  	[sflag:s13] =	ssyncset.done $0x0  }
0x2ca: {  	[sflag:s13] =	ssyncadd.s32 $0xFFFFFF80  }
0x2cb: {  	_ =	swait.ge [sflag:s13], $0x80  }
0x2cc: {  	[sflag:s13] =	ssyncset.done $0x0  }
0x2cd: {  	[sflag:s13] =	ssyncadd.s32 $0xFFFFFF80  }
0x2ce: {  	_ =	swait.ge [sflag:s13], $0x80  }
0x2cf: {  	[sflag:s13] =	ssyncset.done $0x0  }
0x2d0: {  	[sflag:s13] =	ssyncadd.s32 $0xFFFFFF80  }
0x2d1: {  	_ =	swait.ge [sflag:s13], $0x80  }
0x2d2: {  	[sflag:s13] =	ssyncset.done $0x0  }
0x2d3: {  	[sflag:s13] =	ssyncadd.s32 $0xFFFFFF80  }
0x2d4: {  	_ =	swait.ge [sflag:s13], $0x80  }
0x2d5: {  	[sflag:s13] =	ssyncset.done $0x0  }
0x2d6: {  	[sflag:s13] =	ssyncadd.s32 $0xFFFFFF80  }
0x2d7: {  	_ =	swait.ge [sflag:s13], $0x80  }
0x2d8: {  	[sflag:s13] =	ssyncset.done $0x0  }
0x2d9: {  	[sflag:s13] =	ssyncadd.s32 $0xFFFFFF80  }
0x2da: {  	_ =	swait.ge [sflag:s13], $0x80  }
0x2db: {  	[sflag:s13] =	ssyncset.done $0x0  }
0x2dc: {  	[sflag:s13] =	ssyncadd.s32 $0xFFFFFF80  }
0x2dd: {  	_ =	swait.ge [sflag:s13], $0x80  }
0x2de: {  	[sflag:s13] =	ssyncset.done $0x0  }
0x2df: {  	[sflag:s13] =	ssyncadd.s32 $0xFFFFFF80  }
0x2e0: {  	_ =	swait.ge [sflag:s13], $0x80  }
0x2e1: {  	[sflag:s13] =	ssyncset.done $0x0  }
0x2e2: {  	[sflag:s13] =	ssyncadd.s32 $0xFFFFFF80  }
0x2e3: {  	_ =	swait.ge [sflag:s13], $0x80  }
0x2e4: {  	[sflag:s13] =	ssyncset.done $0x0  }
0x2e5: {  	[sflag:s13] =	ssyncadd.s32 $0xFFFFFF80  }
0x2e6: {  	_ =	swait.ge [sflag:s13], $0x80  }
0x2e7: {  	[sflag:s13] =	ssyncset.done $0x0  }
0x2e8: {  	[sflag:s13] =	ssyncadd.s32 $0xFFFFFF80  }
0x2e9: {  	_ =	swait.ge [sflag:s13], $0x80  }
0x2ea: {  	[sflag:s13] =	ssyncset.done $0x0  }
0x2eb: {  	[sflag:s13] =	ssyncadd.s32 $0xFFFFFF80  }
0x2ec: {  	_ =	swait.ge [sflag:s13], $0x80  }
0x2ed: {  	[sflag:s13] =	ssyncset.done $0x0  }
0x2ee: {  	s29 =	rddreg [dreg:$0x9];
	[sflag:s13] =	ssyncadd.s32 $0xFFFFFF80  }
0x2ef: {  	[hbm4b:s29+s5] =	stream.linear.scatter [tilespmem:s9], [sflag:$0x2], $0x1000, $0x38;
	[tilespmem:$0x3400] =	vst v63  }
0x2f0: {  	_ =	swait.ge [sflag:s8], $0x1000  }
0x2f1: {  	[sflag:s8] =	ssyncset.done $0x0  }
0x2f2: {  	s30 =	rddreg [dreg:$0xa];
	[sflag:s8] =	ssyncadd.s32 $0xFFFFF000  }
0x2f3: {  	[hbm4b:s30+s5] =	stream.linear.scatter [tilespmem:s11], [sflag:$0x2], $0x1000, $0x38;
	[tilespmem:$0x3400] =	vst v63  }
0x2f4: {  	_ =	swait.ge [sflag:s8], $0x1000  }
0x2f5: {  	p0 =	sne.s32 s7, $0x1;
	[sflag:s8] =	ssyncset.done $0x0  }
.Ltmp0:
0x2f6: {  	s31 =	rddreg [dreg:$0xb];
	[sflag:s8] =	ssyncadd.s32 $0xFFFFF000;
	(pc) =	sbr.rel @p0 .LBB2_1-.Ltmp0, $4  }
0x2f7: {  	[hbm4b:s31+s5] =	stream.linear.scatter [tilespmem:s12], [sflag:$0x2], $0x1000, $0x38;
	[tilespmem:$0x3400] =	vst v63  }
0x2f8: {  	_ =	swait.ge [sflag:s8], $0x1000  }
0x2f9: {  	[sflag:s8] =	ssyncset.done $0x0  }
0x2fa: {  	s7 =	sadd.s32 $0xFFFFFFFF, s7;
	[sflag:s8] =	ssyncadd.s32 $0xFFFFF000  }
0x2fb: {  	_ =	sfence.sel $0x180000  }
0x2fc: {  	[bflag:$0x0] =	sbarrier.arrive $0xFFFF  }
0x2fd: {  	p0 =	sne.s32 s0, $0x0;
	_ =	strace $0x90000047  }
0x2fe: {  	s0 =	sadd.s32 @!p0 $0x100000, s2;
	[bflag:$0x2] =	sbarrier.arrive $0xFFFF  }
0x2ff: {  	[sflag:s0] =	ssyncadd.tile.s32 @!p0 $0x1;
	_ =	shalt  }
.Lfunc_end2:
_tile_overlayer_lowered:
.L_overlay_start_2:
0x300: {  	(tag) =	ssettag $0x2  }
0x301: {  	s0 =	rddreg [dreg:$0x0];
	s2 =	stileid.u32  }
0x302: {  	s1 =	rddreg [dreg:$0x1];
	p0 =	sne.s32 s2, $0x0  }
0x303: {  	s3 =	rddreg [dreg:$0x2];
	[bflag:$0x3] =	sbarrier.arrive $0xFFFF;
	s2 =	simm.s32 @!p0 $0x1C02  }
0x304: {  	[timem:s3], [sflag:s2] =	dma.local @!p0 [hbm:s0], s1  }
0x305: {  	s0 =	simm.s32 @!p0 $0x2  }
0x306: {  	_ =	swait.ge @!p0 [sflag:s0], s1  }
0x307: {  	s1 =	ssub.s32 @!p0 $0x0, s1;
	[sflag:s0] =	ssyncset.done @!p0 $0x0  }
0x308: {  	[sflag:s0] =	ssyncadd.s32 @!p0 s1  }
0x309: {  	[bflag:$0x3] =	sbarrier.arrive $0xFFFF  }
0x30a: {  	_ =	shalt  }

</sc_bundles>
